<compile_context>
chip_gen: v7x
topology: tpu7x:2x2x1
jax: 0.10.2.dev20260603
libtpu: 0.0.44.dev20260713+nightly
codegen_flags: <defaults>
</compile_context>

<pallas_src>
import functools

import jax
import jax.numpy as jnp
from jax import lax
from jax.experimental import pallas as pl
from jax.experimental.pallas import tpu as pltpu
from jax.experimental.pallas import tpu_sc as plsc

HIDDEN = 2048
INTER = 512
INTER_SHARED = 2048
NUM_EXPERTS = 64
TOP_K = 8
TOKENS = 32
NEG_INF = -1e30

J_SHARED = 16
CHUNK_SHARED = INTER_SHARED // J_SHARED

NLANES = 16
NVREG = NUM_EXPERTS // NLANES


def _logits_kernel(x_ref, rw_ref, out_ref):
    out_ref[:] = jnp.dot(x_ref[:], rw_ref[:],
                         preferred_element_type=jnp.float32)


def _shuffle(v, idx):
    return v.at[idx].get(mode="promise_in_bounds")


def _sc_routing_body(logits_hbm, out_hbm, buf, obuf):
    for half in range(2):
        _route_one(logits_hbm, out_hbm, buf, obuf,
                   lax.axis_index("s") * 2 + half)


def _route_one(logits_hbm, out_hbm, buf, obuf, t):
    pltpu.sync_copy(logits_hbm.at[t], buf)

    orig = [buf[pl.ds(j * NLANES, NLANES)] for j in range(NVREG)]
    vals = list(orig)
    sel = [jnp.zeros((NLANES,), jnp.bool_) for _ in range(NVREG)]
    iota = lax.iota(jnp.int32, NLANES)

    mtop = None
    for k in range(TOP_K):
        big = jnp.maximum(jnp.maximum(vals[0], vals[1]),
                          jnp.maximum(vals[2], vals[3]))
        for sh in (8, 4, 2, 1):
            big = jnp.maximum(big, _shuffle(big, jnp.bitwise_xor(iota, sh)))
        if k == 0:
            mtop = big
        cand = jnp.full((NLANES,), 127, jnp.int32)
        for j in range(NVREG):
            cand = jnp.minimum(
                cand, jnp.where(vals[j] == big, iota + 16 * j, 127))
        for sh in (8, 4, 2, 1):
            cand = jnp.minimum(cand, _shuffle(cand, jnp.bitwise_xor(iota, sh)))
        for j in range(NVREG):
            pick = (iota + 16 * j) == cand
            sel[j] = jnp.logical_or(sel[j], pick)
            vals[j] = jnp.where(pick, NEG_INF, vals[j])

    exps = [jnp.where(sel[j], jnp.exp(orig[j] - mtop), 0.0)
            for j in range(NVREG)]
    total = (exps[0] + exps[1]) + (exps[2] + exps[3])
    for sh in (8, 4, 2, 1):
        total = total + _shuffle(total, jnp.bitwise_xor(iota, sh))
    inv = 1.0 / total
    for j in range(NVREG):
        obuf[pl.ds(j * NLANES, NLANES)] = exps[j] * inv
    pltpu.sync_copy(obuf, out_hbm.at[t])


def _sc_routing(logits):
    mesh = plsc.VectorSubcoreMesh(core_axis_name="c", subcore_axis_name="s", num_cores=1)
    f = functools.partial(
        pl.kernel,
        mesh=mesh,
        out_type=jax.ShapeDtypeStruct((TOKENS, NUM_EXPERTS), jnp.float32),
        scratch_types=[
            pltpu.VMEM((NUM_EXPERTS,), jnp.float32),
            pltpu.VMEM((NUM_EXPERTS,), jnp.float32),
        ],
    )(_sc_routing_body)
    return f(logits)


def _fused_kernel(x_ref, rt_ref, sgw_ref, gw_ref, iw_ref, sow_ref,
                  gu_ref, ow_ref, out_ref, sacc_ref):
    e = pl.program_id(0)
    x = x_ref[:]

    def _shared_chunk():
        g = jax.nn.silu(jnp.dot(x, gw_ref[:],
                                preferred_element_type=jnp.float32))
        i = jnp.dot(x, iw_ref[:], preferred_element_type=jnp.float32)
        return jnp.dot(g * i, sow_ref[:], preferred_element_type=jnp.float32)

    @pl.when(e == 0)
    def _init():
        sacc_ref[:] = _shared_chunk()

    @pl.when(jnp.logical_and(e > 0, e < J_SHARED))
    def _shared_acc():
        sacc_ref[:] += _shared_chunk()

    xw = jnp.dot(x, gu_ref[0], preferred_element_type=jnp.float32)
    gate = xw[:, :INTER]
    up = xw[:, INTER:]
    h = up * jax.nn.silu(gate)
    iota = jax.lax.broadcasted_iota(jnp.int32, rt_ref.shape, 1)
    w = jnp.sum(jnp.where(iota == e, rt_ref[:], 0.0), axis=-1, keepdims=True)
    contrib = jnp.dot(h * w, ow_ref[0], preferred_element_type=jnp.float32)

    @pl.when(e == 0)
    def _out_init():
        out_ref[:] = contrib

    @pl.when(e > 0)
    def _out_acc():
        out_ref[:] += contrib

    @pl.when(e == NUM_EXPERTS - 1)
    def _fin():
        sg = jax.nn.sigmoid(
            jnp.dot(x, sgw_ref[:], preferred_element_type=jnp.float32))
        out_ref[:] += sg * sacc_ref[:]


def _moe(x, router_w, expert_gate_up, expert_out_w, shared_gate_w,
         shared_inter_w, shared_out_w, shared_expert_gate_w):
    T = x.shape[0]
    logits = pl.pallas_call(
        _logits_kernel,
        out_shape=jax.ShapeDtypeStruct((T, NUM_EXPERTS), jnp.float32),
    )(x, router_w)

    routing = _sc_routing(logits)

    jcap = J_SHARED - 1
    out = pl.pallas_call(
        _fused_kernel,
        grid=(NUM_EXPERTS,),
        in_specs=[
            pl.BlockSpec((T, HIDDEN), lambda e: (0, 0)),
            pl.BlockSpec((T, NUM_EXPERTS), lambda e: (0, 0)),
            pl.BlockSpec((HIDDEN, 1), lambda e: (0, 0)),
            pl.BlockSpec((HIDDEN, CHUNK_SHARED),
                         lambda e: (0, jnp.minimum(e, jcap))),
            pl.BlockSpec((HIDDEN, CHUNK_SHARED),
                         lambda e: (0, jnp.minimum(e, jcap))),
            pl.BlockSpec((CHUNK_SHARED, HIDDEN),
                         lambda e: (jnp.minimum(e, jcap), 0)),
            pl.BlockSpec((1, HIDDEN, 2 * INTER), lambda e: (e, 0, 0)),
            pl.BlockSpec((1, INTER, HIDDEN), lambda e: (e, 0, 0)),
        ],
        out_specs=pl.BlockSpec((T, HIDDEN), lambda e: (0, 0)),
        out_shape=jax.ShapeDtypeStruct((T, HIDDEN), jnp.float32),
        scratch_shapes=[
            pltpu.VMEM((T, HIDDEN), jnp.float32),
        ],
        compiler_params=pltpu.CompilerParams(
            dimension_semantics=("arbitrary",)),
    )(x, routing, shared_expert_gate_w, shared_gate_w, shared_inter_w,
      shared_out_w, expert_gate_up, expert_out_w)
    return out


def kernel(hidden_states, router_w, expert_gate_up, expert_out_w,
           shared_gate_w, shared_inter_w, shared_out_w, shared_expert_gate_w):
    b, s, h = hidden_states.shape
    x = hidden_states.reshape(-1, h)
    out = _moe(x, router_w, expert_gate_up, expert_out_w, shared_gate_w,
               shared_inter_w, shared_out_w, shared_expert_gate_w)
    return out.reshape(b, s, h)

# --- scband reference (transcript-rebuilt; emitter-appended) ---
"""Pipeline reference for scband-qwen-sparse-moe-block-10685878632759 (READ-ONLY COPY).

The authoritative reference and input builder live on the scoring server;
editing this copy changes nothing except your own understanding.
"""

import jax, jax.numpy as jnp
import numpy as np

HIDDEN = 2048
INTER = 512
INTER_SHARED = 2048
NUM_EXPERTS = 64
TOP_K = 8
BATCH = 8
SEQ = 4


def _glorot(k, shape):
    fan_in, fan_out = shape[-2], shape[-1]
    lim = np.sqrt(6.0 / (fan_in + fan_out))
    return jax.random.uniform(k, shape, jnp.float32, -lim, lim)


def setup_inputs(seed: int = 0) -> dict:
    key = jax.random.key(seed)
    ks = jax.random.split(key, 8)
    hidden_states = jax.random.normal(ks[0], (BATCH, SEQ, HIDDEN), dtype=jnp.float32)
    router_w = _glorot(ks[1], (HIDDEN, NUM_EXPERTS))
    expert_gate_up = _glorot(ks[2], (NUM_EXPERTS, HIDDEN, 2 * INTER))
    expert_out_w = _glorot(ks[3], (NUM_EXPERTS, INTER, HIDDEN))
    shared_gate_w = _glorot(ks[4], (HIDDEN, INTER_SHARED))
    shared_inter_w = _glorot(ks[5], (HIDDEN, INTER_SHARED))
    shared_out_w = _glorot(ks[6], (INTER_SHARED, HIDDEN))
    shared_expert_gate_w = _glorot(ks[7], (HIDDEN, 1))
    return {
        "hidden_states": hidden_states,
        "router_w": router_w,
        "expert_gate_up": expert_gate_up,
        "expert_out_w": expert_out_w,
        "shared_gate_w": shared_gate_w,
        "shared_inter_w": shared_inter_w,
        "shared_out_w": shared_out_w,
        "shared_expert_gate_w": shared_expert_gate_w,
    }


def reference(hidden_states, router_w, expert_gate_up, expert_out_w,
              shared_gate_w, shared_inter_w, shared_out_w, shared_expert_gate_w):
    b, s, h = hidden_states.shape
    x = hidden_states.reshape(-1, h)  # [T, H]
    # Router
    router_logits = x @ router_w  # [T, E]
    router_probs = jax.nn.softmax(router_logits, axis=-1)
    top_p, top_i = jax.lax.top_k(router_probs, TOP_K)
    # norm_top_k_prob = True
    top_p = top_p / jnp.sum(top_p, axis=-1, keepdims=True)
    one_hot = jax.nn.one_hot(top_i, NUM_EXPERTS, dtype=top_p.dtype)  # [T, K, E]
    routing_full = jnp.sum(one_hot * top_p[..., None], axis=1)  # [T, E]
    routing_full = jnp.transpose(routing_full, (1, 0))  # [E, T]
    routing_full = routing_full.astype(x.dtype)
    # Batched experts (dense over all experts, as in QwenMoeExperts)
    gate_up = jnp.einsum('th,ehm->etm', x, expert_gate_up)  # [E, T, 2*INTER]
    gate, up = jnp.split(gate_up, 2, axis=-1)
    hidden = up * jax.nn.silu(gate)
    expert_out = jnp.einsum('eti,eih->eth', hidden, expert_out_w)  # [E, T, H]
    weighted_out = expert_out * routing_full[:, :, None]
    expert_contribution = jnp.sum(weighted_out, axis=0)  # [T, H]
    # Shared expert (QwenMoeMLP)
    gate_output = jax.nn.silu(x @ shared_gate_w)
    inter = x @ shared_inter_w
    shared_out = (inter * gate_output) @ shared_out_w  # [T, H]
    shared_gate = jax.nn.sigmoid(x @ shared_expert_gate_w)  # [T, 1]
    out = expert_contribution + shared_gate * shared_out
    return out.reshape(b, s, h)

if __name__ == "__main__":
    import jax
    _d = setup_inputs()
    print(jax.jit(kernel)(*tuple(_d.values())))

</pallas_src>

<mosaic_0001>
#map = affine_map<(d0, d1) -> (0, 0)>
module attributes {stable_mosaic.version = 14 : i64} {
  func.func @_sc_routing_body(%arg0: i32, %arg1: i32, %arg2: memref<32x64xf32, #tpu.memory_space<hbm>>, %arg3: memref<32x64xf32, #tpu.memory_space<hbm>>, %arg4: memref<64xf32, #tpu.memory_space<vmem>>, %arg5: memref<64xf32, #tpu.memory_space<vmem>>) attributes {dimension_semantics = [#tpu.dimension_semantics<core_parallel>, #tpu.dimension_semantics<subcore_parallel>], iteration_bounds = array<i64: 1, 16>, scalar_prefetch = 0 : i64, scratch_operands = 2 : i64, tpu.core_type = #tpu.core_type<sc_vector_subcore>, window_params = [{transform_indices = #map}, {transform_indices = #map}]} {
    %mul3A = arith.constant 2 : i32
    %mul3A_0 = arith.muli %arg1, %mul3A : i32
    %add3A = arith.constant 0 : i32
    %add3A_1 = arith.addi %mul3A_0, %add3A : i32
    "tpu.region"() ({
      %run_scoped3A = tpu.sem_alloc : memref<!tpu.dma_semaphore, #tpu.memory_space<semaphore_mem>>
      %dma_start3A = arith.constant 0 : i32
      %dma_start3A_3132 = tpu.memref_slice %arg2[%add3A_1, %dma_start3A] : memref<32x64xf32, #tpu.memory_space<hbm>> -> memref<1x64xf32, #tpu.memory_space<hbm>>
      %dma_start3A_3133 = tpu.memref_squeeze %dma_start3A_3132 : memref<1x64xf32, #tpu.memory_space<hbm>> -> memref<64xf32, #tpu.memory_space<hbm>>
      %dma_start3A_3134 = arith.constant 0 : i32
      %dma_start3A_3135 = tpu.memref_slice %arg2[%add3A_1, %dma_start3A_3134] : memref<32x64xf32, #tpu.memory_space<hbm>> -> memref<1x64xf32, #tpu.memory_space<hbm>>
      %dma_start3A_3136 = tpu.memref_squeeze %dma_start3A_3135 : memref<1x64xf32, #tpu.memory_space<hbm>> -> memref<64xf32, #tpu.memory_space<hbm>>
      tpu.enqueue_dma source(%dma_start3A_3136 : memref<64xf32, #tpu.memory_space<hbm>>) target(%arg4 : memref<64xf32, #tpu.memory_space<vmem>>) target_semaphore(%run_scoped3A : memref<!tpu.dma_semaphore, #tpu.memory_space<semaphore_mem>>)
      %dma_wait3A = arith.constant 0 : i32
      %dma_wait3A_3137 = tpu.memref_slice %arg2[%add3A_1, %dma_wait3A] : memref<32x64xf32, #tpu.memory_space<hbm>> -> memref<1x64xf32, #tpu.memory_space<hbm>>
      %dma_wait3A_3138 = tpu.memref_squeeze %dma_wait3A_3137 : memref<1x64xf32, #tpu.memory_space<hbm>> -> memref<64xf32, #tpu.memory_space<hbm>>
      %dma_wait3A_3139 = arith.constant 0 : i32
      %dma_wait3A_3140 = tpu.memref_slice %arg2[%add3A_1, %dma_wait3A_3139] : memref<32x64xf32, #tpu.memory_space<hbm>> -> memref<1x64xf32, #tpu.memory_space<hbm>>
      %dma_wait3A_3141 = tpu.memref_squeeze %dma_wait3A_3140 : memref<1x64xf32, #tpu.memory_space<hbm>> -> memref<64xf32, #tpu.memory_space<hbm>>
      tpu.wait_dma2 semaphore(%run_scoped3A : memref<!tpu.dma_semaphore, #tpu.memory_space<semaphore_mem>>) src(%dma_wait3A_3141 : memref<64xf32, #tpu.memory_space<hbm>>) dst(%arg4 : memref<64xf32, #tpu.memory_space<vmem>>)
      tpu.yield
    }) : () -> ()
    %get3A = arith.constant 0 : index
    %get3A_2 = tpu.vector_load %arg4[%get3A] {strides = array<i32>} : memref<64xf32, #tpu.memory_space<vmem>>, vector<16xf32>,
    %get3A_3 = vector.shape_cast %get3A_2 : vector<16xf32> to vector<16xf32>
    %get3A_4 = arith.constant 16 : index
    %get3A_5 = tpu.vector_load %arg4[%get3A_4] {strides = array<i32>} : memref<64xf32, #tpu.memory_space<vmem>>, vector<16xf32>,
    %get3A_6 = vector.shape_cast %get3A_5 : vector<16xf32> to vector<16xf32>
    %get3A_7 = arith.constant 32 : index
    %get3A_8 = tpu.vector_load %arg4[%get3A_7] {strides = array<i32>} : memref<64xf32, #tpu.memory_space<vmem>>, vector<16xf32>,
    %get3A_9 = vector.shape_cast %get3A_8 : vector<16xf32> to vector<16xf32>
    %get3A_10 = arith.constant 48 : index
    %get3A_11 = tpu.vector_load %arg4[%get3A_10] {strides = array<i32>} : memref<64xf32, #tpu.memory_space<vmem>>, vector<16xf32>,
    %get3A_12 = vector.shape_cast %get3A_11 : vector<16xf32> to vector<16xf32>
    %broadcast_in_dim3A = arith.constant false
    %broadcast_in_dim3A_13 = vector.broadcast %broadcast_in_dim3A : i1 to vector<16xi1>
    %broadcast_in_dim3A_14 = arith.constant false
    %broadcast_in_dim3A_15 = vector.broadcast %broadcast_in_dim3A_14 : i1 to vector<16xi1>
    %broadcast_in_dim3A_16 = arith.constant false
    %broadcast_in_dim3A_17 = vector.broadcast %broadcast_in_dim3A_16 : i1 to vector<16xi1>
    %broadcast_in_dim3A_18 = arith.constant false
    %broadcast_in_dim3A_19 = vector.broadcast %broadcast_in_dim3A_18 : i1 to vector<16xi1>
    %iota3A = tpu.iota {dimensions = array<i32: 0>} : vector<16xi32>
    %max3A = arith.maximumf %get3A_3, %get3A_6 : vector<16xf32>
    %max3A_20 = arith.maximumf %get3A_9, %get3A_12 : vector<16xf32>
    %max3A_21 = arith.maximumf %max3A, %max3A_20 : vector<16xf32>
    %xor3A = arith.constant 8 : i32
    %xor3A_22 = vector.broadcast %xor3A : i32 to vector<16xi32>
    %xor3A_23 = arith.xori %iota3A, %xor3A_22 : vector<16xi32>
    %lt3A = arith.constant 0 : i32
    %lt3A_24 = vector.broadcast %lt3A : i32 to vector<16xi32>
    %lt3A_25 = arith.cmpi slt, %xor3A_23, %lt3A_24 : vector<16xi32>
    %add3A_26 = arith.constant 16 : i32
    %add3A_27 = vector.broadcast %add3A_26 : i32 to vector<16xi32>
    %add3A_28 = arith.addi %xor3A_23, %add3A_27 : vector<16xi32>
    %select_n3A = arith.select %lt3A_25, %add3A_28, %xor3A_23 : vector<16xi1>, vector<16xi32>
    %broadcast_in_dim3A_29 = vector.shape_cast %select_n3A : vector<16xi32> to vector<16x1xi32>
    %gather3A = vector.shape_cast %broadcast_in_dim3A_29 : vector<16x1xi32> to vector<16xi32>
    %gather3A_30 = tpu.dynamic_gather %max3A_21[%gather3A] in [0] : vector<16xf32>, vector<16xi32> -> vector<16xf32>
    %max3A_31 = arith.maximumf %max3A_21, %gather3A_30 : vector<16xf32>
    %xor3A_32 = arith.constant 4 : i32
    %xor3A_33 = vector.broadcast %xor3A_32 : i32 to vector<16xi32>
    %xor3A_34 = arith.xori %iota3A, %xor3A_33 : vector<16xi32>
    %lt3A_35 = arith.constant 0 : i32
    %lt3A_36 = vector.broadcast %lt3A_35 : i32 to vector<16xi32>
    %lt3A_37 = arith.cmpi slt, %xor3A_34, %lt3A_36 : vector<16xi32>
    %add3A_38 = arith.constant 16 : i32
    %add3A_39 = vector.broadcast %add3A_38 : i32 to vector<16xi32>
    %add3A_40 = arith.addi %xor3A_34, %add3A_39 : vector<16xi32>
    %select_n3A_41 = arith.select %lt3A_37, %add3A_40, %xor3A_34 : vector<16xi1>, vector<16xi32>
    %broadcast_in_dim3A_42 = vector.shape_cast %select_n3A_41 : vector<16xi32> to vector<16x1xi32>
    %gather3A_43 = vector.shape_cast %broadcast_in_dim3A_42 : vector<16x1xi32> to vector<16xi32>
    %gather3A_44 = tpu.dynamic_gather %max3A_31[%gather3A_43] in [0] : vector<16xf32>, vector<16xi32> -> vector<16xf32>
    %max3A_45 = arith.maximumf %max3A_31, %gather3A_44 : vector<16xf32>
    %xor3A_46 = arith.constant 2 : i32
    %xor3A_47 = vector.broadcast %xor3A_46 : i32 to vector<16xi32>
    %xor3A_48 = arith.xori %iota3A, %xor3A_47 : vector<16xi32>
    %lt3A_49 = arith.constant 0 : i32
    %lt3A_50 = vector.broadcast %lt3A_49 : i32 to vector<16xi32>
    %lt3A_51 = arith.cmpi slt, %xor3A_48, %lt3A_50 : vector<16xi32>
    %add3A_52 = arith.constant 16 : i32
    %add3A_53 = vector.broadcast %add3A_52 : i32 to vector<16xi32>
    %add3A_54 = arith.addi %xor3A_48, %add3A_53 : vector<16xi32>
    %select_n3A_55 = arith.select %lt3A_51, %add3A_54, %xor3A_48 : vector<16xi1>, vector<16xi32>
    %broadcast_in_dim3A_56 = vector.shape_cast %select_n3A_55 : vector<16xi32> to vector<16x1xi32>
    %gather3A_57 = vector.shape_cast %broadcast_in_dim3A_56 : vector<16x1xi32> to vector<16xi32>
    %gather3A_58 = tpu.dynamic_gather %max3A_45[%gather3A_57] in [0] : vector<16xf32>, vector<16xi32> -> vector<16xf32>
    %max3A_59 = arith.maximumf %max3A_45, %gather3A_58 : vector<16xf32>
    %xor3A_60 = arith.constant 1 : i32
    %xor3A_61 = vector.broadcast %xor3A_60 : i32 to vector<16xi32>
    %xor3A_62 = arith.xori %iota3A, %xor3A_61 : vector<16xi32>
    %lt3A_63 = arith.constant 0 : i32
    %lt3A_64 = vector.broadcast %lt3A_63 : i32 to vector<16xi32>
    %lt3A_65 = arith.cmpi slt, %xor3A_62, %lt3A_64 : vector<16xi32>
    %add3A_66 = arith.constant 16 : i32
    %add3A_67 = vector.broadcast %add3A_66 : i32 to vector<16xi32>
    %add3A_68 = arith.addi %xor3A_62, %add3A_67 : vector<16xi32>
    %select_n3A_69 = arith.select %lt3A_65, %add3A_68, %xor3A_62 : vector<16xi1>, vector<16xi32>
    %broadcast_in_dim3A_70 = vector.shape_cast %select_n3A_69 : vector<16xi32> to vector<16x1xi32>
    %gather3A_71 = vector.shape_cast %broadcast_in_dim3A_70 : vector<16x1xi32> to vector<16xi32>
    %gather3A_72 = tpu.dynamic_gather %max3A_59[%gather3A_71] in [0] : vector<16xf32>, vector<16xi32> -> vector<16xf32>
    %max3A_73 = arith.maximumf %max3A_59, %gather3A_72 : vector<16xf32>
    %broadcast_in_dim3A_74 = arith.constant 127 : i32
    %broadcast_in_dim3A_75 = vector.broadcast %broadcast_in_dim3A_74 : i32 to vector<16xi32>
    %eq3A = arith.cmpf oeq, %get3A_3, %max3A_73 : vector<16xf32>
    %add3A_76 = arith.constant 0 : i32
    %add3A_77 = vector.broadcast %add3A_76 : i32 to vector<16xi32>
    %add3A_78 = arith.addi %iota3A, %add3A_77 : vector<16xi32>
    %jit3A = arith.constant 127 : i32
    %broadcast_in_dim3A_79 = vector.broadcast %jit3A : i32 to vector<16xi32>
    %select_n3A_80 = arith.select %eq3A, %add3A_78, %broadcast_in_dim3A_79 : vector<16xi1>, vector<16xi32>
    %min3A = arith.minsi %broadcast_in_dim3A_75, %select_n3A_80 : vector<16xi32>
    %eq3A_81 = arith.cmpf oeq, %get3A_6, %max3A_73 : vector<16xf32>
    %add3A_82 = arith.constant 16 : i32
    %add3A_83 = vector.broadcast %add3A_82 : i32 to vector<16xi32>
    %add3A_84 = arith.addi %iota3A, %add3A_83 : vector<16xi32>
    %jit3A_85 = arith.constant 127 : i32
    %broadcast_in_dim3A_86 = vector.broadcast %jit3A_85 : i32 to vector<16xi32>
    %select_n3A_87 = arith.select %eq3A_81, %add3A_84, %broadcast_in_dim3A_86 : vector<16xi1>, vector<16xi32>
    %min3A_88 = arith.minsi %min3A, %select_n3A_87 : vector<16xi32>
    %eq3A_89 = arith.cmpf oeq, %get3A_9, %max3A_73 : vector<16xf32>
    %add3A_90 = arith.constant 32 : i32
    %add3A_91 = vector.broadcast %add3A_90 : i32 to vector<16xi32>
    %add3A_92 = arith.addi %iota3A, %add3A_91 : vector<16xi32>
    %jit3A_93 = arith.constant 127 : i32
    %broadcast_in_dim3A_94 = vector.broadcast %jit3A_93 : i32 to vector<16xi32>
    %select_n3A_95 = arith.select %eq3A_89, %add3A_92, %broadcast_in_dim3A_94 : vector<16xi1>, vector<16xi32>
    %min3A_96 = arith.minsi %min3A_88, %select_n3A_95 : vector<16xi32>
    %eq3A_97 = arith.cmpf oeq, %get3A_12, %max3A_73 : vector<16xf32>
    %add3A_98 = arith.constant 48 : i32
    %add3A_99 = vector.broadcast %add3A_98 : i32 to vector<16xi32>
    %add3A_100 = arith.addi %iota3A, %add3A_99 : vector<16xi32>
    %jit3A_101 = arith.constant 127 : i32
    %broadcast_in_dim3A_102 = vector.broadcast %jit3A_101 : i32 to vector<16xi32>
    %select_n3A_103 = arith.select %eq3A_97, %add3A_100, %broadcast_in_dim3A_102 : vector<16xi1>, vector<16xi32>
    %min3A_104 = arith.minsi %min3A_96, %select_n3A_103 : vector<16xi32>
    %xor3A_105 = arith.constant 8 : i32
    %xor3A_106 = vector.broadcast %xor3A_105 : i32 to vector<16xi32>
    %xor3A_107 = arith.xori %iota3A, %xor3A_106 : vector<16xi32>
    %lt3A_108 = arith.constant 0 : i32
    %lt3A_109 = vector.broadcast %lt3A_108 : i32 to vector<16xi32>
    %lt3A_110 = arith.cmpi slt, %xor3A_107, %lt3A_109 : vector<16xi32>
    %add3A_111 = arith.constant 16 : i32
    %add3A_112 = vector.broadcast %add3A_111 : i32 to vector<16xi32>
    %add3A_113 = arith.addi %xor3A_107, %add3A_112 : vector<16xi32>
    %select_n3A_114 = arith.select %lt3A_110, %add3A_113, %xor3A_107 : vector<16xi1>, vector<16xi32>
    %broadcast_in_dim3A_115 = vector.shape_cast %select_n3A_114 : vector<16xi32> to vector<16x1xi32>
    %gather3A_116 = vector.shape_cast %broadcast_in_dim3A_115 : vector<16x1xi32> to vector<16xi32>
    %gather3A_117 = tpu.dynamic_gather %min3A_104[%gather3A_116] in [0] : vector<16xi32>, vector<16xi32> -> vector<16xi32>
    %min3A_118 = arith.minsi %min3A_104, %gather3A_117 : vector<16xi32>
    %xor3A_119 = arith.constant 4 : i32
    %xor3A_120 = vector.broadcast %xor3A_119 : i32 to vector<16xi32>
    %xor3A_121 = arith.xori %iota3A, %xor3A_120 : vector<16xi32>
    %lt3A_122 = arith.constant 0 : i32
    %lt3A_123 = vector.broadcast %lt3A_122 : i32 to vector<16xi32>
    %lt3A_124 = arith.cmpi slt, %xor3A_121, %lt3A_123 : vector<16xi32>
    %add3A_125 = arith.constant 16 : i32
    %add3A_126 = vector.broadcast %add3A_125 : i32 to vector<16xi32>
    %add3A_127 = arith.addi %xor3A_121, %add3A_126 : vector<16xi32>
    %select_n3A_128 = arith.select %lt3A_124, %add3A_127, %xor3A_121 : vector<16xi1>, vector<16xi32>
    %broadcast_in_dim3A_129 = vector.shape_cast %select_n3A_128 : vector<16xi32> to vector<16x1xi32>
    %gather3A_130 = vector.shape_cast %broadcast_in_dim3A_129 : vector<16x1xi32> to vector<16xi32>
    %gather3A_131 = tpu.dynamic_gather %min3A_118[%gather3A_130] in [0] : vector<16xi32>, vector<16xi32> -> vector<16xi32>
    %min3A_132 = arith.minsi %min3A_118, %gather3A_131 : vector<16xi32>
    %xor3A_133 = arith.constant 2 : i32
    %xor3A_134 = vector.broadcast %xor3A_133 : i32 to vector<16xi32>
    %xor3A_135 = arith.xori %iota3A, %xor3A_134 : vector<16xi32>
    %lt3A_136 = arith.constant 0 : i32
    %lt3A_137 = vector.broadcast %lt3A_136 : i32 to vector<16xi32>
    %lt3A_138 = arith.cmpi slt, %xor3A_135, %lt3A_137 : vector<16xi32>
    %add3A_139 = arith.constant 16 : i32
    %add3A_140 = vector.broadcast %add3A_139 : i32 to vector<16xi32>
    %add3A_141 = arith.addi %xor3A_135, %add3A_140 : vector<16xi32>
    %select_n3A_142 = arith.select %lt3A_138, %add3A_141, %xor3A_135 : vector<16xi1>, vector<16xi32>
    %broadcast_in_dim3A_143 = vector.shape_cast %select_n3A_142 : vector<16xi32> to vector<16x1xi32>
    %gather3A_144 = vector.shape_cast %broadcast_in_dim3A_143 : vector<16x1xi32> to vector<16xi32>
    %gather3A_145 = tpu.dynamic_gather %min3A_132[%gather3A_144] in [0] : vector<16xi32>, vector<16xi32> -> vector<16xi32>
    %min3A_146 = arith.minsi %min3A_132, %gather3A_145 : vector<16xi32>
    %xor3A_147 = arith.constant 1 : i32
    %xor3A_148 = vector.broadcast %xor3A_147 : i32 to vector<16xi32>
    %xor3A_149 = arith.xori %iota3A, %xor3A_148 : vector<16xi32>
    %lt3A_150 = arith.constant 0 : i32
    %lt3A_151 = vector.broadcast %lt3A_150 : i32 to vector<16xi32>
    %lt3A_152 = arith.cmpi slt, %xor3A_149, %lt3A_151 : vector<16xi32>
    %add3A_153 = arith.constant 16 : i32
    %add3A_154 = vector.broadcast %add3A_153 : i32 to vector<16xi32>
    %add3A_155 = arith.addi %xor3A_149, %add3A_154 : vector<16xi32>
    %select_n3A_156 = arith.select %lt3A_152, %add3A_155, %xor3A_149 : vector<16xi1>, vector<16xi32>
    %broadcast_in_dim3A_157 = vector.shape_cast %select_n3A_156 : vector<16xi32> to vector<16x1xi32>
    %gather3A_158 = vector.shape_cast %broadcast_in_dim3A_157 : vector<16x1xi32> to vector<16xi32>
    %gather3A_159 = tpu.dynamic_gather %min3A_146[%gather3A_158] in [0] : vector<16xi32>, vector<16xi32> -> vector<16xi32>
    %min3A_160 = arith.minsi %min3A_146, %gather3A_159 : vector<16xi32>
    %add3A_161 = arith.constant 0 : i32
    %add3A_162 = vector.broadcast %add3A_161 : i32 to vector<16xi32>
    %add3A_163 = arith.addi %iota3A, %add3A_162 : vector<16xi32>
    %eq3A_164 = arith.cmpi eq, %add3A_163, %min3A_160 : vector<16xi32>
    %or3A = arith.ori %broadcast_in_dim3A_13, %eq3A_164 : vector<16xi1>
    %jit3A_165 = arith.constant -1.000000e+30 : f32
    %broadcast_in_dim3A_166 = vector.broadcast %jit3A_165 : f32 to vector<16xf32>
    %select_n3A_167 = arith.select %eq3A_164, %broadcast_in_dim3A_166, %get3A_3 : vector<16xi1>, vector<16xf32>
    %add3A_168 = arith.constant 16 : i32
    %add3A_169 = vector.broadcast %add3A_168 : i32 to vector<16xi32>
    %add3A_170 = arith.addi %iota3A, %add3A_169 : vector<16xi32>
    %eq3A_171 = arith.cmpi eq, %add3A_170, %min3A_160 : vector<16xi32>
    %or3A_172 = arith.ori %broadcast_in_dim3A_15, %eq3A_171 : vector<16xi1>
    %jit3A_173 = arith.constant -1.000000e+30 : f32
    %broadcast_in_dim3A_174 = vector.broadcast %jit3A_173 : f32 to vector<16xf32>
    %select_n3A_175 = arith.select %eq3A_171, %broadcast_in_dim3A_174, %get3A_6 : vector<16xi1>, vector<16xf32>
    %add3A_176 = arith.constant 32 : i32
    %add3A_177 = vector.broadcast %add3A_176 : i32 to vector<16xi32>
    %add3A_178 = arith.addi %iota3A, %add3A_177 : vector<16xi32>
    %eq3A_179 = arith.cmpi eq, %add3A_178, %min3A_160 : vector<16xi32>
    %or3A_180 = arith.ori %broadcast_in_dim3A_17, %eq3A_179 : vector<16xi1>
    %jit3A_181 = arith.constant -1.000000e+30 : f32
    %broadcast_in_dim3A_182 = vector.broadcast %jit3A_181 : f32 to vector<16xf32>
    %select_n3A_183 = arith.select %eq3A_179, %broadcast_in_dim3A_182, %get3A_9 : vector<16xi1>, vector<16xf32>
    %add3A_184 = arith.constant 48 : i32
    %add3A_185 = vector.broadcast %add3A_184 : i32 to vector<16xi32>
    %add3A_186 = arith.addi %iota3A, %add3A_185 : vector<16xi32>
    %eq3A_187 = arith.cmpi eq, %add3A_186, %min3A_160 : vector<16xi32>
    %or3A_188 = arith.ori %broadcast_in_dim3A_19, %eq3A_187 : vector<16xi1>
    %jit3A_189 = arith.constant -1.000000e+30 : f32
    %broadcast_in_dim3A_190 = vector.broadcast %jit3A_189 : f32 to vector<16xf32>
    %select_n3A_191 = arith.select %eq3A_187, %broadcast_in_dim3A_190, %get3A_12 : vector<16xi1>, vector<16xf32>
    %max3A_192 = arith.maximumf %select_n3A_167, %select_n3A_175 : vector<16xf32>
    %max3A_193 = arith.maximumf %select_n3A_183, %select_n3A_191 : vector<16xf32>
    %max3A_194 = arith.maximumf %max3A_192, %max3A_193 : vector<16xf32>
    %xor3A_195 = arith.constant 8 : i32
    %xor3A_196 = vector.broadcast %xor3A_195 : i32 to vector<16xi32>
    %xor3A_197 = arith.xori %iota3A, %xor3A_196 : vector<16xi32>
    %lt3A_198 = arith.constant 0 : i32
    %lt3A_199 = vector.broadcast %lt3A_198 : i32 to vector<16xi32>
    %lt3A_200 = arith.cmpi slt, %xor3A_197, %lt3A_199 : vector<16xi32>
    %add3A_201 = arith.constant 16 : i32
    %add3A_202 = vector.broadcast %add3A_201 : i32 to vector<16xi32>
    %add3A_203 = arith.addi %xor3A_197, %add3A_202 : vector<16xi32>
    %select_n3A_204 = arith.select %lt3A_200, %add3A_203, %xor3A_197 : vector<16xi1>, vector<16xi32>
    %broadcast_in_dim3A_205 = vector.shape_cast %select_n3A_204 : vector<16xi32> to vector<16x1xi32>
    %gather3A_206 = vector.shape_cast %broadcast_in_dim3A_205 : vector<16x1xi32> to vector<16xi32>
    %gather3A_207 = tpu.dynamic_gather %max3A_194[%gather3A_206] in [0] : vector<16xf32>, vector<16xi32> -> vector<16xf32>
    %max3A_208 = arith.maximumf %max3A_194, %gather3A_207 : vector<16xf32>
    %xor3A_209 = arith.constant 4 : i32
    %xor3A_210 = vector.broadcast %xor3A_209 : i32 to vector<16xi32>
    %xor3A_211 = arith.xori %iota3A, %xor3A_210 : vector<16xi32>
    %lt3A_212 = arith.constant 0 : i32
    %lt3A_213 = vector.broadcast %lt3A_212 : i32 to vector<16xi32>
    %lt3A_214 = arith.cmpi slt, %xor3A_211, %lt3A_213 : vector<16xi32>
    %add3A_215 = arith.constant 16 : i32
    %add3A_216 = vector.broadcast %add3A_215 : i32 to vector<16xi32>
    %add3A_217 = arith.addi %xor3A_211, %add3A_216 : vector<16xi32>
    %select_n3A_218 = arith.select %lt3A_214, %add3A_217, %xor3A_211 : vector<16xi1>, vector<16xi32>
    %broadcast_in_dim3A_219 = vector.shape_cast %select_n3A_218 : vector<16xi32> to vector<16x1xi32>
    %gather3A_220 = vector.shape_cast %broadcast_in_dim3A_219 : vector<16x1xi32> to vector<16xi32>
    %gather3A_221 = tpu.dynamic_gather %max3A_208[%gather3A_220] in [0] : vector<16xf32>, vector<16xi32> -> vector<16xf32>
    %max3A_222 = arith.maximumf %max3A_208, %gather3A_221 : vector<16xf32>
    %xor3A_223 = arith.constant 2 : i32
    %xor3A_224 = vector.broadcast %xor3A_223 : i32 to vector<16xi32>
    %xor3A_225 = arith.xori %iota3A, %xor3A_224 : vector<16xi32>
    %lt3A_226 = arith.constant 0 : i32
    %lt3A_227 = vector.broadcast %lt3A_226 : i32 to vector<16xi32>
    %lt3A_228 = arith.cmpi slt, %xor3A_225, %lt3A_227 : vector<16xi32>
    %add3A_229 = arith.constant 16 : i32
    %add3A_230 = vector.broadcast %add3A_229 : i32 to vector<16xi32>
    %add3A_231 = arith.addi %xor3A_225, %add3A_230 : vector<16xi32>
    %select_n3A_232 = arith.select %lt3A_228, %add3A_231, %xor3A_225 : vector<16xi1>, vector<16xi32>
    %broadcast_in_dim3A_233 = vector.shape_cast %select_n3A_232 : vector<16xi32> to vector<16x1xi32>
    %gather3A_234 = vector.shape_cast %broadcast_in_dim3A_233 : vector<16x1xi32> to vector<16xi32>
    %gather3A_235 = tpu.dynamic_gather %max3A_222[%gather3A_234] in [0] : vector<16xf32>, vector<16xi32> -> vector<16xf32>
    %max3A_236 = arith.maximumf %max3A_222, %gather3A_235 : vector<16xf32>
    %xor3A_237 = arith.constant 1 : i32
    %xor3A_238 = vector.broadcast %xor3A_237 : i32 to vector<16xi32>
    %xor3A_239 = arith.xori %iota3A, %xor3A_238 : vector<16xi32>
    %lt3A_240 = arith.constant 0 : i32
    %lt3A_241 = vector.broadcast %lt3A_240 : i32 to vector<16xi32>
    %lt3A_242 = arith.cmpi slt, %xor3A_239, %lt3A_241 : vector<16xi32>
    %add3A_243 = arith.constant 16 : i32
    %add3A_244 = vector.broadcast %add3A_243 : i32 to vector<16xi32>
    %add3A_245 = arith.addi %xor3A_239, %add3A_244 : vector<16xi32>
    %select_n3A_246 = arith.select %lt3A_242, %add3A_245, %xor3A_239 : vector<16xi1>, vector<16xi32>
    %broadcast_in_dim3A_247 = vector.shape_cast %select_n3A_246 : vector<16xi32> to vector<16x1xi32>
    %gather3A_248 = vector.shape_cast %broadcast_in_dim3A_247 : vector<16x1xi32> to vector<16xi32>
    %gather3A_249 = tpu.dynamic_gather %max3A_236[%gather3A_248] in [0] : vector<16xf32>, vector<16xi32> -> vector<16xf32>
    %max3A_250 = arith.maximumf %max3A_236, %gather3A_249 : vector<16xf32>
    %broadcast_in_dim3A_251 = arith.constant 127 : i32
    %broadcast_in_dim3A_252 = vector.broadcast %broadcast_in_dim3A_251 : i32 to vector<16xi32>
    %eq3A_253 = arith.cmpf oeq, %select_n3A_167, %max3A_250 : vector<16xf32>
    %add3A_254 = arith.constant 0 : i32
    %add3A_255 = vector.broadcast %add3A_254 : i32 to vector<16xi32>
    %add3A_256 = arith.addi %iota3A, %add3A_255 : vector<16xi32>
    %jit3A_257 = arith.constant 127 : i32
    %broadcast_in_dim3A_258 = vector.broadcast %jit3A_257 : i32 to vector<16xi32>
    %select_n3A_259 = arith.select %eq3A_253, %add3A_256, %broadcast_in_dim3A_258 : vector<16xi1>, vector<16xi32>
    %min3A_260 = arith.minsi %broadcast_in_dim3A_252, %select_n3A_259 : vector<16xi32>
    %eq3A_261 = arith.cmpf oeq, %select_n3A_175, %max3A_250 : vector<16xf32>
    %add3A_262 = arith.constant 16 : i32
    %add3A_263 = vector.broadcast %add3A_262 : i32 to vector<16xi32>
    %add3A_264 = arith.addi %iota3A, %add3A_263 : vector<16xi32>
    %jit3A_265 = arith.constant 127 : i32
    %broadcast_in_dim3A_266 = vector.broadcast %jit3A_265 : i32 to vector<16xi32>
    %select_n3A_267 = arith.select %eq3A_261, %add3A_264, %broadcast_in_dim3A_266 : vector<16xi1>, vector<16xi32>
    %min3A_268 = arith.minsi %min3A_260, %select_n3A_267 : vector<16xi32>
    %eq3A_269 = arith.cmpf oeq, %select_n3A_183, %max3A_250 : vector<16xf32>
    %add3A_270 = arith.constant 32 : i32
    %add3A_271 = vector.broadcast %add3A_270 : i32 to vector<16xi32>
    %add3A_272 = arith.addi %iota3A, %add3A_271 : vector<16xi32>
    %jit3A_273 = arith.constant 127 : i32
    %broadcast_in_dim3A_274 = vector.broadcast %jit3A_273 : i32 to vector<16xi32>
    %select_n3A_275 = arith.select %eq3A_269, %add3A_272, %broadcast_in_dim3A_274 : vector<16xi1>, vector<16xi32>
    %min3A_276 = arith.minsi %min3A_268, %select_n3A_275 : vector<16xi32>
    %eq3A_277 = arith.cmpf oeq, %select_n3A_191, %max3A_250 : vector<16xf32>
    %add3A_278 = arith.constant 48 : i32
    %add3A_279 = vector.broadcast %add3A_278 : i32 to vector<16xi32>
    %add3A_280 = arith.addi %iota3A, %add3A_279 : vector<16xi32>
    %jit3A_281 = arith.constant 127 : i32
    %broadcast_in_dim3A_282 = vector.broadcast %jit3A_281 : i32 to vector<16xi32>
    %select_n3A_283 = arith.select %eq3A_277, %add3A_280, %broadcast_in_dim3A_282 : vector<16xi1>, vector<16xi32>
    %min3A_284 = arith.minsi %min3A_276, %select_n3A_283 : vector<16xi32>
    %xor3A_285 = arith.constant 8 : i32
    %xor3A_286 = vector.broadcast %xor3A_285 : i32 to vector<16xi32>
    %xor3A_287 = arith.xori %iota3A, %xor3A_286 : vector<16xi32>
    %lt3A_288 = arith.constant 0 : i32
    %lt3A_289 = vector.broadcast %lt3A_288 : i32 to vector<16xi32>
    %lt3A_290 = arith.cmpi slt, %xor3A_287, %lt3A_289 : vector<16xi32>
    %add3A_291 = arith.constant 16 : i32
    %add3A_292 = vector.broadcast %add3A_291 : i32 to vector<16xi32>
    %add3A_293 = arith.addi %xor3A_287, %add3A_292 : vector<16xi32>
    %select_n3A_294 = arith.select %lt3A_290, %add3A_293, %xor3A_287 : vector<16xi1>, vector<16xi32>
    %broadcast_in_dim3A_295 = vector.shape_cast %select_n3A_294 : vector<16xi32> to vector<16x1xi32>
    %gather3A_296 = vector.shape_cast %broadcast_in_dim3A_295 : vector<16x1xi32> to vector<16xi32>
    %gather3A_297 = tpu.dynamic_gather %min3A_284[%gather3A_296] in [0] : vector<16xi32>, vector<16xi32> -> vector<16xi32>
    %min3A_298 = arith.minsi %min3A_284, %gather3A_297 : vector<16xi32>
    %xor3A_299 = arith.constant 4 : i32
    %xor3A_300 = vector.broadcast %xor3A_299 : i32 to vector<16xi32>
    %xor3A_301 = arith.xori %iota3A, %xor3A_300 : vector<16xi32>
    %lt3A_302 = arith.constant 0 : i32
    %lt3A_303 = vector.broadcast %lt3A_302 : i32 to vector<16xi32>
    %lt3A_304 = arith.cmpi slt, %xor3A_301, %lt3A_303 : vector<16xi32>
    %add3A_305 = arith.constant 16 : i32
    %add3A_306 = vector.broadcast %add3A_305 : i32 to vector<16xi32>
    %add3A_307 = arith.addi %xor3A_301, %add3A_306 : vector<16xi32>
    %select_n3A_308 = arith.select %lt3A_304, %add3A_307, %xor3A_301 : vector<16xi1>, vector<16xi32>
    %broadcast_in_dim3A_309 = vector.shape_cast %select_n3A_308 : vector<16xi32> to vector<16x1xi32>
    %gather3A_310 = vector.shape_cast %broadcast_in_dim3A_309 : vector<16x1xi32> to vector<16xi32>
    %gather3A_311 = tpu.dynamic_gather %min3A_298[%gather3A_310] in [0] : vector<16xi32>, vector<16xi32> -> vector<16xi32>
    %min3A_312 = arith.minsi %min3A_298, %gather3A_311 : vector<16xi32>
    %xor3A_313 = arith.constant 2 : i32
    %xor3A_314 = vector.broadcast %xor3A_313 : i32 to vector<16xi32>
    %xor3A_315 = arith.xori %iota3A, %xor3A_314 : vector<16xi32>
    %lt3A_316 = arith.constant 0 : i32
    %lt3A_317 = vector.broadcast %lt3A_316 : i32 to vector<16xi32>
    %lt3A_318 = arith.cmpi slt, %xor3A_315, %lt3A_317 : vector<16xi32>
    %add3A_319 = arith.constant 16 : i32
    %add3A_320 = vector.broadcast %add3A_319 : i32 to vector<16xi32>
    %add3A_321 = arith.addi %xor3A_315, %add3A_320 : vector<16xi32>
    %select_n3A_322 = arith.select %lt3A_318, %add3A_321, %xor3A_315 : vector<16xi1>, vector<16xi32>
    %broadcast_in_dim3A_323 = vector.shape_cast %select_n3A_322 : vector<16xi32> to vector<16x1xi32>
    %gather3A_324 = vector.shape_cast %broadcast_in_dim3A_323 : vector<16x1xi32> to vector<16xi32>
    %gather3A_325 = tpu.dynamic_gather %min3A_312[%gather3A_324] in [0] : vector<16xi32>, vector<16xi32> -> vector<16xi32>
    %min3A_326 = arith.minsi %min3A_312, %gather3A_325 : vector<16xi32>
    %xor3A_327 = arith.constant 1 : i32
    %xor3A_328 = vector.broadcast %xor3A_327 : i32 to vector<16xi32>
    %xor3A_329 = arith.xori %iota3A, %xor3A_328 : vector<16xi32>
    %lt3A_330 = arith.constant 0 : i32
    %lt3A_331 = vector.broadcast %lt3A_330 : i32 to vector<16xi32>
    %lt3A_332 = arith.cmpi slt, %xor3A_329, %lt3A_331 : vector<16xi32>
    %add3A_333 = arith.constant 16 : i32
    %add3A_334 = vector.broadcast %add3A_333 : i32 to vector<16xi32>
    %add3A_335 = arith.addi %xor3A_329, %add3A_334 : vector<16xi32>
    %select_n3A_336 = arith.select %lt3A_332, %add3A_335, %xor3A_329 : vector<16xi1>, vector<16xi32>
    %broadcast_in_dim3A_337 = vector.shape_cast %select_n3A_336 : vector<16xi32> to vector<16x1xi32>
    %gather3A_338 = vector.shape_cast %broadcast_in_dim3A_337 : vector<16x1xi32> to vector<16xi32>
    %gather3A_339 = tpu.dynamic_gather %min3A_326[%gather3A_338] in [0] : vector<16xi32>, vector<16xi32> -> vector<16xi32>
    %min3A_340 = arith.minsi %min3A_326, %gather3A_339 : vector<16xi32>
    %add3A_341 = arith.constant 0 : i32
    %add3A_342 = vector.broadcast %add3A_341 : i32 to vector<16xi32>
    %add3A_343 = arith.addi %iota3A, %add3A_342 : vector<16xi32>
    %eq3A_344 = arith.cmpi eq, %add3A_343, %min3A_340 : vector<16xi32>
    %or3A_345 = arith.ori %or3A, %eq3A_344 : vector<16xi1>
    %jit3A_346 = arith.constant -1.000000e+30 : f32
    %broadcast_in_dim3A_347 = vector.broadcast %jit3A_346 : f32 to vector<16xf32>
    %select_n3A_348 = arith.select %eq3A_344, %broadcast_in_dim3A_347, %select_n3A_167 : vector<16xi1>, vector<16xf32>
    %add3A_349 = arith.constant 16 : i32
    %add3A_350 = vector.broadcast %add3A_349 : i32 to vector<16xi32>
    %add3A_351 = arith.addi %iota3A, %add3A_350 : vector<16xi32>
    %eq3A_352 = arith.cmpi eq, %add3A_351, %min3A_340 : vector<16xi32>
    %or3A_353 = arith.ori %or3A_172, %eq3A_352 : vector<16xi1>
    %jit3A_354 = arith.constant -1.000000e+30 : f32
    %broadcast_in_dim3A_355 = vector.broadcast %jit3A_354 : f32 to vector<16xf32>
    %select_n3A_356 = arith.select %eq3A_352, %broadcast_in_dim3A_355, %select_n3A_175 : vector<16xi1>, vector<16xf32>
    %add3A_357 = arith.constant 32 : i32
    %add3A_358 = vector.broadcast %add3A_357 : i32 to vector<16xi32>
    %add3A_359 = arith.addi %iota3A, %add3A_358 : vector<16xi32>
    %eq3A_360 = arith.cmpi eq, %add3A_359, %min3A_340 : vector<16xi32>
    %or3A_361 = arith.ori %or3A_180, %eq3A_360 : vector<16xi1>
    %jit3A_362 = arith.constant -1.000000e+30 : f32
    %broadcast_in_dim3A_363 = vector.broadcast %jit3A_362 : f32 to vector<16xf32>
    %select_n3A_364 = arith.select %eq3A_360, %broadcast_in_dim3A_363, %select_n3A_183 : vector<16xi1>, vector<16xf32>
    %add3A_365 = arith.constant 48 : i32
    %add3A_366 = vector.broadcast %add3A_365 : i32 to vector<16xi32>
    %add3A_367 = arith.addi %iota3A, %add3A_366 : vector<16xi32>
    %eq3A_368 = arith.cmpi eq, %add3A_367, %min3A_340 : vector<16xi32>
    %or3A_369 = arith.ori %or3A_188, %eq3A_368 : vector<16xi1>
    %jit3A_370 = arith.constant -1.000000e+30 : f32
    %broadcast_in_dim3A_371 = vector.broadcast %jit3A_370 : f32 to vector<16xf32>
    %select_n3A_372 = arith.select %eq3A_368, %broadcast_in_dim3A_371, %select_n3A_191 : vector<16xi1>, vector<16xf32>
    %max3A_373 = arith.maximumf %select_n3A_348, %select_n3A_356 : vector<16xf32>
    %max3A_374 = arith.maximumf %select_n3A_364, %select_n3A_372 : vector<16xf32>
    %max3A_375 = arith.maximumf %max3A_373, %max3A_374 : vector<16xf32>
    %xor3A_376 = arith.constant 8 : i32
    %xor3A_377 = vector.broadcast %xor3A_376 : i32 to vector<16xi32>
    %xor3A_378 = arith.xori %iota3A, %xor3A_377 : vector<16xi32>
    %lt3A_379 = arith.constant 0 : i32
    %lt3A_380 = vector.broadcast %lt3A_379 : i32 to vector<16xi32>
    %lt3A_381 = arith.cmpi slt, %xor3A_378, %lt3A_380 : vector<16xi32>
    %add3A_382 = arith.constant 16 : i32
    %add3A_383 = vector.broadcast %add3A_382 : i32 to vector<16xi32>
    %add3A_384 = arith.addi %xor3A_378, %add3A_383 : vector<16xi32>
    %select_n3A_385 = arith.select %lt3A_381, %add3A_384, %xor3A_378 : vector<16xi1>, vector<16xi32>
    %broadcast_in_dim3A_386 = vector.shape_cast %select_n3A_385 : vector<16xi32> to vector<16x1xi32>
    %gather3A_387 = vector.shape_cast %broadcast_in_dim3A_386 : vector<16x1xi32> to vector<16xi32>
    %gather3A_388 = tpu.dynamic_gather %max3A_375[%gather3A_387] in [0] : vector<16xf32>, vector<16xi32> -> vector<16xf32>
    %max3A_389 = arith.maximumf %max3A_375, %gather3A_388 : vector<16xf32>
    %xor3A_390 = arith.constant 4 : i32
    %xor3A_391 = vector.broadcast %xor3A_390 : i32 to vector<16xi32>
    %xor3A_392 = arith.xori %iota3A, %xor3A_391 : vector<16xi32>
    %lt3A_393 = arith.constant 0 : i32
    %lt3A_394 = vector.broadcast %lt3A_393 : i32 to vector<16xi32>
    %lt3A_395 = arith.cmpi slt, %xor3A_392, %lt3A_394 : vector<16xi32>
    %add3A_396 = arith.constant 16 : i32
    %add3A_397 = vector.broadcast %add3A_396 : i32 to vector<16xi32>
    %add3A_398 = arith.addi %xor3A_392, %add3A_397 : vector<16xi32>
    %select_n3A_399 = arith.select %lt3A_395, %add3A_398, %xor3A_392 : vector<16xi1>, vector<16xi32>
    %broadcast_in_dim3A_400 = vector.shape_cast %select_n3A_399 : vector<16xi32> to vector<16x1xi32>
    %gather3A_401 = vector.shape_cast %broadcast_in_dim3A_400 : vector<16x1xi32> to vector<16xi32>
    %gather3A_402 = tpu.dynamic_gather %max3A_389[%gather3A_401] in [0] : vector<16xf32>, vector<16xi32> -> vector<16xf32>
    %max3A_403 = arith.maximumf %max3A_389, %gather3A_402 : vector<16xf32>
    %xor3A_404 = arith.constant 2 : i32
    %xor3A_405 = vector.broadcast %xor3A_404 : i32 to vector<16xi32>
    %xor3A_406 = arith.xori %iota3A, %xor3A_405 : vector<16xi32>
    %lt3A_407 = arith.constant 0 : i32
    %lt3A_408 = vector.broadcast %lt3A_407 : i32 to vector<16xi32>
    %lt3A_409 = arith.cmpi slt, %xor3A_406, %lt3A_408 : vector<16xi32>
    %add3A_410 = arith.constant 16 : i32
    %add3A_411 = vector.broadcast %add3A_410 : i32 to vector<16xi32>
    %add3A_412 = arith.addi %xor3A_406, %add3A_411 : vector<16xi32>
    %select_n3A_413 = arith.select %lt3A_409, %add3A_412, %xor3A_406 : vector<16xi1>, vector<16xi32>
    %broadcast_in_dim3A_414 = vector.shape_cast %select_n3A_413 : vector<16xi32> to vector<16x1xi32>
    %gather3A_415 = vector.shape_cast %broadcast_in_dim3A_414 : vector<16x1xi32> to vector<16xi32>
    %gather3A_416 = tpu.dynamic_gather %max3A_403[%gather3A_415] in [0] : vector<16xf32>, vector<16xi32> -> vector<16xf32>
    %max3A_417 = arith.maximumf %max3A_403, %gather3A_416 : vector<16xf32>
    %xor3A_418 = arith.constant 1 : i32
    %xor3A_419 = vector.broadcast %xor3A_418 : i32 to vector<16xi32>
    %xor3A_420 = arith.xori %iota3A, %xor3A_419 : vector<16xi32>
    %lt3A_421 = arith.constant 0 : i32
    %lt3A_422 = vector.broadcast %lt3A_421 : i32 to vector<16xi32>
    %lt3A_423 = arith.cmpi slt, %xor3A_420, %lt3A_422 : vector<16xi32>
    %add3A_424 = arith.constant 16 : i32
    %add3A_425 = vector.broadcast %add3A_424 : i32 to vector<16xi32>
    %add3A_426 = arith.addi %xor3A_420, %add3A_425 : vector<16xi32>
    %select_n3A_427 = arith.select %lt3A_423, %add3A_426, %xor3A_420 : vector<16xi1>, vector<16xi32>
    %broadcast_in_dim3A_428 = vector.shape_cast %select_n3A_427 : vector<16xi32> to vector<16x1xi32>
    %gather3A_429 = vector.shape_cast %broadcast_in_dim3A_428 : vector<16x1xi32> to vector<16xi32>
    %gather3A_430 = tpu.dynamic_gather %max3A_417[%gather3A_429] in [0] : vector<16xf32>, vector<16xi32> -> vector<16xf32>
    %max3A_431 = arith.maximumf %max3A_417, %gather3A_430 : vector<16xf32>
    %broadcast_in_dim3A_432 = arith.constant 127 : i32
    %broadcast_in_dim3A_433 = vector.broadcast %broadcast_in_dim3A_432 : i32 to vector<16xi32>
    %eq3A_434 = arith.cmpf oeq, %select_n3A_348, %max3A_431 : vector<16xf32>
    %add3A_435 = arith.constant 0 : i32
    %add3A_436 = vector.broadcast %add3A_435 : i32 to vector<16xi32>
    %add3A_437 = arith.addi %iota3A, %add3A_436 : vector<16xi32>
    %jit3A_438 = arith.constant 127 : i32
    %broadcast_in_dim3A_439 = vector.broadcast %jit3A_438 : i32 to vector<16xi32>
    %select_n3A_440 = arith.select %eq3A_434, %add3A_437, %broadcast_in_dim3A_439 : vector<16xi1>, vector<16xi32>
    %min3A_441 = arith.minsi %broadcast_in_dim3A_433, %select_n3A_440 : vector<16xi32>
    %eq3A_442 = arith.cmpf oeq, %select_n3A_356, %max3A_431 : vector<16xf32>
    %add3A_443 = arith.constant 16 : i32
    %add3A_444 = vector.broadcast %add3A_443 : i32 to vector<16xi32>
    %add3A_445 = arith.addi %iota3A, %add3A_444 : vector<16xi32>
    %jit3A_446 = arith.constant 127 : i32
    %broadcast_in_dim3A_447 = vector.broadcast %jit3A_446 : i32 to vector<16xi32>
    %select_n3A_448 = arith.select %eq3A_442, %add3A_445, %broadcast_in_dim3A_447 : vector<16xi1>, vector<16xi32>
    %min3A_449 = arith.minsi %min3A_441, %select_n3A_448 : vector<16xi32>
    %eq3A_450 = arith.cmpf oeq, %select_n3A_364, %max3A_431 : vector<16xf32>
    %add3A_451 = arith.constant 32 : i32
    %add3A_452 = vector.broadcast %add3A_451 : i32 to vector<16xi32>
    %add3A_453 = arith.addi %iota3A, %add3A_452 : vector<16xi32>
    %jit3A_454 = arith.constant 127 : i32
    %broadcast_in_dim3A_455 = vector.broadcast %jit3A_454 : i32 to vector<16xi32>
    %select_n3A_456 = arith.select %eq3A_450, %add3A_453, %broadcast_in_dim3A_455 : vector<16xi1>, vector<16xi32>
    %min3A_457 = arith.minsi %min3A_449, %select_n3A_456 : vector<16xi32>
    %eq3A_458 = arith.cmpf oeq, %select_n3A_372, %max3A_431 : vector<16xf32>
    %add3A_459 = arith.constant 48 : i32
    %add3A_460 = vector.broadcast %add3A_459 : i32 to vector<16xi32>
    %add3A_461 = arith.addi %iota3A, %add3A_460 : vector<16xi32>
    %jit3A_462 = arith.constant 127 : i32
    %broadcast_in_dim3A_463 = vector.broadcast %jit3A_462 : i32 to vector<16xi32>
    %select_n3A_464 = arith.select %eq3A_458, %add3A_461, %broadcast_in_dim3A_463 : vector<16xi1>, vector<16xi32>
    %min3A_465 = arith.minsi %min3A_457, %select_n3A_464 : vector<16xi32>
    %xor3A_466 = arith.constant 8 : i32
    %xor3A_467 = vector.broadcast %xor3A_466 : i32 to vector<16xi32>
    %xor3A_468 = arith.xori %iota3A, %xor3A_467 : vector<16xi32>
    %lt3A_469 = arith.constant 0 : i32
    %lt3A_470 = vector.broadcast %lt3A_469 : i32 to vector<16xi32>
    %lt3A_471 = arith.cmpi slt, %xor3A_468, %lt3A_470 : vector<16xi32>
    %add3A_472 = arith.constant 16 : i32
    %add3A_473 = vector.broadcast %add3A_472 : i32 to vector<16xi32>
    %add3A_474 = arith.addi %xor3A_468, %add3A_473 : vector<16xi32>
    %select_n3A_475 = arith.select %lt3A_471, %add3A_474, %xor3A_468 : vector<16xi1>, vector<16xi32>
    %broadcast_in_dim3A_476 = vector.shape_cast %select_n3A_475 : vector<16xi32> to vector<16x1xi32>
    %gather3A_477 = vector.shape_cast %broadcast_in_dim3A_476 : vector<16x1xi32> to vector<16xi32>
    %gather3A_478 = tpu.dynamic_gather %min3A_465[%gather3A_477] in [0] : vector<16xi32>, vector<16xi32> -> vector<16xi32>
    %min3A_479 = arith.minsi %min3A_465, %gather3A_478 : vector<16xi32>
    %xor3A_480 = arith.constant 4 : i32
    %xor3A_481 = vector.broadcast %xor3A_480 : i32 to vector<16xi32>
    %xor3A_482 = arith.xori %iota3A, %xor3A_481 : vector<16xi32>
    %lt3A_483 = arith.constant 0 : i32
    %lt3A_484 = vector.broadcast %lt3A_483 : i32 to vector<16xi32>
    %lt3A_485 = arith.cmpi slt, %xor3A_482, %lt3A_484 : vector<16xi32>
    %add3A_486 = arith.constant 16 : i32
    %add3A_487 = vector.broadcast %add3A_486 : i32 to vector<16xi32>
    %add3A_488 = arith.addi %xor3A_482, %add3A_487 : vector<16xi32>
    %select_n3A_489 = arith.select %lt3A_485, %add3A_488, %xor3A_482 : vector<16xi1>, vector<16xi32>
    %broadcast_in_dim3A_490 = vector.shape_cast %select_n3A_489 : vector<16xi32> to vector<16x1xi32>
    %gather3A_491 = vector.shape_cast %broadcast_in_dim3A_490 : vector<16x1xi32> to vector<16xi32>
    %gather3A_492 = tpu.dynamic_gather %min3A_479[%gather3A_491] in [0] : vector<16xi32>, vector<16xi32> -> vector<16xi32>
    %min3A_493 = arith.minsi %min3A_479, %gather3A_492 : vector<16xi32>
    %xor3A_494 = arith.constant 2 : i32
    %xor3A_495 = vector.broadcast %xor3A_494 : i32 to vector<16xi32>
    %xor3A_496 = arith.xori %iota3A, %xor3A_495 : vector<16xi32>
    %lt3A_497 = arith.constant 0 : i32
    %lt3A_498 = vector.broadcast %lt3A_497 : i32 to vector<16xi32>
    %lt3A_499 = arith.cmpi slt, %xor3A_496, %lt3A_498 : vector<16xi32>
    %add3A_500 = arith.constant 16 : i32
    %add3A_501 = vector.broadcast %add3A_500 : i32 to vector<16xi32>
    %add3A_502 = arith.addi %xor3A_496, %add3A_501 : vector<16xi32>
    %select_n3A_503 = arith.select %lt3A_499, %add3A_502, %xor3A_496 : vector<16xi1>, vector<16xi32>
    %broadcast_in_dim3A_504 = vector.shape_cast %select_n3A_503 : vector<16xi32> to vector<16x1xi32>
    %gather3A_505 = vector.shape_cast %broadcast_in_dim3A_504 : vector<16x1xi32> to vector<16xi32>
    %gather3A_506 = tpu.dynamic_gather %min3A_493[%gather3A_505] in [0] : vector<16xi32>, vector<16xi32> -> vector<16xi32>
    %min3A_507 = arith.minsi %min3A_493, %gather3A_506 : vector<16xi32>
    %xor3A_508 = arith.constant 1 : i32
    %xor3A_509 = vector.broadcast %xor3A_508 : i32 to vector<16xi32>
    %xor3A_510 = arith.xori %iota3A, %xor3A_509 : vector<16xi32>
    %lt3A_511 = arith.constant 0 : i32
    %lt3A_512 = vector.broadcast %lt3A_511 : i32 to vector<16xi32>
    %lt3A_513 = arith.cmpi slt, %xor3A_510, %lt3A_512 : vector<16xi32>
    %add3A_514 = arith.constant 16 : i32
    %add3A_515 = vector.broadcast %add3A_514 : i32 to vector<16xi32>
    %add3A_516 = arith.addi %xor3A_510, %add3A_515 : vector<16xi32>
    %select_n3A_517 = arith.select %lt3A_513, %add3A_516, %xor3A_510 : vector<16xi1>, vector<16xi32>
    %broadcast_in_dim3A_518 = vector.shape_cast %select_n3A_517 : vector<16xi32> to vector<16x1xi32>
    %gather3A_519 = vector.shape_cast %broadcast_in_dim3A_518 : vector<16x1xi32> to vector<16xi32>
    %gather3A_520 = tpu.dynamic_gather %min3A_507[%gather3A_519] in [0] : vector<16xi32>, vector<16xi32> -> vector<16xi32>
    %min3A_521 = arith.minsi %min3A_507, %gather3A_520 : vector<16xi32>
    %add3A_522 = arith.constant 0 : i32
    %add3A_523 = vector.broadcast %add3A_522 : i32 to vector<16xi32>
    %add3A_524 = arith.addi %iota3A, %add3A_523 : vector<16xi32>
    %eq3A_525 = arith.cmpi eq, %add3A_524, %min3A_521 : vector<16xi32>
    %or3A_526 = arith.ori %or3A_345, %eq3A_525 : vector<16xi1>
    %jit3A_527 = arith.constant -1.000000e+30 : f32
    %broadcast_in_dim3A_528 = vector.broadcast %jit3A_527 : f32 to vector<16xf32>
    %select_n3A_529 = arith.select %eq3A_525, %broadcast_in_dim3A_528, %select_n3A_348 : vector<16xi1>, vector<16xf32>
    %add3A_530 = arith.constant 16 : i32
    %add3A_531 = vector.broadcast %add3A_530 : i32 to vector<16xi32>
    %add3A_532 = arith.addi %iota3A, %add3A_531 : vector<16xi32>
    %eq3A_533 = arith.cmpi eq, %add3A_532, %min3A_521 : vector<16xi32>
    %or3A_534 = arith.ori %or3A_353, %eq3A_533 : vector<16xi1>
    %jit3A_535 = arith.constant -1.000000e+30 : f32
    %broadcast_in_dim3A_536 = vector.broadcast %jit3A_535 : f32 to vector<16xf32>
    %select_n3A_537 = arith.select %eq3A_533, %broadcast_in_dim3A_536, %select_n3A_356 : vector<16xi1>, vector<16xf32>
    %add3A_538 = arith.constant 32 : i32
    %add3A_539 = vector.broadcast %add3A_538 : i32 to vector<16xi32>
    %add3A_540 = arith.addi %iota3A, %add3A_539 : vector<16xi32>
    %eq3A_541 = arith.cmpi eq, %add3A_540, %min3A_521 : vector<16xi32>
    %or3A_542 = arith.ori %or3A_361, %eq3A_541 : vector<16xi1>
    %jit3A_543 = arith.constant -1.000000e+30 : f32
    %broadcast_in_dim3A_544 = vector.broadcast %jit3A_543 : f32 to vector<16xf32>
    %select_n3A_545 = arith.select %eq3A_541, %broadcast_in_dim3A_544, %select_n3A_364 : vector<16xi1>, vector<16xf32>
    %add3A_546 = arith.constant 48 : i32
    %add3A_547 = vector.broadcast %add3A_546 : i32 to vector<16xi32>
    %add3A_548 = arith.addi %iota3A, %add3A_547 : vector<16xi32>
    %eq3A_549 = arith.cmpi eq, %add3A_548, %min3A_521 : vector<16xi32>
    %or3A_550 = arith.ori %or3A_369, %eq3A_549 : vector<16xi1>
    %jit3A_551 = arith.constant -1.000000e+30 : f32
    %broadcast_in_dim3A_552 = vector.broadcast %jit3A_551 : f32 to vector<16xf32>
    %select_n3A_553 = arith.select %eq3A_549, %broadcast_in_dim3A_552, %select_n3A_372 : vector<16xi1>, vector<16xf32>
    %max3A_554 = arith.maximumf %select_n3A_529, %select_n3A_537 : vector<16xf32>
    %max3A_555 = arith.maximumf %select_n3A_545, %select_n3A_553 : vector<16xf32>
    %max3A_556 = arith.maximumf %max3A_554, %max3A_555 : vector<16xf32>
    %xor3A_557 = arith.constant 8 : i32
    %xor3A_558 = vector.broadcast %xor3A_557 : i32 to vector<16xi32>
    %xor3A_559 = arith.xori %iota3A, %xor3A_558 : vector<16xi32>
    %lt3A_560 = arith.constant 0 : i32
    %lt3A_561 = vector.broadcast %lt3A_560 : i32 to vector<16xi32>
    %lt3A_562 = arith.cmpi slt, %xor3A_559, %lt3A_561 : vector<16xi32>
    %add3A_563 = arith.constant 16 : i32
    %add3A_564 = vector.broadcast %add3A_563 : i32 to vector<16xi32>
    %add3A_565 = arith.addi %xor3A_559, %add3A_564 : vector<16xi32>
    %select_n3A_566 = arith.select %lt3A_562, %add3A_565, %xor3A_559 : vector<16xi1>, vector<16xi32>
    %broadcast_in_dim3A_567 = vector.shape_cast %select_n3A_566 : vector<16xi32> to vector<16x1xi32>
    %gather3A_568 = vector.shape_cast %broadcast_in_dim3A_567 : vector<16x1xi32> to vector<16xi32>
    %gather3A_569 = tpu.dynamic_gather %max3A_556[%gather3A_568] in [0] : vector<16xf32>, vector<16xi32> -> vector<16xf32>
    %max3A_570 = arith.maximumf %max3A_556, %gather3A_569 : vector<16xf32>
    %xor3A_571 = arith.constant 4 : i32
    %xor3A_572 = vector.broadcast %xor3A_571 : i32 to vector<16xi32>
    %xor3A_573 = arith.xori %iota3A, %xor3A_572 : vector<16xi32>
    %lt3A_574 = arith.constant 0 : i32
    %lt3A_575 = vector.broadcast %lt3A_574 : i32 to vector<16xi32>
    %lt3A_576 = arith.cmpi slt, %xor3A_573, %lt3A_575 : vector<16xi32>
    %add3A_577 = arith.constant 16 : i32
    %add3A_578 = vector.broadcast %add3A_577 : i32 to vector<16xi32>
    %add3A_579 = arith.addi %xor3A_573, %add3A_578 : vector<16xi32>
    %select_n3A_580 = arith.select %lt3A_576, %add3A_579, %xor3A_573 : vector<16xi1>, vector<16xi32>
    %broadcast_in_dim3A_581 = vector.shape_cast %select_n3A_580 : vector<16xi32> to vector<16x1xi32>
    %gather3A_582 = vector.shape_cast %broadcast_in_dim3A_581 : vector<16x1xi32> to vector<16xi32>
    %gather3A_583 = tpu.dynamic_gather %max3A_570[%gather3A_582] in [0] : vector<16xf32>, vector<16xi32> -> vector<16xf32>
    %max3A_584 = arith.maximumf %max3A_570, %gather3A_583 : vector<16xf32>
    %xor3A_585 = arith.constant 2 : i32
    %xor3A_586 = vector.broadcast %xor3A_585 : i32 to vector<16xi32>
    %xor3A_587 = arith.xori %iota3A, %xor3A_586 : vector<16xi32>
    %lt3A_588 = arith.constant 0 : i32
    %lt3A_589 = vector.broadcast %lt3A_588 : i32 to vector<16xi32>
    %lt3A_590 = arith.cmpi slt, %xor3A_587, %lt3A_589 : vector<16xi32>
    %add3A_591 = arith.constant 16 : i32
    %add3A_592 = vector.broadcast %add3A_591 : i32 to vector<16xi32>
    %add3A_593 = arith.addi %xor3A_587, %add3A_592 : vector<16xi32>
    %select_n3A_594 = arith.select %lt3A_590, %add3A_593, %xor3A_587 : vector<16xi1>, vector<16xi32>
    %broadcast_in_dim3A_595 = vector.shape_cast %select_n3A_594 : vector<16xi32> to vector<16x1xi32>
    %gather3A_596 = vector.shape_cast %broadcast_in_dim3A_595 : vector<16x1xi32> to vector<16xi32>
    %gather3A_597 = tpu.dynamic_gather %max3A_584[%gather3A_596] in [0] : vector<16xf32>, vector<16xi32> -> vector<16xf32>
    %max3A_598 = arith.maximumf %max3A_584, %gather3A_597 : vector<16xf32>
    %xor3A_599 = arith.constant 1 : i32
    %xor3A_600 = vector.broadcast %xor3A_599 : i32 to vector<16xi32>
    %xor3A_601 = arith.xori %iota3A, %xor3A_600 : vector<16xi32>
    %lt3A_602 = arith.constant 0 : i32
    %lt3A_603 = vector.broadcast %lt3A_602 : i32 to vector<16xi32>
    %lt3A_604 = arith.cmpi slt, %xor3A_601, %lt3A_603 : vector<16xi32>
    %add3A_605 = arith.constant 16 : i32
    %add3A_606 = vector.broadcast %add3A_605 : i32 to vector<16xi32>
    %add3A_607 = arith.addi %xor3A_601, %add3A_606 : vector<16xi32>
    %select_n3A_608 = arith.select %lt3A_604, %add3A_607, %xor3A_601 : vector<16xi1>, vector<16xi32>
    %broadcast_in_dim3A_609 = vector.shape_cast %select_n3A_608 : vector<16xi32> to vector<16x1xi32>
    %gather3A_610 = vector.shape_cast %broadcast_in_dim3A_609 : vector<16x1xi32> to vector<16xi32>
    %gather3A_611 = tpu.dynamic_gather %max3A_598[%gather3A_610] in [0] : vector<16xf32>, vector<16xi32> -> vector<16xf32>
    %max3A_612 = arith.maximumf %max3A_598, %gather3A_611 : vector<16xf32>
    %broadcast_in_dim3A_613 = arith.constant 127 : i32
    %broadcast_in_dim3A_614 = vector.broadcast %broadcast_in_dim3A_613 : i32 to vector<16xi32>
    %eq3A_615 = arith.cmpf oeq, %select_n3A_529, %max3A_612 : vector<16xf32>
    %add3A_616 = arith.constant 0 : i32
    %add3A_617 = vector.broadcast %add3A_616 : i32 to vector<16xi32>
    %add3A_618 = arith.addi %iota3A, %add3A_617 : vector<16xi32>
    %jit3A_619 = arith.constant 127 : i32
    %broadcast_in_dim3A_620 = vector.broadcast %jit3A_619 : i32 to vector<16xi32>
    %select_n3A_621 = arith.select %eq3A_615, %add3A_618, %broadcast_in_dim3A_620 : vector<16xi1>, vector<16xi32>
    %min3A_622 = arith.minsi %broadcast_in_dim3A_614, %select_n3A_621 : vector<16xi32>
    %eq3A_623 = arith.cmpf oeq, %select_n3A_537, %max3A_612 : vector<16xf32>
    %add3A_624 = arith.constant 16 : i32
    %add3A_625 = vector.broadcast %add3A_624 : i32 to vector<16xi32>
    %add3A_626 = arith.addi %iota3A, %add3A_625 : vector<16xi32>
    %jit3A_627 = arith.constant 127 : i32
    %broadcast_in_dim3A_628 = vector.broadcast %jit3A_627 : i32 to vector<16xi32>
    %select_n3A_629 = arith.select %eq3A_623, %add3A_626, %broadcast_in_dim3A_628 : vector<16xi1>, vector<16xi32>
    %min3A_630 = arith.minsi %min3A_622, %select_n3A_629 : vector<16xi32>
    %eq3A_631 = arith.cmpf oeq, %select_n3A_545, %max3A_612 : vector<16xf32>
    %add3A_632 = arith.constant 32 : i32
    %add3A_633 = vector.broadcast %add3A_632 : i32 to vector<16xi32>
    %add3A_634 = arith.addi %iota3A, %add3A_633 : vector<16xi32>
    %jit3A_635 = arith.constant 127 : i32
    %broadcast_in_dim3A_636 = vector.broadcast %jit3A_635 : i32 to vector<16xi32>
    %select_n3A_637 = arith.select %eq3A_631, %add3A_634, %broadcast_in_dim3A_636 : vector<16xi1>, vector<16xi32>
    %min3A_638 = arith.minsi %min3A_630, %select_n3A_637 : vector<16xi32>
    %eq3A_639 = arith.cmpf oeq, %select_n3A_553, %max3A_612 : vector<16xf32>
    %add3A_640 = arith.constant 48 : i32
    %add3A_641 = vector.broadcast %add3A_640 : i32 to vector<16xi32>
    %add3A_642 = arith.addi %iota3A, %add3A_641 : vector<16xi32>
    %jit3A_643 = arith.constant 127 : i32
    %broadcast_in_dim3A_644 = vector.broadcast %jit3A_643 : i32 to vector<16xi32>
    %select_n3A_645 = arith.select %eq3A_639, %add3A_642, %broadcast_in_dim3A_644 : vector<16xi1>, vector<16xi32>
    %min3A_646 = arith.minsi %min3A_638, %select_n3A_645 : vector<16xi32>
    %xor3A_647 = arith.constant 8 : i32
    %xor3A_648 = vector.broadcast %xor3A_647 : i32 to vector<16xi32>
    %xor3A_649 = arith.xori %iota3A, %xor3A_648 : vector<16xi32>
    %lt3A_650 = arith.constant 0 : i32
    %lt3A_651 = vector.broadcast %lt3A_650 : i32 to vector<16xi32>
    %lt3A_652 = arith.cmpi slt, %xor3A_649, %lt3A_651 : vector<16xi32>
    %add3A_653 = arith.constant 16 : i32
    %add3A_654 = vector.broadcast %add3A_653 : i32 to vector<16xi32>
    %add3A_655 = arith.addi %xor3A_649, %add3A_654 : vector<16xi32>
    %select_n3A_656 = arith.select %lt3A_652, %add3A_655, %xor3A_649 : vector<16xi1>, vector<16xi32>
    %broadcast_in_dim3A_657 = vector.shape_cast %select_n3A_656 : vector<16xi32> to vector<16x1xi32>
    %gather3A_658 = vector.shape_cast %broadcast_in_dim3A_657 : vector<16x1xi32> to vector<16xi32>
    %gather3A_659 = tpu.dynamic_gather %min3A_646[%gather3A_658] in [0] : vector<16xi32>, vector<16xi32> -> vector<16xi32>
    %min3A_660 = arith.minsi %min3A_646, %gather3A_659 : vector<16xi32>
    %xor3A_661 = arith.constant 4 : i32
    %xor3A_662 = vector.broadcast %xor3A_661 : i32 to vector<16xi32>
    %xor3A_663 = arith.xori %iota3A, %xor3A_662 : vector<16xi32>
    %lt3A_664 = arith.constant 0 : i32
    %lt3A_665 = vector.broadcast %lt3A_664 : i32 to vector<16xi32>
    %lt3A_666 = arith.cmpi slt, %xor3A_663, %lt3A_665 : vector<16xi32>
    %add3A_667 = arith.constant 16 : i32
    %add3A_668 = vector.broadcast %add3A_667 : i32 to vector<16xi32>
    %add3A_669 = arith.addi %xor3A_663, %add3A_668 : vector<16xi32>
    %select_n3A_670 = arith.select %lt3A_666, %add3A_669, %xor3A_663 : vector<16xi1>, vector<16xi32>
    %broadcast_in_dim3A_671 = vector.shape_cast %select_n3A_670 : vector<16xi32> to vector<16x1xi32>
    %gather3A_672 = vector.shape_cast %broadcast_in_dim3A_671 : vector<16x1xi32> to vector<16xi32>
    %gather3A_673 = tpu.dynamic_gather %min3A_660[%gather3A_672] in [0] : vector<16xi32>, vector<16xi32> -> vector<16xi32>
    %min3A_674 = arith.minsi %min3A_660, %gather3A_673 : vector<16xi32>
    %xor3A_675 = arith.constant 2 : i32
    %xor3A_676 = vector.broadcast %xor3A_675 : i32 to vector<16xi32>
    %xor3A_677 = arith.xori %iota3A, %xor3A_676 : vector<16xi32>
    %lt3A_678 = arith.constant 0 : i32
    %lt3A_679 = vector.broadcast %lt3A_678 : i32 to vector<16xi32>
    %lt3A_680 = arith.cmpi slt, %xor3A_677, %lt3A_679 : vector<16xi32>
    %add3A_681 = arith.constant 16 : i32
    %add3A_682 = vector.broadcast %add3A_681 : i32 to vector<16xi32>
    %add3A_683 = arith.addi %xor3A_677, %add3A_682 : vector<16xi32>
    %select_n3A_684 = arith.select %lt3A_680, %add3A_683, %xor3A_677 : vector<16xi1>, vector<16xi32>
    %broadcast_in_dim3A_685 = vector.shape_cast %select_n3A_684 : vector<16xi32> to vector<16x1xi32>
    %gather3A_686 = vector.shape_cast %broadcast_in_dim3A_685 : vector<16x1xi32> to vector<16xi32>
    %gather3A_687 = tpu.dynamic_gather %min3A_674[%gather3A_686] in [0] : vector<16xi32>, vector<16xi32> -> vector<16xi32>
    %min3A_688 = arith.minsi %min3A_674, %gather3A_687 : vector<16xi32>
    %xor3A_689 = arith.constant 1 : i32
    %xor3A_690 = vector.broadcast %xor3A_689 : i32 to vector<16xi32>
    %xor3A_691 = arith.xori %iota3A, %xor3A_690 : vector<16xi32>
    %lt3A_692 = arith.constant 0 : i32
    %lt3A_693 = vector.broadcast %lt3A_692 : i32 to vector<16xi32>
    %lt3A_694 = arith.cmpi slt, %xor3A_691, %lt3A_693 : vector<16xi32>
    %add3A_695 = arith.constant 16 : i32
    %add3A_696 = vector.broadcast %add3A_695 : i32 to vector<16xi32>
    %add3A_697 = arith.addi %xor3A_691, %add3A_696 : vector<16xi32>
    %select_n3A_698 = arith.select %lt3A_694, %add3A_697, %xor3A_691 : vector<16xi1>, vector<16xi32>
    %broadcast_in_dim3A_699 = vector.shape_cast %select_n3A_698 : vector<16xi32> to vector<16x1xi32>
    %gather3A_700 = vector.shape_cast %broadcast_in_dim3A_699 : vector<16x1xi32> to vector<16xi32>
    %gather3A_701 = tpu.dynamic_gather %min3A_688[%gather3A_700] in [0] : vector<16xi32>, vector<16xi32> -> vector<16xi32>
    %min3A_702 = arith.minsi %min3A_688, %gather3A_701 : vector<16xi32>
    %add3A_703 = arith.constant 0 : i32
    %add3A_704 = vector.broadcast %add3A_703 : i32 to vector<16xi32>
    %add3A_705 = arith.addi %iota3A, %add3A_704 : vector<16xi32>
    %eq3A_706 = arith.cmpi eq, %add3A_705, %min3A_702 : vector<16xi32>
    %or3A_707 = arith.ori %or3A_526, %eq3A_706 : vector<16xi1>
    %jit3A_708 = arith.constant -1.000000e+30 : f32
    %broadcast_in_dim3A_709 = vector.broadcast %jit3A_708 : f32 to vector<16xf32>
    %select_n3A_710 = arith.select %eq3A_706, %broadcast_in_dim3A_709, %select_n3A_529 : vector<16xi1>, vector<16xf32>
    %add3A_711 = arith.constant 16 : i32
    %add3A_712 = vector.broadcast %add3A_711 : i32 to vector<16xi32>
    %add3A_713 = arith.addi %iota3A, %add3A_712 : vector<16xi32>
    %eq3A_714 = arith.cmpi eq, %add3A_713, %min3A_702 : vector<16xi32>
    %or3A_715 = arith.ori %or3A_534, %eq3A_714 : vector<16xi1>
    %jit3A_716 = arith.constant -1.000000e+30 : f32
    %broadcast_in_dim3A_717 = vector.broadcast %jit3A_716 : f32 to vector<16xf32>
    %select_n3A_718 = arith.select %eq3A_714, %broadcast_in_dim3A_717, %select_n3A_537 : vector<16xi1>, vector<16xf32>
    %add3A_719 = arith.constant 32 : i32
    %add3A_720 = vector.broadcast %add3A_719 : i32 to vector<16xi32>
    %add3A_721 = arith.addi %iota3A, %add3A_720 : vector<16xi32>
    %eq3A_722 = arith.cmpi eq, %add3A_721, %min3A_702 : vector<16xi32>
    %or3A_723 = arith.ori %or3A_542, %eq3A_722 : vector<16xi1>
    %jit3A_724 = arith.constant -1.000000e+30 : f32
    %broadcast_in_dim3A_725 = vector.broadcast %jit3A_724 : f32 to vector<16xf32>
    %select_n3A_726 = arith.select %eq3A_722, %broadcast_in_dim3A_725, %select_n3A_545 : vector<16xi1>, vector<16xf32>
    %add3A_727 = arith.constant 48 : i32
    %add3A_728 = vector.broadcast %add3A_727 : i32 to vector<16xi32>
    %add3A_729 = arith.addi %iota3A, %add3A_728 : vector<16xi32>
    %eq3A_730 = arith.cmpi eq, %add3A_729, %min3A_702 : vector<16xi32>
    %or3A_731 = arith.ori %or3A_550, %eq3A_730 : vector<16xi1>
    %jit3A_732 = arith.constant -1.000000e+30 : f32
    %broadcast_in_dim3A_733 = vector.broadcast %jit3A_732 : f32 to vector<16xf32>
    %select_n3A_734 = arith.select %eq3A_730, %broadcast_in_dim3A_733, %select_n3A_553 : vector<16xi1>, vector<16xf32>
    %max3A_735 = arith.maximumf %select_n3A_710, %select_n3A_718 : vector<16xf32>
    %max3A_736 = arith.maximumf %select_n3A_726, %select_n3A_734 : vector<16xf32>
    %max3A_737 = arith.maximumf %max3A_735, %max3A_736 : vector<16xf32>
    %xor3A_738 = arith.constant 8 : i32
    %xor3A_739 = vector.broadcast %xor3A_738 : i32 to vector<16xi32>
    %xor3A_740 = arith.xori %iota3A, %xor3A_739 : vector<16xi32>
    %lt3A_741 = arith.constant 0 : i32
    %lt3A_742 = vector.broadcast %lt3A_741 : i32 to vector<16xi32>
    %lt3A_743 = arith.cmpi slt, %xor3A_740, %lt3A_742 : vector<16xi32>
    %add3A_744 = arith.constant 16 : i32
    %add3A_745 = vector.broadcast %add3A_744 : i32 to vector<16xi32>
    %add3A_746 = arith.addi %xor3A_740, %add3A_745 : vector<16xi32>
    %select_n3A_747 = arith.select %lt3A_743, %add3A_746, %xor3A_740 : vector<16xi1>, vector<16xi32>
    %broadcast_in_dim3A_748 = vector.shape_cast %select_n3A_747 : vector<16xi32> to vector<16x1xi32>
    %gather3A_749 = vector.shape_cast %broadcast_in_dim3A_748 : vector<16x1xi32> to vector<16xi32>
    %gather3A_750 = tpu.dynamic_gather %max3A_737[%gather3A_749] in [0] : vector<16xf32>, vector<16xi32> -> vector<16xf32>
    %max3A_751 = arith.maximumf %max3A_737, %gather3A_750 : vector<16xf32>
    %xor3A_752 = arith.constant 4 : i32
    %xor3A_753 = vector.broadcast %xor3A_752 : i32 to vector<16xi32>
    %xor3A_754 = arith.xori %iota3A, %xor3A_753 : vector<16xi32>
    %lt3A_755 = arith.constant 0 : i32
    %lt3A_756 = vector.broadcast %lt3A_755 : i32 to vector<16xi32>
    %lt3A_757 = arith.cmpi slt, %xor3A_754, %lt3A_756 : vector<16xi32>
    %add3A_758 = arith.constant 16 : i32
    %add3A_759 = vector.broadcast %add3A_758 : i32 to vector<16xi32>
    %add3A_760 = arith.addi %xor3A_754, %add3A_759 : vector<16xi32>
    %select_n3A_761 = arith.select %lt3A_757, %add3A_760, %xor3A_754 : vector<16xi1>, vector<16xi32>
    %broadcast_in_dim3A_762 = vector.shape_cast %select_n3A_761 : vector<16xi32> to vector<16x1xi32>
    %gather3A_763 = vector.shape_cast %broadcast_in_dim3A_762 : vector<16x1xi32> to vector<16xi32>
    %gather3A_764 = tpu.dynamic_gather %max3A_751[%gather3A_763] in [0] : vector<16xf32>, vector<16xi32> -> vector<16xf32>
    %max3A_765 = arith.maximumf %max3A_751, %gather3A_764 : vector<16xf32>
    %xor3A_766 = arith.constant 2 : i32
    %xor3A_767 = vector.broadcast %xor3A_766 : i32 to vector<16xi32>
    %xor3A_768 = arith.xori %iota3A, %xor3A_767 : vector<16xi32>
    %lt3A_769 = arith.constant 0 : i32
    %lt3A_770 = vector.broadcast %lt3A_769 : i32 to vector<16xi32>
    %lt3A_771 = arith.cmpi slt, %xor3A_768, %lt3A_770 : vector<16xi32>
    %add3A_772 = arith.constant 16 : i32
    %add3A_773 = vector.broadcast %add3A_772 : i32 to vector<16xi32>
    %add3A_774 = arith.addi %xor3A_768, %add3A_773 : vector<16xi32>
    %select_n3A_775 = arith.select %lt3A_771, %add3A_774, %xor3A_768 : vector<16xi1>, vector<16xi32>
    %broadcast_in_dim3A_776 = vector.shape_cast %select_n3A_775 : vector<16xi32> to vector<16x1xi32>
    %gather3A_777 = vector.shape_cast %broadcast_in_dim3A_776 : vector<16x1xi32> to vector<16xi32>
    %gather3A_778 = tpu.dynamic_gather %max3A_765[%gather3A_777] in [0] : vector<16xf32>, vector<16xi32> -> vector<16xf32>
    %max3A_779 = arith.maximumf %max3A_765, %gather3A_778 : vector<16xf32>
    %xor3A_780 = arith.constant 1 : i32
    %xor3A_781 = vector.broadcast %xor3A_780 : i32 to vector<16xi32>
    %xor3A_782 = arith.xori %iota3A, %xor3A_781 : vector<16xi32>
    %lt3A_783 = arith.constant 0 : i32
    %lt3A_784 = vector.broadcast %lt3A_783 : i32 to vector<16xi32>
    %lt3A_785 = arith.cmpi slt, %xor3A_782, %lt3A_784 : vector<16xi32>
    %add3A_786 = arith.constant 16 : i32
    %add3A_787 = vector.broadcast %add3A_786 : i32 to vector<16xi32>
    %add3A_788 = arith.addi %xor3A_782, %add3A_787 : vector<16xi32>
    %select_n3A_789 = arith.select %lt3A_785, %add3A_788, %xor3A_782 : vector<16xi1>, vector<16xi32>
    %broadcast_in_dim3A_790 = vector.shape_cast %select_n3A_789 : vector<16xi32> to vector<16x1xi32>
    %gather3A_791 = vector.shape_cast %broadcast_in_dim3A_790 : vector<16x1xi32> to vector<16xi32>
    %gather3A_792 = tpu.dynamic_gather %max3A_779[%gather3A_791] in [0] : vector<16xf32>, vector<16xi32> -> vector<16xf32>
    %max3A_793 = arith.maximumf %max3A_779, %gather3A_792 : vector<16xf32>
    %broadcast_in_dim3A_794 = arith.constant 127 : i32
    %broadcast_in_dim3A_795 = vector.broadcast %broadcast_in_dim3A_794 : i32 to vector<16xi32>
    %eq3A_796 = arith.cmpf oeq, %select_n3A_710, %max3A_793 : vector<16xf32>
    %add3A_797 = arith.constant 0 : i32
    %add3A_798 = vector.broadcast %add3A_797 : i32 to vector<16xi32>
    %add3A_799 = arith.addi %iota3A, %add3A_798 : vector<16xi32>
    %jit3A_800 = arith.constant 127 : i32
    %broadcast_in_dim3A_801 = vector.broadcast %jit3A_800 : i32 to vector<16xi32>
    %select_n3A_802 = arith.select %eq3A_796, %add3A_799, %broadcast_in_dim3A_801 : vector<16xi1>, vector<16xi32>
    %min3A_803 = arith.minsi %broadcast_in_dim3A_795, %select_n3A_802 : vector<16xi32>
    %eq3A_804 = arith.cmpf oeq, %select_n3A_718, %max3A_793 : vector<16xf32>
    %add3A_805 = arith.constant 16 : i32
    %add3A_806 = vector.broadcast %add3A_805 : i32 to vector<16xi32>
    %add3A_807 = arith.addi %iota3A, %add3A_806 : vector<16xi32>
    %jit3A_808 = arith.constant 127 : i32
    %broadcast_in_dim3A_809 = vector.broadcast %jit3A_808 : i32 to vector<16xi32>
    %select_n3A_810 = arith.select %eq3A_804, %add3A_807, %broadcast_in_dim3A_809 : vector<16xi1>, vector<16xi32>
    %min3A_811 = arith.minsi %min3A_803, %select_n3A_810 : vector<16xi32>
    %eq3A_812 = arith.cmpf oeq, %select_n3A_726, %max3A_793 : vector<16xf32>
    %add3A_813 = arith.constant 32 : i32
    %add3A_814 = vector.broadcast %add3A_813 : i32 to vector<16xi32>
    %add3A_815 = arith.addi %iota3A, %add3A_814 : vector<16xi32>
    %jit3A_816 = arith.constant 127 : i32
    %broadcast_in_dim3A_817 = vector.broadcast %jit3A_816 : i32 to vector<16xi32>
    %select_n3A_818 = arith.select %eq3A_812, %add3A_815, %broadcast_in_dim3A_817 : vector<16xi1>, vector<16xi32>
    %min3A_819 = arith.minsi %min3A_811, %select_n3A_818 : vector<16xi32>
    %eq3A_820 = arith.cmpf oeq, %select_n3A_734, %max3A_793 : vector<16xf32>
    %add3A_821 = arith.constant 48 : i32
    %add3A_822 = vector.broadcast %add3A_821 : i32 to vector<16xi32>
    %add3A_823 = arith.addi %iota3A, %add3A_822 : vector<16xi32>
    %jit3A_824 = arith.constant 127 : i32
    %broadcast_in_dim3A_825 = vector.broadcast %jit3A_824 : i32 to vector<16xi32>
    %select_n3A_826 = arith.select %eq3A_820, %add3A_823, %broadcast_in_dim3A_825 : vector<16xi1>, vector<16xi32>
    %min3A_827 = arith.minsi %min3A_819, %select_n3A_826 : vector<16xi32>
    %xor3A_828 = arith.constant 8 : i32
    %xor3A_829 = vector.broadcast %xor3A_828 : i32 to vector<16xi32>
    %xor3A_830 = arith.xori %iota3A, %xor3A_829 : vector<16xi32>
    %lt3A_831 = arith.constant 0 : i32
    %lt3A_832 = vector.broadcast %lt3A_831 : i32 to vector<16xi32>
    %lt3A_833 = arith.cmpi slt, %xor3A_830, %lt3A_832 : vector<16xi32>
    %add3A_834 = arith.constant 16 : i32
    %add3A_835 = vector.broadcast %add3A_834 : i32 to vector<16xi32>
    %add3A_836 = arith.addi %xor3A_830, %add3A_835 : vector<16xi32>
    %select_n3A_837 = arith.select %lt3A_833, %add3A_836, %xor3A_830 : vector<16xi1>, vector<16xi32>
    %broadcast_in_dim3A_838 = vector.shape_cast %select_n3A_837 : vector<16xi32> to vector<16x1xi32>
    %gather3A_839 = vector.shape_cast %broadcast_in_dim3A_838 : vector<16x1xi32> to vector<16xi32>
    %gather3A_840 = tpu.dynamic_gather %min3A_827[%gather3A_839] in [0] : vector<16xi32>, vector<16xi32> -> vector<16xi32>
    %min3A_841 = arith.minsi %min3A_827, %gather3A_840 : vector<16xi32>
    %xor3A_842 = arith.constant 4 : i32
    %xor3A_843 = vector.broadcast %xor3A_842 : i32 to vector<16xi32>
    %xor3A_844 = arith.xori %iota3A, %xor3A_843 : vector<16xi32>
    %lt3A_845 = arith.constant 0 : i32
    %lt3A_846 = vector.broadcast %lt3A_845 : i32 to vector<16xi32>
    %lt3A_847 = arith.cmpi slt, %xor3A_844, %lt3A_846 : vector<16xi32>
    %add3A_848 = arith.constant 16 : i32
    %add3A_849 = vector.broadcast %add3A_848 : i32 to vector<16xi32>
    %add3A_850 = arith.addi %xor3A_844, %add3A_849 : vector<16xi32>
    %select_n3A_851 = arith.select %lt3A_847, %add3A_850, %xor3A_844 : vector<16xi1>, vector<16xi32>
    %broadcast_in_dim3A_852 = vector.shape_cast %select_n3A_851 : vector<16xi32> to vector<16x1xi32>
    %gather3A_853 = vector.shape_cast %broadcast_in_dim3A_852 : vector<16x1xi32> to vector<16xi32>
    %gather3A_854 = tpu.dynamic_gather %min3A_841[%gather3A_853] in [0] : vector<16xi32>, vector<16xi32> -> vector<16xi32>
    %min3A_855 = arith.minsi %min3A_841, %gather3A_854 : vector<16xi32>
    %xor3A_856 = arith.constant 2 : i32
    %xor3A_857 = vector.broadcast %xor3A_856 : i32 to vector<16xi32>
    %xor3A_858 = arith.xori %iota3A, %xor3A_857 : vector<16xi32>
    %lt3A_859 = arith.constant 0 : i32
    %lt3A_860 = vector.broadcast %lt3A_859 : i32 to vector<16xi32>
    %lt3A_861 = arith.cmpi slt, %xor3A_858, %lt3A_860 : vector<16xi32>
    %add3A_862 = arith.constant 16 : i32
    %add3A_863 = vector.broadcast %add3A_862 : i32 to vector<16xi32>
    %add3A_864 = arith.addi %xor3A_858, %add3A_863 : vector<16xi32>
    %select_n3A_865 = arith.select %lt3A_861, %add3A_864, %xor3A_858 : vector<16xi1>, vector<16xi32>
    %broadcast_in_dim3A_866 = vector.shape_cast %select_n3A_865 : vector<16xi32> to vector<16x1xi32>
    %gather3A_867 = vector.shape_cast %broadcast_in_dim3A_866 : vector<16x1xi32> to vector<16xi32>
    %gather3A_868 = tpu.dynamic_gather %min3A_855[%gather3A_867] in [0] : vector<16xi32>, vector<16xi32> -> vector<16xi32>
    %min3A_869 = arith.minsi %min3A_855, %gather3A_868 : vector<16xi32>
    %xor3A_870 = arith.constant 1 : i32
    %xor3A_871 = vector.broadcast %xor3A_870 : i32 to vector<16xi32>
    %xor3A_872 = arith.xori %iota3A, %xor3A_871 : vector<16xi32>
    %lt3A_873 = arith.constant 0 : i32
    %lt3A_874 = vector.broadcast %lt3A_873 : i32 to vector<16xi32>
    %lt3A_875 = arith.cmpi slt, %xor3A_872, %lt3A_874 : vector<16xi32>
    %add3A_876 = arith.constant 16 : i32
    %add3A_877 = vector.broadcast %add3A_876 : i32 to vector<16xi32>
    %add3A_878 = arith.addi %xor3A_872, %add3A_877 : vector<16xi32>
    %select_n3A_879 = arith.select %lt3A_875, %add3A_878, %xor3A_872 : vector<16xi1>, vector<16xi32>
    %broadcast_in_dim3A_880 = vector.shape_cast %select_n3A_879 : vector<16xi32> to vector<16x1xi32>
    %gather3A_881 = vector.shape_cast %broadcast_in_dim3A_880 : vector<16x1xi32> to vector<16xi32>
    %gather3A_882 = tpu.dynamic_gather %min3A_869[%gather3A_881] in [0] : vector<16xi32>, vector<16xi32> -> vector<16xi32>
    %min3A_883 = arith.minsi %min3A_869, %gather3A_882 : vector<16xi32>
    %add3A_884 = arith.constant 0 : i32
    %add3A_885 = vector.broadcast %add3A_884 : i32 to vector<16xi32>
    %add3A_886 = arith.addi %iota3A, %add3A_885 : vector<16xi32>
    %eq3A_887 = arith.cmpi eq, %add3A_886, %min3A_883 : vector<16xi32>
    %or3A_888 = arith.ori %or3A_707, %eq3A_887 : vector<16xi1>
    %jit3A_889 = arith.constant -1.000000e+30 : f32
    %broadcast_in_dim3A_890 = vector.broadcast %jit3A_889 : f32 to vector<16xf32>
    %select_n3A_891 = arith.select %eq3A_887, %broadcast_in_dim3A_890, %select_n3A_710 : vector<16xi1>, vector<16xf32>
    %add3A_892 = arith.constant 16 : i32
    %add3A_893 = vector.broadcast %add3A_892 : i32 to vector<16xi32>
    %add3A_894 = arith.addi %iota3A, %add3A_893 : vector<16xi32>
    %eq3A_895 = arith.cmpi eq, %add3A_894, %min3A_883 : vector<16xi32>
    %or3A_896 = arith.ori %or3A_715, %eq3A_895 : vector<16xi1>
    %jit3A_897 = arith.constant -1.000000e+30 : f32
    %broadcast_in_dim3A_898 = vector.broadcast %jit3A_897 : f32 to vector<16xf32>
    %select_n3A_899 = arith.select %eq3A_895, %broadcast_in_dim3A_898, %select_n3A_718 : vector<16xi1>, vector<16xf32>
    %add3A_900 = arith.constant 32 : i32
    %add3A_901 = vector.broadcast %add3A_900 : i32 to vector<16xi32>
    %add3A_902 = arith.addi %iota3A, %add3A_901 : vector<16xi32>
    %eq3A_903 = arith.cmpi eq, %add3A_902, %min3A_883 : vector<16xi32>
    %or3A_904 = arith.ori %or3A_723, %eq3A_903 : vector<16xi1>
    %jit3A_905 = arith.constant -1.000000e+30 : f32
    %broadcast_in_dim3A_906 = vector.broadcast %jit3A_905 : f32 to vector<16xf32>
    %select_n3A_907 = arith.select %eq3A_903, %broadcast_in_dim3A_906, %select_n3A_726 : vector<16xi1>, vector<16xf32>
    %add3A_908 = arith.constant 48 : i32
    %add3A_909 = vector.broadcast %add3A_908 : i32 to vector<16xi32>
    %add3A_910 = arith.addi %iota3A, %add3A_909 : vector<16xi32>
    %eq3A_911 = arith.cmpi eq, %add3A_910, %min3A_883 : vector<16xi32>
    %or3A_912 = arith.ori %or3A_731, %eq3A_911 : vector<16xi1>
    %jit3A_913 = arith.constant -1.000000e+30 : f32
    %broadcast_in_dim3A_914 = vector.broadcast %jit3A_913 : f32 to vector<16xf32>
    %select_n3A_915 = arith.select %eq3A_911, %broadcast_in_dim3A_914, %select_n3A_734 : vector<16xi1>, vector<16xf32>
    %max3A_916 = arith.maximumf %select_n3A_891, %select_n3A_899 : vector<16xf32>
    %max3A_917 = arith.maximumf %select_n3A_907, %select_n3A_915 : vector<16xf32>
    %max3A_918 = arith.maximumf %max3A_916, %max3A_917 : vector<16xf32>
    %xor3A_919 = arith.constant 8 : i32
    %xor3A_920 = vector.broadcast %xor3A_919 : i32 to vector<16xi32>
    %xor3A_921 = arith.xori %iota3A, %xor3A_920 : vector<16xi32>
    %lt3A_922 = arith.constant 0 : i32
    %lt3A_923 = vector.broadcast %lt3A_922 : i32 to vector<16xi32>
    %lt3A_924 = arith.cmpi slt, %xor3A_921, %lt3A_923 : vector<16xi32>
    %add3A_925 = arith.constant 16 : i32
    %add3A_926 = vector.broadcast %add3A_925 : i32 to vector<16xi32>
    %add3A_927 = arith.addi %xor3A_921, %add3A_926 : vector<16xi32>
    %select_n3A_928 = arith.select %lt3A_924, %add3A_927, %xor3A_921 : vector<16xi1>, vector<16xi32>
    %broadcast_in_dim3A_929 = vector.shape_cast %select_n3A_928 : vector<16xi32> to vector<16x1xi32>
    %gather3A_930 = vector.shape_cast %broadcast_in_dim3A_929 : vector<16x1xi32> to vector<16xi32>
    %gather3A_931 = tpu.dynamic_gather %max3A_918[%gather3A_930] in [0] : vector<16xf32>, vector<16xi32> -> vector<16xf32>
    %max3A_932 = arith.maximumf %max3A_918, %gather3A_931 : vector<16xf32>
    %xor3A_933 = arith.constant 4 : i32
    %xor3A_934 = vector.broadcast %xor3A_933 : i32 to vector<16xi32>
    %xor3A_935 = arith.xori %iota3A, %xor3A_934 : vector<16xi32>
    %lt3A_936 = arith.constant 0 : i32
    %lt3A_937 = vector.broadcast %lt3A_936 : i32 to vector<16xi32>
    %lt3A_938 = arith.cmpi slt, %xor3A_935, %lt3A_937 : vector<16xi32>
    %add3A_939 = arith.constant 16 : i32
    %add3A_940 = vector.broadcast %add3A_939 : i32 to vector<16xi32>
    %add3A_941 = arith.addi %xor3A_935, %add3A_940 : vector<16xi32>
    %select_n3A_942 = arith.select %lt3A_938, %add3A_941, %xor3A_935 : vector<16xi1>, vector<16xi32>
    %broadcast_in_dim3A_943 = vector.shape_cast %select_n3A_942 : vector<16xi32> to vector<16x1xi32>
    %gather3A_944 = vector.shape_cast %broadcast_in_dim3A_943 : vector<16x1xi32> to vector<16xi32>
    %gather3A_945 = tpu.dynamic_gather %max3A_932[%gather3A_944] in [0] : vector<16xf32>, vector<16xi32> -> vector<16xf32>
    %max3A_946 = arith.maximumf %max3A_932, %gather3A_945 : vector<16xf32>
    %xor3A_947 = arith.constant 2 : i32
    %xor3A_948 = vector.broadcast %xor3A_947 : i32 to vector<16xi32>
    %xor3A_949 = arith.xori %iota3A, %xor3A_948 : vector<16xi32>
    %lt3A_950 = arith.constant 0 : i32
    %lt3A_951 = vector.broadcast %lt3A_950 : i32 to vector<16xi32>
    %lt3A_952 = arith.cmpi slt, %xor3A_949, %lt3A_951 : vector<16xi32>
    %add3A_953 = arith.constant 16 : i32
    %add3A_954 = vector.broadcast %add3A_953 : i32 to vector<16xi32>
    %add3A_955 = arith.addi %xor3A_949, %add3A_954 : vector<16xi32>
    %select_n3A_956 = arith.select %lt3A_952, %add3A_955, %xor3A_949 : vector<16xi1>, vector<16xi32>
    %broadcast_in_dim3A_957 = vector.shape_cast %select_n3A_956 : vector<16xi32> to vector<16x1xi32>
    %gather3A_958 = vector.shape_cast %broadcast_in_dim3A_957 : vector<16x1xi32> to vector<16xi32>
    %gather3A_959 = tpu.dynamic_gather %max3A_946[%gather3A_958] in [0] : vector<16xf32>, vector<16xi32> -> vector<16xf32>
    %max3A_960 = arith.maximumf %max3A_946, %gather3A_959 : vector<16xf32>
    %xor3A_961 = arith.constant 1 : i32
    %xor3A_962 = vector.broadcast %xor3A_961 : i32 to vector<16xi32>
    %xor3A_963 = arith.xori %iota3A, %xor3A_962 : vector<16xi32>
    %lt3A_964 = arith.constant 0 : i32
    %lt3A_965 = vector.broadcast %lt3A_964 : i32 to vector<16xi32>
    %lt3A_966 = arith.cmpi slt, %xor3A_963, %lt3A_965 : vector<16xi32>
    %add3A_967 = arith.constant 16 : i32
    %add3A_968 = vector.broadcast %add3A_967 : i32 to vector<16xi32>
    %add3A_969 = arith.addi %xor3A_963, %add3A_968 : vector<16xi32>
    %select_n3A_970 = arith.select %lt3A_966, %add3A_969, %xor3A_963 : vector<16xi1>, vector<16xi32>
    %broadcast_in_dim3A_971 = vector.shape_cast %select_n3A_970 : vector<16xi32> to vector<16x1xi32>
    %gather3A_972 = vector.shape_cast %broadcast_in_dim3A_971 : vector<16x1xi32> to vector<16xi32>
    %gather3A_973 = tpu.dynamic_gather %max3A_960[%gather3A_972] in [0] : vector<16xf32>, vector<16xi32> -> vector<16xf32>
    %max3A_974 = arith.maximumf %max3A_960, %gather3A_973 : vector<16xf32>
    %broadcast_in_dim3A_975 = arith.constant 127 : i32
    %broadcast_in_dim3A_976 = vector.broadcast %broadcast_in_dim3A_975 : i32 to vector<16xi32>
    %eq3A_977 = arith.cmpf oeq, %select_n3A_891, %max3A_974 : vector<16xf32>
    %add3A_978 = arith.constant 0 : i32
    %add3A_979 = vector.broadcast %add3A_978 : i32 to vector<16xi32>
    %add3A_980 = arith.addi %iota3A, %add3A_979 : vector<16xi32>
    %jit3A_981 = arith.constant 127 : i32
    %broadcast_in_dim3A_982 = vector.broadcast %jit3A_981 : i32 to vector<16xi32>
    %select_n3A_983 = arith.select %eq3A_977, %add3A_980, %broadcast_in_dim3A_982 : vector<16xi1>, vector<16xi32>
    %min3A_984 = arith.minsi %broadcast_in_dim3A_976, %select_n3A_983 : vector<16xi32>
    %eq3A_985 = arith.cmpf oeq, %select_n3A_899, %max3A_974 : vector<16xf32>
    %add3A_986 = arith.constant 16 : i32
    %add3A_987 = vector.broadcast %add3A_986 : i32 to vector<16xi32>
    %add3A_988 = arith.addi %iota3A, %add3A_987 : vector<16xi32>
    %jit3A_989 = arith.constant 127 : i32
    %broadcast_in_dim3A_990 = vector.broadcast %jit3A_989 : i32 to vector<16xi32>
    %select_n3A_991 = arith.select %eq3A_985, %add3A_988, %broadcast_in_dim3A_990 : vector<16xi1>, vector<16xi32>
    %min3A_992 = arith.minsi %min3A_984, %select_n3A_991 : vector<16xi32>
    %eq3A_993 = arith.cmpf oeq, %select_n3A_907, %max3A_974 : vector<16xf32>
    %add3A_994 = arith.constant 32 : i32
    %add3A_995 = vector.broadcast %add3A_994 : i32 to vector<16xi32>
    %add3A_996 = arith.addi %iota3A, %add3A_995 : vector<16xi32>
    %jit3A_997 = arith.constant 127 : i32
    %broadcast_in_dim3A_998 = vector.broadcast %jit3A_997 : i32 to vector<16xi32>
    %select_n3A_999 = arith.select %eq3A_993, %add3A_996, %broadcast_in_dim3A_998 : vector<16xi1>, vector<16xi32>
    %min3A_1000 = arith.minsi %min3A_992, %select_n3A_999 : vector<16xi32>
    %eq3A_1001 = arith.cmpf oeq, %select_n3A_915, %max3A_974 : vector<16xf32>
    %add3A_1002 = arith.constant 48 : i32
    %add3A_1003 = vector.broadcast %add3A_1002 : i32 to vector<16xi32>
    %add3A_1004 = arith.addi %iota3A, %add3A_1003 : vector<16xi32>
    %jit3A_1005 = arith.constant 127 : i32
    %broadcast_in_dim3A_1006 = vector.broadcast %jit3A_1005 : i32 to vector<16xi32>
    %select_n3A_1007 = arith.select %eq3A_1001, %add3A_1004, %broadcast_in_dim3A_1006 : vector<16xi1>, vector<16xi32>
    %min3A_1008 = arith.minsi %min3A_1000, %select_n3A_1007 : vector<16xi32>
    %xor3A_1009 = arith.constant 8 : i32
    %xor3A_1010 = vector.broadcast %xor3A_1009 : i32 to vector<16xi32>
    %xor3A_1011 = arith.xori %iota3A, %xor3A_1010 : vector<16xi32>
    %lt3A_1012 = arith.constant 0 : i32
    %lt3A_1013 = vector.broadcast %lt3A_1012 : i32 to vector<16xi32>
    %lt3A_1014 = arith.cmpi slt, %xor3A_1011, %lt3A_1013 : vector<16xi32>
    %add3A_1015 = arith.constant 16 : i32
    %add3A_1016 = vector.broadcast %add3A_1015 : i32 to vector<16xi32>
    %add3A_1017 = arith.addi %xor3A_1011, %add3A_1016 : vector<16xi32>
    %select_n3A_1018 = arith.select %lt3A_1014, %add3A_1017, %xor3A_1011 : vector<16xi1>, vector<16xi32>
    %broadcast_in_dim3A_1019 = vector.shape_cast %select_n3A_1018 : vector<16xi32> to vector<16x1xi32>
    %gather3A_1020 = vector.shape_cast %broadcast_in_dim3A_1019 : vector<16x1xi32> to vector<16xi32>
    %gather3A_1021 = tpu.dynamic_gather %min3A_1008[%gather3A_1020] in [0] : vector<16xi32>, vector<16xi32> -> vector<16xi32>
    %min3A_1022 = arith.minsi %min3A_1008, %gather3A_1021 : vector<16xi32>
    %xor3A_1023 = arith.constant 4 : i32
    %xor3A_1024 = vector.broadcast %xor3A_1023 : i32 to vector<16xi32>
    %xor3A_1025 = arith.xori %iota3A, %xor3A_1024 : vector<16xi32>
    %lt3A_1026 = arith.constant 0 : i32
    %lt3A_1027 = vector.broadcast %lt3A_1026 : i32 to vector<16xi32>
    %lt3A_1028 = arith.cmpi slt, %xor3A_1025, %lt3A_1027 : vector<16xi32>
    %add3A_1029 = arith.constant 16 : i32
    %add3A_1030 = vector.broadcast %add3A_1029 : i32 to vector<16xi32>
    %add3A_1031 = arith.addi %xor3A_1025, %add3A_1030 : vector<16xi32>
    %select_n3A_1032 = arith.select %lt3A_1028, %add3A_1031, %xor3A_1025 : vector<16xi1>, vector<16xi32>
    %broadcast_in_dim3A_1033 = vector.shape_cast %select_n3A_1032 : vector<16xi32> to vector<16x1xi32>
    %gather3A_1034 = vector.shape_cast %broadcast_in_dim3A_1033 : vector<16x1xi32> to vector<16xi32>
    %gather3A_1035 = tpu.dynamic_gather %min3A_1022[%gather3A_1034] in [0] : vector<16xi32>, vector<16xi32> -> vector<16xi32>
    %min3A_1036 = arith.minsi %min3A_1022, %gather3A_1035 : vector<16xi32>
    %xor3A_1037 = arith.constant 2 : i32
    %xor3A_1038 = vector.broadcast %xor3A_1037 : i32 to vector<16xi32>
    %xor3A_1039 = arith.xori %iota3A, %xor3A_1038 : vector<16xi32>
    %lt3A_1040 = arith.constant 0 : i32
    %lt3A_1041 = vector.broadcast %lt3A_1040 : i32 to vector<16xi32>
    %lt3A_1042 = arith.cmpi slt, %xor3A_1039, %lt3A_1041 : vector<16xi32>
    %add3A_1043 = arith.constant 16 : i32
    %add3A_1044 = vector.broadcast %add3A_1043 : i32 to vector<16xi32>
    %add3A_1045 = arith.addi %xor3A_1039, %add3A_1044 : vector<16xi32>
    %select_n3A_1046 = arith.select %lt3A_1042, %add3A_1045, %xor3A_1039 : vector<16xi1>, vector<16xi32>
    %broadcast_in_dim3A_1047 = vector.shape_cast %select_n3A_1046 : vector<16xi32> to vector<16x1xi32>
    %gather3A_1048 = vector.shape_cast %broadcast_in_dim3A_1047 : vector<16x1xi32> to vector<16xi32>
    %gather3A_1049 = tpu.dynamic_gather %min3A_1036[%gather3A_1048] in [0] : vector<16xi32>, vector<16xi32> -> vector<16xi32>
    %min3A_1050 = arith.minsi %min3A_1036, %gather3A_1049 : vector<16xi32>
    %xor3A_1051 = arith.constant 1 : i32
    %xor3A_1052 = vector.broadcast %xor3A_1051 : i32 to vector<16xi32>
    %xor3A_1053 = arith.xori %iota3A, %xor3A_1052 : vector<16xi32>
    %lt3A_1054 = arith.constant 0 : i32
    %lt3A_1055 = vector.broadcast %lt3A_1054 : i32 to vector<16xi32>
    %lt3A_1056 = arith.cmpi slt, %xor3A_1053, %lt3A_1055 : vector<16xi32>
    %add3A_1057 = arith.constant 16 : i32
    %add3A_1058 = vector.broadcast %add3A_1057 : i32 to vector<16xi32>
    %add3A_1059 = arith.addi %xor3A_1053, %add3A_1058 : vector<16xi32>
    %select_n3A_1060 = arith.select %lt3A_1056, %add3A_1059, %xor3A_1053 : vector<16xi1>, vector<16xi32>
    %broadcast_in_dim3A_1061 = vector.shape_cast %select_n3A_1060 : vector<16xi32> to vector<16x1xi32>
    %gather3A_1062 = vector.shape_cast %broadcast_in_dim3A_1061 : vector<16x1xi32> to vector<16xi32>
    %gather3A_1063 = tpu.dynamic_gather %min3A_1050[%gather3A_1062] in [0] : vector<16xi32>, vector<16xi32> -> vector<16xi32>
    %min3A_1064 = arith.minsi %min3A_1050, %gather3A_1063 : vector<16xi32>
    %add3A_1065 = arith.constant 0 : i32
    %add3A_1066 = vector.broadcast %add3A_1065 : i32 to vector<16xi32>
    %add3A_1067 = arith.addi %iota3A, %add3A_1066 : vector<16xi32>
    %eq3A_1068 = arith.cmpi eq, %add3A_1067, %min3A_1064 : vector<16xi32>
    %or3A_1069 = arith.ori %or3A_888, %eq3A_1068 : vector<16xi1>
    %jit3A_1070 = arith.constant -1.000000e+30 : f32
    %broadcast_in_dim3A_1071 = vector.broadcast %jit3A_1070 : f32 to vector<16xf32>
    %select_n3A_1072 = arith.select %eq3A_1068, %broadcast_in_dim3A_1071, %select_n3A_891 : vector<16xi1>, vector<16xf32>
    %add3A_1073 = arith.constant 16 : i32
    %add3A_1074 = vector.broadcast %add3A_1073 : i32 to vector<16xi32>
    %add3A_1075 = arith.addi %iota3A, %add3A_1074 : vector<16xi32>
    %eq3A_1076 = arith.cmpi eq, %add3A_1075, %min3A_1064 : vector<16xi32>
    %or3A_1077 = arith.ori %or3A_896, %eq3A_1076 : vector<16xi1>
    %jit3A_1078 = arith.constant -1.000000e+30 : f32
    %broadcast_in_dim3A_1079 = vector.broadcast %jit3A_1078 : f32 to vector<16xf32>
    %select_n3A_1080 = arith.select %eq3A_1076, %broadcast_in_dim3A_1079, %select_n3A_899 : vector<16xi1>, vector<16xf32>
    %add3A_1081 = arith.constant 32 : i32
    %add3A_1082 = vector.broadcast %add3A_1081 : i32 to vector<16xi32>
    %add3A_1083 = arith.addi %iota3A, %add3A_1082 : vector<16xi32>
    %eq3A_1084 = arith.cmpi eq, %add3A_1083, %min3A_1064 : vector<16xi32>
    %or3A_1085 = arith.ori %or3A_904, %eq3A_1084 : vector<16xi1>
    %jit3A_1086 = arith.constant -1.000000e+30 : f32
    %broadcast_in_dim3A_1087 = vector.broadcast %jit3A_1086 : f32 to vector<16xf32>
    %select_n3A_1088 = arith.select %eq3A_1084, %broadcast_in_dim3A_1087, %select_n3A_907 : vector<16xi1>, vector<16xf32>
    %add3A_1089 = arith.constant 48 : i32
    %add3A_1090 = vector.broadcast %add3A_1089 : i32 to vector<16xi32>
    %add3A_1091 = arith.addi %iota3A, %add3A_1090 : vector<16xi32>
    %eq3A_1092 = arith.cmpi eq, %add3A_1091, %min3A_1064 : vector<16xi32>
    %or3A_1093 = arith.ori %or3A_912, %eq3A_1092 : vector<16xi1>
    %jit3A_1094 = arith.constant -1.000000e+30 : f32
    %broadcast_in_dim3A_1095 = vector.broadcast %jit3A_1094 : f32 to vector<16xf32>
    %select_n3A_1096 = arith.select %eq3A_1092, %broadcast_in_dim3A_1095, %select_n3A_915 : vector<16xi1>, vector<16xf32>
    %max3A_1097 = arith.maximumf %select_n3A_1072, %select_n3A_1080 : vector<16xf32>
    %max3A_1098 = arith.maximumf %select_n3A_1088, %select_n3A_1096 : vector<16xf32>
    %max3A_1099 = arith.maximumf %max3A_1097, %max3A_1098 : vector<16xf32>
    %xor3A_1100 = arith.constant 8 : i32
    %xor3A_1101 = vector.broadcast %xor3A_1100 : i32 to vector<16xi32>
    %xor3A_1102 = arith.xori %iota3A, %xor3A_1101 : vector<16xi32>
    %lt3A_1103 = arith.constant 0 : i32
    %lt3A_1104 = vector.broadcast %lt3A_1103 : i32 to vector<16xi32>
    %lt3A_1105 = arith.cmpi slt, %xor3A_1102, %lt3A_1104 : vector<16xi32>
    %add3A_1106 = arith.constant 16 : i32
    %add3A_1107 = vector.broadcast %add3A_1106 : i32 to vector<16xi32>
    %add3A_1108 = arith.addi %xor3A_1102, %add3A_1107 : vector<16xi32>
    %select_n3A_1109 = arith.select %lt3A_1105, %add3A_1108, %xor3A_1102 : vector<16xi1>, vector<16xi32>
    %broadcast_in_dim3A_1110 = vector.shape_cast %select_n3A_1109 : vector<16xi32> to vector<16x1xi32>
    %gather3A_1111 = vector.shape_cast %broadcast_in_dim3A_1110 : vector<16x1xi32> to vector<16xi32>
    %gather3A_1112 = tpu.dynamic_gather %max3A_1099[%gather3A_1111] in [0] : vector<16xf32>, vector<16xi32> -> vector<16xf32>
    %max3A_1113 = arith.maximumf %max3A_1099, %gather3A_1112 : vector<16xf32>
    %xor3A_1114 = arith.constant 4 : i32
    %xor3A_1115 = vector.broadcast %xor3A_1114 : i32 to vector<16xi32>
    %xor3A_1116 = arith.xori %iota3A, %xor3A_1115 : vector<16xi32>
    %lt3A_1117 = arith.constant 0 : i32
    %lt3A_1118 = vector.broadcast %lt3A_1117 : i32 to vector<16xi32>
    %lt3A_1119 = arith.cmpi slt, %xor3A_1116, %lt3A_1118 : vector<16xi32>
    %add3A_1120 = arith.constant 16 : i32
    %add3A_1121 = vector.broadcast %add3A_1120 : i32 to vector<16xi32>
    %add3A_1122 = arith.addi %xor3A_1116, %add3A_1121 : vector<16xi32>
    %select_n3A_1123 = arith.select %lt3A_1119, %add3A_1122, %xor3A_1116 : vector<16xi1>, vector<16xi32>
    %broadcast_in_dim3A_1124 = vector.shape_cast %select_n3A_1123 : vector<16xi32> to vector<16x1xi32>
    %gather3A_1125 = vector.shape_cast %broadcast_in_dim3A_1124 : vector<16x1xi32> to vector<16xi32>
    %gather3A_1126 = tpu.dynamic_gather %max3A_1113[%gather3A_1125] in [0] : vector<16xf32>, vector<16xi32> -> vector<16xf32>
    %max3A_1127 = arith.maximumf %max3A_1113, %gather3A_1126 : vector<16xf32>
    %xor3A_1128 = arith.constant 2 : i32
    %xor3A_1129 = vector.broadcast %xor3A_1128 : i32 to vector<16xi32>
    %xor3A_1130 = arith.xori %iota3A, %xor3A_1129 : vector<16xi32>
    %lt3A_1131 = arith.constant 0 : i32
    %lt3A_1132 = vector.broadcast %lt3A_1131 : i32 to vector<16xi32>
    %lt3A_1133 = arith.cmpi slt, %xor3A_1130, %lt3A_1132 : vector<16xi32>
    %add3A_1134 = arith.constant 16 : i32
    %add3A_1135 = vector.broadcast %add3A_1134 : i32 to vector<16xi32>
    %add3A_1136 = arith.addi %xor3A_1130, %add3A_1135 : vector<16xi32>
    %select_n3A_1137 = arith.select %lt3A_1133, %add3A_1136, %xor3A_1130 : vector<16xi1>, vector<16xi32>
    %broadcast_in_dim3A_1138 = vector.shape_cast %select_n3A_1137 : vector<16xi32> to vector<16x1xi32>
    %gather3A_1139 = vector.shape_cast %broadcast_in_dim3A_1138 : vector<16x1xi32> to vector<16xi32>
    %gather3A_1140 = tpu.dynamic_gather %max3A_1127[%gather3A_1139] in [0] : vector<16xf32>, vector<16xi32> -> vector<16xf32>
    %max3A_1141 = arith.maximumf %max3A_1127, %gather3A_1140 : vector<16xf32>
    %xor3A_1142 = arith.constant 1 : i32
    %xor3A_1143 = vector.broadcast %xor3A_1142 : i32 to vector<16xi32>
    %xor3A_1144 = arith.xori %iota3A, %xor3A_1143 : vector<16xi32>
    %lt3A_1145 = arith.constant 0 : i32
    %lt3A_1146 = vector.broadcast %lt3A_1145 : i32 to vector<16xi32>
    %lt3A_1147 = arith.cmpi slt, %xor3A_1144, %lt3A_1146 : vector<16xi32>
    %add3A_1148 = arith.constant 16 : i32
    %add3A_1149 = vector.broadcast %add3A_1148 : i32 to vector<16xi32>
    %add3A_1150 = arith.addi %xor3A_1144, %add3A_1149 : vector<16xi32>
    %select_n3A_1151 = arith.select %lt3A_1147, %add3A_1150, %xor3A_1144 : vector<16xi1>, vector<16xi32>
    %broadcast_in_dim3A_1152 = vector.shape_cast %select_n3A_1151 : vector<16xi32> to vector<16x1xi32>
    %gather3A_1153 = vector.shape_cast %broadcast_in_dim3A_1152 : vector<16x1xi32> to vector<16xi32>
    %gather3A_1154 = tpu.dynamic_gather %max3A_1141[%gather3A_1153] in [0] : vector<16xf32>, vector<16xi32> -> vector<16xf32>
    %max3A_1155 = arith.maximumf %max3A_1141, %gather3A_1154 : vector<16xf32>
    %broadcast_in_dim3A_1156 = arith.constant 127 : i32
    %broadcast_in_dim3A_1157 = vector.broadcast %broadcast_in_dim3A_1156 : i32 to vector<16xi32>
    %eq3A_1158 = arith.cmpf oeq, %select_n3A_1072, %max3A_1155 : vector<16xf32>
    %add3A_1159 = arith.constant 0 : i32
    %add3A_1160 = vector.broadcast %add3A_1159 : i32 to vector<16xi32>
    %add3A_1161 = arith.addi %iota3A, %add3A_1160 : vector<16xi32>
    %jit3A_1162 = arith.constant 127 : i32
    %broadcast_in_dim3A_1163 = vector.broadcast %jit3A_1162 : i32 to vector<16xi32>
    %select_n3A_1164 = arith.select %eq3A_1158, %add3A_1161, %broadcast_in_dim3A_1163 : vector<16xi1>, vector<16xi32>
    %min3A_1165 = arith.minsi %broadcast_in_dim3A_1157, %select_n3A_1164 : vector<16xi32>
    %eq3A_1166 = arith.cmpf oeq, %select_n3A_1080, %max3A_1155 : vector<16xf32>
    %add3A_1167 = arith.constant 16 : i32
    %add3A_1168 = vector.broadcast %add3A_1167 : i32 to vector<16xi32>
    %add3A_1169 = arith.addi %iota3A, %add3A_1168 : vector<16xi32>
    %jit3A_1170 = arith.constant 127 : i32
    %broadcast_in_dim3A_1171 = vector.broadcast %jit3A_1170 : i32 to vector<16xi32>
    %select_n3A_1172 = arith.select %eq3A_1166, %add3A_1169, %broadcast_in_dim3A_1171 : vector<16xi1>, vector<16xi32>
    %min3A_1173 = arith.minsi %min3A_1165, %select_n3A_1172 : vector<16xi32>
    %eq3A_1174 = arith.cmpf oeq, %select_n3A_1088, %max3A_1155 : vector<16xf32>
    %add3A_1175 = arith.constant 32 : i32
    %add3A_1176 = vector.broadcast %add3A_1175 : i32 to vector<16xi32>
    %add3A_1177 = arith.addi %iota3A, %add3A_1176 : vector<16xi32>
    %jit3A_1178 = arith.constant 127 : i32
    %broadcast_in_dim3A_1179 = vector.broadcast %jit3A_1178 : i32 to vector<16xi32>
    %select_n3A_1180 = arith.select %eq3A_1174, %add3A_1177, %broadcast_in_dim3A_1179 : vector<16xi1>, vector<16xi32>
    %min3A_1181 = arith.minsi %min3A_1173, %select_n3A_1180 : vector<16xi32>
    %eq3A_1182 = arith.cmpf oeq, %select_n3A_1096, %max3A_1155 : vector<16xf32>
    %add3A_1183 = arith.constant 48 : i32
    %add3A_1184 = vector.broadcast %add3A_1183 : i32 to vector<16xi32>
    %add3A_1185 = arith.addi %iota3A, %add3A_1184 : vector<16xi32>
    %jit3A_1186 = arith.constant 127 : i32
    %broadcast_in_dim3A_1187 = vector.broadcast %jit3A_1186 : i32 to vector<16xi32>
    %select_n3A_1188 = arith.select %eq3A_1182, %add3A_1185, %broadcast_in_dim3A_1187 : vector<16xi1>, vector<16xi32>
    %min3A_1189 = arith.minsi %min3A_1181, %select_n3A_1188 : vector<16xi32>
    %xor3A_1190 = arith.constant 8 : i32
    %xor3A_1191 = vector.broadcast %xor3A_1190 : i32 to vector<16xi32>
    %xor3A_1192 = arith.xori %iota3A, %xor3A_1191 : vector<16xi32>
    %lt3A_1193 = arith.constant 0 : i32
    %lt3A_1194 = vector.broadcast %lt3A_1193 : i32 to vector<16xi32>
    %lt3A_1195 = arith.cmpi slt, %xor3A_1192, %lt3A_1194 : vector<16xi32>
    %add3A_1196 = arith.constant 16 : i32
    %add3A_1197 = vector.broadcast %add3A_1196 : i32 to vector<16xi32>
    %add3A_1198 = arith.addi %xor3A_1192, %add3A_1197 : vector<16xi32>
    %select_n3A_1199 = arith.select %lt3A_1195, %add3A_1198, %xor3A_1192 : vector<16xi1>, vector<16xi32>
    %broadcast_in_dim3A_1200 = vector.shape_cast %select_n3A_1199 : vector<16xi32> to vector<16x1xi32>
    %gather3A_1201 = vector.shape_cast %broadcast_in_dim3A_1200 : vector<16x1xi32> to vector<16xi32>
    %gather3A_1202 = tpu.dynamic_gather %min3A_1189[%gather3A_1201] in [0] : vector<16xi32>, vector<16xi32> -> vector<16xi32>
    %min3A_1203 = arith.minsi %min3A_1189, %gather3A_1202 : vector<16xi32>
    %xor3A_1204 = arith.constant 4 : i32
    %xor3A_1205 = vector.broadcast %xor3A_1204 : i32 to vector<16xi32>
    %xor3A_1206 = arith.xori %iota3A, %xor3A_1205 : vector<16xi32>
    %lt3A_1207 = arith.constant 0 : i32
    %lt3A_1208 = vector.broadcast %lt3A_1207 : i32 to vector<16xi32>
    %lt3A_1209 = arith.cmpi slt, %xor3A_1206, %lt3A_1208 : vector<16xi32>
    %add3A_1210 = arith.constant 16 : i32
    %add3A_1211 = vector.broadcast %add3A_1210 : i32 to vector<16xi32>
    %add3A_1212 = arith.addi %xor3A_1206, %add3A_1211 : vector<16xi32>
    %select_n3A_1213 = arith.select %lt3A_1209, %add3A_1212, %xor3A_1206 : vector<16xi1>, vector<16xi32>
    %broadcast_in_dim3A_1214 = vector.shape_cast %select_n3A_1213 : vector<16xi32> to vector<16x1xi32>
    %gather3A_1215 = vector.shape_cast %broadcast_in_dim3A_1214 : vector<16x1xi32> to vector<16xi32>
    %gather3A_1216 = tpu.dynamic_gather %min3A_1203[%gather3A_1215] in [0] : vector<16xi32>, vector<16xi32> -> vector<16xi32>
    %min3A_1217 = arith.minsi %min3A_1203, %gather3A_1216 : vector<16xi32>
    %xor3A_1218 = arith.constant 2 : i32
    %xor3A_1219 = vector.broadcast %xor3A_1218 : i32 to vector<16xi32>
    %xor3A_1220 = arith.xori %iota3A, %xor3A_1219 : vector<16xi32>
    %lt3A_1221 = arith.constant 0 : i32
    %lt3A_1222 = vector.broadcast %lt3A_1221 : i32 to vector<16xi32>
    %lt3A_1223 = arith.cmpi slt, %xor3A_1220, %lt3A_1222 : vector<16xi32>
    %add3A_1224 = arith.constant 16 : i32
    %add3A_1225 = vector.broadcast %add3A_1224 : i32 to vector<16xi32>
    %add3A_1226 = arith.addi %xor3A_1220, %add3A_1225 : vector<16xi32>
    %select_n3A_1227 = arith.select %lt3A_1223, %add3A_1226, %xor3A_1220 : vector<16xi1>, vector<16xi32>
    %broadcast_in_dim3A_1228 = vector.shape_cast %select_n3A_1227 : vector<16xi32> to vector<16x1xi32>
    %gather3A_1229 = vector.shape_cast %broadcast_in_dim3A_1228 : vector<16x1xi32> to vector<16xi32>
    %gather3A_1230 = tpu.dynamic_gather %min3A_1217[%gather3A_1229] in [0] : vector<16xi32>, vector<16xi32> -> vector<16xi32>
    %min3A_1231 = arith.minsi %min3A_1217, %gather3A_1230 : vector<16xi32>
    %xor3A_1232 = arith.constant 1 : i32
    %xor3A_1233 = vector.broadcast %xor3A_1232 : i32 to vector<16xi32>
    %xor3A_1234 = arith.xori %iota3A, %xor3A_1233 : vector<16xi32>
    %lt3A_1235 = arith.constant 0 : i32
    %lt3A_1236 = vector.broadcast %lt3A_1235 : i32 to vector<16xi32>
    %lt3A_1237 = arith.cmpi slt, %xor3A_1234, %lt3A_1236 : vector<16xi32>
    %add3A_1238 = arith.constant 16 : i32
    %add3A_1239 = vector.broadcast %add3A_1238 : i32 to vector<16xi32>
    %add3A_1240 = arith.addi %xor3A_1234, %add3A_1239 : vector<16xi32>
    %select_n3A_1241 = arith.select %lt3A_1237, %add3A_1240, %xor3A_1234 : vector<16xi1>, vector<16xi32>
    %broadcast_in_dim3A_1242 = vector.shape_cast %select_n3A_1241 : vector<16xi32> to vector<16x1xi32>
    %gather3A_1243 = vector.shape_cast %broadcast_in_dim3A_1242 : vector<16x1xi32> to vector<16xi32>
    %gather3A_1244 = tpu.dynamic_gather %min3A_1231[%gather3A_1243] in [0] : vector<16xi32>, vector<16xi32> -> vector<16xi32>
    %min3A_1245 = arith.minsi %min3A_1231, %gather3A_1244 : vector<16xi32>
    %add3A_1246 = arith.constant 0 : i32
    %add3A_1247 = vector.broadcast %add3A_1246 : i32 to vector<16xi32>
    %add3A_1248 = arith.addi %iota3A, %add3A_1247 : vector<16xi32>
    %eq3A_1249 = arith.cmpi eq, %add3A_1248, %min3A_1245 : vector<16xi32>
    %or3A_1250 = arith.ori %or3A_1069, %eq3A_1249 : vector<16xi1>
    %jit3A_1251 = arith.constant -1.000000e+30 : f32
    %broadcast_in_dim3A_1252 = vector.broadcast %jit3A_1251 : f32 to vector<16xf32>
    %select_n3A_1253 = arith.select %eq3A_1249, %broadcast_in_dim3A_1252, %select_n3A_1072 : vector<16xi1>, vector<16xf32>
    %add3A_1254 = arith.constant 16 : i32
    %add3A_1255 = vector.broadcast %add3A_1254 : i32 to vector<16xi32>
    %add3A_1256 = arith.addi %iota3A, %add3A_1255 : vector<16xi32>
    %eq3A_1257 = arith.cmpi eq, %add3A_1256, %min3A_1245 : vector<16xi32>
    %or3A_1258 = arith.ori %or3A_1077, %eq3A_1257 : vector<16xi1>
    %jit3A_1259 = arith.constant -1.000000e+30 : f32
    %broadcast_in_dim3A_1260 = vector.broadcast %jit3A_1259 : f32 to vector<16xf32>
    %select_n3A_1261 = arith.select %eq3A_1257, %broadcast_in_dim3A_1260, %select_n3A_1080 : vector<16xi1>, vector<16xf32>
    %add3A_1262 = arith.constant 32 : i32
    %add3A_1263 = vector.broadcast %add3A_1262 : i32 to vector<16xi32>
    %add3A_1264 = arith.addi %iota3A, %add3A_1263 : vector<16xi32>
    %eq3A_1265 = arith.cmpi eq, %add3A_1264, %min3A_1245 : vector<16xi32>
    %or3A_1266 = arith.ori %or3A_1085, %eq3A_1265 : vector<16xi1>
    %jit3A_1267 = arith.constant -1.000000e+30 : f32
    %broadcast_in_dim3A_1268 = vector.broadcast %jit3A_1267 : f32 to vector<16xf32>
    %select_n3A_1269 = arith.select %eq3A_1265, %broadcast_in_dim3A_1268, %select_n3A_1088 : vector<16xi1>, vector<16xf32>
    %add3A_1270 = arith.constant 48 : i32
    %add3A_1271 = vector.broadcast %add3A_1270 : i32 to vector<16xi32>
    %add3A_1272 = arith.addi %iota3A, %add3A_1271 : vector<16xi32>
    %eq3A_1273 = arith.cmpi eq, %add3A_1272, %min3A_1245 : vector<16xi32>
    %or3A_1274 = arith.ori %or3A_1093, %eq3A_1273 : vector<16xi1>
    %jit3A_1275 = arith.constant -1.000000e+30 : f32
    %broadcast_in_dim3A_1276 = vector.broadcast %jit3A_1275 : f32 to vector<16xf32>
    %select_n3A_1277 = arith.select %eq3A_1273, %broadcast_in_dim3A_1276, %select_n3A_1096 : vector<16xi1>, vector<16xf32>
    %max3A_1278 = arith.maximumf %select_n3A_1253, %select_n3A_1261 : vector<16xf32>
    %max3A_1279 = arith.maximumf %select_n3A_1269, %select_n3A_1277 : vector<16xf32>
    %max3A_1280 = arith.maximumf %max3A_1278, %max3A_1279 : vector<16xf32>
    %xor3A_1281 = arith.constant 8 : i32
    %xor3A_1282 = vector.broadcast %xor3A_1281 : i32 to vector<16xi32>
    %xor3A_1283 = arith.xori %iota3A, %xor3A_1282 : vector<16xi32>
    %lt3A_1284 = arith.constant 0 : i32
    %lt3A_1285 = vector.broadcast %lt3A_1284 : i32 to vector<16xi32>
    %lt3A_1286 = arith.cmpi slt, %xor3A_1283, %lt3A_1285 : vector<16xi32>
    %add3A_1287 = arith.constant 16 : i32
    %add3A_1288 = vector.broadcast %add3A_1287 : i32 to vector<16xi32>
    %add3A_1289 = arith.addi %xor3A_1283, %add3A_1288 : vector<16xi32>
    %select_n3A_1290 = arith.select %lt3A_1286, %add3A_1289, %xor3A_1283 : vector<16xi1>, vector<16xi32>
    %broadcast_in_dim3A_1291 = vector.shape_cast %select_n3A_1290 : vector<16xi32> to vector<16x1xi32>
    %gather3A_1292 = vector.shape_cast %broadcast_in_dim3A_1291 : vector<16x1xi32> to vector<16xi32>
    %gather3A_1293 = tpu.dynamic_gather %max3A_1280[%gather3A_1292] in [0] : vector<16xf32>, vector<16xi32> -> vector<16xf32>
    %max3A_1294 = arith.maximumf %max3A_1280, %gather3A_1293 : vector<16xf32>
    %xor3A_1295 = arith.constant 4 : i32
    %xor3A_1296 = vector.broadcast %xor3A_1295 : i32 to vector<16xi32>
    %xor3A_1297 = arith.xori %iota3A, %xor3A_1296 : vector<16xi32>
    %lt3A_1298 = arith.constant 0 : i32
    %lt3A_1299 = vector.broadcast %lt3A_1298 : i32 to vector<16xi32>
    %lt3A_1300 = arith.cmpi slt, %xor3A_1297, %lt3A_1299 : vector<16xi32>
    %add3A_1301 = arith.constant 16 : i32
    %add3A_1302 = vector.broadcast %add3A_1301 : i32 to vector<16xi32>
    %add3A_1303 = arith.addi %xor3A_1297, %add3A_1302 : vector<16xi32>
    %select_n3A_1304 = arith.select %lt3A_1300, %add3A_1303, %xor3A_1297 : vector<16xi1>, vector<16xi32>
    %broadcast_in_dim3A_1305 = vector.shape_cast %select_n3A_1304 : vector<16xi32> to vector<16x1xi32>
    %gather3A_1306 = vector.shape_cast %broadcast_in_dim3A_1305 : vector<16x1xi32> to vector<16xi32>
    %gather3A_1307 = tpu.dynamic_gather %max3A_1294[%gather3A_1306] in [0] : vector<16xf32>, vector<16xi32> -> vector<16xf32>
    %max3A_1308 = arith.maximumf %max3A_1294, %gather3A_1307 : vector<16xf32>
    %xor3A_1309 = arith.constant 2 : i32
    %xor3A_1310 = vector.broadcast %xor3A_1309 : i32 to vector<16xi32>
    %xor3A_1311 = arith.xori %iota3A, %xor3A_1310 : vector<16xi32>
    %lt3A_1312 = arith.constant 0 : i32
    %lt3A_1313 = vector.broadcast %lt3A_1312 : i32 to vector<16xi32>
    %lt3A_1314 = arith.cmpi slt, %xor3A_1311, %lt3A_1313 : vector<16xi32>
    %add3A_1315 = arith.constant 16 : i32
    %add3A_1316 = vector.broadcast %add3A_1315 : i32 to vector<16xi32>
    %add3A_1317 = arith.addi %xor3A_1311, %add3A_1316 : vector<16xi32>
    %select_n3A_1318 = arith.select %lt3A_1314, %add3A_1317, %xor3A_1311 : vector<16xi1>, vector<16xi32>
    %broadcast_in_dim3A_1319 = vector.shape_cast %select_n3A_1318 : vector<16xi32> to vector<16x1xi32>
    %gather3A_1320 = vector.shape_cast %broadcast_in_dim3A_1319 : vector<16x1xi32> to vector<16xi32>
    %gather3A_1321 = tpu.dynamic_gather %max3A_1308[%gather3A_1320] in [0] : vector<16xf32>, vector<16xi32> -> vector<16xf32>
    %max3A_1322 = arith.maximumf %max3A_1308, %gather3A_1321 : vector<16xf32>
    %xor3A_1323 = arith.constant 1 : i32
    %xor3A_1324 = vector.broadcast %xor3A_1323 : i32 to vector<16xi32>
    %xor3A_1325 = arith.xori %iota3A, %xor3A_1324 : vector<16xi32>
    %lt3A_1326 = arith.constant 0 : i32
    %lt3A_1327 = vector.broadcast %lt3A_1326 : i32 to vector<16xi32>
    %lt3A_1328 = arith.cmpi slt, %xor3A_1325, %lt3A_1327 : vector<16xi32>
    %add3A_1329 = arith.constant 16 : i32
    %add3A_1330 = vector.broadcast %add3A_1329 : i32 to vector<16xi32>
    %add3A_1331 = arith.addi %xor3A_1325, %add3A_1330 : vector<16xi32>
    %select_n3A_1332 = arith.select %lt3A_1328, %add3A_1331, %xor3A_1325 : vector<16xi1>, vector<16xi32>
    %broadcast_in_dim3A_1333 = vector.shape_cast %select_n3A_1332 : vector<16xi32> to vector<16x1xi32>
    %gather3A_1334 = vector.shape_cast %broadcast_in_dim3A_1333 : vector<16x1xi32> to vector<16xi32>
    %gather3A_1335 = tpu.dynamic_gather %max3A_1322[%gather3A_1334] in [0] : vector<16xf32>, vector<16xi32> -> vector<16xf32>
    %max3A_1336 = arith.maximumf %max3A_1322, %gather3A_1335 : vector<16xf32>
    %broadcast_in_dim3A_1337 = arith.constant 127 : i32
    %broadcast_in_dim3A_1338 = vector.broadcast %broadcast_in_dim3A_1337 : i32 to vector<16xi32>
    %eq3A_1339 = arith.cmpf oeq, %select_n3A_1253, %max3A_1336 : vector<16xf32>
    %add3A_1340 = arith.constant 0 : i32
    %add3A_1341 = vector.broadcast %add3A_1340 : i32 to vector<16xi32>
    %add3A_1342 = arith.addi %iota3A, %add3A_1341 : vector<16xi32>
    %jit3A_1343 = arith.constant 127 : i32
    %broadcast_in_dim3A_1344 = vector.broadcast %jit3A_1343 : i32 to vector<16xi32>
    %select_n3A_1345 = arith.select %eq3A_1339, %add3A_1342, %broadcast_in_dim3A_1344 : vector<16xi1>, vector<16xi32>
    %min3A_1346 = arith.minsi %broadcast_in_dim3A_1338, %select_n3A_1345 : vector<16xi32>
    %eq3A_1347 = arith.cmpf oeq, %select_n3A_1261, %max3A_1336 : vector<16xf32>
    %add3A_1348 = arith.constant 16 : i32
    %add3A_1349 = vector.broadcast %add3A_1348 : i32 to vector<16xi32>
    %add3A_1350 = arith.addi %iota3A, %add3A_1349 : vector<16xi32>
    %jit3A_1351 = arith.constant 127 : i32
    %broadcast_in_dim3A_1352 = vector.broadcast %jit3A_1351 : i32 to vector<16xi32>
    %select_n3A_1353 = arith.select %eq3A_1347, %add3A_1350, %broadcast_in_dim3A_1352 : vector<16xi1>, vector<16xi32>
    %min3A_1354 = arith.minsi %min3A_1346, %select_n3A_1353 : vector<16xi32>
    %eq3A_1355 = arith.cmpf oeq, %select_n3A_1269, %max3A_1336 : vector<16xf32>
    %add3A_1356 = arith.constant 32 : i32
    %add3A_1357 = vector.broadcast %add3A_1356 : i32 to vector<16xi32>
    %add3A_1358 = arith.addi %iota3A, %add3A_1357 : vector<16xi32>
    %jit3A_1359 = arith.constant 127 : i32
    %broadcast_in_dim3A_1360 = vector.broadcast %jit3A_1359 : i32 to vector<16xi32>
    %select_n3A_1361 = arith.select %eq3A_1355, %add3A_1358, %broadcast_in_dim3A_1360 : vector<16xi1>, vector<16xi32>
    %min3A_1362 = arith.minsi %min3A_1354, %select_n3A_1361 : vector<16xi32>
    %eq3A_1363 = arith.cmpf oeq, %select_n3A_1277, %max3A_1336 : vector<16xf32>
    %add3A_1364 = arith.constant 48 : i32
    %add3A_1365 = vector.broadcast %add3A_1364 : i32 to vector<16xi32>
    %add3A_1366 = arith.addi %iota3A, %add3A_1365 : vector<16xi32>
    %jit3A_1367 = arith.constant 127 : i32
    %broadcast_in_dim3A_1368 = vector.broadcast %jit3A_1367 : i32 to vector<16xi32>
    %select_n3A_1369 = arith.select %eq3A_1363, %add3A_1366, %broadcast_in_dim3A_1368 : vector<16xi1>, vector<16xi32>
    %min3A_1370 = arith.minsi %min3A_1362, %select_n3A_1369 : vector<16xi32>
    %xor3A_1371 = arith.constant 8 : i32
    %xor3A_1372 = vector.broadcast %xor3A_1371 : i32 to vector<16xi32>
    %xor3A_1373 = arith.xori %iota3A, %xor3A_1372 : vector<16xi32>
    %lt3A_1374 = arith.constant 0 : i32
    %lt3A_1375 = vector.broadcast %lt3A_1374 : i32 to vector<16xi32>
    %lt3A_1376 = arith.cmpi slt, %xor3A_1373, %lt3A_1375 : vector<16xi32>
    %add3A_1377 = arith.constant 16 : i32
    %add3A_1378 = vector.broadcast %add3A_1377 : i32 to vector<16xi32>
    %add3A_1379 = arith.addi %xor3A_1373, %add3A_1378 : vector<16xi32>
    %select_n3A_1380 = arith.select %lt3A_1376, %add3A_1379, %xor3A_1373 : vector<16xi1>, vector<16xi32>
    %broadcast_in_dim3A_1381 = vector.shape_cast %select_n3A_1380 : vector<16xi32> to vector<16x1xi32>
    %gather3A_1382 = vector.shape_cast %broadcast_in_dim3A_1381 : vector<16x1xi32> to vector<16xi32>
    %gather3A_1383 = tpu.dynamic_gather %min3A_1370[%gather3A_1382] in [0] : vector<16xi32>, vector<16xi32> -> vector<16xi32>
    %min3A_1384 = arith.minsi %min3A_1370, %gather3A_1383 : vector<16xi32>
    %xor3A_1385 = arith.constant 4 : i32
    %xor3A_1386 = vector.broadcast %xor3A_1385 : i32 to vector<16xi32>
    %xor3A_1387 = arith.xori %iota3A, %xor3A_1386 : vector<16xi32>
    %lt3A_1388 = arith.constant 0 : i32
    %lt3A_1389 = vector.broadcast %lt3A_1388 : i32 to vector<16xi32>
    %lt3A_1390 = arith.cmpi slt, %xor3A_1387, %lt3A_1389 : vector<16xi32>
    %add3A_1391 = arith.constant 16 : i32
    %add3A_1392 = vector.broadcast %add3A_1391 : i32 to vector<16xi32>
    %add3A_1393 = arith.addi %xor3A_1387, %add3A_1392 : vector<16xi32>
    %select_n3A_1394 = arith.select %lt3A_1390, %add3A_1393, %xor3A_1387 : vector<16xi1>, vector<16xi32>
    %broadcast_in_dim3A_1395 = vector.shape_cast %select_n3A_1394 : vector<16xi32> to vector<16x1xi32>
    %gather3A_1396 = vector.shape_cast %broadcast_in_dim3A_1395 : vector<16x1xi32> to vector<16xi32>
    %gather3A_1397 = tpu.dynamic_gather %min3A_1384[%gather3A_1396] in [0] : vector<16xi32>, vector<16xi32> -> vector<16xi32>
    %min3A_1398 = arith.minsi %min3A_1384, %gather3A_1397 : vector<16xi32>
    %xor3A_1399 = arith.constant 2 : i32
    %xor3A_1400 = vector.broadcast %xor3A_1399 : i32 to vector<16xi32>
    %xor3A_1401 = arith.xori %iota3A, %xor3A_1400 : vector<16xi32>
    %lt3A_1402 = arith.constant 0 : i32
    %lt3A_1403 = vector.broadcast %lt3A_1402 : i32 to vector<16xi32>
    %lt3A_1404 = arith.cmpi slt, %xor3A_1401, %lt3A_1403 : vector<16xi32>
    %add3A_1405 = arith.constant 16 : i32
    %add3A_1406 = vector.broadcast %add3A_1405 : i32 to vector<16xi32>
    %add3A_1407 = arith.addi %xor3A_1401, %add3A_1406 : vector<16xi32>
    %select_n3A_1408 = arith.select %lt3A_1404, %add3A_1407, %xor3A_1401 : vector<16xi1>, vector<16xi32>
    %broadcast_in_dim3A_1409 = vector.shape_cast %select_n3A_1408 : vector<16xi32> to vector<16x1xi32>
    %gather3A_1410 = vector.shape_cast %broadcast_in_dim3A_1409 : vector<16x1xi32> to vector<16xi32>
    %gather3A_1411 = tpu.dynamic_gather %min3A_1398[%gather3A_1410] in [0] : vector<16xi32>, vector<16xi32> -> vector<16xi32>
    %min3A_1412 = arith.minsi %min3A_1398, %gather3A_1411 : vector<16xi32>
    %xor3A_1413 = arith.constant 1 : i32
    %xor3A_1414 = vector.broadcast %xor3A_1413 : i32 to vector<16xi32>
    %xor3A_1415 = arith.xori %iota3A, %xor3A_1414 : vector<16xi32>
    %lt3A_1416 = arith.constant 0 : i32
    %lt3A_1417 = vector.broadcast %lt3A_1416 : i32 to vector<16xi32>
    %lt3A_1418 = arith.cmpi slt, %xor3A_1415, %lt3A_1417 : vector<16xi32>
    %add3A_1419 = arith.constant 16 : i32
    %add3A_1420 = vector.broadcast %add3A_1419 : i32 to vector<16xi32>
    %add3A_1421 = arith.addi %xor3A_1415, %add3A_1420 : vector<16xi32>
    %select_n3A_1422 = arith.select %lt3A_1418, %add3A_1421, %xor3A_1415 : vector<16xi1>, vector<16xi32>
    %broadcast_in_dim3A_1423 = vector.shape_cast %select_n3A_1422 : vector<16xi32> to vector<16x1xi32>
    %gather3A_1424 = vector.shape_cast %broadcast_in_dim3A_1423 : vector<16x1xi32> to vector<16xi32>
    %gather3A_1425 = tpu.dynamic_gather %min3A_1412[%gather3A_1424] in [0] : vector<16xi32>, vector<16xi32> -> vector<16xi32>
    %min3A_1426 = arith.minsi %min3A_1412, %gather3A_1425 : vector<16xi32>
    %add3A_1427 = arith.constant 0 : i32
    %add3A_1428 = vector.broadcast %add3A_1427 : i32 to vector<16xi32>
    %add3A_1429 = arith.addi %iota3A, %add3A_1428 : vector<16xi32>
    %eq3A_1430 = arith.cmpi eq, %add3A_1429, %min3A_1426 : vector<16xi32>
    %or3A_1431 = arith.ori %or3A_1250, %eq3A_1430 : vector<16xi1>
    %jit3A_1432 = arith.constant -1.000000e+30 : f32
    %broadcast_in_dim3A_1433 = vector.broadcast %jit3A_1432 : f32 to vector<16xf32>
    %select_n3A_1434 = arith.select %eq3A_1430, %broadcast_in_dim3A_1433, %select_n3A_1253 : vector<16xi1>, vector<16xf32>
    %add3A_1435 = arith.constant 16 : i32
    %add3A_1436 = vector.broadcast %add3A_1435 : i32 to vector<16xi32>
    %add3A_1437 = arith.addi %iota3A, %add3A_1436 : vector<16xi32>
    %eq3A_1438 = arith.cmpi eq, %add3A_1437, %min3A_1426 : vector<16xi32>
    %or3A_1439 = arith.ori %or3A_1258, %eq3A_1438 : vector<16xi1>
    %jit3A_1440 = arith.constant -1.000000e+30 : f32
    %broadcast_in_dim3A_1441 = vector.broadcast %jit3A_1440 : f32 to vector<16xf32>
    %select_n3A_1442 = arith.select %eq3A_1438, %broadcast_in_dim3A_1441, %select_n3A_1261 : vector<16xi1>, vector<16xf32>
    %add3A_1443 = arith.constant 32 : i32
    %add3A_1444 = vector.broadcast %add3A_1443 : i32 to vector<16xi32>
    %add3A_1445 = arith.addi %iota3A, %add3A_1444 : vector<16xi32>
    %eq3A_1446 = arith.cmpi eq, %add3A_1445, %min3A_1426 : vector<16xi32>
    %or3A_1447 = arith.ori %or3A_1266, %eq3A_1446 : vector<16xi1>
    %jit3A_1448 = arith.constant -1.000000e+30 : f32
    %broadcast_in_dim3A_1449 = vector.broadcast %jit3A_1448 : f32 to vector<16xf32>
    %select_n3A_1450 = arith.select %eq3A_1446, %broadcast_in_dim3A_1449, %select_n3A_1269 : vector<16xi1>, vector<16xf32>
    %add3A_1451 = arith.constant 48 : i32
    %add3A_1452 = vector.broadcast %add3A_1451 : i32 to vector<16xi32>
    %add3A_1453 = arith.addi %iota3A, %add3A_1452 : vector<16xi32>
    %eq3A_1454 = arith.cmpi eq, %add3A_1453, %min3A_1426 : vector<16xi32>
    %or3A_1455 = arith.ori %or3A_1274, %eq3A_1454 : vector<16xi1>
    %jit3A_1456 = arith.constant -1.000000e+30 : f32
    %broadcast_in_dim3A_1457 = vector.broadcast %jit3A_1456 : f32 to vector<16xf32>
    %select_n3A_1458 = arith.select %eq3A_1454, %broadcast_in_dim3A_1457, %select_n3A_1277 : vector<16xi1>, vector<16xf32>
    %sub3A = arith.subf %get3A_3, %max3A_73 : vector<16xf32>
    %exp3A = math.exp %sub3A : vector<16xf32>
    %jit3A_1459 = arith.constant 0.000000e+00 : f32
    %broadcast_in_dim3A_1460 = vector.broadcast %jit3A_1459 : f32 to vector<16xf32>
    %select_n3A_1461 = arith.select %or3A_1431, %exp3A, %broadcast_in_dim3A_1460 : vector<16xi1>, vector<16xf32>
    %sub3A_1462 = arith.subf %get3A_6, %max3A_73 : vector<16xf32>
    %exp3A_1463 = math.exp %sub3A_1462 : vector<16xf32>
    %jit3A_1464 = arith.constant 0.000000e+00 : f32
    %broadcast_in_dim3A_1465 = vector.broadcast %jit3A_1464 : f32 to vector<16xf32>
    %select_n3A_1466 = arith.select %or3A_1439, %exp3A_1463, %broadcast_in_dim3A_1465 : vector<16xi1>, vector<16xf32>
    %sub3A_1467 = arith.subf %get3A_9, %max3A_73 : vector<16xf32>
    %exp3A_1468 = math.exp %sub3A_1467 : vector<16xf32>
    %jit3A_1469 = arith.constant 0.000000e+00 : f32
    %broadcast_in_dim3A_1470 = vector.broadcast %jit3A_1469 : f32 to vector<16xf32>
    %select_n3A_1471 = arith.select %or3A_1447, %exp3A_1468, %broadcast_in_dim3A_1470 : vector<16xi1>, vector<16xf32>
    %sub3A_1472 = arith.subf %get3A_12, %max3A_73 : vector<16xf32>
    %exp3A_1473 = math.exp %sub3A_1472 : vector<16xf32>
    %jit3A_1474 = arith.constant 0.000000e+00 : f32
    %broadcast_in_dim3A_1475 = vector.broadcast %jit3A_1474 : f32 to vector<16xf32>
    %select_n3A_1476 = arith.select %or3A_1455, %exp3A_1473, %broadcast_in_dim3A_1475 : vector<16xi1>, vector<16xf32>
    %add3A_1477 = arith.addf %select_n3A_1461, %select_n3A_1466 : vector<16xf32>
    %add3A_1478 = arith.addf %select_n3A_1471, %select_n3A_1476 : vector<16xf32>
    %add3A_1479 = arith.addf %add3A_1477, %add3A_1478 : vector<16xf32>
    %xor3A_1480 = arith.constant 8 : i32
    %xor3A_1481 = vector.broadcast %xor3A_1480 : i32 to vector<16xi32>
    %xor3A_1482 = arith.xori %iota3A, %xor3A_1481 : vector<16xi32>
    %lt3A_1483 = arith.constant 0 : i32
    %lt3A_1484 = vector.broadcast %lt3A_1483 : i32 to vector<16xi32>
    %lt3A_1485 = arith.cmpi slt, %xor3A_1482, %lt3A_1484 : vector<16xi32>
    %add3A_1486 = arith.constant 16 : i32
    %add3A_1487 = vector.broadcast %add3A_1486 : i32 to vector<16xi32>
    %add3A_1488 = arith.addi %xor3A_1482, %add3A_1487 : vector<16xi32>
    %select_n3A_1489 = arith.select %lt3A_1485, %add3A_1488, %xor3A_1482 : vector<16xi1>, vector<16xi32>
    %broadcast_in_dim3A_1490 = vector.shape_cast %select_n3A_1489 : vector<16xi32> to vector<16x1xi32>
    %gather3A_1491 = vector.shape_cast %broadcast_in_dim3A_1490 : vector<16x1xi32> to vector<16xi32>
    %gather3A_1492 = tpu.dynamic_gather %add3A_1479[%gather3A_1491] in [0] : vector<16xf32>, vector<16xi32> -> vector<16xf32>
    %add3A_1493 = arith.addf %add3A_1479, %gather3A_1492 : vector<16xf32>
    %xor3A_1494 = arith.constant 4 : i32
    %xor3A_1495 = vector.broadcast %xor3A_1494 : i32 to vector<16xi32>
    %xor3A_1496 = arith.xori %iota3A, %xor3A_1495 : vector<16xi32>
    %lt3A_1497 = arith.constant 0 : i32
    %lt3A_1498 = vector.broadcast %lt3A_1497 : i32 to vector<16xi32>
    %lt3A_1499 = arith.cmpi slt, %xor3A_1496, %lt3A_1498 : vector<16xi32>
    %add3A_1500 = arith.constant 16 : i32
    %add3A_1501 = vector.broadcast %add3A_1500 : i32 to vector<16xi32>
    %add3A_1502 = arith.addi %xor3A_1496, %add3A_1501 : vector<16xi32>
    %select_n3A_1503 = arith.select %lt3A_1499, %add3A_1502, %xor3A_1496 : vector<16xi1>, vector<16xi32>
    %broadcast_in_dim3A_1504 = vector.shape_cast %select_n3A_1503 : vector<16xi32> to vector<16x1xi32>
    %gather3A_1505 = vector.shape_cast %broadcast_in_dim3A_1504 : vector<16x1xi32> to vector<16xi32>
    %gather3A_1506 = tpu.dynamic_gather %add3A_1493[%gather3A_1505] in [0] : vector<16xf32>, vector<16xi32> -> vector<16xf32>
    %add3A_1507 = arith.addf %add3A_1493, %gather3A_1506 : vector<16xf32>
    %xor3A_1508 = arith.constant 2 : i32
    %xor3A_1509 = vector.broadcast %xor3A_1508 : i32 to vector<16xi32>
    %xor3A_1510 = arith.xori %iota3A, %xor3A_1509 : vector<16xi32>
    %lt3A_1511 = arith.constant 0 : i32
    %lt3A_1512 = vector.broadcast %lt3A_1511 : i32 to vector<16xi32>
    %lt3A_1513 = arith.cmpi slt, %xor3A_1510, %lt3A_1512 : vector<16xi32>
    %add3A_1514 = arith.constant 16 : i32
    %add3A_1515 = vector.broadcast %add3A_1514 : i32 to vector<16xi32>
    %add3A_1516 = arith.addi %xor3A_1510, %add3A_1515 : vector<16xi32>
    %select_n3A_1517 = arith.select %lt3A_1513, %add3A_1516, %xor3A_1510 : vector<16xi1>, vector<16xi32>
    %broadcast_in_dim3A_1518 = vector.shape_cast %select_n3A_1517 : vector<16xi32> to vector<16x1xi32>
    %gather3A_1519 = vector.shape_cast %broadcast_in_dim3A_1518 : vector<16x1xi32> to vector<16xi32>
    %gather3A_1520 = tpu.dynamic_gather %add3A_1507[%gather3A_1519] in [0] : vector<16xf32>, vector<16xi32> -> vector<16xf32>
    %add3A_1521 = arith.addf %add3A_1507, %gather3A_1520 : vector<16xf32>
    %xor3A_1522 = arith.constant 1 : i32
    %xor3A_1523 = vector.broadcast %xor3A_1522 : i32 to vector<16xi32>
    %xor3A_1524 = arith.xori %iota3A, %xor3A_1523 : vector<16xi32>
    %lt3A_1525 = arith.constant 0 : i32
    %lt3A_1526 = vector.broadcast %lt3A_1525 : i32 to vector<16xi32>
    %lt3A_1527 = arith.cmpi slt, %xor3A_1524, %lt3A_1526 : vector<16xi32>
    %add3A_1528 = arith.constant 16 : i32
    %add3A_1529 = vector.broadcast %add3A_1528 : i32 to vector<16xi32>
    %add3A_1530 = arith.addi %xor3A_1524, %add3A_1529 : vector<16xi32>
    %select_n3A_1531 = arith.select %lt3A_1527, %add3A_1530, %xor3A_1524 : vector<16xi1>, vector<16xi32>
    %broadcast_in_dim3A_1532 = vector.shape_cast %select_n3A_1531 : vector<16xi32> to vector<16x1xi32>
    %gather3A_1533 = vector.shape_cast %broadcast_in_dim3A_1532 : vector<16x1xi32> to vector<16xi32>
    %gather3A_1534 = tpu.dynamic_gather %add3A_1521[%gather3A_1533] in [0] : vector<16xf32>, vector<16xi32> -> vector<16xf32>
    %add3A_1535 = arith.addf %add3A_1521, %gather3A_1534 : vector<16xf32>
    %div3A = arith.constant 1.000000e+00 : f32
    %div3A_1536 = vector.broadcast %div3A : f32 to vector<16xf32>
    %div3A_1537 = arith.divf %div3A_1536, %add3A_1535 : vector<16xf32>
    %mul3A_1538 = arith.mulf %select_n3A_1461, %div3A_1537 : vector<16xf32>
    %swap3A = arith.constant 0 : index
    %swap3A_1539 = tpu.vector_load %arg5[%swap3A] {strides = array<i32>} : memref<64xf32, #tpu.memory_space<vmem>>, vector<16xf32>,
    %swap3A_1540 = vector.shape_cast %swap3A_1539 : vector<16xf32> to vector<16xf32>
    %swap3A_1541 = vector.shape_cast %mul3A_1538 : vector<16xf32> to vector<16xf32>
    tpu.vector_store %arg5[%swap3A], %swap3A_1541 {strides = array<i32>} : memref<64xf32, #tpu.memory_space<vmem>>, vector<16xf32>,
    %mul3A_1542 = arith.mulf %select_n3A_1466, %div3A_1537 : vector<16xf32>
    %swap3A_1543 = arith.constant 16 : index
    %swap3A_1544 = tpu.vector_load %arg5[%swap3A_1543] {strides = array<i32>} : memref<64xf32, #tpu.memory_space<vmem>>, vector<16xf32>,
    %swap3A_1545 = vector.shape_cast %swap3A_1544 : vector<16xf32> to vector<16xf32>
    %swap3A_1546 = vector.shape_cast %mul3A_1542 : vector<16xf32> to vector<16xf32>
    tpu.vector_store %arg5[%swap3A_1543], %swap3A_1546 {strides = array<i32>} : memref<64xf32, #tpu.memory_space<vmem>>, vector<16xf32>,
    %mul3A_1547 = arith.mulf %select_n3A_1471, %div3A_1537 : vector<16xf32>
    %swap3A_1548 = arith.constant 32 : index
    %swap3A_1549 = tpu.vector_load %arg5[%swap3A_1548] {strides = array<i32>} : memref<64xf32, #tpu.memory_space<vmem>>, vector<16xf32>,
    %swap3A_1550 = vector.shape_cast %swap3A_1549 : vector<16xf32> to vector<16xf32>
    %swap3A_1551 = vector.shape_cast %mul3A_1547 : vector<16xf32> to vector<16xf32>
    tpu.vector_store %arg5[%swap3A_1548], %swap3A_1551 {strides = array<i32>} : memref<64xf32, #tpu.memory_space<vmem>>, vector<16xf32>,
    %mul3A_1552 = arith.mulf %select_n3A_1476, %div3A_1537 : vector<16xf32>
    %swap3A_1553 = arith.constant 48 : index
    %swap3A_1554 = tpu.vector_load %arg5[%swap3A_1553] {strides = array<i32>} : memref<64xf32, #tpu.memory_space<vmem>>, vector<16xf32>,
    %swap3A_1555 = vector.shape_cast %swap3A_1554 : vector<16xf32> to vector<16xf32>
    %swap3A_1556 = vector.shape_cast %mul3A_1552 : vector<16xf32> to vector<16xf32>
    tpu.vector_store %arg5[%swap3A_1553], %swap3A_1556 {strides = array<i32>} : memref<64xf32, #tpu.memory_space<vmem>>, vector<16xf32>,
    "tpu.region"() ({
      %run_scoped3A = tpu.sem_alloc : memref<!tpu.dma_semaphore, #tpu.memory_space<semaphore_mem>>
      %dma_start3A = arith.constant 0 : i32
      %dma_start3A_3132 = tpu.memref_slice %arg3[%add3A_1, %dma_start3A] : memref<32x64xf32, #tpu.memory_space<hbm>> -> memref<1x64xf32, #tpu.memory_space<hbm>>
      %dma_start3A_3133 = tpu.memref_squeeze %dma_start3A_3132 : memref<1x64xf32, #tpu.memory_space<hbm>> -> memref<64xf32, #tpu.memory_space<hbm>>
      %dma_start3A_3134 = arith.constant 0 : i32
      %dma_start3A_3135 = tpu.memref_slice %arg3[%add3A_1, %dma_start3A_3134] : memref<32x64xf32, #tpu.memory_space<hbm>> -> memref<1x64xf32, #tpu.memory_space<hbm>>
      %dma_start3A_3136 = tpu.memref_squeeze %dma_start3A_3135 : memref<1x64xf32, #tpu.memory_space<hbm>> -> memref<64xf32, #tpu.memory_space<hbm>>
      tpu.enqueue_dma source(%arg5 : memref<64xf32, #tpu.memory_space<vmem>>) target(%dma_start3A_3136 : memref<64xf32, #tpu.memory_space<hbm>>) target_semaphore(%run_scoped3A : memref<!tpu.dma_semaphore, #tpu.memory_space<semaphore_mem>>)
      %dma_wait3A = arith.constant 0 : i32
      %dma_wait3A_3137 = tpu.memref_slice %arg3[%add3A_1, %dma_wait3A] : memref<32x64xf32, #tpu.memory_space<hbm>> -> memref<1x64xf32, #tpu.memory_space<hbm>>
      %dma_wait3A_3138 = tpu.memref_squeeze %dma_wait3A_3137 : memref<1x64xf32, #tpu.memory_space<hbm>> -> memref<64xf32, #tpu.memory_space<hbm>>
      %dma_wait3A_3139 = arith.constant 0 : i32
      %dma_wait3A_3140 = tpu.memref_slice %arg3[%add3A_1, %dma_wait3A_3139] : memref<32x64xf32, #tpu.memory_space<hbm>> -> memref<1x64xf32, #tpu.memory_space<hbm>>
      %dma_wait3A_3141 = tpu.memref_squeeze %dma_wait3A_3140 : memref<1x64xf32, #tpu.memory_space<hbm>> -> memref<64xf32, #tpu.memory_space<hbm>>
      tpu.wait_dma2 semaphore(%run_scoped3A : memref<!tpu.dma_semaphore, #tpu.memory_space<semaphore_mem>>) src(%arg5 : memref<64xf32, #tpu.memory_space<vmem>>) dst(%dma_wait3A_3141 : memref<64xf32, #tpu.memory_space<hbm>>)
      tpu.yield
    }) : () -> ()
    %mul3A_1557 = arith.constant 2 : i32
    %mul3A_1558 = arith.muli %arg1, %mul3A_1557 : i32
    %add3A_1559 = arith.constant 1 : i32
    %add3A_1560 = arith.addi %mul3A_1558, %add3A_1559 : i32
    "tpu.region"() ({
      %run_scoped3A = tpu.sem_alloc : memref<!tpu.dma_semaphore, #tpu.memory_space<semaphore_mem>>
      %dma_start3A = arith.constant 0 : i32
      %dma_start3A_3132 = tpu.memref_slice %arg2[%add3A_1560, %dma_start3A] : memref<32x64xf32, #tpu.memory_space<hbm>> -> memref<1x64xf32, #tpu.memory_space<hbm>>
      %dma_start3A_3133 = tpu.memref_squeeze %dma_start3A_3132 : memref<1x64xf32, #tpu.memory_space<hbm>> -> memref<64xf32, #tpu.memory_space<hbm>>
      %dma_start3A_3134 = arith.constant 0 : i32
      %dma_start3A_3135 = tpu.memref_slice %arg2[%add3A_1560, %dma_start3A_3134] : memref<32x64xf32, #tpu.memory_space<hbm>> -> memref<1x64xf32, #tpu.memory_space<hbm>>
      %dma_start3A_3136 = tpu.memref_squeeze %dma_start3A_3135 : memref<1x64xf32, #tpu.memory_space<hbm>> -> memref<64xf32, #tpu.memory_space<hbm>>
      tpu.enqueue_dma source(%dma_start3A_3136 : memref<64xf32, #tpu.memory_space<hbm>>) target(%arg4 : memref<64xf32, #tpu.memory_space<vmem>>) target_semaphore(%run_scoped3A : memref<!tpu.dma_semaphore, #tpu.memory_space<semaphore_mem>>)
      %dma_wait3A = arith.constant 0 : i32
      %dma_wait3A_3137 = tpu.memref_slice %arg2[%add3A_1560, %dma_wait3A] : memref<32x64xf32, #tpu.memory_space<hbm>> -> memref<1x64xf32, #tpu.memory_space<hbm>>
      %dma_wait3A_3138 = tpu.memref_squeeze %dma_wait3A_3137 : memref<1x64xf32, #tpu.memory_space<hbm>> -> memref<64xf32, #tpu.memory_space<hbm>>
      %dma_wait3A_3139 = arith.constant 0 : i32
      %dma_wait3A_3140 = tpu.memref_slice %arg2[%add3A_1560, %dma_wait3A_3139] : memref<32x64xf32, #tpu.memory_space<hbm>> -> memref<1x64xf32, #tpu.memory_space<hbm>>
      %dma_wait3A_3141 = tpu.memref_squeeze %dma_wait3A_3140 : memref<1x64xf32, #tpu.memory_space<hbm>> -> memref<64xf32, #tpu.memory_space<hbm>>
      tpu.wait_dma2 semaphore(%run_scoped3A : memref<!tpu.dma_semaphore, #tpu.memory_space<semaphore_mem>>) src(%dma_wait3A_3141 : memref<64xf32, #tpu.memory_space<hbm>>) dst(%arg4 : memref<64xf32, #tpu.memory_space<vmem>>)
      tpu.yield
    }) : () -> ()
    %get3A_1561 = arith.constant 0 : index
    %get3A_1562 = tpu.vector_load %arg4[%get3A_1561] {strides = array<i32>} : memref<64xf32, #tpu.memory_space<vmem>>, vector<16xf32>,
    %get3A_1563 = vector.shape_cast %get3A_1562 : vector<16xf32> to vector<16xf32>
    %get3A_1564 = arith.constant 16 : index
    %get3A_1565 = tpu.vector_load %arg4[%get3A_1564] {strides = array<i32>} : memref<64xf32, #tpu.memory_space<vmem>>, vector<16xf32>,
    %get3A_1566 = vector.shape_cast %get3A_1565 : vector<16xf32> to vector<16xf32>
    %get3A_1567 = arith.constant 32 : index
    %get3A_1568 = tpu.vector_load %arg4[%get3A_1567] {strides = array<i32>} : memref<64xf32, #tpu.memory_space<vmem>>, vector<16xf32>,
    %get3A_1569 = vector.shape_cast %get3A_1568 : vector<16xf32> to vector<16xf32>
    %get3A_1570 = arith.constant 48 : index
    %get3A_1571 = tpu.vector_load %arg4[%get3A_1570] {strides = array<i32>} : memref<64xf32, #tpu.memory_space<vmem>>, vector<16xf32>,
    %get3A_1572 = vector.shape_cast %get3A_1571 : vector<16xf32> to vector<16xf32>
    %broadcast_in_dim3A_1573 = arith.constant false
    %broadcast_in_dim3A_1574 = vector.broadcast %broadcast_in_dim3A_1573 : i1 to vector<16xi1>
    %broadcast_in_dim3A_1575 = arith.constant false
    %broadcast_in_dim3A_1576 = vector.broadcast %broadcast_in_dim3A_1575 : i1 to vector<16xi1>
    %broadcast_in_dim3A_1577 = arith.constant false
    %broadcast_in_dim3A_1578 = vector.broadcast %broadcast_in_dim3A_1577 : i1 to vector<16xi1>
    %broadcast_in_dim3A_1579 = arith.constant false
    %broadcast_in_dim3A_1580 = vector.broadcast %broadcast_in_dim3A_1579 : i1 to vector<16xi1>
    %iota3A_1581 = tpu.iota {dimensions = array<i32: 0>} : vector<16xi32>
    %max3A_1582 = arith.maximumf %get3A_1563, %get3A_1566 : vector<16xf32>
    %max3A_1583 = arith.maximumf %get3A_1569, %get3A_1572 : vector<16xf32>
    %max3A_1584 = arith.maximumf %max3A_1582, %max3A_1583 : vector<16xf32>
    %xor3A_1585 = arith.constant 8 : i32
    %xor3A_1586 = vector.broadcast %xor3A_1585 : i32 to vector<16xi32>
    %xor3A_1587 = arith.xori %iota3A_1581, %xor3A_1586 : vector<16xi32>
    %lt3A_1588 = arith.constant 0 : i32
    %lt3A_1589 = vector.broadcast %lt3A_1588 : i32 to vector<16xi32>
    %lt3A_1590 = arith.cmpi slt, %xor3A_1587, %lt3A_1589 : vector<16xi32>
    %add3A_1591 = arith.constant 16 : i32
    %add3A_1592 = vector.broadcast %add3A_1591 : i32 to vector<16xi32>
    %add3A_1593 = arith.addi %xor3A_1587, %add3A_1592 : vector<16xi32>
    %select_n3A_1594 = arith.select %lt3A_1590, %add3A_1593, %xor3A_1587 : vector<16xi1>, vector<16xi32>
    %broadcast_in_dim3A_1595 = vector.shape_cast %select_n3A_1594 : vector<16xi32> to vector<16x1xi32>
    %gather3A_1596 = vector.shape_cast %broadcast_in_dim3A_1595 : vector<16x1xi32> to vector<16xi32>
    %gather3A_1597 = tpu.dynamic_gather %max3A_1584[%gather3A_1596] in [0] : vector<16xf32>, vector<16xi32> -> vector<16xf32>
    %max3A_1598 = arith.maximumf %max3A_1584, %gather3A_1597 : vector<16xf32>
    %xor3A_1599 = arith.constant 4 : i32
    %xor3A_1600 = vector.broadcast %xor3A_1599 : i32 to vector<16xi32>
    %xor3A_1601 = arith.xori %iota3A_1581, %xor3A_1600 : vector<16xi32>
    %lt3A_1602 = arith.constant 0 : i32
    %lt3A_1603 = vector.broadcast %lt3A_1602 : i32 to vector<16xi32>
    %lt3A_1604 = arith.cmpi slt, %xor3A_1601, %lt3A_1603 : vector<16xi32>
    %add3A_1605 = arith.constant 16 : i32
    %add3A_1606 = vector.broadcast %add3A_1605 : i32 to vector<16xi32>
    %add3A_1607 = arith.addi %xor3A_1601, %add3A_1606 : vector<16xi32>
    %select_n3A_1608 = arith.select %lt3A_1604, %add3A_1607, %xor3A_1601 : vector<16xi1>, vector<16xi32>
    %broadcast_in_dim3A_1609 = vector.shape_cast %select_n3A_1608 : vector<16xi32> to vector<16x1xi32>
    %gather3A_1610 = vector.shape_cast %broadcast_in_dim3A_1609 : vector<16x1xi32> to vector<16xi32>
    %gather3A_1611 = tpu.dynamic_gather %max3A_1598[%gather3A_1610] in [0] : vector<16xf32>, vector<16xi32> -> vector<16xf32>
    %max3A_1612 = arith.maximumf %max3A_1598, %gather3A_1611 : vector<16xf32>
    %xor3A_1613 = arith.constant 2 : i32
    %xor3A_1614 = vector.broadcast %xor3A_1613 : i32 to vector<16xi32>
    %xor3A_1615 = arith.xori %iota3A_1581, %xor3A_1614 : vector<16xi32>
    %lt3A_1616 = arith.constant 0 : i32
    %lt3A_1617 = vector.broadcast %lt3A_1616 : i32 to vector<16xi32>
    %lt3A_1618 = arith.cmpi slt, %xor3A_1615, %lt3A_1617 : vector<16xi32>
    %add3A_1619 = arith.constant 16 : i32
    %add3A_1620 = vector.broadcast %add3A_1619 : i32 to vector<16xi32>
    %add3A_1621 = arith.addi %xor3A_1615, %add3A_1620 : vector<16xi32>
    %select_n3A_1622 = arith.select %lt3A_1618, %add3A_1621, %xor3A_1615 : vector<16xi1>, vector<16xi32>
    %broadcast_in_dim3A_1623 = vector.shape_cast %select_n3A_1622 : vector<16xi32> to vector<16x1xi32>
    %gather3A_1624 = vector.shape_cast %broadcast_in_dim3A_1623 : vector<16x1xi32> to vector<16xi32>
    %gather3A_1625 = tpu.dynamic_gather %max3A_1612[%gather3A_1624] in [0] : vector<16xf32>, vector<16xi32> -> vector<16xf32>
    %max3A_1626 = arith.maximumf %max3A_1612, %gather3A_1625 : vector<16xf32>
    %xor3A_1627 = arith.constant 1 : i32
    %xor3A_1628 = vector.broadcast %xor3A_1627 : i32 to vector<16xi32>
    %xor3A_1629 = arith.xori %iota3A_1581, %xor3A_1628 : vector<16xi32>
    %lt3A_1630 = arith.constant 0 : i32
    %lt3A_1631 = vector.broadcast %lt3A_1630 : i32 to vector<16xi32>
    %lt3A_1632 = arith.cmpi slt, %xor3A_1629, %lt3A_1631 : vector<16xi32>
    %add3A_1633 = arith.constant 16 : i32
    %add3A_1634 = vector.broadcast %add3A_1633 : i32 to vector<16xi32>
    %add3A_1635 = arith.addi %xor3A_1629, %add3A_1634 : vector<16xi32>
    %select_n3A_1636 = arith.select %lt3A_1632, %add3A_1635, %xor3A_1629 : vector<16xi1>, vector<16xi32>
    %broadcast_in_dim3A_1637 = vector.shape_cast %select_n3A_1636 : vector<16xi32> to vector<16x1xi32>
    %gather3A_1638 = vector.shape_cast %broadcast_in_dim3A_1637 : vector<16x1xi32> to vector<16xi32>
    %gather3A_1639 = tpu.dynamic_gather %max3A_1626[%gather3A_1638] in [0] : vector<16xf32>, vector<16xi32> -> vector<16xf32>
    %max3A_1640 = arith.maximumf %max3A_1626, %gather3A_1639 : vector<16xf32>
    %broadcast_in_dim3A_1641 = arith.constant 127 : i32
    %broadcast_in_dim3A_1642 = vector.broadcast %broadcast_in_dim3A_1641 : i32 to vector<16xi32>
    %eq3A_1643 = arith.cmpf oeq, %get3A_1563, %max3A_1640 : vector<16xf32>
    %add3A_1644 = arith.constant 0 : i32
    %add3A_1645 = vector.broadcast %add3A_1644 : i32 to vector<16xi32>
    %add3A_1646 = arith.addi %iota3A_1581, %add3A_1645 : vector<16xi32>
    %jit3A_1647 = arith.constant 127 : i32
    %broadcast_in_dim3A_1648 = vector.broadcast %jit3A_1647 : i32 to vector<16xi32>
    %select_n3A_1649 = arith.select %eq3A_1643, %add3A_1646, %broadcast_in_dim3A_1648 : vector<16xi1>, vector<16xi32>
    %min3A_1650 = arith.minsi %broadcast_in_dim3A_1642, %select_n3A_1649 : vector<16xi32>
    %eq3A_1651 = arith.cmpf oeq, %get3A_1566, %max3A_1640 : vector<16xf32>
    %add3A_1652 = arith.constant 16 : i32
    %add3A_1653 = vector.broadcast %add3A_1652 : i32 to vector<16xi32>
    %add3A_1654 = arith.addi %iota3A_1581, %add3A_1653 : vector<16xi32>
    %jit3A_1655 = arith.constant 127 : i32
    %broadcast_in_dim3A_1656 = vector.broadcast %jit3A_1655 : i32 to vector<16xi32>
    %select_n3A_1657 = arith.select %eq3A_1651, %add3A_1654, %broadcast_in_dim3A_1656 : vector<16xi1>, vector<16xi32>
    %min3A_1658 = arith.minsi %min3A_1650, %select_n3A_1657 : vector<16xi32>
    %eq3A_1659 = arith.cmpf oeq, %get3A_1569, %max3A_1640 : vector<16xf32>
    %add3A_1660 = arith.constant 32 : i32
    %add3A_1661 = vector.broadcast %add3A_1660 : i32 to vector<16xi32>
    %add3A_1662 = arith.addi %iota3A_1581, %add3A_1661 : vector<16xi32>
    %jit3A_1663 = arith.constant 127 : i32
    %broadcast_in_dim3A_1664 = vector.broadcast %jit3A_1663 : i32 to vector<16xi32>
    %select_n3A_1665 = arith.select %eq3A_1659, %add3A_1662, %broadcast_in_dim3A_1664 : vector<16xi1>, vector<16xi32>
    %min3A_1666 = arith.minsi %min3A_1658, %select_n3A_1665 : vector<16xi32>
    %eq3A_1667 = arith.cmpf oeq, %get3A_1572, %max3A_1640 : vector<16xf32>
    %add3A_1668 = arith.constant 48 : i32
    %add3A_1669 = vector.broadcast %add3A_1668 : i32 to vector<16xi32>
    %add3A_1670 = arith.addi %iota3A_1581, %add3A_1669 : vector<16xi32>
    %jit3A_1671 = arith.constant 127 : i32
    %broadcast_in_dim3A_1672 = vector.broadcast %jit3A_1671 : i32 to vector<16xi32>
    %select_n3A_1673 = arith.select %eq3A_1667, %add3A_1670, %broadcast_in_dim3A_1672 : vector<16xi1>, vector<16xi32>
    %min3A_1674 = arith.minsi %min3A_1666, %select_n3A_1673 : vector<16xi32>
    %xor3A_1675 = arith.constant 8 : i32
    %xor3A_1676 = vector.broadcast %xor3A_1675 : i32 to vector<16xi32>
    %xor3A_1677 = arith.xori %iota3A_1581, %xor3A_1676 : vector<16xi32>
    %lt3A_1678 = arith.constant 0 : i32
    %lt3A_1679 = vector.broadcast %lt3A_1678 : i32 to vector<16xi32>
    %lt3A_1680 = arith.cmpi slt, %xor3A_1677, %lt3A_1679 : vector<16xi32>
    %add3A_1681 = arith.constant 16 : i32
    %add3A_1682 = vector.broadcast %add3A_1681 : i32 to vector<16xi32>
    %add3A_1683 = arith.addi %xor3A_1677, %add3A_1682 : vector<16xi32>
    %select_n3A_1684 = arith.select %lt3A_1680, %add3A_1683, %xor3A_1677 : vector<16xi1>, vector<16xi32>
    %broadcast_in_dim3A_1685 = vector.shape_cast %select_n3A_1684 : vector<16xi32> to vector<16x1xi32>
    %gather3A_1686 = vector.shape_cast %broadcast_in_dim3A_1685 : vector<16x1xi32> to vector<16xi32>
    %gather3A_1687 = tpu.dynamic_gather %min3A_1674[%gather3A_1686] in [0] : vector<16xi32>, vector<16xi32> -> vector<16xi32>
    %min3A_1688 = arith.minsi %min3A_1674, %gather3A_1687 : vector<16xi32>
    %xor3A_1689 = arith.constant 4 : i32
    %xor3A_1690 = vector.broadcast %xor3A_1689 : i32 to vector<16xi32>
    %xor3A_1691 = arith.xori %iota3A_1581, %xor3A_1690 : vector<16xi32>
    %lt3A_1692 = arith.constant 0 : i32
    %lt3A_1693 = vector.broadcast %lt3A_1692 : i32 to vector<16xi32>
    %lt3A_1694 = arith.cmpi slt, %xor3A_1691, %lt3A_1693 : vector<16xi32>
    %add3A_1695 = arith.constant 16 : i32
    %add3A_1696 = vector.broadcast %add3A_1695 : i32 to vector<16xi32>
    %add3A_1697 = arith.addi %xor3A_1691, %add3A_1696 : vector<16xi32>
    %select_n3A_1698 = arith.select %lt3A_1694, %add3A_1697, %xor3A_1691 : vector<16xi1>, vector<16xi32>
    %broadcast_in_dim3A_1699 = vector.shape_cast %select_n3A_1698 : vector<16xi32> to vector<16x1xi32>
    %gather3A_1700 = vector.shape_cast %broadcast_in_dim3A_1699 : vector<16x1xi32> to vector<16xi32>
    %gather3A_1701 = tpu.dynamic_gather %min3A_1688[%gather3A_1700] in [0] : vector<16xi32>, vector<16xi32> -> vector<16xi32>
    %min3A_1702 = arith.minsi %min3A_1688, %gather3A_1701 : vector<16xi32>
    %xor3A_1703 = arith.constant 2 : i32
    %xor3A_1704 = vector.broadcast %xor3A_1703 : i32 to vector<16xi32>
    %xor3A_1705 = arith.xori %iota3A_1581, %xor3A_1704 : vector<16xi32>
    %lt3A_1706 = arith.constant 0 : i32
    %lt3A_1707 = vector.broadcast %lt3A_1706 : i32 to vector<16xi32>
    %lt3A_1708 = arith.cmpi slt, %xor3A_1705, %lt3A_1707 : vector<16xi32>
    %add3A_1709 = arith.constant 16 : i32
    %add3A_1710 = vector.broadcast %add3A_1709 : i32 to vector<16xi32>
    %add3A_1711 = arith.addi %xor3A_1705, %add3A_1710 : vector<16xi32>
    %select_n3A_1712 = arith.select %lt3A_1708, %add3A_1711, %xor3A_1705 : vector<16xi1>, vector<16xi32>
    %broadcast_in_dim3A_1713 = vector.shape_cast %select_n3A_1712 : vector<16xi32> to vector<16x1xi32>
    %gather3A_1714 = vector.shape_cast %broadcast_in_dim3A_1713 : vector<16x1xi32> to vector<16xi32>
    %gather3A_1715 = tpu.dynamic_gather %min3A_1702[%gather3A_1714] in [0] : vector<16xi32>, vector<16xi32> -> vector<16xi32>
    %min3A_1716 = arith.minsi %min3A_1702, %gather3A_1715 : vector<16xi32>
    %xor3A_1717 = arith.constant 1 : i32
    %xor3A_1718 = vector.broadcast %xor3A_1717 : i32 to vector<16xi32>
    %xor3A_1719 = arith.xori %iota3A_1581, %xor3A_1718 : vector<16xi32>
    %lt3A_1720 = arith.constant 0 : i32
    %lt3A_1721 = vector.broadcast %lt3A_1720 : i32 to vector<16xi32>
    %lt3A_1722 = arith.cmpi slt, %xor3A_1719, %lt3A_1721 : vector<16xi32>
    %add3A_1723 = arith.constant 16 : i32
    %add3A_1724 = vector.broadcast %add3A_1723 : i32 to vector<16xi32>
    %add3A_1725 = arith.addi %xor3A_1719, %add3A_1724 : vector<16xi32>
    %select_n3A_1726 = arith.select %lt3A_1722, %add3A_1725, %xor3A_1719 : vector<16xi1>, vector<16xi32>
    %broadcast_in_dim3A_1727 = vector.shape_cast %select_n3A_1726 : vector<16xi32> to vector<16x1xi32>
    %gather3A_1728 = vector.shape_cast %broadcast_in_dim3A_1727 : vector<16x1xi32> to vector<16xi32>
    %gather3A_1729 = tpu.dynamic_gather %min3A_1716[%gather3A_1728] in [0] : vector<16xi32>, vector<16xi32> -> vector<16xi32>
    %min3A_1730 = arith.minsi %min3A_1716, %gather3A_1729 : vector<16xi32>
    %add3A_1731 = arith.constant 0 : i32
    %add3A_1732 = vector.broadcast %add3A_1731 : i32 to vector<16xi32>
    %add3A_1733 = arith.addi %iota3A_1581, %add3A_1732 : vector<16xi32>
    %eq3A_1734 = arith.cmpi eq, %add3A_1733, %min3A_1730 : vector<16xi32>
    %or3A_1735 = arith.ori %broadcast_in_dim3A_1574, %eq3A_1734 : vector<16xi1>
    %jit3A_1736 = arith.constant -1.000000e+30 : f32
    %broadcast_in_dim3A_1737 = vector.broadcast %jit3A_1736 : f32 to vector<16xf32>
    %select_n3A_1738 = arith.select %eq3A_1734, %broadcast_in_dim3A_1737, %get3A_1563 : vector<16xi1>, vector<16xf32>
    %add3A_1739 = arith.constant 16 : i32
    %add3A_1740 = vector.broadcast %add3A_1739 : i32 to vector<16xi32>
    %add3A_1741 = arith.addi %iota3A_1581, %add3A_1740 : vector<16xi32>
    %eq3A_1742 = arith.cmpi eq, %add3A_1741, %min3A_1730 : vector<16xi32>
    %or3A_1743 = arith.ori %broadcast_in_dim3A_1576, %eq3A_1742 : vector<16xi1>
    %jit3A_1744 = arith.constant -1.000000e+30 : f32
    %broadcast_in_dim3A_1745 = vector.broadcast %jit3A_1744 : f32 to vector<16xf32>
    %select_n3A_1746 = arith.select %eq3A_1742, %broadcast_in_dim3A_1745, %get3A_1566 : vector<16xi1>, vector<16xf32>
    %add3A_1747 = arith.constant 32 : i32
    %add3A_1748 = vector.broadcast %add3A_1747 : i32 to vector<16xi32>
    %add3A_1749 = arith.addi %iota3A_1581, %add3A_1748 : vector<16xi32>
    %eq3A_1750 = arith.cmpi eq, %add3A_1749, %min3A_1730 : vector<16xi32>
    %or3A_1751 = arith.ori %broadcast_in_dim3A_1578, %eq3A_1750 : vector<16xi1>
    %jit3A_1752 = arith.constant -1.000000e+30 : f32
    %broadcast_in_dim3A_1753 = vector.broadcast %jit3A_1752 : f32 to vector<16xf32>
    %select_n3A_1754 = arith.select %eq3A_1750, %broadcast_in_dim3A_1753, %get3A_1569 : vector<16xi1>, vector<16xf32>
    %add3A_1755 = arith.constant 48 : i32
    %add3A_1756 = vector.broadcast %add3A_1755 : i32 to vector<16xi32>
    %add3A_1757 = arith.addi %iota3A_1581, %add3A_1756 : vector<16xi32>
    %eq3A_1758 = arith.cmpi eq, %add3A_1757, %min3A_1730 : vector<16xi32>
    %or3A_1759 = arith.ori %broadcast_in_dim3A_1580, %eq3A_1758 : vector<16xi1>
    %jit3A_1760 = arith.constant -1.000000e+30 : f32
    %broadcast_in_dim3A_1761 = vector.broadcast %jit3A_1760 : f32 to vector<16xf32>
    %select_n3A_1762 = arith.select %eq3A_1758, %broadcast_in_dim3A_1761, %get3A_1572 : vector<16xi1>, vector<16xf32>
    %max3A_1763 = arith.maximumf %select_n3A_1738, %select_n3A_1746 : vector<16xf32>
    %max3A_1764 = arith.maximumf %select_n3A_1754, %select_n3A_1762 : vector<16xf32>
    %max3A_1765 = arith.maximumf %max3A_1763, %max3A_1764 : vector<16xf32>
    %xor3A_1766 = arith.constant 8 : i32
    %xor3A_1767 = vector.broadcast %xor3A_1766 : i32 to vector<16xi32>
    %xor3A_1768 = arith.xori %iota3A_1581, %xor3A_1767 : vector<16xi32>
    %lt3A_1769 = arith.constant 0 : i32
    %lt3A_1770 = vector.broadcast %lt3A_1769 : i32 to vector<16xi32>
    %lt3A_1771 = arith.cmpi slt, %xor3A_1768, %lt3A_1770 : vector<16xi32>
    %add3A_1772 = arith.constant 16 : i32
    %add3A_1773 = vector.broadcast %add3A_1772 : i32 to vector<16xi32>
    %add3A_1774 = arith.addi %xor3A_1768, %add3A_1773 : vector<16xi32>
    %select_n3A_1775 = arith.select %lt3A_1771, %add3A_1774, %xor3A_1768 : vector<16xi1>, vector<16xi32>
    %broadcast_in_dim3A_1776 = vector.shape_cast %select_n3A_1775 : vector<16xi32> to vector<16x1xi32>
    %gather3A_1777 = vector.shape_cast %broadcast_in_dim3A_1776 : vector<16x1xi32> to vector<16xi32>
    %gather3A_1778 = tpu.dynamic_gather %max3A_1765[%gather3A_1777] in [0] : vector<16xf32>, vector<16xi32> -> vector<16xf32>
    %max3A_1779 = arith.maximumf %max3A_1765, %gather3A_1778 : vector<16xf32>
    %xor3A_1780 = arith.constant 4 : i32
    %xor3A_1781 = vector.broadcast %xor3A_1780 : i32 to vector<16xi32>
    %xor3A_1782 = arith.xori %iota3A_1581, %xor3A_1781 : vector<16xi32>
    %lt3A_1783 = arith.constant 0 : i32
    %lt3A_1784 = vector.broadcast %lt3A_1783 : i32 to vector<16xi32>
    %lt3A_1785 = arith.cmpi slt, %xor3A_1782, %lt3A_1784 : vector<16xi32>
    %add3A_1786 = arith.constant 16 : i32
    %add3A_1787 = vector.broadcast %add3A_1786 : i32 to vector<16xi32>
    %add3A_1788 = arith.addi %xor3A_1782, %add3A_1787 : vector<16xi32>
    %select_n3A_1789 = arith.select %lt3A_1785, %add3A_1788, %xor3A_1782 : vector<16xi1>, vector<16xi32>
    %broadcast_in_dim3A_1790 = vector.shape_cast %select_n3A_1789 : vector<16xi32> to vector<16x1xi32>
    %gather3A_1791 = vector.shape_cast %broadcast_in_dim3A_1790 : vector<16x1xi32> to vector<16xi32>
    %gather3A_1792 = tpu.dynamic_gather %max3A_1779[%gather3A_1791] in [0] : vector<16xf32>, vector<16xi32> -> vector<16xf32>
    %max3A_1793 = arith.maximumf %max3A_1779, %gather3A_1792 : vector<16xf32>
    %xor3A_1794 = arith.constant 2 : i32
    %xor3A_1795 = vector.broadcast %xor3A_1794 : i32 to vector<16xi32>
    %xor3A_1796 = arith.xori %iota3A_1581, %xor3A_1795 : vector<16xi32>
    %lt3A_1797 = arith.constant 0 : i32
    %lt3A_1798 = vector.broadcast %lt3A_1797 : i32 to vector<16xi32>
    %lt3A_1799 = arith.cmpi slt, %xor3A_1796, %lt3A_1798 : vector<16xi32>
    %add3A_1800 = arith.constant 16 : i32
    %add3A_1801 = vector.broadcast %add3A_1800 : i32 to vector<16xi32>
    %add3A_1802 = arith.addi %xor3A_1796, %add3A_1801 : vector<16xi32>
    %select_n3A_1803 = arith.select %lt3A_1799, %add3A_1802, %xor3A_1796 : vector<16xi1>, vector<16xi32>
    %broadcast_in_dim3A_1804 = vector.shape_cast %select_n3A_1803 : vector<16xi32> to vector<16x1xi32>
    %gather3A_1805 = vector.shape_cast %broadcast_in_dim3A_1804 : vector<16x1xi32> to vector<16xi32>
    %gather3A_1806 = tpu.dynamic_gather %max3A_1793[%gather3A_1805] in [0] : vector<16xf32>, vector<16xi32> -> vector<16xf32>
    %max3A_1807 = arith.maximumf %max3A_1793, %gather3A_1806 : vector<16xf32>
    %xor3A_1808 = arith.constant 1 : i32
    %xor3A_1809 = vector.broadcast %xor3A_1808 : i32 to vector<16xi32>
    %xor3A_1810 = arith.xori %iota3A_1581, %xor3A_1809 : vector<16xi32>
    %lt3A_1811 = arith.constant 0 : i32
    %lt3A_1812 = vector.broadcast %lt3A_1811 : i32 to vector<16xi32>
    %lt3A_1813 = arith.cmpi slt, %xor3A_1810, %lt3A_1812 : vector<16xi32>
    %add3A_1814 = arith.constant 16 : i32
    %add3A_1815 = vector.broadcast %add3A_1814 : i32 to vector<16xi32>
    %add3A_1816 = arith.addi %xor3A_1810, %add3A_1815 : vector<16xi32>
    %select_n3A_1817 = arith.select %lt3A_1813, %add3A_1816, %xor3A_1810 : vector<16xi1>, vector<16xi32>
    %broadcast_in_dim3A_1818 = vector.shape_cast %select_n3A_1817 : vector<16xi32> to vector<16x1xi32>
    %gather3A_1819 = vector.shape_cast %broadcast_in_dim3A_1818 : vector<16x1xi32> to vector<16xi32>
    %gather3A_1820 = tpu.dynamic_gather %max3A_1807[%gather3A_1819] in [0] : vector<16xf32>, vector<16xi32> -> vector<16xf32>
    %max3A_1821 = arith.maximumf %max3A_1807, %gather3A_1820 : vector<16xf32>
    %broadcast_in_dim3A_1822 = arith.constant 127 : i32
    %broadcast_in_dim3A_1823 = vector.broadcast %broadcast_in_dim3A_1822 : i32 to vector<16xi32>
    %eq3A_1824 = arith.cmpf oeq, %select_n3A_1738, %max3A_1821 : vector<16xf32>
    %add3A_1825 = arith.constant 0 : i32
    %add3A_1826 = vector.broadcast %add3A_1825 : i32 to vector<16xi32>
    %add3A_1827 = arith.addi %iota3A_1581, %add3A_1826 : vector<16xi32>
    %jit3A_1828 = arith.constant 127 : i32
    %broadcast_in_dim3A_1829 = vector.broadcast %jit3A_1828 : i32 to vector<16xi32>
    %select_n3A_1830 = arith.select %eq3A_1824, %add3A_1827, %broadcast_in_dim3A_1829 : vector<16xi1>, vector<16xi32>
    %min3A_1831 = arith.minsi %broadcast_in_dim3A_1823, %select_n3A_1830 : vector<16xi32>
    %eq3A_1832 = arith.cmpf oeq, %select_n3A_1746, %max3A_1821 : vector<16xf32>
    %add3A_1833 = arith.constant 16 : i32
    %add3A_1834 = vector.broadcast %add3A_1833 : i32 to vector<16xi32>
    %add3A_1835 = arith.addi %iota3A_1581, %add3A_1834 : vector<16xi32>
    %jit3A_1836 = arith.constant 127 : i32
    %broadcast_in_dim3A_1837 = vector.broadcast %jit3A_1836 : i32 to vector<16xi32>
    %select_n3A_1838 = arith.select %eq3A_1832, %add3A_1835, %broadcast_in_dim3A_1837 : vector<16xi1>, vector<16xi32>
    %min3A_1839 = arith.minsi %min3A_1831, %select_n3A_1838 : vector<16xi32>
    %eq3A_1840 = arith.cmpf oeq, %select_n3A_1754, %max3A_1821 : vector<16xf32>
    %add3A_1841 = arith.constant 32 : i32
    %add3A_1842 = vector.broadcast %add3A_1841 : i32 to vector<16xi32>
    %add3A_1843 = arith.addi %iota3A_1581, %add3A_1842 : vector<16xi32>
    %jit3A_1844 = arith.constant 127 : i32
    %broadcast_in_dim3A_1845 = vector.broadcast %jit3A_1844 : i32 to vector<16xi32>
    %select_n3A_1846 = arith.select %eq3A_1840, %add3A_1843, %broadcast_in_dim3A_1845 : vector<16xi1>, vector<16xi32>
    %min3A_1847 = arith.minsi %min3A_1839, %select_n3A_1846 : vector<16xi32>
    %eq3A_1848 = arith.cmpf oeq, %select_n3A_1762, %max3A_1821 : vector<16xf32>
    %add3A_1849 = arith.constant 48 : i32
    %add3A_1850 = vector.broadcast %add3A_1849 : i32 to vector<16xi32>
    %add3A_1851 = arith.addi %iota3A_1581, %add3A_1850 : vector<16xi32>
    %jit3A_1852 = arith.constant 127 : i32
    %broadcast_in_dim3A_1853 = vector.broadcast %jit3A_1852 : i32 to vector<16xi32>
    %select_n3A_1854 = arith.select %eq3A_1848, %add3A_1851, %broadcast_in_dim3A_1853 : vector<16xi1>, vector<16xi32>
    %min3A_1855 = arith.minsi %min3A_1847, %select_n3A_1854 : vector<16xi32>
    %xor3A_1856 = arith.constant 8 : i32
    %xor3A_1857 = vector.broadcast %xor3A_1856 : i32 to vector<16xi32>
    %xor3A_1858 = arith.xori %iota3A_1581, %xor3A_1857 : vector<16xi32>
    %lt3A_1859 = arith.constant 0 : i32
    %lt3A_1860 = vector.broadcast %lt3A_1859 : i32 to vector<16xi32>
    %lt3A_1861 = arith.cmpi slt, %xor3A_1858, %lt3A_1860 : vector<16xi32>
    %add3A_1862 = arith.constant 16 : i32
    %add3A_1863 = vector.broadcast %add3A_1862 : i32 to vector<16xi32>
    %add3A_1864 = arith.addi %xor3A_1858, %add3A_1863 : vector<16xi32>
    %select_n3A_1865 = arith.select %lt3A_1861, %add3A_1864, %xor3A_1858 : vector<16xi1>, vector<16xi32>
    %broadcast_in_dim3A_1866 = vector.shape_cast %select_n3A_1865 : vector<16xi32> to vector<16x1xi32>
    %gather3A_1867 = vector.shape_cast %broadcast_in_dim3A_1866 : vector<16x1xi32> to vector<16xi32>
    %gather3A_1868 = tpu.dynamic_gather %min3A_1855[%gather3A_1867] in [0] : vector<16xi32>, vector<16xi32> -> vector<16xi32>
    %min3A_1869 = arith.minsi %min3A_1855, %gather3A_1868 : vector<16xi32>
    %xor3A_1870 = arith.constant 4 : i32
    %xor3A_1871 = vector.broadcast %xor3A_1870 : i32 to vector<16xi32>
    %xor3A_1872 = arith.xori %iota3A_1581, %xor3A_1871 : vector<16xi32>
    %lt3A_1873 = arith.constant 0 : i32
    %lt3A_1874 = vector.broadcast %lt3A_1873 : i32 to vector<16xi32>
    %lt3A_1875 = arith.cmpi slt, %xor3A_1872, %lt3A_1874 : vector<16xi32>
    %add3A_1876 = arith.constant 16 : i32
    %add3A_1877 = vector.broadcast %add3A_1876 : i32 to vector<16xi32>
    %add3A_1878 = arith.addi %xor3A_1872, %add3A_1877 : vector<16xi32>
    %select_n3A_1879 = arith.select %lt3A_1875, %add3A_1878, %xor3A_1872 : vector<16xi1>, vector<16xi32>
    %broadcast_in_dim3A_1880 = vector.shape_cast %select_n3A_1879 : vector<16xi32> to vector<16x1xi32>
    %gather3A_1881 = vector.shape_cast %broadcast_in_dim3A_1880 : vector<16x1xi32> to vector<16xi32>
    %gather3A_1882 = tpu.dynamic_gather %min3A_1869[%gather3A_1881] in [0] : vector<16xi32>, vector<16xi32> -> vector<16xi32>
    %min3A_1883 = arith.minsi %min3A_1869, %gather3A_1882 : vector<16xi32>
    %xor3A_1884 = arith.constant 2 : i32
    %xor3A_1885 = vector.broadcast %xor3A_1884 : i32 to vector<16xi32>
    %xor3A_1886 = arith.xori %iota3A_1581, %xor3A_1885 : vector<16xi32>
    %lt3A_1887 = arith.constant 0 : i32
    %lt3A_1888 = vector.broadcast %lt3A_1887 : i32 to vector<16xi32>
    %lt3A_1889 = arith.cmpi slt, %xor3A_1886, %lt3A_1888 : vector<16xi32>
    %add3A_1890 = arith.constant 16 : i32
    %add3A_1891 = vector.broadcast %add3A_1890 : i32 to vector<16xi32>
    %add3A_1892 = arith.addi %xor3A_1886, %add3A_1891 : vector<16xi32>
    %select_n3A_1893 = arith.select %lt3A_1889, %add3A_1892, %xor3A_1886 : vector<16xi1>, vector<16xi32>
    %broadcast_in_dim3A_1894 = vector.shape_cast %select_n3A_1893 : vector<16xi32> to vector<16x1xi32>
    %gather3A_1895 = vector.shape_cast %broadcast_in_dim3A_1894 : vector<16x1xi32> to vector<16xi32>
    %gather3A_1896 = tpu.dynamic_gather %min3A_1883[%gather3A_1895] in [0] : vector<16xi32>, vector<16xi32> -> vector<16xi32>
    %min3A_1897 = arith.minsi %min3A_1883, %gather3A_1896 : vector<16xi32>
    %xor3A_1898 = arith.constant 1 : i32
    %xor3A_1899 = vector.broadcast %xor3A_1898 : i32 to vector<16xi32>
    %xor3A_1900 = arith.xori %iota3A_1581, %xor3A_1899 : vector<16xi32>
    %lt3A_1901 = arith.constant 0 : i32
    %lt3A_1902 = vector.broadcast %lt3A_1901 : i32 to vector<16xi32>
    %lt3A_1903 = arith.cmpi slt, %xor3A_1900, %lt3A_1902 : vector<16xi32>
    %add3A_1904 = arith.constant 16 : i32
    %add3A_1905 = vector.broadcast %add3A_1904 : i32 to vector<16xi32>
    %add3A_1906 = arith.addi %xor3A_1900, %add3A_1905 : vector<16xi32>
    %select_n3A_1907 = arith.select %lt3A_1903, %add3A_1906, %xor3A_1900 : vector<16xi1>, vector<16xi32>
    %broadcast_in_dim3A_1908 = vector.shape_cast %select_n3A_1907 : vector<16xi32> to vector<16x1xi32>
    %gather3A_1909 = vector.shape_cast %broadcast_in_dim3A_1908 : vector<16x1xi32> to vector<16xi32>
    %gather3A_1910 = tpu.dynamic_gather %min3A_1897[%gather3A_1909] in [0] : vector<16xi32>, vector<16xi32> -> vector<16xi32>
    %min3A_1911 = arith.minsi %min3A_1897, %gather3A_1910 : vector<16xi32>
    %add3A_1912 = arith.constant 0 : i32
    %add3A_1913 = vector.broadcast %add3A_1912 : i32 to vector<16xi32>
    %add3A_1914 = arith.addi %iota3A_1581, %add3A_1913 : vector<16xi32>
    %eq3A_1915 = arith.cmpi eq, %add3A_1914, %min3A_1911 : vector<16xi32>
    %or3A_1916 = arith.ori %or3A_1735, %eq3A_1915 : vector<16xi1>
    %jit3A_1917 = arith.constant -1.000000e+30 : f32
    %broadcast_in_dim3A_1918 = vector.broadcast %jit3A_1917 : f32 to vector<16xf32>
    %select_n3A_1919 = arith.select %eq3A_1915, %broadcast_in_dim3A_1918, %select_n3A_1738 : vector<16xi1>, vector<16xf32>
    %add3A_1920 = arith.constant 16 : i32
    %add3A_1921 = vector.broadcast %add3A_1920 : i32 to vector<16xi32>
    %add3A_1922 = arith.addi %iota3A_1581, %add3A_1921 : vector<16xi32>
    %eq3A_1923 = arith.cmpi eq, %add3A_1922, %min3A_1911 : vector<16xi32>
    %or3A_1924 = arith.ori %or3A_1743, %eq3A_1923 : vector<16xi1>
    %jit3A_1925 = arith.constant -1.000000e+30 : f32
    %broadcast_in_dim3A_1926 = vector.broadcast %jit3A_1925 : f32 to vector<16xf32>
    %select_n3A_1927 = arith.select %eq3A_1923, %broadcast_in_dim3A_1926, %select_n3A_1746 : vector<16xi1>, vector<16xf32>
    %add3A_1928 = arith.constant 32 : i32
    %add3A_1929 = vector.broadcast %add3A_1928 : i32 to vector<16xi32>
    %add3A_1930 = arith.addi %iota3A_1581, %add3A_1929 : vector<16xi32>
    %eq3A_1931 = arith.cmpi eq, %add3A_1930, %min3A_1911 : vector<16xi32>
    %or3A_1932 = arith.ori %or3A_1751, %eq3A_1931 : vector<16xi1>
    %jit3A_1933 = arith.constant -1.000000e+30 : f32
    %broadcast_in_dim3A_1934 = vector.broadcast %jit3A_1933 : f32 to vector<16xf32>
    %select_n3A_1935 = arith.select %eq3A_1931, %broadcast_in_dim3A_1934, %select_n3A_1754 : vector<16xi1>, vector<16xf32>
    %add3A_1936 = arith.constant 48 : i32
    %add3A_1937 = vector.broadcast %add3A_1936 : i32 to vector<16xi32>
    %add3A_1938 = arith.addi %iota3A_1581, %add3A_1937 : vector<16xi32>
    %eq3A_1939 = arith.cmpi eq, %add3A_1938, %min3A_1911 : vector<16xi32>
    %or3A_1940 = arith.ori %or3A_1759, %eq3A_1939 : vector<16xi1>
    %jit3A_1941 = arith.constant -1.000000e+30 : f32
    %broadcast_in_dim3A_1942 = vector.broadcast %jit3A_1941 : f32 to vector<16xf32>
    %select_n3A_1943 = arith.select %eq3A_1939, %broadcast_in_dim3A_1942, %select_n3A_1762 : vector<16xi1>, vector<16xf32>
    %max3A_1944 = arith.maximumf %select_n3A_1919, %select_n3A_1927 : vector<16xf32>
    %max3A_1945 = arith.maximumf %select_n3A_1935, %select_n3A_1943 : vector<16xf32>
    %max3A_1946 = arith.maximumf %max3A_1944, %max3A_1945 : vector<16xf32>
    %xor3A_1947 = arith.constant 8 : i32
    %xor3A_1948 = vector.broadcast %xor3A_1947 : i32 to vector<16xi32>
    %xor3A_1949 = arith.xori %iota3A_1581, %xor3A_1948 : vector<16xi32>
    %lt3A_1950 = arith.constant 0 : i32
    %lt3A_1951 = vector.broadcast %lt3A_1950 : i32 to vector<16xi32>
    %lt3A_1952 = arith.cmpi slt, %xor3A_1949, %lt3A_1951 : vector<16xi32>
    %add3A_1953 = arith.constant 16 : i32
    %add3A_1954 = vector.broadcast %add3A_1953 : i32 to vector<16xi32>
    %add3A_1955 = arith.addi %xor3A_1949, %add3A_1954 : vector<16xi32>
    %select_n3A_1956 = arith.select %lt3A_1952, %add3A_1955, %xor3A_1949 : vector<16xi1>, vector<16xi32>
    %broadcast_in_dim3A_1957 = vector.shape_cast %select_n3A_1956 : vector<16xi32> to vector<16x1xi32>
    %gather3A_1958 = vector.shape_cast %broadcast_in_dim3A_1957 : vector<16x1xi32> to vector<16xi32>
    %gather3A_1959 = tpu.dynamic_gather %max3A_1946[%gather3A_1958] in [0] : vector<16xf32>, vector<16xi32> -> vector<16xf32>
    %max3A_1960 = arith.maximumf %max3A_1946, %gather3A_1959 : vector<16xf32>
    %xor3A_1961 = arith.constant 4 : i32
    %xor3A_1962 = vector.broadcast %xor3A_1961 : i32 to vector<16xi32>
    %xor3A_1963 = arith.xori %iota3A_1581, %xor3A_1962 : vector<16xi32>
    %lt3A_1964 = arith.constant 0 : i32
    %lt3A_1965 = vector.broadcast %lt3A_1964 : i32 to vector<16xi32>
    %lt3A_1966 = arith.cmpi slt, %xor3A_1963, %lt3A_1965 : vector<16xi32>
    %add3A_1967 = arith.constant 16 : i32
    %add3A_1968 = vector.broadcast %add3A_1967 : i32 to vector<16xi32>
    %add3A_1969 = arith.addi %xor3A_1963, %add3A_1968 : vector<16xi32>
    %select_n3A_1970 = arith.select %lt3A_1966, %add3A_1969, %xor3A_1963 : vector<16xi1>, vector<16xi32>
    %broadcast_in_dim3A_1971 = vector.shape_cast %select_n3A_1970 : vector<16xi32> to vector<16x1xi32>
    %gather3A_1972 = vector.shape_cast %broadcast_in_dim3A_1971 : vector<16x1xi32> to vector<16xi32>
    %gather3A_1973 = tpu.dynamic_gather %max3A_1960[%gather3A_1972] in [0] : vector<16xf32>, vector<16xi32> -> vector<16xf32>
    %max3A_1974 = arith.maximumf %max3A_1960, %gather3A_1973 : vector<16xf32>
    %xor3A_1975 = arith.constant 2 : i32
    %xor3A_1976 = vector.broadcast %xor3A_1975 : i32 to vector<16xi32>
    %xor3A_1977 = arith.xori %iota3A_1581, %xor3A_1976 : vector<16xi32>
    %lt3A_1978 = arith.constant 0 : i32
    %lt3A_1979 = vector.broadcast %lt3A_1978 : i32 to vector<16xi32>
    %lt3A_1980 = arith.cmpi slt, %xor3A_1977, %lt3A_1979 : vector<16xi32>
    %add3A_1981 = arith.constant 16 : i32
    %add3A_1982 = vector.broadcast %add3A_1981 : i32 to vector<16xi32>
    %add3A_1983 = arith.addi %xor3A_1977, %add3A_1982 : vector<16xi32>
    %select_n3A_1984 = arith.select %lt3A_1980, %add3A_1983, %xor3A_1977 : vector<16xi1>, vector<16xi32>
    %broadcast_in_dim3A_1985 = vector.shape_cast %select_n3A_1984 : vector<16xi32> to vector<16x1xi32>
    %gather3A_1986 = vector.shape_cast %broadcast_in_dim3A_1985 : vector<16x1xi32> to vector<16xi32>
    %gather3A_1987 = tpu.dynamic_gather %max3A_1974[%gather3A_1986] in [0] : vector<16xf32>, vector<16xi32> -> vector<16xf32>
    %max3A_1988 = arith.maximumf %max3A_1974, %gather3A_1987 : vector<16xf32>
    %xor3A_1989 = arith.constant 1 : i32
    %xor3A_1990 = vector.broadcast %xor3A_1989 : i32 to vector<16xi32>
    %xor3A_1991 = arith.xori %iota3A_1581, %xor3A_1990 : vector<16xi32>
    %lt3A_1992 = arith.constant 0 : i32
    %lt3A_1993 = vector.broadcast %lt3A_1992 : i32 to vector<16xi32>
    %lt3A_1994 = arith.cmpi slt, %xor3A_1991, %lt3A_1993 : vector<16xi32>
    %add3A_1995 = arith.constant 16 : i32
    %add3A_1996 = vector.broadcast %add3A_1995 : i32 to vector<16xi32>
    %add3A_1997 = arith.addi %xor3A_1991, %add3A_1996 : vector<16xi32>
    %select_n3A_1998 = arith.select %lt3A_1994, %add3A_1997, %xor3A_1991 : vector<16xi1>, vector<16xi32>
    %broadcast_in_dim3A_1999 = vector.shape_cast %select_n3A_1998 : vector<16xi32> to vector<16x1xi32>
    %gather3A_2000 = vector.shape_cast %broadcast_in_dim3A_1999 : vector<16x1xi32> to vector<16xi32>
    %gather3A_2001 = tpu.dynamic_gather %max3A_1988[%gather3A_2000] in [0] : vector<16xf32>, vector<16xi32> -> vector<16xf32>
    %max3A_2002 = arith.maximumf %max3A_1988, %gather3A_2001 : vector<16xf32>
    %broadcast_in_dim3A_2003 = arith.constant 127 : i32
    %broadcast_in_dim3A_2004 = vector.broadcast %broadcast_in_dim3A_2003 : i32 to vector<16xi32>
    %eq3A_2005 = arith.cmpf oeq, %select_n3A_1919, %max3A_2002 : vector<16xf32>
    %add3A_2006 = arith.constant 0 : i32
    %add3A_2007 = vector.broadcast %add3A_2006 : i32 to vector<16xi32>
    %add3A_2008 = arith.addi %iota3A_1581, %add3A_2007 : vector<16xi32>
    %jit3A_2009 = arith.constant 127 : i32
    %broadcast_in_dim3A_2010 = vector.broadcast %jit3A_2009 : i32 to vector<16xi32>
    %select_n3A_2011 = arith.select %eq3A_2005, %add3A_2008, %broadcast_in_dim3A_2010 : vector<16xi1>, vector<16xi32>
    %min3A_2012 = arith.minsi %broadcast_in_dim3A_2004, %select_n3A_2011 : vector<16xi32>
    %eq3A_2013 = arith.cmpf oeq, %select_n3A_1927, %max3A_2002 : vector<16xf32>
    %add3A_2014 = arith.constant 16 : i32
    %add3A_2015 = vector.broadcast %add3A_2014 : i32 to vector<16xi32>
    %add3A_2016 = arith.addi %iota3A_1581, %add3A_2015 : vector<16xi32>
    %jit3A_2017 = arith.constant 127 : i32
    %broadcast_in_dim3A_2018 = vector.broadcast %jit3A_2017 : i32 to vector<16xi32>
    %select_n3A_2019 = arith.select %eq3A_2013, %add3A_2016, %broadcast_in_dim3A_2018 : vector<16xi1>, vector<16xi32>
    %min3A_2020 = arith.minsi %min3A_2012, %select_n3A_2019 : vector<16xi32>
    %eq3A_2021 = arith.cmpf oeq, %select_n3A_1935, %max3A_2002 : vector<16xf32>
    %add3A_2022 = arith.constant 32 : i32
    %add3A_2023 = vector.broadcast %add3A_2022 : i32 to vector<16xi32>
    %add3A_2024 = arith.addi %iota3A_1581, %add3A_2023 : vector<16xi32>
    %jit3A_2025 = arith.constant 127 : i32
    %broadcast_in_dim3A_2026 = vector.broadcast %jit3A_2025 : i32 to vector<16xi32>
    %select_n3A_2027 = arith.select %eq3A_2021, %add3A_2024, %broadcast_in_dim3A_2026 : vector<16xi1>, vector<16xi32>
    %min3A_2028 = arith.minsi %min3A_2020, %select_n3A_2027 : vector<16xi32>
    %eq3A_2029 = arith.cmpf oeq, %select_n3A_1943, %max3A_2002 : vector<16xf32>
    %add3A_2030 = arith.constant 48 : i32
    %add3A_2031 = vector.broadcast %add3A_2030 : i32 to vector<16xi32>
    %add3A_2032 = arith.addi %iota3A_1581, %add3A_2031 : vector<16xi32>
    %jit3A_2033 = arith.constant 127 : i32
    %broadcast_in_dim3A_2034 = vector.broadcast %jit3A_2033 : i32 to vector<16xi32>
    %select_n3A_2035 = arith.select %eq3A_2029, %add3A_2032, %broadcast_in_dim3A_2034 : vector<16xi1>, vector<16xi32>
    %min3A_2036 = arith.minsi %min3A_2028, %select_n3A_2035 : vector<16xi32>
    %xor3A_2037 = arith.constant 8 : i32
    %xor3A_2038 = vector.broadcast %xor3A_2037 : i32 to vector<16xi32>
    %xor3A_2039 = arith.xori %iota3A_1581, %xor3A_2038 : vector<16xi32>
    %lt3A_2040 = arith.constant 0 : i32
    %lt3A_2041 = vector.broadcast %lt3A_2040 : i32 to vector<16xi32>
    %lt3A_2042 = arith.cmpi slt, %xor3A_2039, %lt3A_2041 : vector<16xi32>
    %add3A_2043 = arith.constant 16 : i32
    %add3A_2044 = vector.broadcast %add3A_2043 : i32 to vector<16xi32>
    %add3A_2045 = arith.addi %xor3A_2039, %add3A_2044 : vector<16xi32>
    %select_n3A_2046 = arith.select %lt3A_2042, %add3A_2045, %xor3A_2039 : vector<16xi1>, vector<16xi32>
    %broadcast_in_dim3A_2047 = vector.shape_cast %select_n3A_2046 : vector<16xi32> to vector<16x1xi32>
    %gather3A_2048 = vector.shape_cast %broadcast_in_dim3A_2047 : vector<16x1xi32> to vector<16xi32>
    %gather3A_2049 = tpu.dynamic_gather %min3A_2036[%gather3A_2048] in [0] : vector<16xi32>, vector<16xi32> -> vector<16xi32>
    %min3A_2050 = arith.minsi %min3A_2036, %gather3A_2049 : vector<16xi32>
    %xor3A_2051 = arith.constant 4 : i32
    %xor3A_2052 = vector.broadcast %xor3A_2051 : i32 to vector<16xi32>
    %xor3A_2053 = arith.xori %iota3A_1581, %xor3A_2052 : vector<16xi32>
    %lt3A_2054 = arith.constant 0 : i32
    %lt3A_2055 = vector.broadcast %lt3A_2054 : i32 to vector<16xi32>
    %lt3A_2056 = arith.cmpi slt, %xor3A_2053, %lt3A_2055 : vector<16xi32>
    %add3A_2057 = arith.constant 16 : i32
    %add3A_2058 = vector.broadcast %add3A_2057 : i32 to vector<16xi32>
    %add3A_2059 = arith.addi %xor3A_2053, %add3A_2058 : vector<16xi32>
    %select_n3A_2060 = arith.select %lt3A_2056, %add3A_2059, %xor3A_2053 : vector<16xi1>, vector<16xi32>
    %broadcast_in_dim3A_2061 = vector.shape_cast %select_n3A_2060 : vector<16xi32> to vector<16x1xi32>
    %gather3A_2062 = vector.shape_cast %broadcast_in_dim3A_2061 : vector<16x1xi32> to vector<16xi32>
    %gather3A_2063 = tpu.dynamic_gather %min3A_2050[%gather3A_2062] in [0] : vector<16xi32>, vector<16xi32> -> vector<16xi32>
    %min3A_2064 = arith.minsi %min3A_2050, %gather3A_2063 : vector<16xi32>
    %xor3A_2065 = arith.constant 2 : i32
    %xor3A_2066 = vector.broadcast %xor3A_2065 : i32 to vector<16xi32>
    %xor3A_2067 = arith.xori %iota3A_1581, %xor3A_2066 : vector<16xi32>
    %lt3A_2068 = arith.constant 0 : i32
    %lt3A_2069 = vector.broadcast %lt3A_2068 : i32 to vector<16xi32>
    %lt3A_2070 = arith.cmpi slt, %xor3A_2067, %lt3A_2069 : vector<16xi32>
    %add3A_2071 = arith.constant 16 : i32
    %add3A_2072 = vector.broadcast %add3A_2071 : i32 to vector<16xi32>
    %add3A_2073 = arith.addi %xor3A_2067, %add3A_2072 : vector<16xi32>
    %select_n3A_2074 = arith.select %lt3A_2070, %add3A_2073, %xor3A_2067 : vector<16xi1>, vector<16xi32>
    %broadcast_in_dim3A_2075 = vector.shape_cast %select_n3A_2074 : vector<16xi32> to vector<16x1xi32>
    %gather3A_2076 = vector.shape_cast %broadcast_in_dim3A_2075 : vector<16x1xi32> to vector<16xi32>
    %gather3A_2077 = tpu.dynamic_gather %min3A_2064[%gather3A_2076] in [0] : vector<16xi32>, vector<16xi32> -> vector<16xi32>
    %min3A_2078 = arith.minsi %min3A_2064, %gather3A_2077 : vector<16xi32>
    %xor3A_2079 = arith.constant 1 : i32
    %xor3A_2080 = vector.broadcast %xor3A_2079 : i32 to vector<16xi32>
    %xor3A_2081 = arith.xori %iota3A_1581, %xor3A_2080 : vector<16xi32>
    %lt3A_2082 = arith.constant 0 : i32
    %lt3A_2083 = vector.broadcast %lt3A_2082 : i32 to vector<16xi32>
    %lt3A_2084 = arith.cmpi slt, %xor3A_2081, %lt3A_2083 : vector<16xi32>
    %add3A_2085 = arith.constant 16 : i32
    %add3A_2086 = vector.broadcast %add3A_2085 : i32 to vector<16xi32>
    %add3A_2087 = arith.addi %xor3A_2081, %add3A_2086 : vector<16xi32>
    %select_n3A_2088 = arith.select %lt3A_2084, %add3A_2087, %xor3A_2081 : vector<16xi1>, vector<16xi32>
    %broadcast_in_dim3A_2089 = vector.shape_cast %select_n3A_2088 : vector<16xi32> to vector<16x1xi32>
    %gather3A_2090 = vector.shape_cast %broadcast_in_dim3A_2089 : vector<16x1xi32> to vector<16xi32>
    %gather3A_2091 = tpu.dynamic_gather %min3A_2078[%gather3A_2090] in [0] : vector<16xi32>, vector<16xi32> -> vector<16xi32>
    %min3A_2092 = arith.minsi %min3A_2078, %gather3A_2091 : vector<16xi32>
    %add3A_2093 = arith.constant 0 : i32
    %add3A_2094 = vector.broadcast %add3A_2093 : i32 to vector<16xi32>
    %add3A_2095 = arith.addi %iota3A_1581, %add3A_2094 : vector<16xi32>
    %eq3A_2096 = arith.cmpi eq, %add3A_2095, %min3A_2092 : vector<16xi32>
    %or3A_2097 = arith.ori %or3A_1916, %eq3A_2096 : vector<16xi1>
    %jit3A_2098 = arith.constant -1.000000e+30 : f32
    %broadcast_in_dim3A_2099 = vector.broadcast %jit3A_2098 : f32 to vector<16xf32>
    %select_n3A_2100 = arith.select %eq3A_2096, %broadcast_in_dim3A_2099, %select_n3A_1919 : vector<16xi1>, vector<16xf32>
    %add3A_2101 = arith.constant 16 : i32
    %add3A_2102 = vector.broadcast %add3A_2101 : i32 to vector<16xi32>
    %add3A_2103 = arith.addi %iota3A_1581, %add3A_2102 : vector<16xi32>
    %eq3A_2104 = arith.cmpi eq, %add3A_2103, %min3A_2092 : vector<16xi32>
    %or3A_2105 = arith.ori %or3A_1924, %eq3A_2104 : vector<16xi1>
    %jit3A_2106 = arith.constant -1.000000e+30 : f32
    %broadcast_in_dim3A_2107 = vector.broadcast %jit3A_2106 : f32 to vector<16xf32>
    %select_n3A_2108 = arith.select %eq3A_2104, %broadcast_in_dim3A_2107, %select_n3A_1927 : vector<16xi1>, vector<16xf32>
    %add3A_2109 = arith.constant 32 : i32
    %add3A_2110 = vector.broadcast %add3A_2109 : i32 to vector<16xi32>
    %add3A_2111 = arith.addi %iota3A_1581, %add3A_2110 : vector<16xi32>
    %eq3A_2112 = arith.cmpi eq, %add3A_2111, %min3A_2092 : vector<16xi32>
    %or3A_2113 = arith.ori %or3A_1932, %eq3A_2112 : vector<16xi1>
    %jit3A_2114 = arith.constant -1.000000e+30 : f32
    %broadcast_in_dim3A_2115 = vector.broadcast %jit3A_2114 : f32 to vector<16xf32>
    %select_n3A_2116 = arith.select %eq3A_2112, %broadcast_in_dim3A_2115, %select_n3A_1935 : vector<16xi1>, vector<16xf32>
    %add3A_2117 = arith.constant 48 : i32
    %add3A_2118 = vector.broadcast %add3A_2117 : i32 to vector<16xi32>
    %add3A_2119 = arith.addi %iota3A_1581, %add3A_2118 : vector<16xi32>
    %eq3A_2120 = arith.cmpi eq, %add3A_2119, %min3A_2092 : vector<16xi32>
    %or3A_2121 = arith.ori %or3A_1940, %eq3A_2120 : vector<16xi1>
    %jit3A_2122 = arith.constant -1.000000e+30 : f32
    %broadcast_in_dim3A_2123 = vector.broadcast %jit3A_2122 : f32 to vector<16xf32>
    %select_n3A_2124 = arith.select %eq3A_2120, %broadcast_in_dim3A_2123, %select_n3A_1943 : vector<16xi1>, vector<16xf32>
    %max3A_2125 = arith.maximumf %select_n3A_2100, %select_n3A_2108 : vector<16xf32>
    %max3A_2126 = arith.maximumf %select_n3A_2116, %select_n3A_2124 : vector<16xf32>
    %max3A_2127 = arith.maximumf %max3A_2125, %max3A_2126 : vector<16xf32>
    %xor3A_2128 = arith.constant 8 : i32
    %xor3A_2129 = vector.broadcast %xor3A_2128 : i32 to vector<16xi32>
    %xor3A_2130 = arith.xori %iota3A_1581, %xor3A_2129 : vector<16xi32>
    %lt3A_2131 = arith.constant 0 : i32
    %lt3A_2132 = vector.broadcast %lt3A_2131 : i32 to vector<16xi32>
    %lt3A_2133 = arith.cmpi slt, %xor3A_2130, %lt3A_2132 : vector<16xi32>
    %add3A_2134 = arith.constant 16 : i32
    %add3A_2135 = vector.broadcast %add3A_2134 : i32 to vector<16xi32>
    %add3A_2136 = arith.addi %xor3A_2130, %add3A_2135 : vector<16xi32>
    %select_n3A_2137 = arith.select %lt3A_2133, %add3A_2136, %xor3A_2130 : vector<16xi1>, vector<16xi32>
    %broadcast_in_dim3A_2138 = vector.shape_cast %select_n3A_2137 : vector<16xi32> to vector<16x1xi32>
    %gather3A_2139 = vector.shape_cast %broadcast_in_dim3A_2138 : vector<16x1xi32> to vector<16xi32>
    %gather3A_2140 = tpu.dynamic_gather %max3A_2127[%gather3A_2139] in [0] : vector<16xf32>, vector<16xi32> -> vector<16xf32>
    %max3A_2141 = arith.maximumf %max3A_2127, %gather3A_2140 : vector<16xf32>
    %xor3A_2142 = arith.constant 4 : i32
    %xor3A_2143 = vector.broadcast %xor3A_2142 : i32 to vector<16xi32>
    %xor3A_2144 = arith.xori %iota3A_1581, %xor3A_2143 : vector<16xi32>
    %lt3A_2145 = arith.constant 0 : i32
    %lt3A_2146 = vector.broadcast %lt3A_2145 : i32 to vector<16xi32>
    %lt3A_2147 = arith.cmpi slt, %xor3A_2144, %lt3A_2146 : vector<16xi32>
    %add3A_2148 = arith.constant 16 : i32
    %add3A_2149 = vector.broadcast %add3A_2148 : i32 to vector<16xi32>
    %add3A_2150 = arith.addi %xor3A_2144, %add3A_2149 : vector<16xi32>
    %select_n3A_2151 = arith.select %lt3A_2147, %add3A_2150, %xor3A_2144 : vector<16xi1>, vector<16xi32>
    %broadcast_in_dim3A_2152 = vector.shape_cast %select_n3A_2151 : vector<16xi32> to vector<16x1xi32>
    %gather3A_2153 = vector.shape_cast %broadcast_in_dim3A_2152 : vector<16x1xi32> to vector<16xi32>
    %gather3A_2154 = tpu.dynamic_gather %max3A_2141[%gather3A_2153] in [0] : vector<16xf32>, vector<16xi32> -> vector<16xf32>
    %max3A_2155 = arith.maximumf %max3A_2141, %gather3A_2154 : vector<16xf32>
    %xor3A_2156 = arith.constant 2 : i32
    %xor3A_2157 = vector.broadcast %xor3A_2156 : i32 to vector<16xi32>
    %xor3A_2158 = arith.xori %iota3A_1581, %xor3A_2157 : vector<16xi32>
    %lt3A_2159 = arith.constant 0 : i32
    %lt3A_2160 = vector.broadcast %lt3A_2159 : i32 to vector<16xi32>
    %lt3A_2161 = arith.cmpi slt, %xor3A_2158, %lt3A_2160 : vector<16xi32>
    %add3A_2162 = arith.constant 16 : i32
    %add3A_2163 = vector.broadcast %add3A_2162 : i32 to vector<16xi32>
    %add3A_2164 = arith.addi %xor3A_2158, %add3A_2163 : vector<16xi32>
    %select_n3A_2165 = arith.select %lt3A_2161, %add3A_2164, %xor3A_2158 : vector<16xi1>, vector<16xi32>
    %broadcast_in_dim3A_2166 = vector.shape_cast %select_n3A_2165 : vector<16xi32> to vector<16x1xi32>
    %gather3A_2167 = vector.shape_cast %broadcast_in_dim3A_2166 : vector<16x1xi32> to vector<16xi32>
    %gather3A_2168 = tpu.dynamic_gather %max3A_2155[%gather3A_2167] in [0] : vector<16xf32>, vector<16xi32> -> vector<16xf32>
    %max3A_2169 = arith.maximumf %max3A_2155, %gather3A_2168 : vector<16xf32>
    %xor3A_2170 = arith.constant 1 : i32
    %xor3A_2171 = vector.broadcast %xor3A_2170 : i32 to vector<16xi32>
    %xor3A_2172 = arith.xori %iota3A_1581, %xor3A_2171 : vector<16xi32>
    %lt3A_2173 = arith.constant 0 : i32
    %lt3A_2174 = vector.broadcast %lt3A_2173 : i32 to vector<16xi32>
    %lt3A_2175 = arith.cmpi slt, %xor3A_2172, %lt3A_2174 : vector<16xi32>
    %add3A_2176 = arith.constant 16 : i32
    %add3A_2177 = vector.broadcast %add3A_2176 : i32 to vector<16xi32>
    %add3A_2178 = arith.addi %xor3A_2172, %add3A_2177 : vector<16xi32>
    %select_n3A_2179 = arith.select %lt3A_2175, %add3A_2178, %xor3A_2172 : vector<16xi1>, vector<16xi32>
    %broadcast_in_dim3A_2180 = vector.shape_cast %select_n3A_2179 : vector<16xi32> to vector<16x1xi32>
    %gather3A_2181 = vector.shape_cast %broadcast_in_dim3A_2180 : vector<16x1xi32> to vector<16xi32>
    %gather3A_2182 = tpu.dynamic_gather %max3A_2169[%gather3A_2181] in [0] : vector<16xf32>, vector<16xi32> -> vector<16xf32>
    %max3A_2183 = arith.maximumf %max3A_2169, %gather3A_2182 : vector<16xf32>
    %broadcast_in_dim3A_2184 = arith.constant 127 : i32
    %broadcast_in_dim3A_2185 = vector.broadcast %broadcast_in_dim3A_2184 : i32 to vector<16xi32>
    %eq3A_2186 = arith.cmpf oeq, %select_n3A_2100, %max3A_2183 : vector<16xf32>
    %add3A_2187 = arith.constant 0 : i32
    %add3A_2188 = vector.broadcast %add3A_2187 : i32 to vector<16xi32>
    %add3A_2189 = arith.addi %iota3A_1581, %add3A_2188 : vector<16xi32>
    %jit3A_2190 = arith.constant 127 : i32
    %broadcast_in_dim3A_2191 = vector.broadcast %jit3A_2190 : i32 to vector<16xi32>
    %select_n3A_2192 = arith.select %eq3A_2186, %add3A_2189, %broadcast_in_dim3A_2191 : vector<16xi1>, vector<16xi32>
    %min3A_2193 = arith.minsi %broadcast_in_dim3A_2185, %select_n3A_2192 : vector<16xi32>
    %eq3A_2194 = arith.cmpf oeq, %select_n3A_2108, %max3A_2183 : vector<16xf32>
    %add3A_2195 = arith.constant 16 : i32
    %add3A_2196 = vector.broadcast %add3A_2195 : i32 to vector<16xi32>
    %add3A_2197 = arith.addi %iota3A_1581, %add3A_2196 : vector<16xi32>
    %jit3A_2198 = arith.constant 127 : i32
    %broadcast_in_dim3A_2199 = vector.broadcast %jit3A_2198 : i32 to vector<16xi32>
    %select_n3A_2200 = arith.select %eq3A_2194, %add3A_2197, %broadcast_in_dim3A_2199 : vector<16xi1>, vector<16xi32>
    %min3A_2201 = arith.minsi %min3A_2193, %select_n3A_2200 : vector<16xi32>
    %eq3A_2202 = arith.cmpf oeq, %select_n3A_2116, %max3A_2183 : vector<16xf32>
    %add3A_2203 = arith.constant 32 : i32
    %add3A_2204 = vector.broadcast %add3A_2203 : i32 to vector<16xi32>
    %add3A_2205 = arith.addi %iota3A_1581, %add3A_2204 : vector<16xi32>
    %jit3A_2206 = arith.constant 127 : i32
    %broadcast_in_dim3A_2207 = vector.broadcast %jit3A_2206 : i32 to vector<16xi32>
    %select_n3A_2208 = arith.select %eq3A_2202, %add3A_2205, %broadcast_in_dim3A_2207 : vector<16xi1>, vector<16xi32>
    %min3A_2209 = arith.minsi %min3A_2201, %select_n3A_2208 : vector<16xi32>
    %eq3A_2210 = arith.cmpf oeq, %select_n3A_2124, %max3A_2183 : vector<16xf32>
    %add3A_2211 = arith.constant 48 : i32
    %add3A_2212 = vector.broadcast %add3A_2211 : i32 to vector<16xi32>
    %add3A_2213 = arith.addi %iota3A_1581, %add3A_2212 : vector<16xi32>
    %jit3A_2214 = arith.constant 127 : i32
    %broadcast_in_dim3A_2215 = vector.broadcast %jit3A_2214 : i32 to vector<16xi32>
    %select_n3A_2216 = arith.select %eq3A_2210, %add3A_2213, %broadcast_in_dim3A_2215 : vector<16xi1>, vector<16xi32>
    %min3A_2217 = arith.minsi %min3A_2209, %select_n3A_2216 : vector<16xi32>
    %xor3A_2218 = arith.constant 8 : i32
    %xor3A_2219 = vector.broadcast %xor3A_2218 : i32 to vector<16xi32>
    %xor3A_2220 = arith.xori %iota3A_1581, %xor3A_2219 : vector<16xi32>
    %lt3A_2221 = arith.constant 0 : i32
    %lt3A_2222 = vector.broadcast %lt3A_2221 : i32 to vector<16xi32>
    %lt3A_2223 = arith.cmpi slt, %xor3A_2220, %lt3A_2222 : vector<16xi32>
    %add3A_2224 = arith.constant 16 : i32
    %add3A_2225 = vector.broadcast %add3A_2224 : i32 to vector<16xi32>
    %add3A_2226 = arith.addi %xor3A_2220, %add3A_2225 : vector<16xi32>
    %select_n3A_2227 = arith.select %lt3A_2223, %add3A_2226, %xor3A_2220 : vector<16xi1>, vector<16xi32>
    %broadcast_in_dim3A_2228 = vector.shape_cast %select_n3A_2227 : vector<16xi32> to vector<16x1xi32>
    %gather3A_2229 = vector.shape_cast %broadcast_in_dim3A_2228 : vector<16x1xi32> to vector<16xi32>
    %gather3A_2230 = tpu.dynamic_gather %min3A_2217[%gather3A_2229] in [0] : vector<16xi32>, vector<16xi32> -> vector<16xi32>
    %min3A_2231 = arith.minsi %min3A_2217, %gather3A_2230 : vector<16xi32>
    %xor3A_2232 = arith.constant 4 : i32
    %xor3A_2233 = vector.broadcast %xor3A_2232 : i32 to vector<16xi32>
    %xor3A_2234 = arith.xori %iota3A_1581, %xor3A_2233 : vector<16xi32>
    %lt3A_2235 = arith.constant 0 : i32
    %lt3A_2236 = vector.broadcast %lt3A_2235 : i32 to vector<16xi32>
    %lt3A_2237 = arith.cmpi slt, %xor3A_2234, %lt3A_2236 : vector<16xi32>
    %add3A_2238 = arith.constant 16 : i32
    %add3A_2239 = vector.broadcast %add3A_2238 : i32 to vector<16xi32>
    %add3A_2240 = arith.addi %xor3A_2234, %add3A_2239 : vector<16xi32>
    %select_n3A_2241 = arith.select %lt3A_2237, %add3A_2240, %xor3A_2234 : vector<16xi1>, vector<16xi32>
    %broadcast_in_dim3A_2242 = vector.shape_cast %select_n3A_2241 : vector<16xi32> to vector<16x1xi32>
    %gather3A_2243 = vector.shape_cast %broadcast_in_dim3A_2242 : vector<16x1xi32> to vector<16xi32>
    %gather3A_2244 = tpu.dynamic_gather %min3A_2231[%gather3A_2243] in [0] : vector<16xi32>, vector<16xi32> -> vector<16xi32>
    %min3A_2245 = arith.minsi %min3A_2231, %gather3A_2244 : vector<16xi32>
    %xor3A_2246 = arith.constant 2 : i32
    %xor3A_2247 = vector.broadcast %xor3A_2246 : i32 to vector<16xi32>
    %xor3A_2248 = arith.xori %iota3A_1581, %xor3A_2247 : vector<16xi32>
    %lt3A_2249 = arith.constant 0 : i32
    %lt3A_2250 = vector.broadcast %lt3A_2249 : i32 to vector<16xi32>
    %lt3A_2251 = arith.cmpi slt, %xor3A_2248, %lt3A_2250 : vector<16xi32>
    %add3A_2252 = arith.constant 16 : i32
    %add3A_2253 = vector.broadcast %add3A_2252 : i32 to vector<16xi32>
    %add3A_2254 = arith.addi %xor3A_2248, %add3A_2253 : vector<16xi32>
    %select_n3A_2255 = arith.select %lt3A_2251, %add3A_2254, %xor3A_2248 : vector<16xi1>, vector<16xi32>
    %broadcast_in_dim3A_2256 = vector.shape_cast %select_n3A_2255 : vector<16xi32> to vector<16x1xi32>
    %gather3A_2257 = vector.shape_cast %broadcast_in_dim3A_2256 : vector<16x1xi32> to vector<16xi32>
    %gather3A_2258 = tpu.dynamic_gather %min3A_2245[%gather3A_2257] in [0] : vector<16xi32>, vector<16xi32> -> vector<16xi32>
    %min3A_2259 = arith.minsi %min3A_2245, %gather3A_2258 : vector<16xi32>
    %xor3A_2260 = arith.constant 1 : i32
    %xor3A_2261 = vector.broadcast %xor3A_2260 : i32 to vector<16xi32>
    %xor3A_2262 = arith.xori %iota3A_1581, %xor3A_2261 : vector<16xi32>
    %lt3A_2263 = arith.constant 0 : i32
    %lt3A_2264 = vector.broadcast %lt3A_2263 : i32 to vector<16xi32>
    %lt3A_2265 = arith.cmpi slt, %xor3A_2262, %lt3A_2264 : vector<16xi32>
    %add3A_2266 = arith.constant 16 : i32
    %add3A_2267 = vector.broadcast %add3A_2266 : i32 to vector<16xi32>
    %add3A_2268 = arith.addi %xor3A_2262, %add3A_2267 : vector<16xi32>
    %select_n3A_2269 = arith.select %lt3A_2265, %add3A_2268, %xor3A_2262 : vector<16xi1>, vector<16xi32>
    %broadcast_in_dim3A_2270 = vector.shape_cast %select_n3A_2269 : vector<16xi32> to vector<16x1xi32>
    %gather3A_2271 = vector.shape_cast %broadcast_in_dim3A_2270 : vector<16x1xi32> to vector<16xi32>
    %gather3A_2272 = tpu.dynamic_gather %min3A_2259[%gather3A_2271] in [0] : vector<16xi32>, vector<16xi32> -> vector<16xi32>
    %min3A_2273 = arith.minsi %min3A_2259, %gather3A_2272 : vector<16xi32>
    %add3A_2274 = arith.constant 0 : i32
    %add3A_2275 = vector.broadcast %add3A_2274 : i32 to vector<16xi32>
    %add3A_2276 = arith.addi %iota3A_1581, %add3A_2275 : vector<16xi32>
    %eq3A_2277 = arith.cmpi eq, %add3A_2276, %min3A_2273 : vector<16xi32>
    %or3A_2278 = arith.ori %or3A_2097, %eq3A_2277 : vector<16xi1>
    %jit3A_2279 = arith.constant -1.000000e+30 : f32
    %broadcast_in_dim3A_2280 = vector.broadcast %jit3A_2279 : f32 to vector<16xf32>
    %select_n3A_2281 = arith.select %eq3A_2277, %broadcast_in_dim3A_2280, %select_n3A_2100 : vector<16xi1>, vector<16xf32>
    %add3A_2282 = arith.constant 16 : i32
    %add3A_2283 = vector.broadcast %add3A_2282 : i32 to vector<16xi32>
    %add3A_2284 = arith.addi %iota3A_1581, %add3A_2283 : vector<16xi32>
    %eq3A_2285 = arith.cmpi eq, %add3A_2284, %min3A_2273 : vector<16xi32>
    %or3A_2286 = arith.ori %or3A_2105, %eq3A_2285 : vector<16xi1>
    %jit3A_2287 = arith.constant -1.000000e+30 : f32
    %broadcast_in_dim3A_2288 = vector.broadcast %jit3A_2287 : f32 to vector<16xf32>
    %select_n3A_2289 = arith.select %eq3A_2285, %broadcast_in_dim3A_2288, %select_n3A_2108 : vector<16xi1>, vector<16xf32>
    %add3A_2290 = arith.constant 32 : i32
    %add3A_2291 = vector.broadcast %add3A_2290 : i32 to vector<16xi32>
    %add3A_2292 = arith.addi %iota3A_1581, %add3A_2291 : vector<16xi32>
    %eq3A_2293 = arith.cmpi eq, %add3A_2292, %min3A_2273 : vector<16xi32>
    %or3A_2294 = arith.ori %or3A_2113, %eq3A_2293 : vector<16xi1>
    %jit3A_2295 = arith.constant -1.000000e+30 : f32
    %broadcast_in_dim3A_2296 = vector.broadcast %jit3A_2295 : f32 to vector<16xf32>
    %select_n3A_2297 = arith.select %eq3A_2293, %broadcast_in_dim3A_2296, %select_n3A_2116 : vector<16xi1>, vector<16xf32>
    %add3A_2298 = arith.constant 48 : i32
    %add3A_2299 = vector.broadcast %add3A_2298 : i32 to vector<16xi32>
    %add3A_2300 = arith.addi %iota3A_1581, %add3A_2299 : vector<16xi32>
    %eq3A_2301 = arith.cmpi eq, %add3A_2300, %min3A_2273 : vector<16xi32>
    %or3A_2302 = arith.ori %or3A_2121, %eq3A_2301 : vector<16xi1>
    %jit3A_2303 = arith.constant -1.000000e+30 : f32
    %broadcast_in_dim3A_2304 = vector.broadcast %jit3A_2303 : f32 to vector<16xf32>
    %select_n3A_2305 = arith.select %eq3A_2301, %broadcast_in_dim3A_2304, %select_n3A_2124 : vector<16xi1>, vector<16xf32>
    %max3A_2306 = arith.maximumf %select_n3A_2281, %select_n3A_2289 : vector<16xf32>
    %max3A_2307 = arith.maximumf %select_n3A_2297, %select_n3A_2305 : vector<16xf32>
    %max3A_2308 = arith.maximumf %max3A_2306, %max3A_2307 : vector<16xf32>
    %xor3A_2309 = arith.constant 8 : i32
    %xor3A_2310 = vector.broadcast %xor3A_2309 : i32 to vector<16xi32>
    %xor3A_2311 = arith.xori %iota3A_1581, %xor3A_2310 : vector<16xi32>
    %lt3A_2312 = arith.constant 0 : i32
    %lt3A_2313 = vector.broadcast %lt3A_2312 : i32 to vector<16xi32>
    %lt3A_2314 = arith.cmpi slt, %xor3A_2311, %lt3A_2313 : vector<16xi32>
    %add3A_2315 = arith.constant 16 : i32
    %add3A_2316 = vector.broadcast %add3A_2315 : i32 to vector<16xi32>
    %add3A_2317 = arith.addi %xor3A_2311, %add3A_2316 : vector<16xi32>
    %select_n3A_2318 = arith.select %lt3A_2314, %add3A_2317, %xor3A_2311 : vector<16xi1>, vector<16xi32>
    %broadcast_in_dim3A_2319 = vector.shape_cast %select_n3A_2318 : vector<16xi32> to vector<16x1xi32>
    %gather3A_2320 = vector.shape_cast %broadcast_in_dim3A_2319 : vector<16x1xi32> to vector<16xi32>
    %gather3A_2321 = tpu.dynamic_gather %max3A_2308[%gather3A_2320] in [0] : vector<16xf32>, vector<16xi32> -> vector<16xf32>
    %max3A_2322 = arith.maximumf %max3A_2308, %gather3A_2321 : vector<16xf32>
    %xor3A_2323 = arith.constant 4 : i32
    %xor3A_2324 = vector.broadcast %xor3A_2323 : i32 to vector<16xi32>
    %xor3A_2325 = arith.xori %iota3A_1581, %xor3A_2324 : vector<16xi32>
    %lt3A_2326 = arith.constant 0 : i32
    %lt3A_2327 = vector.broadcast %lt3A_2326 : i32 to vector<16xi32>
    %lt3A_2328 = arith.cmpi slt, %xor3A_2325, %lt3A_2327 : vector<16xi32>
    %add3A_2329 = arith.constant 16 : i32
    %add3A_2330 = vector.broadcast %add3A_2329 : i32 to vector<16xi32>
    %add3A_2331 = arith.addi %xor3A_2325, %add3A_2330 : vector<16xi32>
    %select_n3A_2332 = arith.select %lt3A_2328, %add3A_2331, %xor3A_2325 : vector<16xi1>, vector<16xi32>
    %broadcast_in_dim3A_2333 = vector.shape_cast %select_n3A_2332 : vector<16xi32> to vector<16x1xi32>
    %gather3A_2334 = vector.shape_cast %broadcast_in_dim3A_2333 : vector<16x1xi32> to vector<16xi32>
    %gather3A_2335 = tpu.dynamic_gather %max3A_2322[%gather3A_2334] in [0] : vector<16xf32>, vector<16xi32> -> vector<16xf32>
    %max3A_2336 = arith.maximumf %max3A_2322, %gather3A_2335 : vector<16xf32>
    %xor3A_2337 = arith.constant 2 : i32
    %xor3A_2338 = vector.broadcast %xor3A_2337 : i32 to vector<16xi32>
    %xor3A_2339 = arith.xori %iota3A_1581, %xor3A_2338 : vector<16xi32>
    %lt3A_2340 = arith.constant 0 : i32
    %lt3A_2341 = vector.broadcast %lt3A_2340 : i32 to vector<16xi32>
    %lt3A_2342 = arith.cmpi slt, %xor3A_2339, %lt3A_2341 : vector<16xi32>
    %add3A_2343 = arith.constant 16 : i32
    %add3A_2344 = vector.broadcast %add3A_2343 : i32 to vector<16xi32>
    %add3A_2345 = arith.addi %xor3A_2339, %add3A_2344 : vector<16xi32>
    %select_n3A_2346 = arith.select %lt3A_2342, %add3A_2345, %xor3A_2339 : vector<16xi1>, vector<16xi32>
    %broadcast_in_dim3A_2347 = vector.shape_cast %select_n3A_2346 : vector<16xi32> to vector<16x1xi32>
    %gather3A_2348 = vector.shape_cast %broadcast_in_dim3A_2347 : vector<16x1xi32> to vector<16xi32>
    %gather3A_2349 = tpu.dynamic_gather %max3A_2336[%gather3A_2348] in [0] : vector<16xf32>, vector<16xi32> -> vector<16xf32>
    %max3A_2350 = arith.maximumf %max3A_2336, %gather3A_2349 : vector<16xf32>
    %xor3A_2351 = arith.constant 1 : i32
    %xor3A_2352 = vector.broadcast %xor3A_2351 : i32 to vector<16xi32>
    %xor3A_2353 = arith.xori %iota3A_1581, %xor3A_2352 : vector<16xi32>
    %lt3A_2354 = arith.constant 0 : i32
    %lt3A_2355 = vector.broadcast %lt3A_2354 : i32 to vector<16xi32>
    %lt3A_2356 = arith.cmpi slt, %xor3A_2353, %lt3A_2355 : vector<16xi32>
    %add3A_2357 = arith.constant 16 : i32
    %add3A_2358 = vector.broadcast %add3A_2357 : i32 to vector<16xi32>
    %add3A_2359 = arith.addi %xor3A_2353, %add3A_2358 : vector<16xi32>
    %select_n3A_2360 = arith.select %lt3A_2356, %add3A_2359, %xor3A_2353 : vector<16xi1>, vector<16xi32>
    %broadcast_in_dim3A_2361 = vector.shape_cast %select_n3A_2360 : vector<16xi32> to vector<16x1xi32>
    %gather3A_2362 = vector.shape_cast %broadcast_in_dim3A_2361 : vector<16x1xi32> to vector<16xi32>
    %gather3A_2363 = tpu.dynamic_gather %max3A_2350[%gather3A_2362] in [0] : vector<16xf32>, vector<16xi32> -> vector<16xf32>
    %max3A_2364 = arith.maximumf %max3A_2350, %gather3A_2363 : vector<16xf32>
    %broadcast_in_dim3A_2365 = arith.constant 127 : i32
    %broadcast_in_dim3A_2366 = vector.broadcast %broadcast_in_dim3A_2365 : i32 to vector<16xi32>
    %eq3A_2367 = arith.cmpf oeq, %select_n3A_2281, %max3A_2364 : vector<16xf32>
    %add3A_2368 = arith.constant 0 : i32
    %add3A_2369 = vector.broadcast %add3A_2368 : i32 to vector<16xi32>
    %add3A_2370 = arith.addi %iota3A_1581, %add3A_2369 : vector<16xi32>
    %jit3A_2371 = arith.constant 127 : i32
    %broadcast_in_dim3A_2372 = vector.broadcast %jit3A_2371 : i32 to vector<16xi32>
    %select_n3A_2373 = arith.select %eq3A_2367, %add3A_2370, %broadcast_in_dim3A_2372 : vector<16xi1>, vector<16xi32>
    %min3A_2374 = arith.minsi %broadcast_in_dim3A_2366, %select_n3A_2373 : vector<16xi32>
    %eq3A_2375 = arith.cmpf oeq, %select_n3A_2289, %max3A_2364 : vector<16xf32>
    %add3A_2376 = arith.constant 16 : i32
    %add3A_2377 = vector.broadcast %add3A_2376 : i32 to vector<16xi32>
    %add3A_2378 = arith.addi %iota3A_1581, %add3A_2377 : vector<16xi32>
    %jit3A_2379 = arith.constant 127 : i32
    %broadcast_in_dim3A_2380 = vector.broadcast %jit3A_2379 : i32 to vector<16xi32>
    %select_n3A_2381 = arith.select %eq3A_2375, %add3A_2378, %broadcast_in_dim3A_2380 : vector<16xi1>, vector<16xi32>
    %min3A_2382 = arith.minsi %min3A_2374, %select_n3A_2381 : vector<16xi32>
    %eq3A_2383 = arith.cmpf oeq, %select_n3A_2297, %max3A_2364 : vector<16xf32>
    %add3A_2384 = arith.constant 32 : i32
    %add3A_2385 = vector.broadcast %add3A_2384 : i32 to vector<16xi32>
    %add3A_2386 = arith.addi %iota3A_1581, %add3A_2385 : vector<16xi32>
    %jit3A_2387 = arith.constant 127 : i32
    %broadcast_in_dim3A_2388 = vector.broadcast %jit3A_2387 : i32 to vector<16xi32>
    %select_n3A_2389 = arith.select %eq3A_2383, %add3A_2386, %broadcast_in_dim3A_2388 : vector<16xi1>, vector<16xi32>
    %min3A_2390 = arith.minsi %min3A_2382, %select_n3A_2389 : vector<16xi32>
    %eq3A_2391 = arith.cmpf oeq, %select_n3A_2305, %max3A_2364 : vector<16xf32>
    %add3A_2392 = arith.constant 48 : i32
    %add3A_2393 = vector.broadcast %add3A_2392 : i32 to vector<16xi32>
    %add3A_2394 = arith.addi %iota3A_1581, %add3A_2393 : vector<16xi32>
    %jit3A_2395 = arith.constant 127 : i32
    %broadcast_in_dim3A_2396 = vector.broadcast %jit3A_2395 : i32 to vector<16xi32>
    %select_n3A_2397 = arith.select %eq3A_2391, %add3A_2394, %broadcast_in_dim3A_2396 : vector<16xi1>, vector<16xi32>
    %min3A_2398 = arith.minsi %min3A_2390, %select_n3A_2397 : vector<16xi32>
    %xor3A_2399 = arith.constant 8 : i32
    %xor3A_2400 = vector.broadcast %xor3A_2399 : i32 to vector<16xi32>
    %xor3A_2401 = arith.xori %iota3A_1581, %xor3A_2400 : vector<16xi32>
    %lt3A_2402 = arith.constant 0 : i32
    %lt3A_2403 = vector.broadcast %lt3A_2402 : i32 to vector<16xi32>
    %lt3A_2404 = arith.cmpi slt, %xor3A_2401, %lt3A_2403 : vector<16xi32>
    %add3A_2405 = arith.constant 16 : i32
    %add3A_2406 = vector.broadcast %add3A_2405 : i32 to vector<16xi32>
    %add3A_2407 = arith.addi %xor3A_2401, %add3A_2406 : vector<16xi32>
    %select_n3A_2408 = arith.select %lt3A_2404, %add3A_2407, %xor3A_2401 : vector<16xi1>, vector<16xi32>
    %broadcast_in_dim3A_2409 = vector.shape_cast %select_n3A_2408 : vector<16xi32> to vector<16x1xi32>
    %gather3A_2410 = vector.shape_cast %broadcast_in_dim3A_2409 : vector<16x1xi32> to vector<16xi32>
    %gather3A_2411 = tpu.dynamic_gather %min3A_2398[%gather3A_2410] in [0] : vector<16xi32>, vector<16xi32> -> vector<16xi32>
    %min3A_2412 = arith.minsi %min3A_2398, %gather3A_2411 : vector<16xi32>
    %xor3A_2413 = arith.constant 4 : i32
    %xor3A_2414 = vector.broadcast %xor3A_2413 : i32 to vector<16xi32>
    %xor3A_2415 = arith.xori %iota3A_1581, %xor3A_2414 : vector<16xi32>
    %lt3A_2416 = arith.constant 0 : i32
    %lt3A_2417 = vector.broadcast %lt3A_2416 : i32 to vector<16xi32>
    %lt3A_2418 = arith.cmpi slt, %xor3A_2415, %lt3A_2417 : vector<16xi32>
    %add3A_2419 = arith.constant 16 : i32
    %add3A_2420 = vector.broadcast %add3A_2419 : i32 to vector<16xi32>
    %add3A_2421 = arith.addi %xor3A_2415, %add3A_2420 : vector<16xi32>
    %select_n3A_2422 = arith.select %lt3A_2418, %add3A_2421, %xor3A_2415 : vector<16xi1>, vector<16xi32>
    %broadcast_in_dim3A_2423 = vector.shape_cast %select_n3A_2422 : vector<16xi32> to vector<16x1xi32>
    %gather3A_2424 = vector.shape_cast %broadcast_in_dim3A_2423 : vector<16x1xi32> to vector<16xi32>
    %gather3A_2425 = tpu.dynamic_gather %min3A_2412[%gather3A_2424] in [0] : vector<16xi32>, vector<16xi32> -> vector<16xi32>
    %min3A_2426 = arith.minsi %min3A_2412, %gather3A_2425 : vector<16xi32>
    %xor3A_2427 = arith.constant 2 : i32
    %xor3A_2428 = vector.broadcast %xor3A_2427 : i32 to vector<16xi32>
    %xor3A_2429 = arith.xori %iota3A_1581, %xor3A_2428 : vector<16xi32>
    %lt3A_2430 = arith.constant 0 : i32
    %lt3A_2431 = vector.broadcast %lt3A_2430 : i32 to vector<16xi32>
    %lt3A_2432 = arith.cmpi slt, %xor3A_2429, %lt3A_2431 : vector<16xi32>
    %add3A_2433 = arith.constant 16 : i32
    %add3A_2434 = vector.broadcast %add3A_2433 : i32 to vector<16xi32>
    %add3A_2435 = arith.addi %xor3A_2429, %add3A_2434 : vector<16xi32>
    %select_n3A_2436 = arith.select %lt3A_2432, %add3A_2435, %xor3A_2429 : vector<16xi1>, vector<16xi32>
    %broadcast_in_dim3A_2437 = vector.shape_cast %select_n3A_2436 : vector<16xi32> to vector<16x1xi32>
    %gather3A_2438 = vector.shape_cast %broadcast_in_dim3A_2437 : vector<16x1xi32> to vector<16xi32>
    %gather3A_2439 = tpu.dynamic_gather %min3A_2426[%gather3A_2438] in [0] : vector<16xi32>, vector<16xi32> -> vector<16xi32>
    %min3A_2440 = arith.minsi %min3A_2426, %gather3A_2439 : vector<16xi32>
    %xor3A_2441 = arith.constant 1 : i32
    %xor3A_2442 = vector.broadcast %xor3A_2441 : i32 to vector<16xi32>
    %xor3A_2443 = arith.xori %iota3A_1581, %xor3A_2442 : vector<16xi32>
    %lt3A_2444 = arith.constant 0 : i32
    %lt3A_2445 = vector.broadcast %lt3A_2444 : i32 to vector<16xi32>
    %lt3A_2446 = arith.cmpi slt, %xor3A_2443, %lt3A_2445 : vector<16xi32>
    %add3A_2447 = arith.constant 16 : i32
    %add3A_2448 = vector.broadcast %add3A_2447 : i32 to vector<16xi32>
    %add3A_2449 = arith.addi %xor3A_2443, %add3A_2448 : vector<16xi32>
    %select_n3A_2450 = arith.select %lt3A_2446, %add3A_2449, %xor3A_2443 : vector<16xi1>, vector<16xi32>
    %broadcast_in_dim3A_2451 = vector.shape_cast %select_n3A_2450 : vector<16xi32> to vector<16x1xi32>
    %gather3A_2452 = vector.shape_cast %broadcast_in_dim3A_2451 : vector<16x1xi32> to vector<16xi32>
    %gather3A_2453 = tpu.dynamic_gather %min3A_2440[%gather3A_2452] in [0] : vector<16xi32>, vector<16xi32> -> vector<16xi32>
    %min3A_2454 = arith.minsi %min3A_2440, %gather3A_2453 : vector<16xi32>
    %add3A_2455 = arith.constant 0 : i32
    %add3A_2456 = vector.broadcast %add3A_2455 : i32 to vector<16xi32>
    %add3A_2457 = arith.addi %iota3A_1581, %add3A_2456 : vector<16xi32>
    %eq3A_2458 = arith.cmpi eq, %add3A_2457, %min3A_2454 : vector<16xi32>
    %or3A_2459 = arith.ori %or3A_2278, %eq3A_2458 : vector<16xi1>
    %jit3A_2460 = arith.constant -1.000000e+30 : f32
    %broadcast_in_dim3A_2461 = vector.broadcast %jit3A_2460 : f32 to vector<16xf32>
    %select_n3A_2462 = arith.select %eq3A_2458, %broadcast_in_dim3A_2461, %select_n3A_2281 : vector<16xi1>, vector<16xf32>
    %add3A_2463 = arith.constant 16 : i32
    %add3A_2464 = vector.broadcast %add3A_2463 : i32 to vector<16xi32>
    %add3A_2465 = arith.addi %iota3A_1581, %add3A_2464 : vector<16xi32>
    %eq3A_2466 = arith.cmpi eq, %add3A_2465, %min3A_2454 : vector<16xi32>
    %or3A_2467 = arith.ori %or3A_2286, %eq3A_2466 : vector<16xi1>
    %jit3A_2468 = arith.constant -1.000000e+30 : f32
    %broadcast_in_dim3A_2469 = vector.broadcast %jit3A_2468 : f32 to vector<16xf32>
    %select_n3A_2470 = arith.select %eq3A_2466, %broadcast_in_dim3A_2469, %select_n3A_2289 : vector<16xi1>, vector<16xf32>
    %add3A_2471 = arith.constant 32 : i32
    %add3A_2472 = vector.broadcast %add3A_2471 : i32 to vector<16xi32>
    %add3A_2473 = arith.addi %iota3A_1581, %add3A_2472 : vector<16xi32>
    %eq3A_2474 = arith.cmpi eq, %add3A_2473, %min3A_2454 : vector<16xi32>
    %or3A_2475 = arith.ori %or3A_2294, %eq3A_2474 : vector<16xi1>
    %jit3A_2476 = arith.constant -1.000000e+30 : f32
    %broadcast_in_dim3A_2477 = vector.broadcast %jit3A_2476 : f32 to vector<16xf32>
    %select_n3A_2478 = arith.select %eq3A_2474, %broadcast_in_dim3A_2477, %select_n3A_2297 : vector<16xi1>, vector<16xf32>
    %add3A_2479 = arith.constant 48 : i32
    %add3A_2480 = vector.broadcast %add3A_2479 : i32 to vector<16xi32>
    %add3A_2481 = arith.addi %iota3A_1581, %add3A_2480 : vector<16xi32>
    %eq3A_2482 = arith.cmpi eq, %add3A_2481, %min3A_2454 : vector<16xi32>
    %or3A_2483 = arith.ori %or3A_2302, %eq3A_2482 : vector<16xi1>
    %jit3A_2484 = arith.constant -1.000000e+30 : f32
    %broadcast_in_dim3A_2485 = vector.broadcast %jit3A_2484 : f32 to vector<16xf32>
    %select_n3A_2486 = arith.select %eq3A_2482, %broadcast_in_dim3A_2485, %select_n3A_2305 : vector<16xi1>, vector<16xf32>
    %max3A_2487 = arith.maximumf %select_n3A_2462, %select_n3A_2470 : vector<16xf32>
    %max3A_2488 = arith.maximumf %select_n3A_2478, %select_n3A_2486 : vector<16xf32>
    %max3A_2489 = arith.maximumf %max3A_2487, %max3A_2488 : vector<16xf32>
    %xor3A_2490 = arith.constant 8 : i32
    %xor3A_2491 = vector.broadcast %xor3A_2490 : i32 to vector<16xi32>
    %xor3A_2492 = arith.xori %iota3A_1581, %xor3A_2491 : vector<16xi32>
    %lt3A_2493 = arith.constant 0 : i32
    %lt3A_2494 = vector.broadcast %lt3A_2493 : i32 to vector<16xi32>
    %lt3A_2495 = arith.cmpi slt, %xor3A_2492, %lt3A_2494 : vector<16xi32>
    %add3A_2496 = arith.constant 16 : i32
    %add3A_2497 = vector.broadcast %add3A_2496 : i32 to vector<16xi32>
    %add3A_2498 = arith.addi %xor3A_2492, %add3A_2497 : vector<16xi32>
    %select_n3A_2499 = arith.select %lt3A_2495, %add3A_2498, %xor3A_2492 : vector<16xi1>, vector<16xi32>
    %broadcast_in_dim3A_2500 = vector.shape_cast %select_n3A_2499 : vector<16xi32> to vector<16x1xi32>
    %gather3A_2501 = vector.shape_cast %broadcast_in_dim3A_2500 : vector<16x1xi32> to vector<16xi32>
    %gather3A_2502 = tpu.dynamic_gather %max3A_2489[%gather3A_2501] in [0] : vector<16xf32>, vector<16xi32> -> vector<16xf32>
    %max3A_2503 = arith.maximumf %max3A_2489, %gather3A_2502 : vector<16xf32>
    %xor3A_2504 = arith.constant 4 : i32
    %xor3A_2505 = vector.broadcast %xor3A_2504 : i32 to vector<16xi32>
    %xor3A_2506 = arith.xori %iota3A_1581, %xor3A_2505 : vector<16xi32>
    %lt3A_2507 = arith.constant 0 : i32
    %lt3A_2508 = vector.broadcast %lt3A_2507 : i32 to vector<16xi32>
    %lt3A_2509 = arith.cmpi slt, %xor3A_2506, %lt3A_2508 : vector<16xi32>
    %add3A_2510 = arith.constant 16 : i32
    %add3A_2511 = vector.broadcast %add3A_2510 : i32 to vector<16xi32>
    %add3A_2512 = arith.addi %xor3A_2506, %add3A_2511 : vector<16xi32>
    %select_n3A_2513 = arith.select %lt3A_2509, %add3A_2512, %xor3A_2506 : vector<16xi1>, vector<16xi32>
    %broadcast_in_dim3A_2514 = vector.shape_cast %select_n3A_2513 : vector<16xi32> to vector<16x1xi32>
    %gather3A_2515 = vector.shape_cast %broadcast_in_dim3A_2514 : vector<16x1xi32> to vector<16xi32>
    %gather3A_2516 = tpu.dynamic_gather %max3A_2503[%gather3A_2515] in [0] : vector<16xf32>, vector<16xi32> -> vector<16xf32>
    %max3A_2517 = arith.maximumf %max3A_2503, %gather3A_2516 : vector<16xf32>
    %xor3A_2518 = arith.constant 2 : i32
    %xor3A_2519 = vector.broadcast %xor3A_2518 : i32 to vector<16xi32>
    %xor3A_2520 = arith.xori %iota3A_1581, %xor3A_2519 : vector<16xi32>
    %lt3A_2521 = arith.constant 0 : i32
    %lt3A_2522 = vector.broadcast %lt3A_2521 : i32 to vector<16xi32>
    %lt3A_2523 = arith.cmpi slt, %xor3A_2520, %lt3A_2522 : vector<16xi32>
    %add3A_2524 = arith.constant 16 : i32
    %add3A_2525 = vector.broadcast %add3A_2524 : i32 to vector<16xi32>
    %add3A_2526 = arith.addi %xor3A_2520, %add3A_2525 : vector<16xi32>
    %select_n3A_2527 = arith.select %lt3A_2523, %add3A_2526, %xor3A_2520 : vector<16xi1>, vector<16xi32>
    %broadcast_in_dim3A_2528 = vector.shape_cast %select_n3A_2527 : vector<16xi32> to vector<16x1xi32>
    %gather3A_2529 = vector.shape_cast %broadcast_in_dim3A_2528 : vector<16x1xi32> to vector<16xi32>
    %gather3A_2530 = tpu.dynamic_gather %max3A_2517[%gather3A_2529] in [0] : vector<16xf32>, vector<16xi32> -> vector<16xf32>
    %max3A_2531 = arith.maximumf %max3A_2517, %gather3A_2530 : vector<16xf32>
    %xor3A_2532 = arith.constant 1 : i32
    %xor3A_2533 = vector.broadcast %xor3A_2532 : i32 to vector<16xi32>
    %xor3A_2534 = arith.xori %iota3A_1581, %xor3A_2533 : vector<16xi32>
    %lt3A_2535 = arith.constant 0 : i32
    %lt3A_2536 = vector.broadcast %lt3A_2535 : i32 to vector<16xi32>
    %lt3A_2537 = arith.cmpi slt, %xor3A_2534, %lt3A_2536 : vector<16xi32>
    %add3A_2538 = arith.constant 16 : i32
    %add3A_2539 = vector.broadcast %add3A_2538 : i32 to vector<16xi32>
    %add3A_2540 = arith.addi %xor3A_2534, %add3A_2539 : vector<16xi32>
    %select_n3A_2541 = arith.select %lt3A_2537, %add3A_2540, %xor3A_2534 : vector<16xi1>, vector<16xi32>
    %broadcast_in_dim3A_2542 = vector.shape_cast %select_n3A_2541 : vector<16xi32> to vector<16x1xi32>
    %gather3A_2543 = vector.shape_cast %broadcast_in_dim3A_2542 : vector<16x1xi32> to vector<16xi32>
    %gather3A_2544 = tpu.dynamic_gather %max3A_2531[%gather3A_2543] in [0] : vector<16xf32>, vector<16xi32> -> vector<16xf32>
    %max3A_2545 = arith.maximumf %max3A_2531, %gather3A_2544 : vector<16xf32>
    %broadcast_in_dim3A_2546 = arith.constant 127 : i32
    %broadcast_in_dim3A_2547 = vector.broadcast %broadcast_in_dim3A_2546 : i32 to vector<16xi32>
    %eq3A_2548 = arith.cmpf oeq, %select_n3A_2462, %max3A_2545 : vector<16xf32>
    %add3A_2549 = arith.constant 0 : i32
    %add3A_2550 = vector.broadcast %add3A_2549 : i32 to vector<16xi32>
    %add3A_2551 = arith.addi %iota3A_1581, %add3A_2550 : vector<16xi32>
    %jit3A_2552 = arith.constant 127 : i32
    %broadcast_in_dim3A_2553 = vector.broadcast %jit3A_2552 : i32 to vector<16xi32>
    %select_n3A_2554 = arith.select %eq3A_2548, %add3A_2551, %broadcast_in_dim3A_2553 : vector<16xi1>, vector<16xi32>
    %min3A_2555 = arith.minsi %broadcast_in_dim3A_2547, %select_n3A_2554 : vector<16xi32>
    %eq3A_2556 = arith.cmpf oeq, %select_n3A_2470, %max3A_2545 : vector<16xf32>
    %add3A_2557 = arith.constant 16 : i32
    %add3A_2558 = vector.broadcast %add3A_2557 : i32 to vector<16xi32>
    %add3A_2559 = arith.addi %iota3A_1581, %add3A_2558 : vector<16xi32>
    %jit3A_2560 = arith.constant 127 : i32
    %broadcast_in_dim3A_2561 = vector.broadcast %jit3A_2560 : i32 to vector<16xi32>
    %select_n3A_2562 = arith.select %eq3A_2556, %add3A_2559, %broadcast_in_dim3A_2561 : vector<16xi1>, vector<16xi32>
    %min3A_2563 = arith.minsi %min3A_2555, %select_n3A_2562 : vector<16xi32>
    %eq3A_2564 = arith.cmpf oeq, %select_n3A_2478, %max3A_2545 : vector<16xf32>
    %add3A_2565 = arith.constant 32 : i32
    %add3A_2566 = vector.broadcast %add3A_2565 : i32 to vector<16xi32>
    %add3A_2567 = arith.addi %iota3A_1581, %add3A_2566 : vector<16xi32>
    %jit3A_2568 = arith.constant 127 : i32
    %broadcast_in_dim3A_2569 = vector.broadcast %jit3A_2568 : i32 to vector<16xi32>
    %select_n3A_2570 = arith.select %eq3A_2564, %add3A_2567, %broadcast_in_dim3A_2569 : vector<16xi1>, vector<16xi32>
    %min3A_2571 = arith.minsi %min3A_2563, %select_n3A_2570 : vector<16xi32>
    %eq3A_2572 = arith.cmpf oeq, %select_n3A_2486, %max3A_2545 : vector<16xf32>
    %add3A_2573 = arith.constant 48 : i32
    %add3A_2574 = vector.broadcast %add3A_2573 : i32 to vector<16xi32>
    %add3A_2575 = arith.addi %iota3A_1581, %add3A_2574 : vector<16xi32>
    %jit3A_2576 = arith.constant 127 : i32
    %broadcast_in_dim3A_2577 = vector.broadcast %jit3A_2576 : i32 to vector<16xi32>
    %select_n3A_2578 = arith.select %eq3A_2572, %add3A_2575, %broadcast_in_dim3A_2577 : vector<16xi1>, vector<16xi32>
    %min3A_2579 = arith.minsi %min3A_2571, %select_n3A_2578 : vector<16xi32>
    %xor3A_2580 = arith.constant 8 : i32
    %xor3A_2581 = vector.broadcast %xor3A_2580 : i32 to vector<16xi32>
    %xor3A_2582 = arith.xori %iota3A_1581, %xor3A_2581 : vector<16xi32>
    %lt3A_2583 = arith.constant 0 : i32
    %lt3A_2584 = vector.broadcast %lt3A_2583 : i32 to vector<16xi32>
    %lt3A_2585 = arith.cmpi slt, %xor3A_2582, %lt3A_2584 : vector<16xi32>
    %add3A_2586 = arith.constant 16 : i32
    %add3A_2587 = vector.broadcast %add3A_2586 : i32 to vector<16xi32>
    %add3A_2588 = arith.addi %xor3A_2582, %add3A_2587 : vector<16xi32>
    %select_n3A_2589 = arith.select %lt3A_2585, %add3A_2588, %xor3A_2582 : vector<16xi1>, vector<16xi32>
    %broadcast_in_dim3A_2590 = vector.shape_cast %select_n3A_2589 : vector<16xi32> to vector<16x1xi32>
    %gather3A_2591 = vector.shape_cast %broadcast_in_dim3A_2590 : vector<16x1xi32> to vector<16xi32>
    %gather3A_2592 = tpu.dynamic_gather %min3A_2579[%gather3A_2591] in [0] : vector<16xi32>, vector<16xi32> -> vector<16xi32>
    %min3A_2593 = arith.minsi %min3A_2579, %gather3A_2592 : vector<16xi32>
    %xor3A_2594 = arith.constant 4 : i32
    %xor3A_2595 = vector.broadcast %xor3A_2594 : i32 to vector<16xi32>
    %xor3A_2596 = arith.xori %iota3A_1581, %xor3A_2595 : vector<16xi32>
    %lt3A_2597 = arith.constant 0 : i32
    %lt3A_2598 = vector.broadcast %lt3A_2597 : i32 to vector<16xi32>
    %lt3A_2599 = arith.cmpi slt, %xor3A_2596, %lt3A_2598 : vector<16xi32>
    %add3A_2600 = arith.constant 16 : i32
    %add3A_2601 = vector.broadcast %add3A_2600 : i32 to vector<16xi32>
    %add3A_2602 = arith.addi %xor3A_2596, %add3A_2601 : vector<16xi32>
    %select_n3A_2603 = arith.select %lt3A_2599, %add3A_2602, %xor3A_2596 : vector<16xi1>, vector<16xi32>
    %broadcast_in_dim3A_2604 = vector.shape_cast %select_n3A_2603 : vector<16xi32> to vector<16x1xi32>
    %gather3A_2605 = vector.shape_cast %broadcast_in_dim3A_2604 : vector<16x1xi32> to vector<16xi32>
    %gather3A_2606 = tpu.dynamic_gather %min3A_2593[%gather3A_2605] in [0] : vector<16xi32>, vector<16xi32> -> vector<16xi32>
    %min3A_2607 = arith.minsi %min3A_2593, %gather3A_2606 : vector<16xi32>
    %xor3A_2608 = arith.constant 2 : i32
    %xor3A_2609 = vector.broadcast %xor3A_2608 : i32 to vector<16xi32>
    %xor3A_2610 = arith.xori %iota3A_1581, %xor3A_2609 : vector<16xi32>
    %lt3A_2611 = arith.constant 0 : i32
    %lt3A_2612 = vector.broadcast %lt3A_2611 : i32 to vector<16xi32>
    %lt3A_2613 = arith.cmpi slt, %xor3A_2610, %lt3A_2612 : vector<16xi32>
    %add3A_2614 = arith.constant 16 : i32
    %add3A_2615 = vector.broadcast %add3A_2614 : i32 to vector<16xi32>
    %add3A_2616 = arith.addi %xor3A_2610, %add3A_2615 : vector<16xi32>
    %select_n3A_2617 = arith.select %lt3A_2613, %add3A_2616, %xor3A_2610 : vector<16xi1>, vector<16xi32>
    %broadcast_in_dim3A_2618 = vector.shape_cast %select_n3A_2617 : vector<16xi32> to vector<16x1xi32>
    %gather3A_2619 = vector.shape_cast %broadcast_in_dim3A_2618 : vector<16x1xi32> to vector<16xi32>
    %gather3A_2620 = tpu.dynamic_gather %min3A_2607[%gather3A_2619] in [0] : vector<16xi32>, vector<16xi32> -> vector<16xi32>
    %min3A_2621 = arith.minsi %min3A_2607, %gather3A_2620 : vector<16xi32>
    %xor3A_2622 = arith.constant 1 : i32
    %xor3A_2623 = vector.broadcast %xor3A_2622 : i32 to vector<16xi32>
    %xor3A_2624 = arith.xori %iota3A_1581, %xor3A_2623 : vector<16xi32>
    %lt3A_2625 = arith.constant 0 : i32
    %lt3A_2626 = vector.broadcast %lt3A_2625 : i32 to vector<16xi32>
    %lt3A_2627 = arith.cmpi slt, %xor3A_2624, %lt3A_2626 : vector<16xi32>
    %add3A_2628 = arith.constant 16 : i32
    %add3A_2629 = vector.broadcast %add3A_2628 : i32 to vector<16xi32>
    %add3A_2630 = arith.addi %xor3A_2624, %add3A_2629 : vector<16xi32>
    %select_n3A_2631 = arith.select %lt3A_2627, %add3A_2630, %xor3A_2624 : vector<16xi1>, vector<16xi32>
    %broadcast_in_dim3A_2632 = vector.shape_cast %select_n3A_2631 : vector<16xi32> to vector<16x1xi32>
    %gather3A_2633 = vector.shape_cast %broadcast_in_dim3A_2632 : vector<16x1xi32> to vector<16xi32>
    %gather3A_2634 = tpu.dynamic_gather %min3A_2621[%gather3A_2633] in [0] : vector<16xi32>, vector<16xi32> -> vector<16xi32>
    %min3A_2635 = arith.minsi %min3A_2621, %gather3A_2634 : vector<16xi32>
    %add3A_2636 = arith.constant 0 : i32
    %add3A_2637 = vector.broadcast %add3A_2636 : i32 to vector<16xi32>
    %add3A_2638 = arith.addi %iota3A_1581, %add3A_2637 : vector<16xi32>
    %eq3A_2639 = arith.cmpi eq, %add3A_2638, %min3A_2635 : vector<16xi32>
    %or3A_2640 = arith.ori %or3A_2459, %eq3A_2639 : vector<16xi1>
    %jit3A_2641 = arith.constant -1.000000e+30 : f32
    %broadcast_in_dim3A_2642 = vector.broadcast %jit3A_2641 : f32 to vector<16xf32>
    %select_n3A_2643 = arith.select %eq3A_2639, %broadcast_in_dim3A_2642, %select_n3A_2462 : vector<16xi1>, vector<16xf32>
    %add3A_2644 = arith.constant 16 : i32
    %add3A_2645 = vector.broadcast %add3A_2644 : i32 to vector<16xi32>
    %add3A_2646 = arith.addi %iota3A_1581, %add3A_2645 : vector<16xi32>
    %eq3A_2647 = arith.cmpi eq, %add3A_2646, %min3A_2635 : vector<16xi32>
    %or3A_2648 = arith.ori %or3A_2467, %eq3A_2647 : vector<16xi1>
    %jit3A_2649 = arith.constant -1.000000e+30 : f32
    %broadcast_in_dim3A_2650 = vector.broadcast %jit3A_2649 : f32 to vector<16xf32>
    %select_n3A_2651 = arith.select %eq3A_2647, %broadcast_in_dim3A_2650, %select_n3A_2470 : vector<16xi1>, vector<16xf32>
    %add3A_2652 = arith.constant 32 : i32
    %add3A_2653 = vector.broadcast %add3A_2652 : i32 to vector<16xi32>
    %add3A_2654 = arith.addi %iota3A_1581, %add3A_2653 : vector<16xi32>
    %eq3A_2655 = arith.cmpi eq, %add3A_2654, %min3A_2635 : vector<16xi32>
    %or3A_2656 = arith.ori %or3A_2475, %eq3A_2655 : vector<16xi1>
    %jit3A_2657 = arith.constant -1.000000e+30 : f32
    %broadcast_in_dim3A_2658 = vector.broadcast %jit3A_2657 : f32 to vector<16xf32>
    %select_n3A_2659 = arith.select %eq3A_2655, %broadcast_in_dim3A_2658, %select_n3A_2478 : vector<16xi1>, vector<16xf32>
    %add3A_2660 = arith.constant 48 : i32
    %add3A_2661 = vector.broadcast %add3A_2660 : i32 to vector<16xi32>
    %add3A_2662 = arith.addi %iota3A_1581, %add3A_2661 : vector<16xi32>
    %eq3A_2663 = arith.cmpi eq, %add3A_2662, %min3A_2635 : vector<16xi32>
    %or3A_2664 = arith.ori %or3A_2483, %eq3A_2663 : vector<16xi1>
    %jit3A_2665 = arith.constant -1.000000e+30 : f32
    %broadcast_in_dim3A_2666 = vector.broadcast %jit3A_2665 : f32 to vector<16xf32>
    %select_n3A_2667 = arith.select %eq3A_2663, %broadcast_in_dim3A_2666, %select_n3A_2486 : vector<16xi1>, vector<16xf32>
    %max3A_2668 = arith.maximumf %select_n3A_2643, %select_n3A_2651 : vector<16xf32>
    %max3A_2669 = arith.maximumf %select_n3A_2659, %select_n3A_2667 : vector<16xf32>
    %max3A_2670 = arith.maximumf %max3A_2668, %max3A_2669 : vector<16xf32>
    %xor3A_2671 = arith.constant 8 : i32
    %xor3A_2672 = vector.broadcast %xor3A_2671 : i32 to vector<16xi32>
    %xor3A_2673 = arith.xori %iota3A_1581, %xor3A_2672 : vector<16xi32>
    %lt3A_2674 = arith.constant 0 : i32
    %lt3A_2675 = vector.broadcast %lt3A_2674 : i32 to vector<16xi32>
    %lt3A_2676 = arith.cmpi slt, %xor3A_2673, %lt3A_2675 : vector<16xi32>
    %add3A_2677 = arith.constant 16 : i32
    %add3A_2678 = vector.broadcast %add3A_2677 : i32 to vector<16xi32>
    %add3A_2679 = arith.addi %xor3A_2673, %add3A_2678 : vector<16xi32>
    %select_n3A_2680 = arith.select %lt3A_2676, %add3A_2679, %xor3A_2673 : vector<16xi1>, vector<16xi32>
    %broadcast_in_dim3A_2681 = vector.shape_cast %select_n3A_2680 : vector<16xi32> to vector<16x1xi32>
    %gather3A_2682 = vector.shape_cast %broadcast_in_dim3A_2681 : vector<16x1xi32> to vector<16xi32>
    %gather3A_2683 = tpu.dynamic_gather %max3A_2670[%gather3A_2682] in [0] : vector<16xf32>, vector<16xi32> -> vector<16xf32>
    %max3A_2684 = arith.maximumf %max3A_2670, %gather3A_2683 : vector<16xf32>
    %xor3A_2685 = arith.constant 4 : i32
    %xor3A_2686 = vector.broadcast %xor3A_2685 : i32 to vector<16xi32>
    %xor3A_2687 = arith.xori %iota3A_1581, %xor3A_2686 : vector<16xi32>
    %lt3A_2688 = arith.constant 0 : i32
    %lt3A_2689 = vector.broadcast %lt3A_2688 : i32 to vector<16xi32>
    %lt3A_2690 = arith.cmpi slt, %xor3A_2687, %lt3A_2689 : vector<16xi32>
    %add3A_2691 = arith.constant 16 : i32
    %add3A_2692 = vector.broadcast %add3A_2691 : i32 to vector<16xi32>
    %add3A_2693 = arith.addi %xor3A_2687, %add3A_2692 : vector<16xi32>
    %select_n3A_2694 = arith.select %lt3A_2690, %add3A_2693, %xor3A_2687 : vector<16xi1>, vector<16xi32>
    %broadcast_in_dim3A_2695 = vector.shape_cast %select_n3A_2694 : vector<16xi32> to vector<16x1xi32>
    %gather3A_2696 = vector.shape_cast %broadcast_in_dim3A_2695 : vector<16x1xi32> to vector<16xi32>
    %gather3A_2697 = tpu.dynamic_gather %max3A_2684[%gather3A_2696] in [0] : vector<16xf32>, vector<16xi32> -> vector<16xf32>
    %max3A_2698 = arith.maximumf %max3A_2684, %gather3A_2697 : vector<16xf32>
    %xor3A_2699 = arith.constant 2 : i32
    %xor3A_2700 = vector.broadcast %xor3A_2699 : i32 to vector<16xi32>
    %xor3A_2701 = arith.xori %iota3A_1581, %xor3A_2700 : vector<16xi32>
    %lt3A_2702 = arith.constant 0 : i32
    %lt3A_2703 = vector.broadcast %lt3A_2702 : i32 to vector<16xi32>
    %lt3A_2704 = arith.cmpi slt, %xor3A_2701, %lt3A_2703 : vector<16xi32>
    %add3A_2705 = arith.constant 16 : i32
    %add3A_2706 = vector.broadcast %add3A_2705 : i32 to vector<16xi32>
    %add3A_2707 = arith.addi %xor3A_2701, %add3A_2706 : vector<16xi32>
    %select_n3A_2708 = arith.select %lt3A_2704, %add3A_2707, %xor3A_2701 : vector<16xi1>, vector<16xi32>
    %broadcast_in_dim3A_2709 = vector.shape_cast %select_n3A_2708 : vector<16xi32> to vector<16x1xi32>
    %gather3A_2710 = vector.shape_cast %broadcast_in_dim3A_2709 : vector<16x1xi32> to vector<16xi32>
    %gather3A_2711 = tpu.dynamic_gather %max3A_2698[%gather3A_2710] in [0] : vector<16xf32>, vector<16xi32> -> vector<16xf32>
    %max3A_2712 = arith.maximumf %max3A_2698, %gather3A_2711 : vector<16xf32>
    %xor3A_2713 = arith.constant 1 : i32
    %xor3A_2714 = vector.broadcast %xor3A_2713 : i32 to vector<16xi32>
    %xor3A_2715 = arith.xori %iota3A_1581, %xor3A_2714 : vector<16xi32>
    %lt3A_2716 = arith.constant 0 : i32
    %lt3A_2717 = vector.broadcast %lt3A_2716 : i32 to vector<16xi32>
    %lt3A_2718 = arith.cmpi slt, %xor3A_2715, %lt3A_2717 : vector<16xi32>
    %add3A_2719 = arith.constant 16 : i32
    %add3A_2720 = vector.broadcast %add3A_2719 : i32 to vector<16xi32>
    %add3A_2721 = arith.addi %xor3A_2715, %add3A_2720 : vector<16xi32>
    %select_n3A_2722 = arith.select %lt3A_2718, %add3A_2721, %xor3A_2715 : vector<16xi1>, vector<16xi32>
    %broadcast_in_dim3A_2723 = vector.shape_cast %select_n3A_2722 : vector<16xi32> to vector<16x1xi32>
    %gather3A_2724 = vector.shape_cast %broadcast_in_dim3A_2723 : vector<16x1xi32> to vector<16xi32>
    %gather3A_2725 = tpu.dynamic_gather %max3A_2712[%gather3A_2724] in [0] : vector<16xf32>, vector<16xi32> -> vector<16xf32>
    %max3A_2726 = arith.maximumf %max3A_2712, %gather3A_2725 : vector<16xf32>
    %broadcast_in_dim3A_2727 = arith.constant 127 : i32
    %broadcast_in_dim3A_2728 = vector.broadcast %broadcast_in_dim3A_2727 : i32 to vector<16xi32>
    %eq3A_2729 = arith.cmpf oeq, %select_n3A_2643, %max3A_2726 : vector<16xf32>
    %add3A_2730 = arith.constant 0 : i32
    %add3A_2731 = vector.broadcast %add3A_2730 : i32 to vector<16xi32>
    %add3A_2732 = arith.addi %iota3A_1581, %add3A_2731 : vector<16xi32>
    %jit3A_2733 = arith.constant 127 : i32
    %broadcast_in_dim3A_2734 = vector.broadcast %jit3A_2733 : i32 to vector<16xi32>
    %select_n3A_2735 = arith.select %eq3A_2729, %add3A_2732, %broadcast_in_dim3A_2734 : vector<16xi1>, vector<16xi32>
    %min3A_2736 = arith.minsi %broadcast_in_dim3A_2728, %select_n3A_2735 : vector<16xi32>
    %eq3A_2737 = arith.cmpf oeq, %select_n3A_2651, %max3A_2726 : vector<16xf32>
    %add3A_2738 = arith.constant 16 : i32
    %add3A_2739 = vector.broadcast %add3A_2738 : i32 to vector<16xi32>
    %add3A_2740 = arith.addi %iota3A_1581, %add3A_2739 : vector<16xi32>
    %jit3A_2741 = arith.constant 127 : i32
    %broadcast_in_dim3A_2742 = vector.broadcast %jit3A_2741 : i32 to vector<16xi32>
    %select_n3A_2743 = arith.select %eq3A_2737, %add3A_2740, %broadcast_in_dim3A_2742 : vector<16xi1>, vector<16xi32>
    %min3A_2744 = arith.minsi %min3A_2736, %select_n3A_2743 : vector<16xi32>
    %eq3A_2745 = arith.cmpf oeq, %select_n3A_2659, %max3A_2726 : vector<16xf32>
    %add3A_2746 = arith.constant 32 : i32
    %add3A_2747 = vector.broadcast %add3A_2746 : i32 to vector<16xi32>
    %add3A_2748 = arith.addi %iota3A_1581, %add3A_2747 : vector<16xi32>
    %jit3A_2749 = arith.constant 127 : i32
    %broadcast_in_dim3A_2750 = vector.broadcast %jit3A_2749 : i32 to vector<16xi32>
    %select_n3A_2751 = arith.select %eq3A_2745, %add3A_2748, %broadcast_in_dim3A_2750 : vector<16xi1>, vector<16xi32>
    %min3A_2752 = arith.minsi %min3A_2744, %select_n3A_2751 : vector<16xi32>
    %eq3A_2753 = arith.cmpf oeq, %select_n3A_2667, %max3A_2726 : vector<16xf32>
    %add3A_2754 = arith.constant 48 : i32
    %add3A_2755 = vector.broadcast %add3A_2754 : i32 to vector<16xi32>
    %add3A_2756 = arith.addi %iota3A_1581, %add3A_2755 : vector<16xi32>
    %jit3A_2757 = arith.constant 127 : i32
    %broadcast_in_dim3A_2758 = vector.broadcast %jit3A_2757 : i32 to vector<16xi32>
    %select_n3A_2759 = arith.select %eq3A_2753, %add3A_2756, %broadcast_in_dim3A_2758 : vector<16xi1>, vector<16xi32>
    %min3A_2760 = arith.minsi %min3A_2752, %select_n3A_2759 : vector<16xi32>
    %xor3A_2761 = arith.constant 8 : i32
    %xor3A_2762 = vector.broadcast %xor3A_2761 : i32 to vector<16xi32>
    %xor3A_2763 = arith.xori %iota3A_1581, %xor3A_2762 : vector<16xi32>
    %lt3A_2764 = arith.constant 0 : i32
    %lt3A_2765 = vector.broadcast %lt3A_2764 : i32 to vector<16xi32>
    %lt3A_2766 = arith.cmpi slt, %xor3A_2763, %lt3A_2765 : vector<16xi32>
    %add3A_2767 = arith.constant 16 : i32
    %add3A_2768 = vector.broadcast %add3A_2767 : i32 to vector<16xi32>
    %add3A_2769 = arith.addi %xor3A_2763, %add3A_2768 : vector<16xi32>
    %select_n3A_2770 = arith.select %lt3A_2766, %add3A_2769, %xor3A_2763 : vector<16xi1>, vector<16xi32>
    %broadcast_in_dim3A_2771 = vector.shape_cast %select_n3A_2770 : vector<16xi32> to vector<16x1xi32>
    %gather3A_2772 = vector.shape_cast %broadcast_in_dim3A_2771 : vector<16x1xi32> to vector<16xi32>
    %gather3A_2773 = tpu.dynamic_gather %min3A_2760[%gather3A_2772] in [0] : vector<16xi32>, vector<16xi32> -> vector<16xi32>
    %min3A_2774 = arith.minsi %min3A_2760, %gather3A_2773 : vector<16xi32>
    %xor3A_2775 = arith.constant 4 : i32
    %xor3A_2776 = vector.broadcast %xor3A_2775 : i32 to vector<16xi32>
    %xor3A_2777 = arith.xori %iota3A_1581, %xor3A_2776 : vector<16xi32>
    %lt3A_2778 = arith.constant 0 : i32
    %lt3A_2779 = vector.broadcast %lt3A_2778 : i32 to vector<16xi32>
    %lt3A_2780 = arith.cmpi slt, %xor3A_2777, %lt3A_2779 : vector<16xi32>
    %add3A_2781 = arith.constant 16 : i32
    %add3A_2782 = vector.broadcast %add3A_2781 : i32 to vector<16xi32>
    %add3A_2783 = arith.addi %xor3A_2777, %add3A_2782 : vector<16xi32>
    %select_n3A_2784 = arith.select %lt3A_2780, %add3A_2783, %xor3A_2777 : vector<16xi1>, vector<16xi32>
    %broadcast_in_dim3A_2785 = vector.shape_cast %select_n3A_2784 : vector<16xi32> to vector<16x1xi32>
    %gather3A_2786 = vector.shape_cast %broadcast_in_dim3A_2785 : vector<16x1xi32> to vector<16xi32>
    %gather3A_2787 = tpu.dynamic_gather %min3A_2774[%gather3A_2786] in [0] : vector<16xi32>, vector<16xi32> -> vector<16xi32>
    %min3A_2788 = arith.minsi %min3A_2774, %gather3A_2787 : vector<16xi32>
    %xor3A_2789 = arith.constant 2 : i32
    %xor3A_2790 = vector.broadcast %xor3A_2789 : i32 to vector<16xi32>
    %xor3A_2791 = arith.xori %iota3A_1581, %xor3A_2790 : vector<16xi32>
    %lt3A_2792 = arith.constant 0 : i32
    %lt3A_2793 = vector.broadcast %lt3A_2792 : i32 to vector<16xi32>
    %lt3A_2794 = arith.cmpi slt, %xor3A_2791, %lt3A_2793 : vector<16xi32>
    %add3A_2795 = arith.constant 16 : i32
    %add3A_2796 = vector.broadcast %add3A_2795 : i32 to vector<16xi32>
    %add3A_2797 = arith.addi %xor3A_2791, %add3A_2796 : vector<16xi32>
    %select_n3A_2798 = arith.select %lt3A_2794, %add3A_2797, %xor3A_2791 : vector<16xi1>, vector<16xi32>
    %broadcast_in_dim3A_2799 = vector.shape_cast %select_n3A_2798 : vector<16xi32> to vector<16x1xi32>
    %gather3A_2800 = vector.shape_cast %broadcast_in_dim3A_2799 : vector<16x1xi32> to vector<16xi32>
    %gather3A_2801 = tpu.dynamic_gather %min3A_2788[%gather3A_2800] in [0] : vector<16xi32>, vector<16xi32> -> vector<16xi32>
    %min3A_2802 = arith.minsi %min3A_2788, %gather3A_2801 : vector<16xi32>
    %xor3A_2803 = arith.constant 1 : i32
    %xor3A_2804 = vector.broadcast %xor3A_2803 : i32 to vector<16xi32>
    %xor3A_2805 = arith.xori %iota3A_1581, %xor3A_2804 : vector<16xi32>
    %lt3A_2806 = arith.constant 0 : i32
    %lt3A_2807 = vector.broadcast %lt3A_2806 : i32 to vector<16xi32>
    %lt3A_2808 = arith.cmpi slt, %xor3A_2805, %lt3A_2807 : vector<16xi32>
    %add3A_2809 = arith.constant 16 : i32
    %add3A_2810 = vector.broadcast %add3A_2809 : i32 to vector<16xi32>
    %add3A_2811 = arith.addi %xor3A_2805, %add3A_2810 : vector<16xi32>
    %select_n3A_2812 = arith.select %lt3A_2808, %add3A_2811, %xor3A_2805 : vector<16xi1>, vector<16xi32>
    %broadcast_in_dim3A_2813 = vector.shape_cast %select_n3A_2812 : vector<16xi32> to vector<16x1xi32>
    %gather3A_2814 = vector.shape_cast %broadcast_in_dim3A_2813 : vector<16x1xi32> to vector<16xi32>
    %gather3A_2815 = tpu.dynamic_gather %min3A_2802[%gather3A_2814] in [0] : vector<16xi32>, vector<16xi32> -> vector<16xi32>
    %min3A_2816 = arith.minsi %min3A_2802, %gather3A_2815 : vector<16xi32>
    %add3A_2817 = arith.constant 0 : i32
    %add3A_2818 = vector.broadcast %add3A_2817 : i32 to vector<16xi32>
    %add3A_2819 = arith.addi %iota3A_1581, %add3A_2818 : vector<16xi32>
    %eq3A_2820 = arith.cmpi eq, %add3A_2819, %min3A_2816 : vector<16xi32>
    %or3A_2821 = arith.ori %or3A_2640, %eq3A_2820 : vector<16xi1>
    %jit3A_2822 = arith.constant -1.000000e+30 : f32
    %broadcast_in_dim3A_2823 = vector.broadcast %jit3A_2822 : f32 to vector<16xf32>
    %select_n3A_2824 = arith.select %eq3A_2820, %broadcast_in_dim3A_2823, %select_n3A_2643 : vector<16xi1>, vector<16xf32>
    %add3A_2825 = arith.constant 16 : i32
    %add3A_2826 = vector.broadcast %add3A_2825 : i32 to vector<16xi32>
    %add3A_2827 = arith.addi %iota3A_1581, %add3A_2826 : vector<16xi32>
    %eq3A_2828 = arith.cmpi eq, %add3A_2827, %min3A_2816 : vector<16xi32>
    %or3A_2829 = arith.ori %or3A_2648, %eq3A_2828 : vector<16xi1>
    %jit3A_2830 = arith.constant -1.000000e+30 : f32
    %broadcast_in_dim3A_2831 = vector.broadcast %jit3A_2830 : f32 to vector<16xf32>
    %select_n3A_2832 = arith.select %eq3A_2828, %broadcast_in_dim3A_2831, %select_n3A_2651 : vector<16xi1>, vector<16xf32>
    %add3A_2833 = arith.constant 32 : i32
    %add3A_2834 = vector.broadcast %add3A_2833 : i32 to vector<16xi32>
    %add3A_2835 = arith.addi %iota3A_1581, %add3A_2834 : vector<16xi32>
    %eq3A_2836 = arith.cmpi eq, %add3A_2835, %min3A_2816 : vector<16xi32>
    %or3A_2837 = arith.ori %or3A_2656, %eq3A_2836 : vector<16xi1>
    %jit3A_2838 = arith.constant -1.000000e+30 : f32
    %broadcast_in_dim3A_2839 = vector.broadcast %jit3A_2838 : f32 to vector<16xf32>
    %select_n3A_2840 = arith.select %eq3A_2836, %broadcast_in_dim3A_2839, %select_n3A_2659 : vector<16xi1>, vector<16xf32>
    %add3A_2841 = arith.constant 48 : i32
    %add3A_2842 = vector.broadcast %add3A_2841 : i32 to vector<16xi32>
    %add3A_2843 = arith.addi %iota3A_1581, %add3A_2842 : vector<16xi32>
    %eq3A_2844 = arith.cmpi eq, %add3A_2843, %min3A_2816 : vector<16xi32>
    %or3A_2845 = arith.ori %or3A_2664, %eq3A_2844 : vector<16xi1>
    %jit3A_2846 = arith.constant -1.000000e+30 : f32
    %broadcast_in_dim3A_2847 = vector.broadcast %jit3A_2846 : f32 to vector<16xf32>
    %select_n3A_2848 = arith.select %eq3A_2844, %broadcast_in_dim3A_2847, %select_n3A_2667 : vector<16xi1>, vector<16xf32>
    %max3A_2849 = arith.maximumf %select_n3A_2824, %select_n3A_2832 : vector<16xf32>
    %max3A_2850 = arith.maximumf %select_n3A_2840, %select_n3A_2848 : vector<16xf32>
    %max3A_2851 = arith.maximumf %max3A_2849, %max3A_2850 : vector<16xf32>
    %xor3A_2852 = arith.constant 8 : i32
    %xor3A_2853 = vector.broadcast %xor3A_2852 : i32 to vector<16xi32>
    %xor3A_2854 = arith.xori %iota3A_1581, %xor3A_2853 : vector<16xi32>
    %lt3A_2855 = arith.constant 0 : i32
    %lt3A_2856 = vector.broadcast %lt3A_2855 : i32 to vector<16xi32>
    %lt3A_2857 = arith.cmpi slt, %xor3A_2854, %lt3A_2856 : vector<16xi32>
    %add3A_2858 = arith.constant 16 : i32
    %add3A_2859 = vector.broadcast %add3A_2858 : i32 to vector<16xi32>
    %add3A_2860 = arith.addi %xor3A_2854, %add3A_2859 : vector<16xi32>
    %select_n3A_2861 = arith.select %lt3A_2857, %add3A_2860, %xor3A_2854 : vector<16xi1>, vector<16xi32>
    %broadcast_in_dim3A_2862 = vector.shape_cast %select_n3A_2861 : vector<16xi32> to vector<16x1xi32>
    %gather3A_2863 = vector.shape_cast %broadcast_in_dim3A_2862 : vector<16x1xi32> to vector<16xi32>
    %gather3A_2864 = tpu.dynamic_gather %max3A_2851[%gather3A_2863] in [0] : vector<16xf32>, vector<16xi32> -> vector<16xf32>
    %max3A_2865 = arith.maximumf %max3A_2851, %gather3A_2864 : vector<16xf32>
    %xor3A_2866 = arith.constant 4 : i32
    %xor3A_2867 = vector.broadcast %xor3A_2866 : i32 to vector<16xi32>
    %xor3A_2868 = arith.xori %iota3A_1581, %xor3A_2867 : vector<16xi32>
    %lt3A_2869 = arith.constant 0 : i32
    %lt3A_2870 = vector.broadcast %lt3A_2869 : i32 to vector<16xi32>
    %lt3A_2871 = arith.cmpi slt, %xor3A_2868, %lt3A_2870 : vector<16xi32>
    %add3A_2872 = arith.constant 16 : i32
    %add3A_2873 = vector.broadcast %add3A_2872 : i32 to vector<16xi32>
    %add3A_2874 = arith.addi %xor3A_2868, %add3A_2873 : vector<16xi32>
    %select_n3A_2875 = arith.select %lt3A_2871, %add3A_2874, %xor3A_2868 : vector<16xi1>, vector<16xi32>
    %broadcast_in_dim3A_2876 = vector.shape_cast %select_n3A_2875 : vector<16xi32> to vector<16x1xi32>
    %gather3A_2877 = vector.shape_cast %broadcast_in_dim3A_2876 : vector<16x1xi32> to vector<16xi32>
    %gather3A_2878 = tpu.dynamic_gather %max3A_2865[%gather3A_2877] in [0] : vector<16xf32>, vector<16xi32> -> vector<16xf32>
    %max3A_2879 = arith.maximumf %max3A_2865, %gather3A_2878 : vector<16xf32>
    %xor3A_2880 = arith.constant 2 : i32
    %xor3A_2881 = vector.broadcast %xor3A_2880 : i32 to vector<16xi32>
    %xor3A_2882 = arith.xori %iota3A_1581, %xor3A_2881 : vector<16xi32>
    %lt3A_2883 = arith.constant 0 : i32
    %lt3A_2884 = vector.broadcast %lt3A_2883 : i32 to vector<16xi32>
    %lt3A_2885 = arith.cmpi slt, %xor3A_2882, %lt3A_2884 : vector<16xi32>
    %add3A_2886 = arith.constant 16 : i32
    %add3A_2887 = vector.broadcast %add3A_2886 : i32 to vector<16xi32>
    %add3A_2888 = arith.addi %xor3A_2882, %add3A_2887 : vector<16xi32>
    %select_n3A_2889 = arith.select %lt3A_2885, %add3A_2888, %xor3A_2882 : vector<16xi1>, vector<16xi32>
    %broadcast_in_dim3A_2890 = vector.shape_cast %select_n3A_2889 : vector<16xi32> to vector<16x1xi32>
    %gather3A_2891 = vector.shape_cast %broadcast_in_dim3A_2890 : vector<16x1xi32> to vector<16xi32>
    %gather3A_2892 = tpu.dynamic_gather %max3A_2879[%gather3A_2891] in [0] : vector<16xf32>, vector<16xi32> -> vector<16xf32>
    %max3A_2893 = arith.maximumf %max3A_2879, %gather3A_2892 : vector<16xf32>
    %xor3A_2894 = arith.constant 1 : i32
    %xor3A_2895 = vector.broadcast %xor3A_2894 : i32 to vector<16xi32>
    %xor3A_2896 = arith.xori %iota3A_1581, %xor3A_2895 : vector<16xi32>
    %lt3A_2897 = arith.constant 0 : i32
    %lt3A_2898 = vector.broadcast %lt3A_2897 : i32 to vector<16xi32>
    %lt3A_2899 = arith.cmpi slt, %xor3A_2896, %lt3A_2898 : vector<16xi32>
    %add3A_2900 = arith.constant 16 : i32
    %add3A_2901 = vector.broadcast %add3A_2900 : i32 to vector<16xi32>
    %add3A_2902 = arith.addi %xor3A_2896, %add3A_2901 : vector<16xi32>
    %select_n3A_2903 = arith.select %lt3A_2899, %add3A_2902, %xor3A_2896 : vector<16xi1>, vector<16xi32>
    %broadcast_in_dim3A_2904 = vector.shape_cast %select_n3A_2903 : vector<16xi32> to vector<16x1xi32>
    %gather3A_2905 = vector.shape_cast %broadcast_in_dim3A_2904 : vector<16x1xi32> to vector<16xi32>
    %gather3A_2906 = tpu.dynamic_gather %max3A_2893[%gather3A_2905] in [0] : vector<16xf32>, vector<16xi32> -> vector<16xf32>
    %max3A_2907 = arith.maximumf %max3A_2893, %gather3A_2906 : vector<16xf32>
    %broadcast_in_dim3A_2908 = arith.constant 127 : i32
    %broadcast_in_dim3A_2909 = vector.broadcast %broadcast_in_dim3A_2908 : i32 to vector<16xi32>
    %eq3A_2910 = arith.cmpf oeq, %select_n3A_2824, %max3A_2907 : vector<16xf32>
    %add3A_2911 = arith.constant 0 : i32
    %add3A_2912 = vector.broadcast %add3A_2911 : i32 to vector<16xi32>
    %add3A_2913 = arith.addi %iota3A_1581, %add3A_2912 : vector<16xi32>
    %jit3A_2914 = arith.constant 127 : i32
    %broadcast_in_dim3A_2915 = vector.broadcast %jit3A_2914 : i32 to vector<16xi32>
    %select_n3A_2916 = arith.select %eq3A_2910, %add3A_2913, %broadcast_in_dim3A_2915 : vector<16xi1>, vector<16xi32>
    %min3A_2917 = arith.minsi %broadcast_in_dim3A_2909, %select_n3A_2916 : vector<16xi32>
    %eq3A_2918 = arith.cmpf oeq, %select_n3A_2832, %max3A_2907 : vector<16xf32>
    %add3A_2919 = arith.constant 16 : i32
    %add3A_2920 = vector.broadcast %add3A_2919 : i32 to vector<16xi32>
    %add3A_2921 = arith.addi %iota3A_1581, %add3A_2920 : vector<16xi32>
    %jit3A_2922 = arith.constant 127 : i32
    %broadcast_in_dim3A_2923 = vector.broadcast %jit3A_2922 : i32 to vector<16xi32>
    %select_n3A_2924 = arith.select %eq3A_2918, %add3A_2921, %broadcast_in_dim3A_2923 : vector<16xi1>, vector<16xi32>
    %min3A_2925 = arith.minsi %min3A_2917, %select_n3A_2924 : vector<16xi32>
    %eq3A_2926 = arith.cmpf oeq, %select_n3A_2840, %max3A_2907 : vector<16xf32>
    %add3A_2927 = arith.constant 32 : i32
    %add3A_2928 = vector.broadcast %add3A_2927 : i32 to vector<16xi32>
    %add3A_2929 = arith.addi %iota3A_1581, %add3A_2928 : vector<16xi32>
    %jit3A_2930 = arith.constant 127 : i32
    %broadcast_in_dim3A_2931 = vector.broadcast %jit3A_2930 : i32 to vector<16xi32>
    %select_n3A_2932 = arith.select %eq3A_2926, %add3A_2929, %broadcast_in_dim3A_2931 : vector<16xi1>, vector<16xi32>
    %min3A_2933 = arith.minsi %min3A_2925, %select_n3A_2932 : vector<16xi32>
    %eq3A_2934 = arith.cmpf oeq, %select_n3A_2848, %max3A_2907 : vector<16xf32>
    %add3A_2935 = arith.constant 48 : i32
    %add3A_2936 = vector.broadcast %add3A_2935 : i32 to vector<16xi32>
    %add3A_2937 = arith.addi %iota3A_1581, %add3A_2936 : vector<16xi32>
    %jit3A_2938 = arith.constant 127 : i32
    %broadcast_in_dim3A_2939 = vector.broadcast %jit3A_2938 : i32 to vector<16xi32>
    %select_n3A_2940 = arith.select %eq3A_2934, %add3A_2937, %broadcast_in_dim3A_2939 : vector<16xi1>, vector<16xi32>
    %min3A_2941 = arith.minsi %min3A_2933, %select_n3A_2940 : vector<16xi32>
    %xor3A_2942 = arith.constant 8 : i32
    %xor3A_2943 = vector.broadcast %xor3A_2942 : i32 to vector<16xi32>
    %xor3A_2944 = arith.xori %iota3A_1581, %xor3A_2943 : vector<16xi32>
    %lt3A_2945 = arith.constant 0 : i32
    %lt3A_2946 = vector.broadcast %lt3A_2945 : i32 to vector<16xi32>
    %lt3A_2947 = arith.cmpi slt, %xor3A_2944, %lt3A_2946 : vector<16xi32>
    %add3A_2948 = arith.constant 16 : i32
    %add3A_2949 = vector.broadcast %add3A_2948 : i32 to vector<16xi32>
    %add3A_2950 = arith.addi %xor3A_2944, %add3A_2949 : vector<16xi32>
    %select_n3A_2951 = arith.select %lt3A_2947, %add3A_2950, %xor3A_2944 : vector<16xi1>, vector<16xi32>
    %broadcast_in_dim3A_2952 = vector.shape_cast %select_n3A_2951 : vector<16xi32> to vector<16x1xi32>
    %gather3A_2953 = vector.shape_cast %broadcast_in_dim3A_2952 : vector<16x1xi32> to vector<16xi32>
    %gather3A_2954 = tpu.dynamic_gather %min3A_2941[%gather3A_2953] in [0] : vector<16xi32>, vector<16xi32> -> vector<16xi32>
    %min3A_2955 = arith.minsi %min3A_2941, %gather3A_2954 : vector<16xi32>
    %xor3A_2956 = arith.constant 4 : i32
    %xor3A_2957 = vector.broadcast %xor3A_2956 : i32 to vector<16xi32>
    %xor3A_2958 = arith.xori %iota3A_1581, %xor3A_2957 : vector<16xi32>
    %lt3A_2959 = arith.constant 0 : i32
    %lt3A_2960 = vector.broadcast %lt3A_2959 : i32 to vector<16xi32>
    %lt3A_2961 = arith.cmpi slt, %xor3A_2958, %lt3A_2960 : vector<16xi32>
    %add3A_2962 = arith.constant 16 : i32
    %add3A_2963 = vector.broadcast %add3A_2962 : i32 to vector<16xi32>
    %add3A_2964 = arith.addi %xor3A_2958, %add3A_2963 : vector<16xi32>
    %select_n3A_2965 = arith.select %lt3A_2961, %add3A_2964, %xor3A_2958 : vector<16xi1>, vector<16xi32>
    %broadcast_in_dim3A_2966 = vector.shape_cast %select_n3A_2965 : vector<16xi32> to vector<16x1xi32>
    %gather3A_2967 = vector.shape_cast %broadcast_in_dim3A_2966 : vector<16x1xi32> to vector<16xi32>
    %gather3A_2968 = tpu.dynamic_gather %min3A_2955[%gather3A_2967] in [0] : vector<16xi32>, vector<16xi32> -> vector<16xi32>
    %min3A_2969 = arith.minsi %min3A_2955, %gather3A_2968 : vector<16xi32>
    %xor3A_2970 = arith.constant 2 : i32
    %xor3A_2971 = vector.broadcast %xor3A_2970 : i32 to vector<16xi32>
    %xor3A_2972 = arith.xori %iota3A_1581, %xor3A_2971 : vector<16xi32>
    %lt3A_2973 = arith.constant 0 : i32
    %lt3A_2974 = vector.broadcast %lt3A_2973 : i32 to vector<16xi32>
    %lt3A_2975 = arith.cmpi slt, %xor3A_2972, %lt3A_2974 : vector<16xi32>
    %add3A_2976 = arith.constant 16 : i32
    %add3A_2977 = vector.broadcast %add3A_2976 : i32 to vector<16xi32>
    %add3A_2978 = arith.addi %xor3A_2972, %add3A_2977 : vector<16xi32>
    %select_n3A_2979 = arith.select %lt3A_2975, %add3A_2978, %xor3A_2972 : vector<16xi1>, vector<16xi32>
    %broadcast_in_dim3A_2980 = vector.shape_cast %select_n3A_2979 : vector<16xi32> to vector<16x1xi32>
    %gather3A_2981 = vector.shape_cast %broadcast_in_dim3A_2980 : vector<16x1xi32> to vector<16xi32>
    %gather3A_2982 = tpu.dynamic_gather %min3A_2969[%gather3A_2981] in [0] : vector<16xi32>, vector<16xi32> -> vector<16xi32>
    %min3A_2983 = arith.minsi %min3A_2969, %gather3A_2982 : vector<16xi32>
    %xor3A_2984 = arith.constant 1 : i32
    %xor3A_2985 = vector.broadcast %xor3A_2984 : i32 to vector<16xi32>
    %xor3A_2986 = arith.xori %iota3A_1581, %xor3A_2985 : vector<16xi32>
    %lt3A_2987 = arith.constant 0 : i32
    %lt3A_2988 = vector.broadcast %lt3A_2987 : i32 to vector<16xi32>
    %lt3A_2989 = arith.cmpi slt, %xor3A_2986, %lt3A_2988 : vector<16xi32>
    %add3A_2990 = arith.constant 16 : i32
    %add3A_2991 = vector.broadcast %add3A_2990 : i32 to vector<16xi32>
    %add3A_2992 = arith.addi %xor3A_2986, %add3A_2991 : vector<16xi32>
    %select_n3A_2993 = arith.select %lt3A_2989, %add3A_2992, %xor3A_2986 : vector<16xi1>, vector<16xi32>
    %broadcast_in_dim3A_2994 = vector.shape_cast %select_n3A_2993 : vector<16xi32> to vector<16x1xi32>
    %gather3A_2995 = vector.shape_cast %broadcast_in_dim3A_2994 : vector<16x1xi32> to vector<16xi32>
    %gather3A_2996 = tpu.dynamic_gather %min3A_2983[%gather3A_2995] in [0] : vector<16xi32>, vector<16xi32> -> vector<16xi32>
    %min3A_2997 = arith.minsi %min3A_2983, %gather3A_2996 : vector<16xi32>
    %add3A_2998 = arith.constant 0 : i32
    %add3A_2999 = vector.broadcast %add3A_2998 : i32 to vector<16xi32>
    %add3A_3000 = arith.addi %iota3A_1581, %add3A_2999 : vector<16xi32>
    %eq3A_3001 = arith.cmpi eq, %add3A_3000, %min3A_2997 : vector<16xi32>
    %or3A_3002 = arith.ori %or3A_2821, %eq3A_3001 : vector<16xi1>
    %jit3A_3003 = arith.constant -1.000000e+30 : f32
    %broadcast_in_dim3A_3004 = vector.broadcast %jit3A_3003 : f32 to vector<16xf32>
    %select_n3A_3005 = arith.select %eq3A_3001, %broadcast_in_dim3A_3004, %select_n3A_2824 : vector<16xi1>, vector<16xf32>
    %add3A_3006 = arith.constant 16 : i32
    %add3A_3007 = vector.broadcast %add3A_3006 : i32 to vector<16xi32>
    %add3A_3008 = arith.addi %iota3A_1581, %add3A_3007 : vector<16xi32>
    %eq3A_3009 = arith.cmpi eq, %add3A_3008, %min3A_2997 : vector<16xi32>
    %or3A_3010 = arith.ori %or3A_2829, %eq3A_3009 : vector<16xi1>
    %jit3A_3011 = arith.constant -1.000000e+30 : f32
    %broadcast_in_dim3A_3012 = vector.broadcast %jit3A_3011 : f32 to vector<16xf32>
    %select_n3A_3013 = arith.select %eq3A_3009, %broadcast_in_dim3A_3012, %select_n3A_2832 : vector<16xi1>, vector<16xf32>
    %add3A_3014 = arith.constant 32 : i32
    %add3A_3015 = vector.broadcast %add3A_3014 : i32 to vector<16xi32>
    %add3A_3016 = arith.addi %iota3A_1581, %add3A_3015 : vector<16xi32>
    %eq3A_3017 = arith.cmpi eq, %add3A_3016, %min3A_2997 : vector<16xi32>
    %or3A_3018 = arith.ori %or3A_2837, %eq3A_3017 : vector<16xi1>
    %jit3A_3019 = arith.constant -1.000000e+30 : f32
    %broadcast_in_dim3A_3020 = vector.broadcast %jit3A_3019 : f32 to vector<16xf32>
    %select_n3A_3021 = arith.select %eq3A_3017, %broadcast_in_dim3A_3020, %select_n3A_2840 : vector<16xi1>, vector<16xf32>
    %add3A_3022 = arith.constant 48 : i32
    %add3A_3023 = vector.broadcast %add3A_3022 : i32 to vector<16xi32>
    %add3A_3024 = arith.addi %iota3A_1581, %add3A_3023 : vector<16xi32>
    %eq3A_3025 = arith.cmpi eq, %add3A_3024, %min3A_2997 : vector<16xi32>
    %or3A_3026 = arith.ori %or3A_2845, %eq3A_3025 : vector<16xi1>
    %jit3A_3027 = arith.constant -1.000000e+30 : f32
    %broadcast_in_dim3A_3028 = vector.broadcast %jit3A_3027 : f32 to vector<16xf32>
    %select_n3A_3029 = arith.select %eq3A_3025, %broadcast_in_dim3A_3028, %select_n3A_2848 : vector<16xi1>, vector<16xf32>
    %sub3A_3030 = arith.subf %get3A_1563, %max3A_1640 : vector<16xf32>
    %exp3A_3031 = math.exp %sub3A_3030 : vector<16xf32>
    %jit3A_3032 = arith.constant 0.000000e+00 : f32
    %broadcast_in_dim3A_3033 = vector.broadcast %jit3A_3032 : f32 to vector<16xf32>
    %select_n3A_3034 = arith.select %or3A_3002, %exp3A_3031, %broadcast_in_dim3A_3033 : vector<16xi1>, vector<16xf32>
    %sub3A_3035 = arith.subf %get3A_1566, %max3A_1640 : vector<16xf32>
    %exp3A_3036 = math.exp %sub3A_3035 : vector<16xf32>
    %jit3A_3037 = arith.constant 0.000000e+00 : f32
    %broadcast_in_dim3A_3038 = vector.broadcast %jit3A_3037 : f32 to vector<16xf32>
    %select_n3A_3039 = arith.select %or3A_3010, %exp3A_3036, %broadcast_in_dim3A_3038 : vector<16xi1>, vector<16xf32>
    %sub3A_3040 = arith.subf %get3A_1569, %max3A_1640 : vector<16xf32>
    %exp3A_3041 = math.exp %sub3A_3040 : vector<16xf32>
    %jit3A_3042 = arith.constant 0.000000e+00 : f32
    %broadcast_in_dim3A_3043 = vector.broadcast %jit3A_3042 : f32 to vector<16xf32>
    %select_n3A_3044 = arith.select %or3A_3018, %exp3A_3041, %broadcast_in_dim3A_3043 : vector<16xi1>, vector<16xf32>
    %sub3A_3045 = arith.subf %get3A_1572, %max3A_1640 : vector<16xf32>
    %exp3A_3046 = math.exp %sub3A_3045 : vector<16xf32>
    %jit3A_3047 = arith.constant 0.000000e+00 : f32
    %broadcast_in_dim3A_3048 = vector.broadcast %jit3A_3047 : f32 to vector<16xf32>
    %select_n3A_3049 = arith.select %or3A_3026, %exp3A_3046, %broadcast_in_dim3A_3048 : vector<16xi1>, vector<16xf32>
    %add3A_3050 = arith.addf %select_n3A_3034, %select_n3A_3039 : vector<16xf32>
    %add3A_3051 = arith.addf %select_n3A_3044, %select_n3A_3049 : vector<16xf32>
    %add3A_3052 = arith.addf %add3A_3050, %add3A_3051 : vector<16xf32>
    %xor3A_3053 = arith.constant 8 : i32
    %xor3A_3054 = vector.broadcast %xor3A_3053 : i32 to vector<16xi32>
    %xor3A_3055 = arith.xori %iota3A_1581, %xor3A_3054 : vector<16xi32>
    %lt3A_3056 = arith.constant 0 : i32
    %lt3A_3057 = vector.broadcast %lt3A_3056 : i32 to vector<16xi32>
    %lt3A_3058 = arith.cmpi slt, %xor3A_3055, %lt3A_3057 : vector<16xi32>
    %add3A_3059 = arith.constant 16 : i32
    %add3A_3060 = vector.broadcast %add3A_3059 : i32 to vector<16xi32>
    %add3A_3061 = arith.addi %xor3A_3055, %add3A_3060 : vector<16xi32>
    %select_n3A_3062 = arith.select %lt3A_3058, %add3A_3061, %xor3A_3055 : vector<16xi1>, vector<16xi32>
    %broadcast_in_dim3A_3063 = vector.shape_cast %select_n3A_3062 : vector<16xi32> to vector<16x1xi32>
    %gather3A_3064 = vector.shape_cast %broadcast_in_dim3A_3063 : vector<16x1xi32> to vector<16xi32>
    %gather3A_3065 = tpu.dynamic_gather %add3A_3052[%gather3A_3064] in [0] : vector<16xf32>, vector<16xi32> -> vector<16xf32>
    %add3A_3066 = arith.addf %add3A_3052, %gather3A_3065 : vector<16xf32>
    %xor3A_3067 = arith.constant 4 : i32
    %xor3A_3068 = vector.broadcast %xor3A_3067 : i32 to vector<16xi32>
    %xor3A_3069 = arith.xori %iota3A_1581, %xor3A_3068 : vector<16xi32>
    %lt3A_3070 = arith.constant 0 : i32
    %lt3A_3071 = vector.broadcast %lt3A_3070 : i32 to vector<16xi32>
    %lt3A_3072 = arith.cmpi slt, %xor3A_3069, %lt3A_3071 : vector<16xi32>
    %add3A_3073 = arith.constant 16 : i32
    %add3A_3074 = vector.broadcast %add3A_3073 : i32 to vector<16xi32>
    %add3A_3075 = arith.addi %xor3A_3069, %add3A_3074 : vector<16xi32>
    %select_n3A_3076 = arith.select %lt3A_3072, %add3A_3075, %xor3A_3069 : vector<16xi1>, vector<16xi32>
    %broadcast_in_dim3A_3077 = vector.shape_cast %select_n3A_3076 : vector<16xi32> to vector<16x1xi32>
    %gather3A_3078 = vector.shape_cast %broadcast_in_dim3A_3077 : vector<16x1xi32> to vector<16xi32>
    %gather3A_3079 = tpu.dynamic_gather %add3A_3066[%gather3A_3078] in [0] : vector<16xf32>, vector<16xi32> -> vector<16xf32>
    %add3A_3080 = arith.addf %add3A_3066, %gather3A_3079 : vector<16xf32>
    %xor3A_3081 = arith.constant 2 : i32
    %xor3A_3082 = vector.broadcast %xor3A_3081 : i32 to vector<16xi32>
    %xor3A_3083 = arith.xori %iota3A_1581, %xor3A_3082 : vector<16xi32>
    %lt3A_3084 = arith.constant 0 : i32
    %lt3A_3085 = vector.broadcast %lt3A_3084 : i32 to vector<16xi32>
    %lt3A_3086 = arith.cmpi slt, %xor3A_3083, %lt3A_3085 : vector<16xi32>
    %add3A_3087 = arith.constant 16 : i32
    %add3A_3088 = vector.broadcast %add3A_3087 : i32 to vector<16xi32>
    %add3A_3089 = arith.addi %xor3A_3083, %add3A_3088 : vector<16xi32>
    %select_n3A_3090 = arith.select %lt3A_3086, %add3A_3089, %xor3A_3083 : vector<16xi1>, vector<16xi32>
    %broadcast_in_dim3A_3091 = vector.shape_cast %select_n3A_3090 : vector<16xi32> to vector<16x1xi32>
    %gather3A_3092 = vector.shape_cast %broadcast_in_dim3A_3091 : vector<16x1xi32> to vector<16xi32>
    %gather3A_3093 = tpu.dynamic_gather %add3A_3080[%gather3A_3092] in [0] : vector<16xf32>, vector<16xi32> -> vector<16xf32>
    %add3A_3094 = arith.addf %add3A_3080, %gather3A_3093 : vector<16xf32>
    %xor3A_3095 = arith.constant 1 : i32
    %xor3A_3096 = vector.broadcast %xor3A_3095 : i32 to vector<16xi32>
    %xor3A_3097 = arith.xori %iota3A_1581, %xor3A_3096 : vector<16xi32>
    %lt3A_3098 = arith.constant 0 : i32
    %lt3A_3099 = vector.broadcast %lt3A_3098 : i32 to vector<16xi32>
    %lt3A_3100 = arith.cmpi slt, %xor3A_3097, %lt3A_3099 : vector<16xi32>
    %add3A_3101 = arith.constant 16 : i32
    %add3A_3102 = vector.broadcast %add3A_3101 : i32 to vector<16xi32>
    %add3A_3103 = arith.addi %xor3A_3097, %add3A_3102 : vector<16xi32>
    %select_n3A_3104 = arith.select %lt3A_3100, %add3A_3103, %xor3A_3097 : vector<16xi1>, vector<16xi32>
    %broadcast_in_dim3A_3105 = vector.shape_cast %select_n3A_3104 : vector<16xi32> to vector<16x1xi32>
    %gather3A_3106 = vector.shape_cast %broadcast_in_dim3A_3105 : vector<16x1xi32> to vector<16xi32>
    %gather3A_3107 = tpu.dynamic_gather %add3A_3094[%gather3A_3106] in [0] : vector<16xf32>, vector<16xi32> -> vector<16xf32>
    %add3A_3108 = arith.addf %add3A_3094, %gather3A_3107 : vector<16xf32>
    %div3A_3109 = arith.constant 1.000000e+00 : f32
    %div3A_3110 = vector.broadcast %div3A_3109 : f32 to vector<16xf32>
    %div3A_3111 = arith.divf %div3A_3110, %add3A_3108 : vector<16xf32>
    %mul3A_3112 = arith.mulf %select_n3A_3034, %div3A_3111 : vector<16xf32>
    %swap3A_3113 = arith.constant 0 : index
    %swap3A_3114 = tpu.vector_load %arg5[%swap3A_3113] {strides = array<i32>} : memref<64xf32, #tpu.memory_space<vmem>>, vector<16xf32>,
    %swap3A_3115 = vector.shape_cast %swap3A_3114 : vector<16xf32> to vector<16xf32>
    %swap3A_3116 = vector.shape_cast %mul3A_3112 : vector<16xf32> to vector<16xf32>
    tpu.vector_store %arg5[%swap3A_3113], %swap3A_3116 {strides = array<i32>} : memref<64xf32, #tpu.memory_space<vmem>>, vector<16xf32>,
    %mul3A_3117 = arith.mulf %select_n3A_3039, %div3A_3111 : vector<16xf32>
    %swap3A_3118 = arith.constant 16 : index
    %swap3A_3119 = tpu.vector_load %arg5[%swap3A_3118] {strides = array<i32>} : memref<64xf32, #tpu.memory_space<vmem>>, vector<16xf32>,
    %swap3A_3120 = vector.shape_cast %swap3A_3119 : vector<16xf32> to vector<16xf32>
    %swap3A_3121 = vector.shape_cast %mul3A_3117 : vector<16xf32> to vector<16xf32>
    tpu.vector_store %arg5[%swap3A_3118], %swap3A_3121 {strides = array<i32>} : memref<64xf32, #tpu.memory_space<vmem>>, vector<16xf32>,
    %mul3A_3122 = arith.mulf %select_n3A_3044, %div3A_3111 : vector<16xf32>
    %swap3A_3123 = arith.constant 32 : index
    %swap3A_3124 = tpu.vector_load %arg5[%swap3A_3123] {strides = array<i32>} : memref<64xf32, #tpu.memory_space<vmem>>, vector<16xf32>,
    %swap3A_3125 = vector.shape_cast %swap3A_3124 : vector<16xf32> to vector<16xf32>
    %swap3A_3126 = vector.shape_cast %mul3A_3122 : vector<16xf32> to vector<16xf32>
    tpu.vector_store %arg5[%swap3A_3123], %swap3A_3126 {strides = array<i32>} : memref<64xf32, #tpu.memory_space<vmem>>, vector<16xf32>,
    %mul3A_3127 = arith.mulf %select_n3A_3049, %div3A_3111 : vector<16xf32>
    %swap3A_3128 = arith.constant 48 : index
    %swap3A_3129 = tpu.vector_load %arg5[%swap3A_3128] {strides = array<i32>} : memref<64xf32, #tpu.memory_space<vmem>>, vector<16xf32>,
    %swap3A_3130 = vector.shape_cast %swap3A_3129 : vector<16xf32> to vector<16xf32>
    %swap3A_3131 = vector.shape_cast %mul3A_3127 : vector<16xf32> to vector<16xf32>
    tpu.vector_store %arg5[%swap3A_3128], %swap3A_3131 {strides = array<i32>} : memref<64xf32, #tpu.memory_space<vmem>>, vector<16xf32>,
    "tpu.region"() ({
      %run_scoped3A = tpu.sem_alloc : memref<!tpu.dma_semaphore, #tpu.memory_space<semaphore_mem>>
      %dma_start3A = arith.constant 0 : i32
      %dma_start3A_3132 = tpu.memref_slice %arg3[%add3A_1560, %dma_start3A] : memref<32x64xf32, #tpu.memory_space<hbm>> -> memref<1x64xf32, #tpu.memory_space<hbm>>
      %dma_start3A_3133 = tpu.memref_squeeze %dma_start3A_3132 : memref<1x64xf32, #tpu.memory_space<hbm>> -> memref<64xf32, #tpu.memory_space<hbm>>
      %dma_start3A_3134 = arith.constant 0 : i32
      %dma_start3A_3135 = tpu.memref_slice %arg3[%add3A_1560, %dma_start3A_3134] : memref<32x64xf32, #tpu.memory_space<hbm>> -> memref<1x64xf32, #tpu.memory_space<hbm>>
      %dma_start3A_3136 = tpu.memref_squeeze %dma_start3A_3135 : memref<1x64xf32, #tpu.memory_space<hbm>> -> memref<64xf32, #tpu.memory_space<hbm>>
      tpu.enqueue_dma source(%arg5 : memref<64xf32, #tpu.memory_space<vmem>>) target(%dma_start3A_3136 : memref<64xf32, #tpu.memory_space<hbm>>) target_semaphore(%run_scoped3A : memref<!tpu.dma_semaphore, #tpu.memory_space<semaphore_mem>>)
      %dma_wait3A = arith.constant 0 : i32
      %dma_wait3A_3137 = tpu.memref_slice %arg3[%add3A_1560, %dma_wait3A] : memref<32x64xf32, #tpu.memory_space<hbm>> -> memref<1x64xf32, #tpu.memory_space<hbm>>
      %dma_wait3A_3138 = tpu.memref_squeeze %dma_wait3A_3137 : memref<1x64xf32, #tpu.memory_space<hbm>> -> memref<64xf32, #tpu.memory_space<hbm>>
      %dma_wait3A_3139 = arith.constant 0 : i32
      %dma_wait3A_3140 = tpu.memref_slice %arg3[%add3A_1560, %dma_wait3A_3139] : memref<32x64xf32, #tpu.memory_space<hbm>> -> memref<1x64xf32, #tpu.memory_space<hbm>>
      %dma_wait3A_3141 = tpu.memref_squeeze %dma_wait3A_3140 : memref<1x64xf32, #tpu.memory_space<hbm>> -> memref<64xf32, #tpu.memory_space<hbm>>
      tpu.wait_dma2 semaphore(%run_scoped3A : memref<!tpu.dma_semaphore, #tpu.memory_space<semaphore_mem>>) src(%arg5 : memref<64xf32, #tpu.memory_space<vmem>>) dst(%dma_wait3A_3141 : memref<64xf32, #tpu.memory_space<hbm>>)
      tpu.yield
    }) : () -> ()
    return
  }
}

module attributes {stable_mosaic.version = 14 : i64} {
  func.func @_logits_kernel(%arg0: memref<32x2048xf32, #tpu.memory_space<vmem>>, %arg1: memref<2048x64xf32, #tpu.memory_space<vmem>>, %arg2: memref<32x64xf32, #tpu.memory_space<vmem>>) attributes {dimension_semantics = [], scalar_prefetch = 0 : i64, scratch_operands = 0 : i64, tpu.core_type = #tpu.core_type<tc>} {
    %get3A = arith.constant 0 : index
    %get3A_0 = arith.constant 0 : index
    %get3A_1 = vector.load %arg0[%get3A, %get3A_0] : memref<32x2048xf32, #tpu.memory_space<vmem>>, vector<32x2048xf32>
    %get3A_2 = arith.constant 0 : index
    %get3A_3 = arith.constant 0 : index
    %get3A_4 = vector.load %arg1[%get3A_2, %get3A_3] : memref<2048x64xf32, #tpu.memory_space<vmem>>, vector<2048x64xf32>
    %dot_general3A = arith.constant dense<0.000000e+00> : vector<32x64xf32>
    %dot_general3A_5 = tpu.matmul %get3A_1, %get3A_4, %dot_general3A {dimension_numbers = #tpu.dot_dimension_numbers<[1], [0], [0], [1], [0, 0, 1, 1], [], []>, transpose_lhs_hint = false} : vector<32x2048xf32>, vector<2048x64xf32>, vector<32x64xf32> -> vector<32x64xf32>
    %swap3A = arith.constant 0 : index
    %swap3A_6 = arith.constant 0 : index
    %swap3A_7 = vector.load %arg2[%swap3A, %swap3A_6] : memref<32x64xf32, #tpu.memory_space<vmem>>, vector<32x64xf32>
    tpu.vector_store %arg2[%swap3A, %swap3A_6], %dot_general3A_5 {strides = array<i32>} : memref<32x64xf32, #tpu.memory_space<vmem>>, vector<32x64xf32>,
    return
  }
}

module attributes {stable_mosaic.version = 14 : i64} {
  func.func @_fused_kernel(%arg0: i32, %arg1: memref<32x2048xf32, #tpu.memory_space<vmem>>, %arg2: memref<32x64xf32, #tpu.memory_space<vmem>>, %arg3: memref<2048x1xf32, #tpu.memory_space<vmem>>, %arg4: memref<2048x128xf32, #tpu.memory_space<vmem>>, %arg5: memref<2048x128xf32, #tpu.memory_space<vmem>>, %arg6: memref<128x2048xf32, #tpu.memory_space<vmem>>, %arg7: memref<1x2048x1024xf32, #tpu.memory_space<vmem>>, %arg8: memref<1x512x2048xf32, #tpu.memory_space<vmem>>, %arg9: memref<32x2048xf32, #tpu.memory_space<vmem>>, %arg10: memref<32x2048xf32, #tpu.memory_space<vmem>>) attributes {dimension_semantics = [#tpu.dimension_semantics<arbitrary>], iteration_bounds = array<i64: 64>, scalar_prefetch = 0 : i64, scratch_operands = 1 : i64, tpu.core_type = #tpu.core_type<tc>, window_params = [{pipeline_mode = #tpu.pipeline_mode<synchronous>, transform_indices = @transform_0, window_bounds = array<i64: 32, 2048>}, {pipeline_mode = #tpu.pipeline_mode<synchronous>, transform_indices = @transform_1, window_bounds = array<i64: 32, 64>}, {pipeline_mode = #tpu.pipeline_mode<synchronous>, transform_indices = @transform_2, window_bounds = array<i64: 2048, 1>}, {transform_indices = @transform_3, window_bounds = array<i64: 2048, 128>}, {transform_indices = @transform_4, window_bounds = array<i64: 2048, 128>}, {transform_indices = @transform_5, window_bounds = array<i64: 128, 2048>}, {transform_indices = @transform_6, window_bounds = array<i64: 1, 2048, 1024>}, {transform_indices = @transform_7, window_bounds = array<i64: 1, 512, 2048>}, {pipeline_mode = #tpu.pipeline_mode<synchronous>, transform_indices = @transform_8, window_bounds = array<i64: 32, 2048>}]} {
    %get3A = arith.constant 0 : index
    %get3A_0 = arith.constant 0 : index
    %get3A_1 = vector.load %arg1[%get3A, %get3A_0] : memref<32x2048xf32, #tpu.memory_space<vmem>>, vector<32x2048xf32>
    %eq3A = arith.constant 0 : i32
    %eq3A_2 = arith.cmpi eq, %arg0, %eq3A : i32
    %convert_element_type3A = arith.extui %eq3A_2 : i1 to i32
    %cond3A = arith.constant 0 : i32
    %cond3A_3 = arith.cmpi ne, %convert_element_type3A, %cond3A : i32
    scf.if %cond3A_3 {
      %get3A_53 = arith.constant 0 : index
      %get3A_54 = arith.constant 0 : index
      %get3A_55 = vector.load %arg4[%get3A_53, %get3A_54] : memref<2048x128xf32, #tpu.memory_space<vmem>>, vector<2048x128xf32>
      %dot_general3A_56 = arith.constant dense<0.000000e+00> : vector<32x128xf32>
      %dot_general3A_57 = tpu.matmul %get3A_1, %get3A_55, %dot_general3A_56 {dimension_numbers = #tpu.dot_dimension_numbers<[1], [0], [0], [1], [0, 0, 1, 1], [], []>, transpose_lhs_hint = false} : vector<32x2048xf32>, vector<2048x128xf32>, vector<32x128xf32> -> vector<32x128xf32>
      %logistic3A_58 = arith.negf %dot_general3A_57 : vector<32x128xf32>
      %logistic3A_59 = math.exp %logistic3A_58 : vector<32x128xf32>
      %logistic3A_60 = arith.constant 1.000000e+00 : f32
      %logistic3A_61 = vector.broadcast %logistic3A_60 : f32 to vector<32x128xf32>
      %logistic3A_62 = arith.addf %logistic3A_61, %logistic3A_59 : vector<32x128xf32>
      %logistic3A_63 = arith.divf %logistic3A_61, %logistic3A_62 : vector<32x128xf32>
      %mul3A_64 = arith.mulf %dot_general3A_57, %logistic3A_63 : vector<32x128xf32>
      %get3A_65 = arith.constant 0 : index
      %get3A_66 = arith.constant 0 : index
      %get3A_67 = vector.load %arg5[%get3A_65, %get3A_66] : memref<2048x128xf32, #tpu.memory_space<vmem>>, vector<2048x128xf32>
      %dot_general3A_68 = arith.constant dense<0.000000e+00> : vector<32x128xf32>
      %dot_general3A_69 = tpu.matmul %get3A_1, %get3A_67, %dot_general3A_68 {dimension_numbers = #tpu.dot_dimension_numbers<[1], [0], [0], [1], [0, 0, 1, 1], [], []>, transpose_lhs_hint = false} : vector<32x2048xf32>, vector<2048x128xf32>, vector<32x128xf32> -> vector<32x128xf32>
      %mul3A_70 = arith.mulf %mul3A_64, %dot_general3A_69 : vector<32x128xf32>
      %get3A_71 = arith.constant 0 : index
      %get3A_72 = arith.constant 0 : index
      %get3A_73 = vector.load %arg6[%get3A_71, %get3A_72] : memref<128x2048xf32, #tpu.memory_space<vmem>>, vector<128x2048xf32>
      %dot_general3A_74 = arith.constant dense<0.000000e+00> : vector<32x2048xf32>
      %dot_general3A_75 = tpu.matmul %mul3A_70, %get3A_73, %dot_general3A_74 {dimension_numbers = #tpu.dot_dimension_numbers<[1], [0], [0], [1], [0, 0, 1, 1], [], []>, transpose_lhs_hint = false} : vector<32x128xf32>, vector<128x2048xf32>, vector<32x2048xf32> -> vector<32x2048xf32>
      %swap3A = arith.constant 0 : index
      %swap3A_76 = arith.constant 0 : index
      %swap3A_77 = vector.load %arg10[%swap3A, %swap3A_76] : memref<32x2048xf32, #tpu.memory_space<vmem>>, vector<32x2048xf32>
      tpu.vector_store %arg10[%swap3A, %swap3A_76], %dot_general3A_75 {strides = array<i32>} : memref<32x2048xf32, #tpu.memory_space<vmem>>, vector<32x2048xf32>,
    } else {
    }
    %gt3A = arith.constant 0 : i32
    %gt3A_4 = arith.cmpi sgt, %arg0, %gt3A : i32
    %lt3A = arith.constant 16 : i32
    %lt3A_5 = arith.cmpi slt, %arg0, %lt3A : i32
    %and3A = arith.andi %gt3A_4, %lt3A_5 : i1
    %convert_element_type3A_6 = arith.extui %and3A : i1 to i32
    %cond3A_7 = arith.constant 0 : i32
    %cond3A_8 = arith.cmpi ne, %convert_element_type3A_6, %cond3A_7 : i32
    scf.if %cond3A_8 {
      %get3A_53 = arith.constant 0 : index
      %get3A_54 = arith.constant 0 : index
      %get3A_55 = vector.load %arg10[%get3A_53, %get3A_54] : memref<32x2048xf32, #tpu.memory_space<vmem>>, vector<32x2048xf32>
      %get3A_56 = arith.constant 0 : index
      %get3A_57 = arith.constant 0 : index
      %get3A_58 = vector.load %arg4[%get3A_56, %get3A_57] : memref<2048x128xf32, #tpu.memory_space<vmem>>, vector<2048x128xf32>
      %dot_general3A_59 = arith.constant dense<0.000000e+00> : vector<32x128xf32>
      %dot_general3A_60 = tpu.matmul %get3A_1, %get3A_58, %dot_general3A_59 {dimension_numbers = #tpu.dot_dimension_numbers<[1], [0], [0], [1], [0, 0, 1, 1], [], []>, transpose_lhs_hint = false} : vector<32x2048xf32>, vector<2048x128xf32>, vector<32x128xf32> -> vector<32x128xf32>
      %logistic3A_61 = arith.negf %dot_general3A_60 : vector<32x128xf32>
      %logistic3A_62 = math.exp %logistic3A_61 : vector<32x128xf32>
      %logistic3A_63 = arith.constant 1.000000e+00 : f32
      %logistic3A_64 = vector.broadcast %logistic3A_63 : f32 to vector<32x128xf32>
      %logistic3A_65 = arith.addf %logistic3A_64, %logistic3A_62 : vector<32x128xf32>
      %logistic3A_66 = arith.divf %logistic3A_64, %logistic3A_65 : vector<32x128xf32>
      %mul3A_67 = arith.mulf %dot_general3A_60, %logistic3A_66 : vector<32x128xf32>
      %get3A_68 = arith.constant 0 : index
      %get3A_69 = arith.constant 0 : index
      %get3A_70 = vector.load %arg5[%get3A_68, %get3A_69] : memref<2048x128xf32, #tpu.memory_space<vmem>>, vector<2048x128xf32>
      %dot_general3A_71 = arith.constant dense<0.000000e+00> : vector<32x128xf32>
      %dot_general3A_72 = tpu.matmul %get3A_1, %get3A_70, %dot_general3A_71 {dimension_numbers = #tpu.dot_dimension_numbers<[1], [0], [0], [1], [0, 0, 1, 1], [], []>, transpose_lhs_hint = false} : vector<32x2048xf32>, vector<2048x128xf32>, vector<32x128xf32> -> vector<32x128xf32>
      %mul3A_73 = arith.mulf %mul3A_67, %dot_general3A_72 : vector<32x128xf32>
      %get3A_74 = arith.constant 0 : index
      %get3A_75 = arith.constant 0 : index
      %get3A_76 = vector.load %arg6[%get3A_74, %get3A_75] : memref<128x2048xf32, #tpu.memory_space<vmem>>, vector<128x2048xf32>
      %dot_general3A_77 = arith.constant dense<0.000000e+00> : vector<32x2048xf32>
      %dot_general3A_78 = tpu.matmul %mul3A_73, %get3A_76, %dot_general3A_77 {dimension_numbers = #tpu.dot_dimension_numbers<[1], [0], [0], [1], [0, 0, 1, 1], [], []>, transpose_lhs_hint = false} : vector<32x128xf32>, vector<128x2048xf32>, vector<32x2048xf32> -> vector<32x2048xf32>
      %add3A = arith.addf %get3A_55, %dot_general3A_78 : vector<32x2048xf32>
      %swap3A = arith.constant 0 : index
      %swap3A_79 = arith.constant 0 : index
      %swap3A_80 = vector.load %arg10[%swap3A, %swap3A_79] : memref<32x2048xf32, #tpu.memory_space<vmem>>, vector<32x2048xf32>
      tpu.vector_store %arg10[%swap3A, %swap3A_79], %add3A {strides = array<i32>} : memref<32x2048xf32, #tpu.memory_space<vmem>>, vector<32x2048xf32>,
    } else {
    }
    %get3A_9 = arith.constant 0 : index
    %get3A_10 = arith.constant 0 : index
    %get3A_11 = arith.constant 0 : index
    %get3A_12 = vector.load %arg7[%get3A_9, %get3A_10, %get3A_11] : memref<1x2048x1024xf32, #tpu.memory_space<vmem>>, vector<1x2048x1024xf32>
    %get3A_13 = vector.shape_cast %get3A_12 : vector<1x2048x1024xf32> to vector<2048x1024xf32>
    %dot_general3A = arith.constant dense<0.000000e+00> : vector<32x1024xf32>
    %dot_general3A_14 = tpu.matmul %get3A_1, %get3A_13, %dot_general3A {dimension_numbers = #tpu.dot_dimension_numbers<[1], [0], [0], [1], [0, 0, 1, 1], [], []>, transpose_lhs_hint = false} : vector<32x2048xf32>, vector<2048x1024xf32>, vector<32x1024xf32> -> vector<32x1024xf32>
    %slice3A = vector.extract_strided_slice %dot_general3A_14 {offsets = [0, 0], sizes = [32, 512], strides = [1, 1]} : vector<32x1024xf32> to vector<32x512xf32>
    %slice3A_15 = vector.extract_strided_slice %dot_general3A_14 {offsets = [0, 512], sizes = [32, 512], strides = [1, 1]} : vector<32x1024xf32> to vector<32x512xf32>
    %logistic3A = arith.negf %slice3A : vector<32x512xf32>
    %logistic3A_16 = math.exp %logistic3A : vector<32x512xf32>
    %logistic3A_17 = arith.constant 1.000000e+00 : f32
    %logistic3A_18 = vector.broadcast %logistic3A_17 : f32 to vector<32x512xf32>
    %logistic3A_19 = arith.addf %logistic3A_18, %logistic3A_16 : vector<32x512xf32>
    %logistic3A_20 = arith.divf %logistic3A_18, %logistic3A_19 : vector<32x512xf32>
    %mul3A = arith.mulf %slice3A, %logistic3A_20 : vector<32x512xf32>
    %mul3A_21 = arith.mulf %slice3A_15, %mul3A : vector<32x512xf32>
    %iota3A = tpu.iota {dimensions = array<i32: 1>} : vector<32x64xi32>
    %eq3A_22 = vector.broadcast %arg0 : i32 to vector<32x64xi32>
    %eq3A_23 = arith.cmpi eq, %iota3A, %eq3A_22 : vector<32x64xi32>
    %get3A_24 = arith.constant 0 : index
    %get3A_25 = arith.constant 0 : index
    %get3A_26 = vector.load %arg2[%get3A_24, %get3A_25] : memref<32x64xf32, #tpu.memory_space<vmem>>, vector<32x64xf32>
    %jit3A = arith.constant 0.000000e+00 : f32
    %broadcast_in_dim3A = vector.broadcast %jit3A : f32 to vector<32x64xf32>
    %select_n3A = arith.select %eq3A_23, %get3A_26, %broadcast_in_dim3A : vector<32x64xi1>, vector<32x64xf32>
    %reduce_sum3A = arith.constant dense<0.000000e+00> : vector<32xf32>
    %reduce_sum3A_27 = vector.multi_reduction <add>, %select_n3A, %reduce_sum3A [1] : vector<32x64xf32> to vector<32xf32>
    %broadcast_in_dim3A_28 = vector.shape_cast %reduce_sum3A_27 : vector<32xf32> to vector<32x1xf32>
    %mul3A_29 = vector.broadcast %broadcast_in_dim3A_28 : vector<32x1xf32> to vector<32x512xf32>
    %mul3A_30 = arith.mulf %mul3A_21, %mul3A_29 : vector<32x512xf32>
    %get3A_31 = arith.constant 0 : index
    %get3A_32 = arith.constant 0 : index
    %get3A_33 = arith.constant 0 : index
    %get3A_34 = vector.load %arg8[%get3A_31, %get3A_32, %get3A_33] : memref<1x512x2048xf32, #tpu.memory_space<vmem>>, vector<1x512x2048xf32>
    %get3A_35 = vector.shape_cast %get3A_34 : vector<1x512x2048xf32> to vector<512x2048xf32>
    %dot_general3A_36 = arith.constant dense<0.000000e+00> : vector<32x2048xf32>
    %dot_general3A_37 = tpu.matmul %mul3A_30, %get3A_35, %dot_general3A_36 {dimension_numbers = #tpu.dot_dimension_numbers<[1], [0], [0], [1], [0, 0, 1, 1], [], []>, transpose_lhs_hint = false} : vector<32x512xf32>, vector<512x2048xf32>, vector<32x2048xf32> -> vector<32x2048xf32>
    %eq3A_38 = arith.constant 0 : i32
    %eq3A_39 = arith.cmpi eq, %arg0, %eq3A_38 : i32
    %convert_element_type3A_40 = arith.extui %eq3A_39 : i1 to i32
    %cond3A_41 = arith.constant 0 : i32
    %cond3A_42 = arith.cmpi ne, %convert_element_type3A_40, %cond3A_41 : i32
    scf.if %cond3A_42 {
      %swap3A = arith.constant 0 : index
      %swap3A_53 = arith.constant 0 : index
      %swap3A_54 = vector.load %arg9[%swap3A, %swap3A_53] : memref<32x2048xf32, #tpu.memory_space<vmem>>, vector<32x2048xf32>
      tpu.vector_store %arg9[%swap3A, %swap3A_53], %dot_general3A_37 {strides = array<i32>} : memref<32x2048xf32, #tpu.memory_space<vmem>>, vector<32x2048xf32>,
    } else {
    }
    %gt3A_43 = arith.constant 0 : i32
    %gt3A_44 = arith.cmpi sgt, %arg0, %gt3A_43 : i32
    %convert_element_type3A_45 = arith.extui %gt3A_44 : i1 to i32
    %cond3A_46 = arith.constant 0 : i32
    %cond3A_47 = arith.cmpi ne, %convert_element_type3A_45, %cond3A_46 : i32
    scf.if %cond3A_47 {
      %get3A_53 = arith.constant 0 : index
      %get3A_54 = arith.constant 0 : index
      %get3A_55 = vector.load %arg9[%get3A_53, %get3A_54] : memref<32x2048xf32, #tpu.memory_space<vmem>>, vector<32x2048xf32>
      %add3A = arith.addf %get3A_55, %dot_general3A_37 : vector<32x2048xf32>
      %swap3A = arith.constant 0 : index
      %swap3A_56 = arith.constant 0 : index
      %swap3A_57 = vector.load %arg9[%swap3A, %swap3A_56] : memref<32x2048xf32, #tpu.memory_space<vmem>>, vector<32x2048xf32>
      tpu.vector_store %arg9[%swap3A, %swap3A_56], %add3A {strides = array<i32>} : memref<32x2048xf32, #tpu.memory_space<vmem>>, vector<32x2048xf32>,
    } else {
    }
    %eq3A_48 = arith.constant 63 : i32
    %eq3A_49 = arith.cmpi eq, %arg0, %eq3A_48 : i32
    %convert_element_type3A_50 = arith.extui %eq3A_49 : i1 to i32
    %cond3A_51 = arith.constant 0 : i32
    %cond3A_52 = arith.cmpi ne, %convert_element_type3A_50, %cond3A_51 : i32
    scf.if %cond3A_52 {
      %get3A_53 = arith.constant 0 : index
      %get3A_54 = arith.constant 0 : index
      %get3A_55 = vector.load %arg3[%get3A_53, %get3A_54] : memref<2048x1xf32, #tpu.memory_space<vmem>>, vector<2048x1xf32>
      %dot_general3A_56 = arith.constant dense<0.000000e+00> : vector<32x1xf32>
      %dot_general3A_57 = tpu.matmul %get3A_1, %get3A_55, %dot_general3A_56 {dimension_numbers = #tpu.dot_dimension_numbers<[1], [0], [0], [1], [0, 0, 1, 1], [], []>, transpose_lhs_hint = false} : vector<32x2048xf32>, vector<2048x1xf32>, vector<32x1xf32> -> vector<32x1xf32>
      %logistic3A_58 = arith.negf %dot_general3A_57 : vector<32x1xf32>
      %logistic3A_59 = math.exp %logistic3A_58 : vector<32x1xf32>
      %logistic3A_60 = arith.constant 1.000000e+00 : f32
      %logistic3A_61 = vector.broadcast %logistic3A_60 : f32 to vector<32x1xf32>
      %logistic3A_62 = arith.addf %logistic3A_61, %logistic3A_59 : vector<32x1xf32>
      %logistic3A_63 = arith.divf %logistic3A_61, %logistic3A_62 : vector<32x1xf32>
      %get3A_64 = arith.constant 0 : index
      %get3A_65 = arith.constant 0 : index
      %get3A_66 = vector.load %arg9[%get3A_64, %get3A_65] : memref<32x2048xf32, #tpu.memory_space<vmem>>, vector<32x2048xf32>
      %get3A_67 = arith.constant 0 : index
      %get3A_68 = arith.constant 0 : index
      %get3A_69 = vector.load %arg10[%get3A_67, %get3A_68] : memref<32x2048xf32, #tpu.memory_space<vmem>>, vector<32x2048xf32>
      %mul3A_70 = vector.broadcast %logistic3A_63 : vector<32x1xf32> to vector<32x2048xf32>
      %mul3A_71 = arith.mulf %mul3A_70, %get3A_69 : vector<32x2048xf32>
      %add3A = arith.addf %get3A_66, %mul3A_71 : vector<32x2048xf32>
      %swap3A = arith.constant 0 : index
      %swap3A_72 = arith.constant 0 : index
      %swap3A_73 = vector.load %arg9[%swap3A, %swap3A_72] : memref<32x2048xf32, #tpu.memory_space<vmem>>, vector<32x2048xf32>
      tpu.vector_store %arg9[%swap3A, %swap3A_72], %add3A {strides = array<i32>} : memref<32x2048xf32, #tpu.memory_space<vmem>>, vector<32x2048xf32>,
    } else {
    }
    return
  }
  func.func @transform_0(%arg0: i32) -> (i32, i32) {
    %c0_i32 = arith.constant 0 : i32
    %c0_i32_0 = arith.constant 0 : i32
    %c0_i32_1 = arith.constant 0 : i32
    return %c0_i32, %c0_i32_0 : i32, i32
  }
  func.func @transform_1(%arg0: i32) -> (i32, i32) {
    %c0_i32 = arith.constant 0 : i32
    %c0_i32_0 = arith.constant 0 : i32
    %c0_i32_1 = arith.constant 0 : i32
    return %c0_i32, %c0_i32_0 : i32, i32
  }
  func.func @transform_2(%arg0: i32) -> (i32, i32) {
    %c0_i32 = arith.constant 0 : i32
    %c0_i32_0 = arith.constant 0 : i32
    %c0_i32_1 = arith.constant 0 : i32
    return %c0_i32, %c0_i32_0 : i32, i32
  }
  func.func @transform_3(%arg0: i32) -> (i32, i32) {
    %min3A = arith.constant 15 : i32
    %min3A_0 = arith.minsi %arg0, %min3A : i32
    %c0_i32 = arith.constant 0 : i32
    %c0_i32_1 = arith.constant 0 : i32
    return %c0_i32, %min3A_0 : i32, i32
  }
  func.func @transform_4(%arg0: i32) -> (i32, i32) {
    %min3A = arith.constant 15 : i32
    %min3A_0 = arith.minsi %arg0, %min3A : i32
    %c0_i32 = arith.constant 0 : i32
    %c0_i32_1 = arith.constant 0 : i32
    return %c0_i32, %min3A_0 : i32, i32
  }
  func.func @transform_5(%arg0: i32) -> (i32, i32) {
    %min3A = arith.constant 15 : i32
    %min3A_0 = arith.minsi %arg0, %min3A : i32
    %c0_i32 = arith.constant 0 : i32
    %c0_i32_1 = arith.constant 0 : i32
    return %min3A_0, %c0_i32 : i32, i32
  }
  func.func @transform_6(%arg0: i32) -> (i32, i32, i32) {
    %c0_i32 = arith.constant 0 : i32
    %c0_i32_0 = arith.constant 0 : i32
    %c0_i32_1 = arith.constant 0 : i32
    return %arg0, %c0_i32, %c0_i32_0 : i32, i32, i32
  }
  func.func @transform_7(%arg0: i32) -> (i32, i32, i32) {
    %c0_i32 = arith.constant 0 : i32
    %c0_i32_0 = arith.constant 0 : i32
    %c0_i32_1 = arith.constant 0 : i32
    return %arg0, %c0_i32, %c0_i32_0 : i32, i32, i32
  }
  func.func @transform_8(%arg0: i32) -> (i32, i32) {
    %c0_i32 = arith.constant 0 : i32
    %c0_i32_0 = arith.constant 0 : i32
    %c0_i32_1 = arith.constant 0 : i32
    return %c0_i32, %c0_i32_0 : i32, i32
  }
}

</mosaic_0001>

<sc_bundles>
// kernel: kernel.5.cloned.1.call-start
scs
__scs_entry_jumppad:
0x0: {  	(pc) =	sbr.rel $0x88, $3  }
0x1: {  	(tag) =	ssettag $0x0;
	lr =	simm.s32 $0x1  }
0x2: {  	[smem:$0x3F99] =	sst lr;
	_ =	strace $0xD0000000  }
0x3: {  	_ = 	snop  }
0x4: {  	_ = 	snop  }
0x5: {  	_ = 	snop  }
0x6: {  	_ = 	snop  }
0x7: {  	_ = 	snop  }
__scs_overlays_trampoline_lowered:
0x8: {  	[smem:$0x3FA8] =	sst s0  }
0x9: {  	[smem:$0x3FA9] =	sst s1  }
0xa: {  	[smem:$0x3FAA] =	sst s2  }
0xb: {  	[smem:$0x3FAB] =	sst s3  }
0xc: {  	[smem:$0x3FAC] =	sst s4  }
0xd: {  	[smem:$0x3FAD] =	sst s5  }
0xe: {  	[smem:$0x3FAE] =	sst s6  }
0xf: {  	[smem:$0x3FAF] =	sst s7  }
0x10: {  	[smem:$0x3FB0] =	sst s8  }
0x11: {  	[smem:$0x3FB1] =	sst s9;
	s0 =	simm.s32 @!p0 $0x0  }
0x12: {  	s1 =	sld [smem:$0x3F97];
	s0 =	simm.s32 @p0 $0x1  }
0x13: {  	[smem:$0x3FB2] =	sst s0;
	s0 =	simm.s32 @!p1 $0x0  }
0x14: {  	s2 =	sld [smem:$0x3F96];
	s0 =	simm.s32 @p1 $0x1  }
0x15: {  	[smem:$0x3FB3] =	sst s0;
	s0 =	simm.s32 @!p2 $0x0  }
0x16: {  	s3 =	sld [smem:$0x3FDB];
	s0 =	simm.s32 @p2 $0x1  }
0x17: {  	s4 =	simm.s32 $0x1BF5;
	[smem:$0x3FB5] =	sst s0  }
0x18: {  	s0 =	sld [smem:$0x3F98];
	_ =	swait.ge [sflag:s4], $0x0  }
0x19: {  	s7 =	sld [smem:$0x3F99]  }
0x1a: {  	s8 =	sadd.s32 $0xFFFFE003, lr  }
0x1b: {  	s9 =	sadd.s32 $0xFFFFFEF7, lr;
	s5 =	simm.s32 $0xFFFFFFFF;
	p2 =	slt.u32 s8, $0xFFFFF086  }
0x1c: {  	p1 =	slt.u32 s9, $0xF7A;
	s5 =	simm.s32 @!p2 $0x0  }
0x1d: {  	s5 =	simm.s32 @p1 $0x1;
	p0 =	seq.s32 s7, s2  }
0x1e: {  	s7 =	smul.u32 @!p0 $0xF7A, s2;
	p2 =	seq.s32 @!p0 s5, $0x0  }
0x1f: {  	s9 =	smul.u32 $0xF7A, s1;
	s8 =	simm.s32 @!p0 $0x1BF5;
	p2 =	por !p2, p0  }
0x20: {  	[sflag:s8] =	ssyncset.s32 @!p0 $0xFFFFF086;
	s6 =	sadd.s32 @!p0 s3, s7;
	s7 =	simm.s32 @!p0 $0x108  }
0x21: {  	s3 =	sadd.s32 s3, s9;
	s6 =	sadd.s32 @!p0 $0x88, s6;
	s7 =	simm.s32 @p2 $0x1082  }
0x22: {  	[simem:s7], [sflag:s8] =	dma.local @!p0 [hbm:s6], $0xF7A  }
0x23: {  	s9 =	sor.u32 $0xD0000000, s2;
	s6 =	simm.s32 $0x108;
	_ =	swait.ge @!p0 [sflag:s8], $0x0  }
0x24: {  	s3 =	sadd.s32 $0x88, s3;
	s6 =	simm.s32 @!p1 $0x1082;
	[sflag:s4] =	ssyncset.s32 $0xFFFFF086  }
0x25: {  	[simem:s6], [sflag:s4] =	dma.local [hbm:s3], $0xF7A  }
0x26: {  	[smem:$0x3F99] =	sst s1;
	(tag) =	ssettag s2;
	_ =	strace s9  }
0x27: {  	s1 =	sld [smem:$0x3FA9]  }
0x28: {  	s2 =	sld [smem:$0x3FAA]  }
0x29: {  	s4 =	sld [smem:$0x3FAC]  }
0x2a: {  	p0 =	seq.s32 s5, $0x0;
	s5 =	sld [smem:$0x3FAD]  }
0x2b: {  	s6 =	sld [smem:$0x3FAE]  }
0x2c: {  	s7 =	sld [smem:$0x3FAF]  }
0x2d: {  	s3 =	simm.s32 $0x108;
	s8 =	sld [smem:$0x3FB0]  }
0x2e: {  	s3 =	simm.s32 @!p0 $0x1082;
	s9 =	sld [smem:$0x3FB1]  }
0x2f: {  	lr =	sadd.s32 s0, s3;
	s0 =	sld [smem:$0x3FA8]  }
0x30: {  	s3 =	sld [smem:$0x3FAB]  }
0x31: {  	[smem:$0x3FB4] =	sst s10  }
0x32: {  	s10 =	sld [smem:$0x3FB2];
	_ =	sdelay $0x3  }
0x33: {  	p0 =	seq.s32 s10, $0x1;
	s10 =	sld [smem:$0x3FB4];
	_ =	sdelay $0x3  }
0x34: {  	[smem:$0x3FB4] =	sst s10  }
0x35: {  	s10 =	sld [smem:$0x3FB3];
	_ =	sdelay $0x3  }
0x36: {  	p1 =	seq.s32 s10, $0x1;
	s10 =	sld [smem:$0x3FB4];
	_ =	sdelay $0x3  }
0x37: {  	[smem:$0x3FB4] =	sst s10  }
0x38: {  	s10 =	sld [smem:$0x3FB5]  }
0x39: {  	_ = 	snop;
	(pc) =	sbr.ind lr, $3  }
0x3a: {  	_ = 	snop  }
0x3b: {  	_ = 	snop  }
0x3c: {  	p2 =	seq.s32 s10, $0x1;
	s10 =	sld [smem:$0x3FB4]  }
0x3d: {  	_ =	shalt  }
0x3e: {  	_ =	shalt  }
0x3f: {  	_ =	shalt  }
0x40: {  	_ =	shalt  }
0x41: {  	_ =	shalt  }
0x42: {  	_ =	shalt  }
0x43: {  	_ =	shalt  }
0x44: {  	_ =	shalt  }
0x45: {  	_ =	shalt  }
0x46: {  	_ =	shalt  }
0x47: {  	_ =	shalt  }
0x48: {  	_ =	shalt  }
0x49: {  	_ =	shalt  }
0x4a: {  	_ =	shalt  }
0x4b: {  	_ =	shalt  }
0x4c: {  	_ =	shalt  }
0x4d: {  	_ =	shalt  }
0x4e: {  	_ =	shalt  }
0x4f: {  	_ =	shalt  }
0x50: {  	_ =	shalt  }
0x51: {  	_ =	shalt  }
0x52: {  	_ =	shalt  }
0x53: {  	_ =	shalt  }
0x54: {  	_ =	shalt  }
0x55: {  	_ =	shalt  }
0x56: {  	_ =	shalt  }
0x57: {  	_ =	shalt  }
0x58: {  	_ =	shalt  }
0x59: {  	_ =	shalt  }
0x5a: {  	_ =	shalt  }
0x5b: {  	_ =	shalt  }
0x5c: {  	_ =	shalt  }
0x5d: {  	_ =	shalt  }
0x5e: {  	_ =	shalt  }
0x5f: {  	_ =	shalt  }
0x60: {  	_ =	shalt  }
0x61: {  	_ =	shalt  }
0x62: {  	_ =	shalt  }
0x63: {  	_ =	shalt  }
0x64: {  	_ =	shalt  }
0x65: {  	_ =	shalt  }
0x66: {  	_ =	shalt  }
0x67: {  	_ =	shalt  }
0x68: {  	_ =	shalt  }
0x69: {  	_ =	shalt  }
0x6a: {  	_ =	shalt  }
0x6b: {  	_ =	shalt  }
0x6c: {  	_ =	shalt  }
0x6d: {  	_ =	shalt  }
0x6e: {  	_ =	shalt  }
0x6f: {  	_ =	shalt  }
0x70: {  	_ =	shalt  }
0x71: {  	_ =	shalt  }
0x72: {  	_ =	shalt  }
0x73: {  	_ =	shalt  }
0x74: {  	_ =	shalt  }
0x75: {  	_ =	shalt  }
0x76: {  	_ =	shalt  }
0x77: {  	_ =	shalt  }
0x78: {  	_ =	shalt  }
0x79: {  	_ =	shalt  }
0x7a: {  	_ =	shalt  }
0x7b: {  	_ =	shalt  }
0x7c: {  	_ =	shalt  }
0x7d: {  	_ =	shalt  }
0x7e: {  	_ =	shalt  }
0x7f: {  	_ =	shalt  }
0x80: {  	_ =	shalt  }
0x81: {  	_ =	shalt  }
0x82: {  	_ =	shalt  }
0x83: {  	_ =	shalt  }
0x84: {  	_ =	shalt  }
0x85: {  	_ =	shalt  }
0x86: {  	_ =	shalt  }
0x87: {  	_ =	shalt  }
.Lfunc_end0:
.L_simem_size_0:
called_computation_lowered:
.L_overlay_start_0:
0x88: {  	s0 =	sld [smem:$0x3FD9]  }
0x89: {  	s1 =	sld [smem:$0x3FFE];
	_ =	sdelay $0x3  }
0x8a: {  	s0 =	sadd.s32 s1, s0  }
0x8b: {  	[smem:$0x3FC0] =	sst s0  }
0x8c: {  	_ = 	snop  }
0x8d: {  	s0 =	sld [smem:$0x3FD0];
	(tm) =	ssettm $0x1  }
0x8e: {  	s16 =	sld [smem:$0x3FFB];
	_ =	sdelay $0x3  }
0x8f: {  	_ =	strace s16  }
0x90: {  	s1 =	sld [smem:$0x3FFC];
	_ =	sdelay $0x3  }
0x91: {  	_ =	strace s1  }
0x92: {  	s1 =	sld [smem:$0x3FFD];
	_ =	sdelay $0x3  }
0x93: {  	_ =	strace s1  }
0x94: {  	_ =	strace $0x8FFFFFFF  }
0x95: {  	s17 =	sld [smem:$0x3FDB];
	_ =	sdelay $0x1  }
0x96: {  	s2 =	simm.s32 $_scs_section_size  }
0x97: {  	s3 =	simm.s32 $_size__tile_overlayer_lowered;
	s4 =	simm.s32 $_tile_overlayer_lowered  }
0x98: {  	s20 =	simm.s32 $0x1BFF;
	s19 =	sshll.u32 s4, $0x1;
	s1 =	sadd.s32 s2, s17  }
0x99: {  	s5 =	simm.s32 $0x0;
	s18 =	sshll.u32 s3, $0x1;
	s3 =	sadd.s32 s19, s1  }
0x9a: {  	[timem:s5], [sflag:s20] =	dma.local [hbm:s3], s18  }
0x9b: {  	_ =	swait.ge [sflag:s20], s18  }
0x9c: {  	s2 =	ssub.s32 $0x0, s18;
	[sflag:s20] =	ssyncset.done $0x0  }
0x9d: {  	[sflag:s20] =	ssyncadd.s32 s2;
	_ =	sdelay $0x1  }
0x9e: {  	s21 =	simm.s32 $0x1B8B  }
0x9f: {  	_ =	swait.ge [sflag:s21], $0x1  }
0xa0: {  	[sflag:s21] =	ssyncset.done $0x0  }
0xa1: {  	s23 =	simm.s32 $0x1B8E;
	s22 =	sld [smem:$0x3FFE];
	[sflag:s21] =	ssyncadd.s32 $0xFFFFFFFF  }
0xa2: {  	s24 =	simm.s32 $execute0_lowered;
	[smem:$0x3FD2] =	sst s23  }
0xa3: {  	s3 =	sshll.u32 s24, $0x1;
	_ =	strace $0x80000046;
	[dreg:$0x1] =	wrdreg $0xFFFFFFFF  }
0xa4: {  	s25 =	simm.s32 $_size_execute0_lowered;
	s1 =	sadd.s32 s1, s3;
	[dreg:$0x0] =	wrdreg $0x0  }
0xa5: {  	s3 =	sshll.u32 s25, $0x1;
	[dreg:$0x2] =	wrdreg s1  }
0xa6: {  	[dreg:$0x3] =	wrdreg s3  }
0xa7: {  	[dreg:$0x4] =	wrdreg $0xC0  }
0xa8: {  	_ =	task [dreg:s5], $0x5FFFF  }
0xa9: {  	[dreg:$0x1] =	wrdreg $0xFFFFFFFF  }
0xaa: {  	[dreg:$0x0] =	wrdreg $0x60  }
0xab: {  	[dreg:$0x2] =	wrdreg s0  }
0xac: {  	[dreg:$0x3] =	wrdreg s22  }
0xad: {  	[dreg:$0x4] =	wrdreg $0x9  }
0xae: {  	_ =	task.clear_ibuf [dreg:s5], $0x5FFFF;
	_ =	strace $0x90000046  }
0xaf: {  	s26 =	simm.s32 $0x9;
	_ =	strace $0x80000048  }
0xb0: {  	_ =	swait.ge [sflag:s26], $0x1  }
0xb1: {  	[sflag:s26] =	ssyncadd.s32 $0xFFFFFFFF  }
0xb2: {  	_ =	strace $0x90000048  }
0xb3: {  	_ =	sfence  }
0xb4: {  	s28 =	sld [smem:$0x0];
	_ =	sdelay $0x1  }
0xb5: {  	s29 =	srdreg.scid  }
0xb6: {  	s30 =	sshll.u32 s29, $0xD;
	s31 =	sshrl.u32 s29, $0x2  }
0xb7: {  	s2 =	sand.u32 $0x4000, s30;
	s1 =	sand.u32 $0x1, s29;
	s0 =	sadd.s32 s31, s28  }
0xb8: {  	s1 =	sor.u32 s2, s1;
	s0 =	sshll.u32 s0, $0x11  }
0xb9: {  	s0 =	sor.u32 s0, s1  }
0xba: {  	s0 =	sadd.s32 $0x8F2B, s0  }
0xbb: {  	[sflag:s0] =	ssyncadd.remote.s32 $0x1  }
0xbc: {  	_ =	sfence.sel $0xFFFF  }
0xbd: {  	[dreg:$0x0] =	wrdreg $0xFFFFFFFF;
	(pc) =	sbr.abs _section_cstart, $3  }
0xbe: {  	[dreg:$0x1] =	wrdreg $0xFFFFFFFF  }
0xbf: {  	_ =	task.clear_ibuf [dreg:s5], $0x2FFFF;
	_ =	strace $0x9FFFFFFF  }
0xc0: {  	(tm) =	ssettm $0x7FFFFFFF  }
0xc1: {  	_ =	shalt  }
tec
execute0_lowered:
.L_overlay_start_1:
0x0: {  	(tag) =	ssettag $0x1  }
0x1: {  	s4 =	rddreg [dreg:$0x0]  }
0x2: {  	s6 =	rddreg [dreg:$0x1]  }
0x3: {  	s0 =	rddreg [dreg:$0x2];
	s2 =	simm.s32 $0x0;
	s1 =	stileid.u32  }
0x4: {  	[smem:$0x7FF] =	sst s2;
	s5 =	sshll.u32 s1, $0x5  }
0x5: {  	s30 =	simm.s32 $0x1;
	_ =	strace $0x80000047;
	s3 =	sadd.s32 s4, s5  }
0x6: {  	[tilespmem:s2], [sflag:$0x1] =	stream.linear.gather [hbm4b:s3+s2], $0x80, $0x38;
	[tilespmem:$0x100] =	vst v63  }
0x7: {  	_ =	swait.ge [sflag:s30], $0x80  }
0x8: {  	[sflag:s30] =	ssyncset.done $0x0  }
0x9: {  	[sflag:s30] =	ssyncadd.s32 $0xFFFFFF80  }
0xa: {  	v10 =	vld [tilespmem:$0x0]  }
0xb: {  	v11 =	vld [tilespmem:$0x10]  }
0xc: {  	v0 =	vimm.s32 $0xFEDCBA98;
	v9 =	vld [tilespmem:$0x20]  }
0xd: {  	v1 =	vimm.s32 $0x76543210;
	v0 =	vunpack.c.l.s4.s8 v0;
	v8 =	vld [tilespmem:$0x30]  }
0xe: {  	v1 =	vunpack.c.l.s4.s8 v1  }
0xf: {  	v4 =	vimm.s32 $0xBA98FEDC;
	v62 =	vimm.s32 $0x32107654;
	v0 =	vunpack.c.0.s8.s32 v0  }
0x10: {  	v5 =	vimm.s32 $0xDCFE98BA;
	v6 =	vimm.s32 $0x54761032;
	v1 =	vunpack.c.0.s8.s32 v1  }
0x11: {  	v61 =	vunpack.c.l.s4.s8 v4;
	v63 =	vunpack.c.l.s4.s8 v62;
	v0 =	vand.u32 $0xF, v0  }
0x12: {  	v0 =	vcombine.low v0, v1;
	v2 =	vmax.f32 v10, v11;
	v3 =	vmax.f32 v9, v8  }
0x13: {  	v1 =	vunpack.c.0.s8.s32 v61;
	v2 =	vmax.f32 v2, v3;
	v3 =	vunpack.c.0.s8.s32 v63  }
0x14: {  	v15 =	vimm.s32 $0xEFCDAB89;
	v5 =	vunpack.c.l.s4.s8 v5;
	v6 =	vunpack.c.l.s4.s8 v6  }
0x15: {  	v16 =	vimm.s32 $0x67452301;
	v12 =	vperm.xlane v2, v0;
	v1 =	vcombine.low v3, v1  }
0x16: {  	v13 =	vunpack.c.0.s8.s32 v5;
	v14 =	vunpack.c.0.s8.s32 v6;
	v5 =	vunpack.c.l.s4.s8 v15  }
0x17: {  	v6 =	vunpack.c.l.s4.s8 v16;
	v2 =	vmax.f32 v2, v12;
	v1 =	vand.u32 $0xF, v1  }
0x18: {  	v3 =	vcombine.low v14, v13;
	v7 =	vperm.xlane v2, v1  }
0x19: {  	v17 =	vunpack.c.0.s8.s32 v5;
	v18 =	vunpack.c.0.s8.s32 v6  }
0x1a: {  	v19 =	vmax.f32 v2, v7;
	v2 =	vand.u32 $0xF, v3  }
0x1b: {  	v4 =	vcombine.low v18, v17;
	v3 =	vperm.xlane v19, v2;
	_ =	sdelay $0x1  }
0x1c: {  	v20 =	vmax.f32 v19, v3;
	v3 =	vand.u32 $0xF, v4  }
0x1d: {  	v4 =	vperm.xlane v20, v3;
	_ =	sdelay $0x1  }
0x1e: {  	v7 =	vlaneseq.u32;
	v12 =	vmax.f32 v20, v4  }
0x1f: {  	v4 =	vor.u32 $0x30, v7;
	vm0 =	veq.f32 v8, v12  }
0x20: {  	v5 =	vor.u32 $0x20, v7;
	vm1 =	veq.f32 v9, v12;
	v21 =	vnsel vm0, $0x7F, v4  }
0x21: {  	v6 =	vor.u32 $0x10, v7;
	vm6 =	veq.f32 v11, v12;
	v13 =	vsel vm1, v5, v21  }
0x22: {  	vm7 =	veq.f32 v10, v12;
	v13 =	vsel vm6, v6, v13  }
0x23: {  	v13 =	vsel vm7, v7, v13  }
0x24: {  	v14 =	vperm.xlane v13, v0;
	_ =	sdelay $0x1  }
0x25: {  	vm8 =	vlt.s32 v13, v14  }
0x26: {  	v13 =	vsel vm8, v13, v14  }
0x27: {  	v14 =	vperm.xlane v13, v1;
	_ =	sdelay $0x1  }
0x28: {  	vm0 =	vlt.s32 v13, v14  }
0x29: {  	v13 =	vsel vm0, v13, v14  }
0x2a: {  	v14 =	vperm.xlane v13, v2;
	_ =	sdelay $0x1  }
0x2b: {  	vm0 =	vlt.s32 v13, v14  }
0x2c: {  	v13 =	vsel vm0, v13, v14  }
0x2d: {  	v14 =	vperm.xlane v13, v3;
	_ =	sdelay $0x1  }
0x2e: {  	vm0 =	vlt.s32 v13, v14  }
0x2f: {  	v13 =	vsel vm0, v13, v14  }
0x30: {  	vm0 =	veq.s32 v13, v7;
	vm2 =	veq.s32 v13, v6  }
0x31: {  	vm9 =	veq.s32 v13, v5;
	vm10 =	veq.s32 v13, v4;
	v23 =	vsel vm0, $0xF149F2CA, v10  }
0x32: {  	v26 =	vsel vm2, $0xF149F2CA, v11;
	v27 =	vsel vm9, $0xF149F2CA, v9;
	v16 =	vsel vm10, $0xF149F2CA, v8  }
0x33: {  	v17 =	vmax.f32 v23, v26;
	v18 =	vmax.f32 v27, v16  }
0x34: {  	v17 =	vmax.f32 v17, v18  }
0x35: {  	v18 =	vperm.xlane v17, v0;
	_ =	sdelay $0x1  }
0x36: {  	v17 =	vmax.f32 v17, v18  }
0x37: {  	v18 =	vperm.xlane v17, v1;
	_ =	sdelay $0x1  }
0x38: {  	v17 =	vmax.f32 v17, v18  }
0x39: {  	v18 =	vperm.xlane v17, v2;
	_ =	sdelay $0x1  }
0x3a: {  	v17 =	vmax.f32 v17, v18  }
0x3b: {  	v18 =	vperm.xlane v17, v3;
	_ =	sdelay $0x1  }
0x3c: {  	v17 =	vmax.f32 v17, v18  }
0x3d: {  	vm11 =	veq.f32 v16, v17  }
0x3e: {  	vm12 =	veq.f32 v27, v17;
	v28 =	vnsel vm11, $0x7F, v4  }
0x3f: {  	vm13 =	veq.f32 v26, v17;
	v18 =	vsel vm12, v5, v28  }
0x40: {  	vm14 =	veq.f32 v23, v17;
	v29 =	vsel vm13, v6, v18  }
0x41: {  	v17 =	vsel vm14, v7, v29  }
0x42: {  	v30 =	vperm.xlane v17, v0;
	_ =	sdelay $0x1  }
0x43: {  	vm15 =	vlt.s32 v17, v30  }
0x44: {  	v17 =	vsel vm15, v17, v30  }
0x45: {  	v18 =	vperm.xlane v17, v1  }
0x46: {  	v22 =	vimm.s32 $0x0  }
0x47: {  	v14 =	vsel vm0, $0xFFFFFFFF, v22;
	vm0 =	vlt.s32 v17, v18  }
0x48: {  	v17 =	vsel vm0, v17, v18  }
0x49: {  	v18 =	vperm.xlane v17, v2;
	_ =	sdelay $0x1  }
0x4a: {  	vm0 =	vlt.s32 v17, v18  }
0x4b: {  	v17 =	vsel vm0, v17, v18  }
0x4c: {  	v24 =	vimm.s32 $0x0;
	v25 =	vimm.s32 $0x0;
	v18 =	vperm.xlane v17, v3  }
0x4d: {  	v31 =	vimm.s32 $0x0;
	v32 =	vimm.s32 $0x0;
	v15 =	vimm.s32 $0x0  }
0x4e: {  	v33 =	vimm.s32 $0x0;
	v15 =	vsel vm2, $0xFFFFFFFF, v15;
	vm0 =	vlt.s32 v17, v18  }
0x4f: {  	v13 =	vsel vm10, $0xFFFFFFFF, v25;
	[tilespmem:$0x1FE90] =	vst v15;
	v15 =	vsel vm9, $0xFFFFFFFF, v24;
	v17 =	vsel vm0, v17, v18  }
0x50: {  	[tilespmem:$0x1FE60] =	vst v14;
	vm13 =	veq.s32 v17, v7;
	vm4 =	veq.s32 v17, v6;
	vm0 =	veq.s32 v17, v5  }
0x51: {  	[tilespmem:$0x1FEE0] =	vst v13;
	vm5 =	veq.s32 v17, v4;
	v14 =	vsel vm13, $0xF149F2CA, v23;
	v18 =	vsel vm4, $0xFFFFFFFF, v31  }
0x52: {  	[tilespmem:$0x1FED0] =	vst v15;
	v13 =	vsel vm4, $0xF149F2CA, v26;
	v15 =	vsel vm0, $0xF149F2CA, v27;
	v16 =	vsel vm5, $0xF149F2CA, v16  }
0x53: {  	v17 =	vsel vm5, $0xFFFFFFFF, v33;
	[tilespmem:$0x1FE80] =	vst v18;
	v34 =	vmax.f32 v14, v13;
	v35 =	vmax.f32 v15, v16  }
0x54: {  	v18 =	vsel vm0, $0xFFFFFFFF, v32;
	[tilespmem:$0x1FEB0] =	vst v17;
	v17 =	vmax.f32 v34, v35  }
0x55: {  	[tilespmem:$0x1FEA0] =	vst v18;
	v18 =	vperm.xlane v17, v0;
	_ =	sdelay $0x1  }
0x56: {  	v17 =	vmax.f32 v17, v18  }
0x57: {  	v18 =	vperm.xlane v17, v1;
	_ =	sdelay $0x1  }
0x58: {  	v17 =	vmax.f32 v17, v18  }
0x59: {  	v18 =	vperm.xlane v17, v2;
	_ =	sdelay $0x1  }
0x5a: {  	v17 =	vmax.f32 v17, v18  }
0x5b: {  	v18 =	vperm.xlane v17, v3;
	_ =	sdelay $0x1  }
0x5c: {  	v17 =	vmax.f32 v17, v18  }
0x5d: {  	vm6 =	veq.f32 v16, v17  }
0x5e: {  	vm7 =	veq.f32 v15, v17;
	v36 =	vnsel vm6, $0x7F, v4  }
0x5f: {  	vm8 =	veq.f32 v13, v17;
	v18 =	vsel vm7, v5, v36  }
0x60: {  	vm9 =	veq.f32 v14, v17;
	v37 =	vsel vm8, v6, v18  }
0x61: {  	v17 =	vsel vm9, v7, v37  }
0x62: {  	v38 =	vperm.xlane v17, v0;
	_ =	sdelay $0x1  }
0x63: {  	vm10 =	vlt.s32 v17, v38  }
0x64: {  	v17 =	vsel vm10, v17, v38  }
0x65: {  	v18 =	vperm.xlane v17, v1;
	_ =	sdelay $0x1  }
0x66: {  	vm0 =	vlt.s32 v17, v18  }
0x67: {  	v17 =	vsel vm0, v17, v18  }
0x68: {  	v18 =	vperm.xlane v17, v2;
	_ =	sdelay $0x1  }
0x69: {  	vm0 =	vlt.s32 v17, v18  }
0x6a: {  	v17 =	vsel vm0, v17, v18  }
0x6b: {  	v18 =	vperm.xlane v17, v3;
	_ =	sdelay $0x1  }
0x6c: {  	vm0 =	vlt.s32 v17, v18  }
0x6d: {  	v39 =	vimm.s32 $0x0;
	v40 =	vimm.s32 $0x0;
	v17 =	vsel vm0, v17, v18  }
0x6e: {  	v41 =	vimm.s32 $0x0;
	v42 =	vimm.s32 $0x0;
	vm0 =	veq.s32 v17, v7  }
0x6f: {  	vm11 =	veq.s32 v17, v6;
	vm12 =	veq.s32 v17, v5;
	vm14 =	veq.s32 v17, v4  }
0x70: {  	v18 =	vsel vm0, $0xFFFFFFFF, v39;
	v14 =	vsel vm0, $0xF149F2CA, v14;
	v17 =	vsel vm14, $0xFFFFFFFF, v42  }
0x71: {  	v13 =	vsel vm11, $0xF149F2CA, v13;
	v15 =	vsel vm12, $0xF149F2CA, v15;
	v16 =	vsel vm14, $0xF149F2CA, v16;
	[tilespmem:$0x1FE70] =	vst v18  }
0x72: {  	v18 =	vsel vm11, $0xFFFFFFFF, v40;
	[tilespmem:$0x1FF00] =	vst v17;
	v43 =	vmax.f32 v14, v13;
	v44 =	vmax.f32 v15, v16  }
0x73: {  	[tilespmem:$0x1FEC0] =	vst v18;
	v18 =	vsel vm12, $0xFFFFFFFF, v41;
	v17 =	vmax.f32 v43, v44  }
0x74: {  	[tilespmem:$0x1FEF0] =	vst v18;
	v18 =	vperm.xlane v17, v0;
	_ =	sdelay $0x1  }
0x75: {  	v17 =	vmax.f32 v17, v18  }
0x76: {  	v18 =	vperm.xlane v17, v1;
	_ =	sdelay $0x1  }
0x77: {  	v17 =	vmax.f32 v17, v18  }
0x78: {  	v18 =	vperm.xlane v17, v2;
	_ =	sdelay $0x1  }
0x79: {  	v17 =	vmax.f32 v17, v18  }
0x7a: {  	v18 =	vperm.xlane v17, v3;
	_ =	sdelay $0x1  }
0x7b: {  	v17 =	vmax.f32 v17, v18  }
0x7c: {  	vm15 =	veq.f32 v16, v17  }
0x7d: {  	vm4 =	veq.f32 v15, v17;
	v45 =	vnsel vm15, $0x7F, v4  }
0x7e: {  	vm5 =	veq.f32 v13, v17;
	v18 =	vsel vm4, v5, v45  }
0x7f: {  	vm6 =	veq.f32 v14, v17;
	v46 =	vsel vm5, v6, v18  }
0x80: {  	v17 =	vsel vm6, v7, v46  }
0x81: {  	v47 =	vperm.xlane v17, v0;
	_ =	sdelay $0x1  }
0x82: {  	vm7 =	vlt.s32 v17, v47  }
0x83: {  	v17 =	vsel vm7, v17, v47  }
0x84: {  	v18 =	vperm.xlane v17, v1;
	_ =	sdelay $0x1  }
0x85: {  	vm0 =	vlt.s32 v17, v18  }
0x86: {  	v17 =	vsel vm0, v17, v18  }
0x87: {  	v18 =	vperm.xlane v17, v2;
	_ =	sdelay $0x1  }
0x88: {  	vm0 =	vlt.s32 v17, v18  }
0x89: {  	v17 =	vsel vm0, v17, v18  }
0x8a: {  	v18 =	vperm.xlane v17, v3;
	_ =	sdelay $0x1  }
0x8b: {  	vm0 =	vlt.s32 v17, v18  }
0x8c: {  	v48 =	vimm.s32 $0x0;
	v17 =	vsel vm0, v17, v18  }
0x8d: {  	v49 =	vimm.s32 $0x0;
	vm15 =	veq.s32 v17, v7;
	vm14 =	veq.s32 v17, v6  }
0x8e: {  	vm0 =	veq.s32 v17, v5;
	vm8 =	veq.s32 v17, v4;
	v14 =	vsel vm15, $0xF149F2CA, v14  }
0x8f: {  	v13 =	vsel vm14, $0xF149F2CA, v13;
	v15 =	vsel vm0, $0xF149F2CA, v15;
	v16 =	vsel vm8, $0xF149F2CA, v16  }
0x90: {  	v17 =	vsel vm8, $0xFFFFFFFF, v49;
	v50 =	vmax.f32 v14, v13;
	v51 =	vmax.f32 v15, v16  }
0x91: {  	v18 =	vsel vm0, $0xFFFFFFFF, v48;
	[tilespmem:$0x1FF20] =	vst v17;
	v17 =	vmax.f32 v50, v51  }
0x92: {  	[tilespmem:$0x1FF10] =	vst v18;
	v18 =	vperm.xlane v17, v0;
	_ =	sdelay $0x1  }
0x93: {  	v17 =	vmax.f32 v17, v18  }
0x94: {  	v18 =	vperm.xlane v17, v1;
	_ =	sdelay $0x1  }
0x95: {  	v17 =	vmax.f32 v17, v18  }
0x96: {  	v18 =	vperm.xlane v17, v2;
	_ =	sdelay $0x1  }
0x97: {  	v17 =	vmax.f32 v17, v18  }
0x98: {  	v18 =	vperm.xlane v17, v3;
	_ =	sdelay $0x1  }
0x99: {  	v17 =	vmax.f32 v17, v18  }
0x9a: {  	vm9 =	veq.f32 v16, v17  }
0x9b: {  	vm10 =	veq.f32 v15, v17;
	v52 =	vnsel vm9, $0x7F, v4  }
0x9c: {  	vm11 =	veq.f32 v13, v17;
	v18 =	vsel vm10, v5, v52  }
0x9d: {  	vm12 =	veq.f32 v14, v17;
	v18 =	vsel vm11, v6, v18  }
0x9e: {  	v17 =	vsel vm12, v7, v18  }
0x9f: {  	v18 =	vperm.xlane v17, v0;
	_ =	sdelay $0x1  }
0xa0: {  	vm0 =	vlt.s32 v17, v18  }
0xa1: {  	v17 =	vsel vm0, v17, v18  }
0xa2: {  	v18 =	vperm.xlane v17, v1;
	_ =	sdelay $0x1  }
0xa3: {  	vm0 =	vlt.s32 v17, v18  }
0xa4: {  	v17 =	vsel vm0, v17, v18  }
0xa5: {  	v18 =	vperm.xlane v17, v2;
	_ =	sdelay $0x1  }
0xa6: {  	vm0 =	vlt.s32 v17, v18  }
0xa7: {  	v17 =	vsel vm0, v17, v18  }
0xa8: {  	v18 =	vperm.xlane v17, v3;
	_ =	sdelay $0x1  }
0xa9: {  	vm0 =	vlt.s32 v17, v18  }
0xaa: {  	v17 =	vsel vm0, v17, v18  }
0xab: {  	vm8 =	veq.s32 v17, v7;
	vm9 =	veq.s32 v17, v6  }
0xac: {  	vm10 =	veq.s32 v17, v5;
	vm11 =	veq.s32 v17, v4;
	v14 =	vsel vm8, $0xF149F2CA, v14  }
0xad: {  	v13 =	vsel vm9, $0xF149F2CA, v13;
	v15 =	vsel vm10, $0xF149F2CA, v15;
	v16 =	vsel vm11, $0xF149F2CA, v16  }
0xae: {  	v53 =	vmax.f32 v14, v13;
	v54 =	vmax.f32 v15, v16  }
0xaf: {  	v17 =	vmax.f32 v53, v54  }
0xb0: {  	v18 =	vperm.xlane v17, v0;
	_ =	sdelay $0x1  }
0xb1: {  	v17 =	vmax.f32 v17, v18  }
0xb2: {  	v18 =	vperm.xlane v17, v1;
	_ =	sdelay $0x1  }
0xb3: {  	v17 =	vmax.f32 v17, v18  }
0xb4: {  	v18 =	vperm.xlane v17, v2;
	_ =	sdelay $0x1  }
0xb5: {  	v17 =	vmax.f32 v17, v18  }
0xb6: {  	v18 =	vperm.xlane v17, v3;
	_ =	sdelay $0x1  }
0xb7: {  	v17 =	vmax.f32 v17, v18  }
0xb8: {  	vm4 =	veq.f32 v16, v17  }
0xb9: {  	vm5 =	veq.f32 v15, v17;
	v55 =	vnsel vm4, $0x7F, v4  }
0xba: {  	vm6 =	veq.f32 v13, v17;
	v18 =	vsel vm5, v5, v55  }
0xbb: {  	vm7 =	veq.f32 v14, v17;
	v18 =	vsel vm6, v6, v18  }
0xbc: {  	v17 =	vsel vm7, v7, v18  }
0xbd: {  	v18 =	vperm.xlane v17, v0;
	_ =	sdelay $0x1  }
0xbe: {  	vm0 =	vlt.s32 v17, v18  }
0xbf: {  	v17 =	vsel vm0, v17, v18  }
0xc0: {  	v18 =	vperm.xlane v17, v1;
	_ =	sdelay $0x1  }
0xc1: {  	vm0 =	vlt.s32 v17, v18  }
0xc2: {  	v17 =	vsel vm0, v17, v18  }
0xc3: {  	v18 =	vperm.xlane v17, v2;
	_ =	sdelay $0x1  }
0xc4: {  	vm0 =	vlt.s32 v17, v18  }
0xc5: {  	v17 =	vsel vm0, v17, v18  }
0xc6: {  	v18 =	vperm.xlane v17, v3;
	_ =	sdelay $0x1  }
0xc7: {  	vm0 =	vlt.s32 v17, v18  }
0xc8: {  	v17 =	vsel vm0, v17, v18  }
0xc9: {  	vm4 =	veq.s32 v17, v7;
	vm5 =	veq.s32 v17, v6  }
0xca: {  	vm6 =	veq.s32 v17, v5;
	vm7 =	veq.s32 v17, v4;
	v14 =	vsel vm4, $0xF149F2CA, v14  }
0xcb: {  	v13 =	vsel vm5, $0xF149F2CA, v13;
	v15 =	vsel vm6, $0xF149F2CA, v15;
	v16 =	vsel vm7, $0xF149F2CA, v16  }
0xcc: {  	v56 =	vmax.f32 v14, v13;
	v57 =	vmax.f32 v15, v16  }
0xcd: {  	v17 =	vmax.f32 v56, v57  }
0xce: {  	v18 =	vperm.xlane v17, v0;
	_ =	sdelay $0x1  }
0xcf: {  	v17 =	vmax.f32 v17, v18  }
0xd0: {  	v18 =	vperm.xlane v17, v1;
	_ =	sdelay $0x1  }
0xd1: {  	v17 =	vmax.f32 v17, v18  }
0xd2: {  	v18 =	vperm.xlane v17, v2;
	_ =	sdelay $0x1  }
0xd3: {  	v17 =	vmax.f32 v17, v18  }
0xd4: {  	v18 =	vperm.xlane v17, v3;
	_ =	sdelay $0x1  }
0xd5: {  	v17 =	vmax.f32 v17, v18  }
0xd6: {  	vm12 =	veq.f32 v16, v17  }
0xd7: {  	v58 =	vnsel vm12, $0x7F, v4;
	vm12 =	veq.f32 v15, v17  }
0xd8: {  	v18 =	vsel vm12, v5, v58;
	vm12 =	veq.f32 v13, v17  }
0xd9: {  	v18 =	vsel vm12, v6, v18;
	vm12 =	veq.f32 v14, v17  }
0xda: {  	v17 =	vsel vm12, v7, v18  }
0xdb: {  	v18 =	vperm.xlane v17, v0;
	_ =	sdelay $0x1  }
0xdc: {  	vm0 =	vlt.s32 v17, v18  }
0xdd: {  	v17 =	vsel vm0, v17, v18  }
0xde: {  	v18 =	vperm.xlane v17, v1;
	_ =	sdelay $0x1  }
0xdf: {  	vm0 =	vlt.s32 v17, v18  }
0xe0: {  	v17 =	vsel vm0, v17, v18  }
0xe1: {  	v18 =	vperm.xlane v17, v2;
	_ =	sdelay $0x1  }
0xe2: {  	vm0 =	vlt.s32 v17, v18  }
0xe3: {  	v17 =	vsel vm0, v17, v18  }
0xe4: {  	v18 =	vperm.xlane v17, v3;
	_ =	sdelay $0x1  }
0xe5: {  	vm0 =	vlt.s32 v17, v18  }
0xe6: {  	v17 =	vsel vm0, v17, v18  }
0xe7: {  	vm0 =	veq.s32 v17, v7;
	vm1 =	veq.s32 v17, v6  }
0xe8: {  	vm2 =	veq.s32 v17, v5;
	vm3 =	veq.s32 v17, v4;
	v14 =	vsel vm0, $0xF149F2CA, v14  }
0xe9: {  	v13 =	vsel vm1, $0xF149F2CA, v13;
	v15 =	vsel vm2, $0xF149F2CA, v15;
	v16 =	vsel vm3, $0xF149F2CA, v16  }
0xea: {  	v59 =	vmax.f32 v14, v13;
	v60 =	vmax.f32 v15, v16  }
0xeb: {  	v17 =	vmax.f32 v59, v60  }
0xec: {  	v18 =	vperm.xlane v17, v0;
	_ =	sdelay $0x1  }
0xed: {  	v17 =	vmax.f32 v17, v18  }
0xee: {  	v18 =	vperm.xlane v17, v1;
	_ =	sdelay $0x1  }
0xef: {  	v17 =	vmax.f32 v17, v18  }
0xf0: {  	v18 =	vperm.xlane v17, v2;
	_ =	sdelay $0x1  }
0xf1: {  	v17 =	vmax.f32 v17, v18  }
0xf2: {  	v18 =	vperm.xlane v17, v3;
	_ =	sdelay $0x1  }
0xf3: {  	v17 =	vmax.f32 v17, v18  }
0xf4: {  	vm12 =	veq.f32 v16, v17  }
0xf5: {  	v16 =	vnsel vm12, $0x7F, v4;
	vm12 =	veq.f32 v15, v17  }
0xf6: {  	v15 =	vsel vm12, v5, v16;
	vm12 =	veq.f32 v13, v17  }
0xf7: {  	v13 =	vsel vm12, v6, v15;
	vm12 =	veq.f32 v14, v17  }
0xf8: {  	v13 =	vsel vm12, v7, v13  }
0xf9: {  	v61 =	vperm.xlane v13, v0;
	_ =	sdelay $0x1  }
0xfa: {  	vm12 =	vlt.s32 v13, v61  }
0xfb: {  	v13 =	vsel vm12, v13, v61  }
0xfc: {  	v14 =	vperm.xlane v13, v1;
	_ =	sdelay $0x1  }
0xfd: {  	vm12 =	vlt.s32 v13, v14  }
0xfe: {  	v13 =	vsel vm12, v13, v14  }
0xff: {  	v14 =	vperm.xlane v13, v2;
	_ =	sdelay $0x1  }
0x100: {  	vm12 =	vlt.s32 v13, v14  }
0x101: {  	v13 =	vsel vm12, v13, v14  }
0x102: {  	v62 =	vld [tilespmem:$0x1FE60];
	v14 =	vperm.xlane v13, v3  }
0x103: {  	v10 =	vsub.f32 v10, v12;
	v11 =	vsub.f32 v11, v12;
	v63 =	vld [tilespmem:$0x1FE70]  }
0x104: {  	v9 =	vsub.f32 v9, v12;
	v8 =	vsub.f32 v8, v12;
	v21 =	vld [tilespmem:$0x1FEE0];
	vm12 =	vlt.s32 v13, v14  }
0x105: {  	v10 =	vmul.f32 $1.442695020e+00, v10;
	v11 =	vmul.f32 $1.442695020e+00, v11;
	v20 =	vld [tilespmem:$0x1FED0];
	v13 =	vsel vm12, v13, v14  }
0x106: {  	v9 =	vmul.f32 $1.442695020e+00, v9;
	v8 =	vmul.f32 $1.442695020e+00, v8;
	v17 =	vld [tilespmem:$0x1FEA0];
	vm12 =	veq.s32 v13, v7  }
0x107: {  	(erf) = vpow2.f32 v10;
	v15 =	vld [tilespmem:$0x1FE80];
	vm12 =	vmor vm13, vm12;
	vm13 =	vnez.u8 v62  }
0x108: {  	(erf) = vpow2.f32 v11;
	v18 =	vld [tilespmem:$0x1FEB0];
	vm12 =	vmor vm13, vm12;
	vm13 =	vnez.u8 v63  }
0x109: {  	(erf) = vpow2.f32 v9;
	v16 =	vld [tilespmem:$0x1FE90];
	vm12 =	vmor vm13, vm12  }
0x10a: {  	(erf) = vpow2.f32 v8;
	v23 =	vld [tilespmem:$0x1FF00];
	vm12 =	vmor vm15, vm12  }
0x10b: {  	v19 =	vld [tilespmem:$0x1FEC0];
	vm13 =	vnez.u8 v17;
	vm15 =	veq.s32 v13, v6;
	vm8 =	vmor vm8, vm12  }
0x10c: {  	v22 =	vld [tilespmem:$0x1FEF0];
	vm12 =	vnez.u8 v15;
	vm4 =	vmor vm4, vm8;
	vm8 =	veq.s32 v13, v5  }
0x10d: {  	v24 =	vld [tilespmem:$0x1FF10];
	vm0 =	vmor vm0, vm4;
	vm4 =	vmor vm12, vm15;
	vm12 =	veq.s32 v13, v4  }
0x10e: {  	v25 =	vld [tilespmem:$0x1FF20];
	vm15 =	vnez.u8 v16;
	vm8 =	vmor vm13, vm8;
	vm13 =	vnez.u8 v18  }
0x10f: {  	vm4 =	vmor vm15, vm4;
	vm12 =	vmor vm13, vm12;
	vm15 =	vnez.u8 v20  }
0x110: {  	vm13 =	vnez.u8 v19;
	vm8 =	vmor vm15, vm8;
	vm15 =	vnez.u8 v21  }
0x111: {  	vm4 =	vmor vm13, vm4;
	vm13 =	vnez.u8 v22;
	vm12 =	vmor vm15, vm12  }
0x112: {  	vm4 =	vmor vm14, vm4;
	vm8 =	vmor vm13, vm8;
	vm13 =	vnez.u8 v23  }
0x113: {  	vm14 =	vnez.u8 v25;
	vm12 =	vmor vm13, vm12;
	vm13 =	vnez.u8 v24  }
0x114: {  	v26 =	vpop (erf);
	vm4 =	vmor vm9, vm4;
	vm8 =	vmor vm13, vm8;
	vm9 =	vmor vm14, vm12  }
0x115: {  	v27 =	vpop (erf);
	v8 =	vnsel vm0, $0x0, v26;
	vm15 =	vmor vm10, vm8;
	vm12 =	vmor vm11, vm9  }
0x116: {  	v28 =	vpop (erf);
	vm4 =	vmor vm5, vm4;
	vm13 =	vmor vm6, vm15;
	vm14 =	vmor vm7, vm12  }
0x117: {  	v29 =	vpop (erf);
	vm1 =	vmor vm1, vm4;
	vm2 =	vmor vm2, vm13;
	vm3 =	vmor vm3, vm14  }
0x118: {  	v9 =	vnsel vm1, $0x0, v27;
	v10 =	vnsel vm2, $0x0, v28;
	v11 =	vnsel vm3, $0x0, v29  }
0x119: {  	v30 =	vadd.f32 v9, v8;
	v31 =	vadd.f32 v11, v10;
	_ =	sdelay $0x1  }
0x11a: {  	v12 =	vadd.f32 v31, v30;
	_ =	sdelay $0x1  }
0x11b: {  	v13 =	vperm.xlane v12, v0;
	_ =	sdelay $0x1  }
0x11c: {  	v12 =	vadd.f32 v12, v13;
	_ =	sdelay $0x1  }
0x11d: {  	v13 =	vperm.xlane v12, v1;
	_ =	sdelay $0x1  }
0x11e: {  	v12 =	vadd.f32 v12, v13;
	_ =	sdelay $0x1  }
0x11f: {  	v13 =	vperm.xlane v12, v2;
	_ =	sdelay $0x1  }
0x120: {  	v12 =	vadd.f32 v12, v13;
	_ =	sdelay $0x1  }
0x121: {  	v13 =	vperm.xlane v12, v3;
	_ =	sdelay $0x1  }
0x122: {  	v12 =	vadd.f32 v12, v13;
	_ =	sdelay $0x1  }
0x123: {  	(erf) = vrcp.f32 v12;
	_ =	sdelay $0x8  }
0x124: {  	v12 =	vpop (erf)  }
0x125: {  	v8 =	vmul.f32 v12, v8  }
0x126: {  	v9 =	vmul.f32 v12, v9  }
0x127: {  	v32 =	vmul.f32 v12, v10;
	[tilespmem:$0x80] =	vst v8  }
0x128: {  	v33 =	vmul.f32 v12, v11;
	[tilespmem:$0x90] =	vst v9  }
0x129: {  	s6 =	sadd.s32 $0xA00, s6;
	[tilespmem:$0xA0] =	vst v32  }
0x12a: {  	s7 =	simm.s32 $0x80;
	s8 =	sadd.s32 s6, s5;
	[tilespmem:$0xB0] =	vst v33  }
0x12b: {  	[hbm4b:s8+s2] =	stream.linear.scatter [tilespmem:s7], [sflag:$0x1], $0x80, $0x38;
	[tilespmem:$0x100] =	vst v63  }
0x12c: {  	_ =	swait.ge [sflag:s30], $0x80  }
0x12d: {  	s5 =	sor.u32 $0x10, s5;
	[sflag:s30] =	ssyncset.done $0x0  }
0x12e: {  	s4 =	sadd.s32 s4, s5;
	[sflag:s30] =	ssyncadd.s32 $0xFFFFFF80  }
0x12f: {  	[tilespmem:s2], [sflag:$0x1] =	stream.linear.gather [hbm4b:s4+s2], $0x80, $0x38;
	[tilespmem:$0x100] =	vst v63  }
0x130: {  	_ =	swait.ge [sflag:s30], $0x80  }
0x131: {  	[sflag:s30] =	ssyncset.done $0x0  }
0x132: {  	[sflag:s30] =	ssyncadd.s32 $0xFFFFFF80  }
0x133: {  	v10 =	vld [tilespmem:$0x0]  }
0x134: {  	v11 =	vld [tilespmem:$0x10]  }
0x135: {  	v9 =	vld [tilespmem:$0x20]  }
0x136: {  	v8 =	vld [tilespmem:$0x30];
	_ =	sdelay $0x4  }
0x137: {  	v34 =	vmax.f32 v10, v11;
	v35 =	vmax.f32 v9, v8  }
0x138: {  	v12 =	vmax.f32 v34, v35  }
0x139: {  	v13 =	vperm.xlane v12, v0;
	_ =	sdelay $0x1  }
0x13a: {  	v12 =	vmax.f32 v12, v13  }
0x13b: {  	v13 =	vperm.xlane v12, v1;
	_ =	sdelay $0x1  }
0x13c: {  	v12 =	vmax.f32 v12, v13  }
0x13d: {  	v13 =	vperm.xlane v12, v2;
	_ =	sdelay $0x1  }
0x13e: {  	v12 =	vmax.f32 v12, v13  }
0x13f: {  	v13 =	vperm.xlane v12, v3;
	_ =	sdelay $0x1  }
0x140: {  	v12 =	vmax.f32 v12, v13  }
0x141: {  	vm15 =	veq.f32 v8, v12  }
0x142: {  	vm4 =	veq.f32 v9, v12;
	v36 =	vnsel vm15, $0x7F, v4  }
0x143: {  	vm5 =	veq.f32 v11, v12;
	v13 =	vsel vm4, v5, v36  }
0x144: {  	vm6 =	veq.f32 v10, v12;
	v13 =	vsel vm5, v6, v13  }
0x145: {  	v13 =	vsel vm6, v7, v13  }
0x146: {  	v37 =	vperm.xlane v13, v0;
	_ =	sdelay $0x1  }
0x147: {  	vm7 =	vlt.s32 v13, v37  }
0x148: {  	v13 =	vsel vm7, v13, v37  }
0x149: {  	v14 =	vperm.xlane v13, v1;
	_ =	sdelay $0x1  }
0x14a: {  	vm0 =	vlt.s32 v13, v14  }
0x14b: {  	v13 =	vsel vm0, v13, v14  }
0x14c: {  	v14 =	vperm.xlane v13, v2;
	_ =	sdelay $0x1  }
0x14d: {  	vm0 =	vlt.s32 v13, v14  }
0x14e: {  	v13 =	vsel vm0, v13, v14  }
0x14f: {  	v14 =	vperm.xlane v13, v3;
	_ =	sdelay $0x1  }
0x150: {  	vm0 =	vlt.s32 v13, v14  }
0x151: {  	v13 =	vsel vm0, v13, v14  }
0x152: {  	vm0 =	veq.s32 v13, v7;
	vm8 =	veq.s32 v13, v6  }
0x153: {  	vm9 =	veq.s32 v13, v5;
	vm10 =	veq.s32 v13, v4;
	v39 =	vsel vm0, $0xF149F2CA, v10  }
0x154: {  	v43 =	vsel vm8, $0xF149F2CA, v11;
	v44 =	vsel vm9, $0xF149F2CA, v9;
	v45 =	vsel vm10, $0xF149F2CA, v8  }
0x155: {  	v46 =	vmax.f32 v39, v43;
	v47 =	vmax.f32 v44, v45  }
0x156: {  	v17 =	vmax.f32 v46, v47  }
0x157: {  	v18 =	vperm.xlane v17, v0;
	_ =	sdelay $0x1  }
0x158: {  	v17 =	vmax.f32 v17, v18  }
0x159: {  	v18 =	vperm.xlane v17, v1;
	_ =	sdelay $0x1  }
0x15a: {  	v17 =	vmax.f32 v17, v18  }
0x15b: {  	v18 =	vperm.xlane v17, v2;
	_ =	sdelay $0x1  }
0x15c: {  	v17 =	vmax.f32 v17, v18  }
0x15d: {  	v18 =	vperm.xlane v17, v3;
	_ =	sdelay $0x1  }
0x15e: {  	v17 =	vmax.f32 v17, v18  }
0x15f: {  	vm11 =	veq.f32 v45, v17  }
0x160: {  	vm12 =	veq.f32 v44, v17;
	v48 =	vnsel vm11, $0x7F, v4  }
0x161: {  	vm13 =	veq.f32 v43, v17;
	v18 =	vsel vm12, v5, v48  }
0x162: {  	vm14 =	veq.f32 v39, v17;
	v49 =	vsel vm13, v6, v18  }
0x163: {  	v17 =	vsel vm14, v7, v49  }
0x164: {  	v50 =	vperm.xlane v17, v0;
	_ =	sdelay $0x1  }
0x165: {  	vm15 =	vlt.s32 v17, v50  }
0x166: {  	v17 =	vsel vm15, v17, v50  }
0x167: {  	v18 =	vperm.xlane v17, v1  }
0x168: {  	v38 =	vimm.s32 $0x0  }
0x169: {  	v14 =	vsel vm0, $0xFFFFFFFF, v38;
	vm0 =	vlt.s32 v17, v18  }
0x16a: {  	v17 =	vsel vm0, v17, v18  }
0x16b: {  	v18 =	vperm.xlane v17, v2;
	_ =	sdelay $0x1  }
0x16c: {  	vm0 =	vlt.s32 v17, v18  }
0x16d: {  	v17 =	vsel vm0, v17, v18  }
0x16e: {  	v42 =	vimm.s32 $0x0;
	v40 =	vimm.s32 $0x0;
	v18 =	vperm.xlane v17, v3  }
0x16f: {  	v41 =	vimm.s32 $0x0;
	v51 =	vimm.s32 $0x0;
	v52 =	vimm.s32 $0x0  }
0x170: {  	v53 =	vimm.s32 $0x0;
	v15 =	vsel vm8, $0xFFFFFFFF, v40;
	vm0 =	vlt.s32 v17, v18  }
0x171: {  	v13 =	vsel vm10, $0xFFFFFFFF, v42;
	[tilespmem:$0x1FF60] =	vst v15;
	v15 =	vsel vm9, $0xFFFFFFFF, v41;
	v17 =	vsel vm0, v17, v18  }
0x172: {  	[tilespmem:$0x1FF30] =	vst v14;
	vm13 =	veq.s32 v17, v7;
	vm4 =	veq.s32 v17, v6;
	vm0 =	veq.s32 v17, v5  }
0x173: {  	[tilespmem:$0x1FFB0] =	vst v13;
	vm5 =	veq.s32 v17, v4;
	v14 =	vsel vm13, $0xF149F2CA, v39;
	v18 =	vsel vm4, $0xFFFFFFFF, v51  }
0x174: {  	[tilespmem:$0x1FFA0] =	vst v15;
	v13 =	vsel vm4, $0xF149F2CA, v43;
	v15 =	vsel vm0, $0xF149F2CA, v44;
	v16 =	vsel vm5, $0xF149F2CA, v45  }
0x175: {  	v17 =	vsel vm5, $0xFFFFFFFF, v53;
	[tilespmem:$0x1FF50] =	vst v18;
	v54 =	vmax.f32 v14, v13;
	v55 =	vmax.f32 v15, v16  }
0x176: {  	v18 =	vsel vm0, $0xFFFFFFFF, v52;
	[tilespmem:$0x1FF80] =	vst v17;
	v17 =	vmax.f32 v54, v55  }
0x177: {  	[tilespmem:$0x1FF70] =	vst v18;
	v18 =	vperm.xlane v17, v0;
	_ =	sdelay $0x1  }
0x178: {  	v17 =	vmax.f32 v17, v18  }
0x179: {  	v18 =	vperm.xlane v17, v1;
	_ =	sdelay $0x1  }
0x17a: {  	v17 =	vmax.f32 v17, v18  }
0x17b: {  	v18 =	vperm.xlane v17, v2;
	_ =	sdelay $0x1  }
0x17c: {  	v17 =	vmax.f32 v17, v18  }
0x17d: {  	v18 =	vperm.xlane v17, v3;
	_ =	sdelay $0x1  }
0x17e: {  	v17 =	vmax.f32 v17, v18  }
0x17f: {  	vm6 =	veq.f32 v16, v17  }
0x180: {  	vm7 =	veq.f32 v15, v17;
	v56 =	vnsel vm6, $0x7F, v4  }
0x181: {  	vm8 =	veq.f32 v13, v17;
	v18 =	vsel vm7, v5, v56  }
0x182: {  	vm9 =	veq.f32 v14, v17;
	v57 =	vsel vm8, v6, v18  }
0x183: {  	v17 =	vsel vm9, v7, v57  }
0x184: {  	v58 =	vperm.xlane v17, v0;
	_ =	sdelay $0x1  }
0x185: {  	vm10 =	vlt.s32 v17, v58  }
0x186: {  	v17 =	vsel vm10, v17, v58  }
0x187: {  	v18 =	vperm.xlane v17, v1;
	_ =	sdelay $0x1  }
0x188: {  	vm0 =	vlt.s32 v17, v18  }
0x189: {  	v17 =	vsel vm0, v17, v18  }
0x18a: {  	v18 =	vperm.xlane v17, v2;
	_ =	sdelay $0x1  }
0x18b: {  	vm0 =	vlt.s32 v17, v18  }
0x18c: {  	v17 =	vsel vm0, v17, v18  }
0x18d: {  	v18 =	vperm.xlane v17, v3;
	_ =	sdelay $0x1  }
0x18e: {  	vm0 =	vlt.s32 v17, v18  }
0x18f: {  	v59 =	vimm.s32 $0x0;
	v60 =	vimm.s32 $0x0;
	v17 =	vsel vm0, v17, v18  }
0x190: {  	v61 =	vimm.s32 $0x0;
	v62 =	vimm.s32 $0x0;
	vm0 =	veq.s32 v17, v7  }
0x191: {  	vm11 =	veq.s32 v17, v6;
	vm12 =	veq.s32 v17, v5;
	vm14 =	veq.s32 v17, v4  }
0x192: {  	v18 =	vsel vm0, $0xFFFFFFFF, v59;
	v14 =	vsel vm0, $0xF149F2CA, v14;
	v17 =	vsel vm14, $0xFFFFFFFF, v62  }
0x193: {  	v13 =	vsel vm11, $0xF149F2CA, v13;
	v15 =	vsel vm12, $0xF149F2CA, v15;
	v16 =	vsel vm14, $0xF149F2CA, v16;
	[tilespmem:$0x1FF40] =	vst v18  }
0x194: {  	v18 =	vsel vm11, $0xFFFFFFFF, v60;
	[tilespmem:$0x1FFD0] =	vst v17;
	v63 =	vmax.f32 v14, v13;
	v21 =	vmax.f32 v15, v16  }
0x195: {  	[tilespmem:$0x1FF90] =	vst v18;
	v18 =	vsel vm12, $0xFFFFFFFF, v61;
	v17 =	vmax.f32 v63, v21  }
0x196: {  	[tilespmem:$0x1FFC0] =	vst v18;
	v18 =	vperm.xlane v17, v0;
	_ =	sdelay $0x1  }
0x197: {  	v17 =	vmax.f32 v17, v18  }
0x198: {  	v18 =	vperm.xlane v17, v1;
	_ =	sdelay $0x1  }
0x199: {  	v17 =	vmax.f32 v17, v18  }
0x19a: {  	v18 =	vperm.xlane v17, v2;
	_ =	sdelay $0x1  }
0x19b: {  	v17 =	vmax.f32 v17, v18  }
0x19c: {  	v18 =	vperm.xlane v17, v3;
	_ =	sdelay $0x1  }
0x19d: {  	v17 =	vmax.f32 v17, v18  }
0x19e: {  	vm15 =	veq.f32 v16, v17  }
0x19f: {  	vm4 =	veq.f32 v15, v17;
	v22 =	vnsel vm15, $0x7F, v4  }
0x1a0: {  	vm5 =	veq.f32 v13, v17;
	v18 =	vsel vm4, v5, v22  }
0x1a1: {  	vm6 =	veq.f32 v14, v17;
	v23 =	vsel vm5, v6, v18  }
0x1a2: {  	v17 =	vsel vm6, v7, v23  }
0x1a3: {  	v24 =	vperm.xlane v17, v0;
	_ =	sdelay $0x1  }
0x1a4: {  	vm7 =	vlt.s32 v17, v24  }
0x1a5: {  	v17 =	vsel vm7, v17, v24  }
0x1a6: {  	v18 =	vperm.xlane v17, v1;
	_ =	sdelay $0x1  }
0x1a7: {  	vm0 =	vlt.s32 v17, v18  }
0x1a8: {  	v17 =	vsel vm0, v17, v18  }
0x1a9: {  	v18 =	vperm.xlane v17, v2;
	_ =	sdelay $0x1  }
0x1aa: {  	vm0 =	vlt.s32 v17, v18  }
0x1ab: {  	v17 =	vsel vm0, v17, v18  }
0x1ac: {  	v18 =	vperm.xlane v17, v3;
	_ =	sdelay $0x1  }
0x1ad: {  	vm0 =	vlt.s32 v17, v18  }
0x1ae: {  	v26 =	vimm.s32 $0x0;
	v17 =	vsel vm0, v17, v18  }
0x1af: {  	v25 =	vimm.s32 $0x0;
	vm15 =	veq.s32 v17, v7;
	vm14 =	veq.s32 v17, v6  }
0x1b0: {  	vm0 =	veq.s32 v17, v5;
	vm8 =	veq.s32 v17, v4;
	v14 =	vsel vm15, $0xF149F2CA, v14  }
0x1b1: {  	v13 =	vsel vm14, $0xF149F2CA, v13;
	v15 =	vsel vm0, $0xF149F2CA, v15;
	v16 =	vsel vm8, $0xF149F2CA, v16  }
0x1b2: {  	v17 =	vsel vm8, $0xFFFFFFFF, v26;
	v27 =	vmax.f32 v14, v13;
	v28 =	vmax.f32 v15, v16  }
0x1b3: {  	v18 =	vsel vm0, $0xFFFFFFFF, v25;
	[tilespmem:$0x1FFF0] =	vst v17;
	v17 =	vmax.f32 v27, v28  }
0x1b4: {  	[tilespmem:$0x1FFE0] =	vst v18;
	v18 =	vperm.xlane v17, v0;
	_ =	sdelay $0x1  }
0x1b5: {  	v17 =	vmax.f32 v17, v18  }
0x1b6: {  	v18 =	vperm.xlane v17, v1;
	_ =	sdelay $0x1  }
0x1b7: {  	v17 =	vmax.f32 v17, v18  }
0x1b8: {  	v18 =	vperm.xlane v17, v2;
	_ =	sdelay $0x1  }
0x1b9: {  	v17 =	vmax.f32 v17, v18  }
0x1ba: {  	v18 =	vperm.xlane v17, v3;
	_ =	sdelay $0x1  }
0x1bb: {  	v17 =	vmax.f32 v17, v18  }
0x1bc: {  	vm9 =	veq.f32 v16, v17  }
0x1bd: {  	vm10 =	veq.f32 v15, v17;
	v29 =	vnsel vm9, $0x7F, v4  }
0x1be: {  	vm11 =	veq.f32 v13, v17;
	v18 =	vsel vm10, v5, v29  }
0x1bf: {  	vm12 =	veq.f32 v14, v17;
	v18 =	vsel vm11, v6, v18  }
0x1c0: {  	v17 =	vsel vm12, v7, v18  }
0x1c1: {  	v18 =	vperm.xlane v17, v0;
	_ =	sdelay $0x1  }
0x1c2: {  	vm0 =	vlt.s32 v17, v18  }
0x1c3: {  	v17 =	vsel vm0, v17, v18  }
0x1c4: {  	v18 =	vperm.xlane v17, v1;
	_ =	sdelay $0x1  }
0x1c5: {  	vm0 =	vlt.s32 v17, v18  }
0x1c6: {  	v17 =	vsel vm0, v17, v18  }
0x1c7: {  	v18 =	vperm.xlane v17, v2;
	_ =	sdelay $0x1  }
0x1c8: {  	vm0 =	vlt.s32 v17, v18  }
0x1c9: {  	v17 =	vsel vm0, v17, v18  }
0x1ca: {  	v18 =	vperm.xlane v17, v3;
	_ =	sdelay $0x1  }
0x1cb: {  	vm0 =	vlt.s32 v17, v18  }
0x1cc: {  	v17 =	vsel vm0, v17, v18  }
0x1cd: {  	vm8 =	veq.s32 v17, v7;
	vm9 =	veq.s32 v17, v6  }
0x1ce: {  	vm10 =	veq.s32 v17, v5;
	vm11 =	veq.s32 v17, v4;
	v14 =	vsel vm8, $0xF149F2CA, v14  }
0x1cf: {  	v13 =	vsel vm9, $0xF149F2CA, v13;
	v15 =	vsel vm10, $0xF149F2CA, v15;
	v16 =	vsel vm11, $0xF149F2CA, v16  }
0x1d0: {  	v30 =	vmax.f32 v14, v13;
	v31 =	vmax.f32 v15, v16  }
0x1d1: {  	v17 =	vmax.f32 v30, v31  }
0x1d2: {  	v18 =	vperm.xlane v17, v0;
	_ =	sdelay $0x1  }
0x1d3: {  	v17 =	vmax.f32 v17, v18  }
0x1d4: {  	v18 =	vperm.xlane v17, v1;
	_ =	sdelay $0x1  }
0x1d5: {  	v17 =	vmax.f32 v17, v18  }
0x1d6: {  	v18 =	vperm.xlane v17, v2;
	_ =	sdelay $0x1  }
0x1d7: {  	v17 =	vmax.f32 v17, v18  }
0x1d8: {  	v18 =	vperm.xlane v17, v3;
	_ =	sdelay $0x1  }
0x1d9: {  	v17 =	vmax.f32 v17, v18  }
0x1da: {  	vm4 =	veq.f32 v16, v17  }
0x1db: {  	vm5 =	veq.f32 v15, v17;
	v32 =	vnsel vm4, $0x7F, v4  }
0x1dc: {  	vm6 =	veq.f32 v13, v17;
	v18 =	vsel vm5, v5, v32  }
0x1dd: {  	vm7 =	veq.f32 v14, v17;
	v18 =	vsel vm6, v6, v18  }
0x1de: {  	v17 =	vsel vm7, v7, v18  }
0x1df: {  	v18 =	vperm.xlane v17, v0;
	_ =	sdelay $0x1  }
0x1e0: {  	vm0 =	vlt.s32 v17, v18  }
0x1e1: {  	v17 =	vsel vm0, v17, v18  }
0x1e2: {  	v18 =	vperm.xlane v17, v1;
	_ =	sdelay $0x1  }
0x1e3: {  	vm0 =	vlt.s32 v17, v18  }
0x1e4: {  	v17 =	vsel vm0, v17, v18  }
0x1e5: {  	v18 =	vperm.xlane v17, v2;
	_ =	sdelay $0x1  }
0x1e6: {  	vm0 =	vlt.s32 v17, v18  }
0x1e7: {  	v17 =	vsel vm0, v17, v18  }
0x1e8: {  	v18 =	vperm.xlane v17, v3;
	_ =	sdelay $0x1  }
0x1e9: {  	vm0 =	vlt.s32 v17, v18  }
0x1ea: {  	v17 =	vsel vm0, v17, v18  }
0x1eb: {  	vm4 =	veq.s32 v17, v7;
	vm5 =	veq.s32 v17, v6  }
0x1ec: {  	vm6 =	veq.s32 v17, v5;
	vm7 =	veq.s32 v17, v4;
	v14 =	vsel vm4, $0xF149F2CA, v14  }
0x1ed: {  	v13 =	vsel vm5, $0xF149F2CA, v13;
	v15 =	vsel vm6, $0xF149F2CA, v15;
	v16 =	vsel vm7, $0xF149F2CA, v16  }
0x1ee: {  	v33 =	vmax.f32 v14, v13;
	v34 =	vmax.f32 v15, v16  }
0x1ef: {  	v17 =	vmax.f32 v33, v34  }
0x1f0: {  	v18 =	vperm.xlane v17, v0;
	_ =	sdelay $0x1  }
0x1f1: {  	v17 =	vmax.f32 v17, v18  }
0x1f2: {  	v18 =	vperm.xlane v17, v1;
	_ =	sdelay $0x1  }
0x1f3: {  	v17 =	vmax.f32 v17, v18  }
0x1f4: {  	v18 =	vperm.xlane v17, v2;
	_ =	sdelay $0x1  }
0x1f5: {  	v17 =	vmax.f32 v17, v18  }
0x1f6: {  	v18 =	vperm.xlane v17, v3;
	_ =	sdelay $0x1  }
0x1f7: {  	v17 =	vmax.f32 v17, v18  }
0x1f8: {  	vm12 =	veq.f32 v16, v17  }
0x1f9: {  	v35 =	vnsel vm12, $0x7F, v4;
	vm12 =	veq.f32 v15, v17  }
0x1fa: {  	v18 =	vsel vm12, v5, v35;
	vm12 =	veq.f32 v13, v17  }
0x1fb: {  	v18 =	vsel vm12, v6, v18;
	vm12 =	veq.f32 v14, v17  }
0x1fc: {  	v17 =	vsel vm12, v7, v18  }
0x1fd: {  	v18 =	vperm.xlane v17, v0;
	_ =	sdelay $0x1  }
0x1fe: {  	vm0 =	vlt.s32 v17, v18  }
0x1ff: {  	v17 =	vsel vm0, v17, v18  }
0x200: {  	v18 =	vperm.xlane v17, v1;
	_ =	sdelay $0x1  }
0x201: {  	vm0 =	vlt.s32 v17, v18  }
0x202: {  	v17 =	vsel vm0, v17, v18  }
0x203: {  	v18 =	vperm.xlane v17, v2;
	_ =	sdelay $0x1  }
0x204: {  	vm0 =	vlt.s32 v17, v18  }
0x205: {  	v17 =	vsel vm0, v17, v18  }
0x206: {  	v18 =	vperm.xlane v17, v3;
	_ =	sdelay $0x1  }
0x207: {  	vm0 =	vlt.s32 v17, v18  }
0x208: {  	v17 =	vsel vm0, v17, v18  }
0x209: {  	vm0 =	veq.s32 v17, v7;
	vm1 =	veq.s32 v17, v6  }
0x20a: {  	vm2 =	veq.s32 v17, v5;
	vm3 =	veq.s32 v17, v4;
	v14 =	vsel vm0, $0xF149F2CA, v14  }
0x20b: {  	v13 =	vsel vm1, $0xF149F2CA, v13;
	v15 =	vsel vm2, $0xF149F2CA, v15;
	v16 =	vsel vm3, $0xF149F2CA, v16  }
0x20c: {  	v36 =	vmax.f32 v14, v13;
	v37 =	vmax.f32 v15, v16  }
0x20d: {  	v17 =	vmax.f32 v36, v37  }
0x20e: {  	v18 =	vperm.xlane v17, v0;
	_ =	sdelay $0x1  }
0x20f: {  	v17 =	vmax.f32 v17, v18  }
0x210: {  	v18 =	vperm.xlane v17, v1;
	_ =	sdelay $0x1  }
0x211: {  	v17 =	vmax.f32 v17, v18  }
0x212: {  	v18 =	vperm.xlane v17, v2;
	_ =	sdelay $0x1  }
0x213: {  	v17 =	vmax.f32 v17, v18  }
0x214: {  	v18 =	vperm.xlane v17, v3;
	_ =	sdelay $0x1  }
0x215: {  	v17 =	vmax.f32 v17, v18  }
0x216: {  	vm12 =	veq.f32 v16, v17  }
0x217: {  	v16 =	vnsel vm12, $0x7F, v4;
	vm12 =	veq.f32 v15, v17  }
0x218: {  	v15 =	vsel vm12, v5, v16;
	vm12 =	veq.f32 v13, v17  }
0x219: {  	v13 =	vsel vm12, v6, v15;
	vm12 =	veq.f32 v14, v17  }
0x21a: {  	v13 =	vsel vm12, v7, v13  }
0x21b: {  	v38 =	vperm.xlane v13, v0;
	_ =	sdelay $0x1  }
0x21c: {  	vm12 =	vlt.s32 v13, v38  }
0x21d: {  	v13 =	vsel vm12, v13, v38  }
0x21e: {  	v14 =	vperm.xlane v13, v1;
	_ =	sdelay $0x1  }
0x21f: {  	vm12 =	vlt.s32 v13, v14  }
0x220: {  	v13 =	vsel vm12, v13, v14  }
0x221: {  	v14 =	vperm.xlane v13, v2;
	_ =	sdelay $0x1  }
0x222: {  	vm12 =	vlt.s32 v13, v14  }
0x223: {  	v13 =	vsel vm12, v13, v14  }
0x224: {  	v40 =	vld [tilespmem:$0x1FF30];
	v14 =	vperm.xlane v13, v3  }
0x225: {  	v10 =	vsub.f32 v10, v12;
	v11 =	vsub.f32 v11, v12;
	v42 =	vld [tilespmem:$0x1FF40]  }
0x226: {  	v9 =	vsub.f32 v9, v12;
	v8 =	vsub.f32 v8, v12;
	v49 =	vld [tilespmem:$0x1FFA0];
	vm12 =	vlt.s32 v13, v14  }
0x227: {  	v41 =	vmul.f32 $1.442695020e+00, v11;
	v39 =	vmul.f32 $1.442695020e+00, v10;
	v45 =	vld [tilespmem:$0x1FF60];
	v13 =	vsel vm12, v13, v14  }
0x228: {  	v8 =	vmul.f32 $1.442695020e+00, v8;
	v43 =	vmul.f32 $1.442695020e+00, v9;
	v44 =	vld [tilespmem:$0x1FF50];
	vm12 =	veq.s32 v13, v7  }
0x229: {  	v50 =	vld [tilespmem:$0x1FFB0];
	(erf) = vpow2.f32 v39;
	vm12 =	vmor vm13, vm12;
	vm13 =	vnez.u8 v40  }
0x22a: {  	(erf) = vpow2.f32 v41;
	v46 =	vld [tilespmem:$0x1FF70];
	vm12 =	vmor vm13, vm12;
	vm13 =	vnez.u8 v42  }
0x22b: {  	v47 =	vld [tilespmem:$0x1FF80];
	(erf) = vpow2.f32 v43;
	vm12 =	vmor vm13, vm12  }
0x22c: {  	(erf) = vpow2.f32 v8;
	v52 =	vld [tilespmem:$0x1FFD0];
	vm12 =	vmor vm15, vm12  }
0x22d: {  	v48 =	vld [tilespmem:$0x1FF90];
	vm13 =	vnez.u8 v44;
	vm15 =	vnez.u8 v45;
	vm8 =	vmor vm8, vm12  }
0x22e: {  	v51 =	vld [tilespmem:$0x1FFC0];
	vm12 =	veq.s32 v13, v6;
	vm4 =	vmor vm4, vm8;
	vm8 =	veq.s32 v13, v5  }
0x22f: {  	v54 =	vld [tilespmem:$0x1FFF0];
	vm0 =	vmor vm0, vm4;
	vm4 =	vmor vm13, vm12;
	vm13 =	vnez.u8 v46  }
0x230: {  	v53 =	vld [tilespmem:$0x1FFE0];
	vm12 =	veq.s32 v13, v4;
	vm8 =	vmor vm13, vm8;
	vm13 =	vnez.u8 v47  }
0x231: {  	vm4 =	vmor vm15, vm4;
	vm15 =	vnez.u8 v49;
	vm12 =	vmor vm13, vm12  }
0x232: {  	vm13 =	vnez.u8 v48;
	vm8 =	vmor vm15, vm8;
	vm15 =	vnez.u8 v50  }
0x233: {  	vm4 =	vmor vm13, vm4;
	vm12 =	vmor vm15, vm12;
	vm13 =	vnez.u8 v51  }
0x234: {  	vm15 =	vnez.u8 v54;
	vm8 =	vmor vm13, vm8;
	vm13 =	vnez.u8 v52  }
0x235: {  	vm4 =	vmor vm14, vm4;
	vm14 =	vnez.u8 v53;
	vm12 =	vmor vm13, vm12  }
0x236: {  	v55 =	vpop (erf);
	vm4 =	vmor vm9, vm4;
	vm8 =	vmor vm14, vm8;
	vm9 =	vmor vm15, vm12  }
0x237: {  	v56 =	vpop (erf);
	v4 =	vnsel vm0, $0x0, v55;
	vm12 =	vmor vm10, vm8;
	vm13 =	vmor vm11, vm9  }
0x238: {  	v57 =	vpop (erf);
	vm4 =	vmor vm5, vm4;
	vm14 =	vmor vm6, vm12;
	vm15 =	vmor vm7, vm13  }
0x239: {  	v58 =	vpop (erf);
	vm1 =	vmor vm1, vm4;
	vm2 =	vmor vm2, vm14;
	vm3 =	vmor vm3, vm15  }
0x23a: {  	v5 =	vnsel vm1, $0x0, v56;
	v6 =	vnsel vm2, $0x0, v57;
	v7 =	vnsel vm3, $0x0, v58  }
0x23b: {  	v59 =	vadd.f32 v5, v4;
	v60 =	vadd.f32 v7, v6;
	_ =	sdelay $0x1  }
0x23c: {  	v8 =	vadd.f32 v60, v59;
	_ =	sdelay $0x1  }
0x23d: {  	v0 =	vperm.xlane v8, v0;
	_ =	sdelay $0x1  }
0x23e: {  	v0 =	vadd.f32 v8, v0;
	_ =	sdelay $0x1  }
0x23f: {  	v1 =	vperm.xlane v0, v1;
	_ =	sdelay $0x1  }
0x240: {  	v0 =	vadd.f32 v0, v1;
	_ =	sdelay $0x1  }
0x241: {  	v1 =	vperm.xlane v0, v2;
	_ =	sdelay $0x1  }
0x242: {  	v0 =	vadd.f32 v0, v1;
	_ =	sdelay $0x1  }
0x243: {  	v1 =	vperm.xlane v0, v3;
	_ =	sdelay $0x1  }
0x244: {  	v0 =	vadd.f32 v0, v1;
	_ =	sdelay $0x1  }
0x245: {  	(erf) = vrcp.f32 v0;
	_ =	sdelay $0x8  }
0x246: {  	v0 =	vpop (erf)  }
0x247: {  	v61 =	vmul.f32 v0, v4  }
0x248: {  	v62 =	vmul.f32 v0, v5  }
0x249: {  	v63 =	vmul.f32 v0, v6;
	[tilespmem:$0x80] =	vst v61  }
0x24a: {  	v0 =	vmul.f32 v0, v7;
	[tilespmem:$0x90] =	vst v62  }
0x24b: {  	[tilespmem:$0xA0] =	vst v63  }
0x24c: {  	s31 =	sadd.s32 s6, s5;
	[tilespmem:$0xB0] =	vst v0  }
0x24d: {  	[hbm4b:s31+s2] =	stream.linear.scatter [tilespmem:s7], [sflag:$0x1], $0x80, $0x38;
	[tilespmem:$0x100] =	vst v63  }
0x24e: {  	_ =	swait.ge [sflag:s30], $0x80  }
0x24f: {  	[sflag:s30] =	ssyncset.done $0x0  }
0x250: {  	[sflag:s30] =	ssyncadd.s32 $0xFFFFFF80  }
0x251: {  	_ =	sfence.sel $0x180000  }
0x252: {  	[bflag:$0x0] =	sbarrier.arrive $0xFFFF  }
0x253: {  	p0 =	sne.s32 s1, $0x0;
	_ =	strace $0x90000047  }
0x254: {  	s0 =	sadd.s32 @!p0 $0x100000, s0;
	[bflag:$0x2] =	sbarrier.arrive $0xFFFF  }
0x255: {  	[sflag:s0] =	ssyncadd.tile.s32 @!p0 $0x1;
	_ =	shalt  }
.Lfunc_end2:
_tile_overlayer_lowered:
.L_overlay_start_2:
0x256: {  	(tag) =	ssettag $0x2  }
0x257: {  	s0 =	rddreg [dreg:$0x0];
	s2 =	stileid.u32  }
0x258: {  	s1 =	rddreg [dreg:$0x1];
	p0 =	sne.s32 s2, $0x0  }
0x259: {  	s3 =	rddreg [dreg:$0x2];
	[bflag:$0x3] =	sbarrier.arrive $0xFFFF;
	s2 =	simm.s32 @!p0 $0x1C01  }
0x25a: {  	[timem:s3], [sflag:s2] =	dma.local @!p0 [hbm:s0], s1  }
0x25b: {  	s0 =	simm.s32 @!p0 $0x1  }
0x25c: {  	_ =	swait.ge @!p0 [sflag:s0], s1  }
0x25d: {  	s1 =	ssub.s32 @!p0 $0x0, s1;
	[sflag:s0] =	ssyncset.done @!p0 $0x0  }
0x25e: {  	[sflag:s0] =	ssyncadd.s32 @!p0 s1  }
0x25f: {  	[bflag:$0x3] =	sbarrier.arrive $0xFFFF  }
0x260: {  	_ =	shalt  }

</sc_bundles>
